<compile_context>
chip_gen: v7x
topology: tpu7x:2x2x1
jax: 0.10.2.dev20260603
libtpu: 0.0.44.dev20260713+nightly
codegen_flags: <defaults>
</compile_context>

<pallas_src>
import functools

import jax
import jax.numpy as jnp
from jax import lax
from jax.experimental import pallas as pl
from jax.experimental.pallas import tpu as pltpu
from jax.experimental.pallas import tpu_sc as plsc

NC = 2
NS = 16
LANES = 16
CHUNK = 128
PHASES = 2


def _sc_scatter_fn(N, R, D, E_pad, acc_rows):
    H = D // NC
    per_worker = E_pad // NS
    iters = per_worker // CHUNK
    piters = iters // PHASES
    idx_rows = NS * iters
    zrows = acc_rows // NS
    zblocks = zrows // CHUNK
    orows = (N // NS) // 8 * 8
    orows_last = N - (NS - 1) * orows

    HP = H // 2

    mesh = plsc.VectorSubcoreMesh(core_axis_name="c", subcore_axis_name="s")

    @functools.partial(
        pl.kernel,
        out_type=jax.ShapeDtypeStruct((NC * N, H), jnp.float32),
        mesh=mesh,
        scratch_types=[
            pltpu.VMEM((piters, CHUNK), jnp.int32),
            pltpu.VMEM((piters, CHUNK), jnp.int32),
            pltpu.VMEM((piters, CHUNK), jnp.int32),
            pltpu.VMEM((CHUNK, HP), jnp.int32),
            pltpu.VMEM((CHUNK, HP), jnp.int32),
            pltpu.VMEM((CHUNK, HP), jnp.int32),
            pltpu.VMEM((CHUNK, HP), jnp.int32),
            pltpu.VMEM((CHUNK, H), jnp.float32),
            pltpu.VMEM((CHUNK, H), jnp.float32),
            pltpu.VMEM_SHARED((acc_rows, H), jnp.float32),
            pltpu.SemaphoreType.DMA,
            pltpu.SemaphoreType.DMA,
            pltpu.SemaphoreType.DMA,
            pltpu.SemaphoreType.DMA,
            pltpu.SemaphoreType.DMA,
        ],
        compiler_params=pltpu.CompilerParams(use_tc_tiling_on_sc=False,
                                             needs_layout_passes=False),
    )
    def sc_kernel(ent_hbm, rel_hbm, src_hbm, dst_hbm, typ_hbm, out_hbm,
                  src_v, dst_v, typ_v, ent0, ent1, rel0, rel1, msg0, msg1,
                  acc_sh, isem, gsem0, gsem1, ssem0, ssem1):
        cid = lax.axis_index("c")
        sid = lax.axis_index("s")
        srow0 = cid * idx_rows + sid * iters
        drow0 = sid * iters

        ent_b = (ent0, ent1)
        rel_b = (rel0, rel1)
        msg_b = (msg0, msg1)
        gsem = (gsem0, gsem1)
        ssem = (ssem0, ssem1)

        def issue_idx(ph):
            pltpu.async_copy(src_hbm.at[pl.ds(srow0 + ph * piters, piters)],
                             src_v, isem)
            pltpu.async_copy(dst_hbm.at[pl.ds(drow0 + ph * piters, piters)],
                             dst_v, isem)
            pltpu.async_copy(typ_hbm.at[pl.ds(srow0 + ph * piters, piters)],
                             typ_v, isem)

        def wait_idx():
            pltpu.make_async_copy(src_hbm.at[pl.ds(srow0, piters)], src_v,
                                  isem).wait()
            pltpu.make_async_copy(dst_hbm.at[pl.ds(drow0, piters)], dst_v,
                                  isem).wait()
            pltpu.make_async_copy(typ_hbm.at[pl.ds(srow0, piters)], typ_v,
                                  isem).wait()

        issue_idx(0)


        @pl.loop(0, CHUNK)
        def _zero_buf(r):
            @pl.loop(0, H, step=LANES)
            def _(col):
                msg0[r, pl.ds(col, LANES)] = jnp.zeros((LANES,), jnp.float32)

        @pl.loop(0, zblocks)
        def _zero_acc(i):
            pltpu.sync_copy(msg0,
                            acc_sh.at[pl.ds(sid * zrows + i * CHUNK, CHUNK)])

        wait_idx()
        plsc.subcore_barrier()

        def issue_gather(k, b):
            pltpu.async_copy(ent_hbm.at[src_v.at[k]], ent_b[b], gsem[b])
            pltpu.async_copy(rel_hbm.at[typ_v.at[k]], rel_b[b], gsem[b])

        def wait_gather(b):
            pltpu.make_async_copy(ent_hbm.at[src_v.at[0]], ent_b[b],
                                  gsem[b]).wait()
            pltpu.make_async_copy(rel_hbm.at[typ_v.at[0]], rel_b[b],
                                  gsem[b]).wait()

        def multiply(b):
            eb, rb, mb = ent_b[b], rel_b[b], msg_b[b]

            @pl.loop(0, CHUNK, step=2)
            def _mul(r):
                for rr in (0, 1):
                    for g in range(H // 32):
                        ev = eb[r + rr, pl.ds(g * LANES, LANES)]
                        rv = rb[r + rr, pl.ds(g * LANES, LANES)]
                        elo = plsc.bitcast(ev << 16, jnp.float32)
                        ehi = plsc.bitcast(ev & -65536, jnp.float32)
                        rlo = plsc.bitcast(rv << 16, jnp.float32)
                        rhi = plsc.bitcast(rv & -65536, jnp.float32)
                        mb[r + rr, pl.ds(g * 32, LANES)] = elo * rlo
                        mb[r + rr, pl.ds(g * 32 + LANES, LANES)] = ehi * rhi

        def issue_scatter(k, b):
            pltpu.async_copy(msg_b[b], acc_sh.at[dst_v.at[k]], ssem[b],
                             add=True)

        def wait_scatter(b):
            pltpu.make_async_copy(msg_b[b], acc_sh.at[dst_v.at[0]],
                                  ssem[b]).wait()

        def run_phase():
            issue_gather(0, 0)
            issue_gather(1, 1)
            wait_gather(0)
            multiply(0)
            issue_scatter(0, 0)
            issue_gather(2, 0)
            wait_gather(1)
            multiply(1)
            issue_scatter(1, 1)

            @pl.loop(2, piters - 2, step=2)
            def _edges(k0):
                for j in (0, 1):
                    k = k0 + j
                    b = j
                    issue_gather(k + 1, 1 - b)
                    wait_gather(b)
                    wait_scatter(b)
                    multiply(b)
                    issue_scatter(k, b)

            issue_gather(piters - 1, 1)
            wait_gather(0)
            wait_scatter(0)
            multiply(0)
            issue_scatter(piters - 2, 0)
            wait_gather(1)
            wait_scatter(1)
            multiply(1)
            issue_scatter(piters - 1, 1)
            wait_scatter(0)
            wait_scatter(1)

        run_phase()
        for ph in range(1, PHASES):
            issue_idx(ph)
            wait_idx()
            run_phase()

        plsc.subcore_barrier()

        @pl.when(sid != NS - 1)
        def _copy_body():
            pltpu.sync_copy(acc_sh.at[pl.ds(sid * orows, orows)],
                            out_hbm.at[pl.ds(cid * N + sid * orows, orows)])

        @pl.when(sid == NS - 1)
        def _copy_tail():
            pltpu.sync_copy(
                acc_sh.at[pl.ds((NS - 1) * orows, orows_last)],
                out_hbm.at[pl.ds(cid * N + (NS - 1) * orows, orows_last)])

    return sc_kernel


def _tc_finish_body(p0_ref, p1_ref, ent_ref, w_ref, b_ref, g_ref, be_ref,
                    o_ref):
    acc = jnp.concatenate([p0_ref[...], p1_ref[...]], axis=-1)
    h = lax.dot_general(acc, w_ref[...], (((1,), (1,)), ((), ())),
                        preferred_element_type=jnp.float32,
                        precision=lax.Precision.HIGHEST)
    x = h + b_ref[...] + ent_ref[...]
    mu = jnp.mean(x, axis=-1, keepdims=True)
    xc = x - mu
    var = jnp.mean(xc * xc, axis=-1, keepdims=True)
    o_ref[...] = xc * lax.rsqrt(var + 1e-5) * g_ref[...] + be_ref[...]


def kernel(entity_emb, rel_emb, edge_index, edge_type, W, b, gamma, beta):
    N, D = entity_emb.shape
    R = rel_emb.shape[0]
    E = edge_type.shape[0]
    H = D // NC

    src = edge_index[0].astype(jnp.int32)
    dst = edge_index[1].astype(jnp.int32)
    typ = edge_type.astype(jnp.int32)

    grain = NS * CHUNK * 2 * PHASES
    e_pad = ((E + grain - 1) // grain) * grain
    pad = e_pad - E
    if pad:
        src = jnp.concatenate([src, jnp.zeros((pad,), jnp.int32)])
        dst = jnp.concatenate([dst, jnp.full((pad,), N, jnp.int32)])
        typ = jnp.concatenate([typ, jnp.zeros((pad,), jnp.int32)])

    src2 = jnp.concatenate([src, src + N]).reshape(-1, CHUNK)
    typ = jnp.concatenate([typ, typ + R]).reshape(-1, CHUNK)
    dst = dst.reshape(-1, CHUNK)

    def _pack(t):
        rows, d = t.shape
        u = lax.bitcast_convert_type(t.astype(jnp.bfloat16), jnp.uint16)
        u = u.astype(jnp.uint32).reshape(rows, d // 32, 2, LANES)
        return lax.bitcast_convert_type(
            u[:, :, 0] | (u[:, :, 1] << 16), jnp.int32).reshape(rows, d // 2)

    ent2 = _pack(jnp.concatenate([entity_emb[:, :H], entity_emb[:, H:]],
                                 axis=0))
    rel2 = _pack(jnp.concatenate([rel_emb[:, :H], rel_emb[:, H:]], axis=0))

    zgrain = NS * CHUNK
    acc_rows = ((N + 1 + zgrain - 1) // zgrain) * zgrain

    partials = _sc_scatter_fn(N, R, D, e_pad, acc_rows)(
        ent2, rel2, src2, dst, typ)

    BL = 2000
    nb = N // BL
    out = pl.pallas_call(
        _tc_finish_body,
        grid=(nb,),
        in_specs=[
            pl.BlockSpec((BL, H), lambda i: (i, 0)),
            pl.BlockSpec((BL, H), lambda i, _nb=nb: (i + _nb, 0)),
            pl.BlockSpec((BL, D), lambda i: (i, 0)),
            pl.BlockSpec((D, D), lambda i: (0, 0)),
            pl.BlockSpec((1, D), lambda i: (0, 0)),
            pl.BlockSpec((1, D), lambda i: (0, 0)),
            pl.BlockSpec((1, D), lambda i: (0, 0)),
        ],
        out_specs=pl.BlockSpec((BL, D), lambda i: (i, 0)),
        out_shape=jax.ShapeDtypeStruct((N, D), jnp.float32),
    )(partials, partials, entity_emb, W, b.reshape(1, D),
      gamma.reshape(1, D), beta.reshape(1, D))

    return (out, rel_emb)

# --- scband reference (transcript-rebuilt; emitter-appended) ---
"""Pipeline reference for scband-comp-gcnlayer-15204184228262 (READ-ONLY COPY).

The authoritative reference and input builder live on the scoring server;
editing this copy changes nothing except your own understanding.
"""

import jax, jax.numpy as jnp
import numpy as np

N = 10000
E = 320000
D = 128
R = 200


def _layernorm(x, gamma, beta, eps=1e-5):
    mu = jnp.mean(x, axis=-1, keepdims=True)
    var = jnp.mean((x - mu) ** 2, axis=-1, keepdims=True)
    return (x - mu) / jnp.sqrt(var + eps) * gamma + beta


def setup_inputs(seed: int = 0) -> dict:
    key = jax.random.key(seed)
    k1, k2, k3, k4, k5 = jax.random.split(key, 5)
    entity_emb = jax.random.normal(k1, (N, D), dtype=jnp.float32)
    rel_emb = jax.random.normal(k2, (R, D), dtype=jnp.float32)
    edge_index = jax.random.randint(k3, (2, E), 0, N)
    edge_type = jax.random.randint(k4, (E,), 0, R)
    # Linear(dim, dim) params and LayerNorm params
    W = jax.random.normal(k5, (D, D), dtype=jnp.float32) * (1.0 / np.sqrt(D))
    b = jnp.zeros((D,), dtype=jnp.float32)
    gamma = jnp.ones((D,), dtype=jnp.float32)
    beta = jnp.zeros((D,), dtype=jnp.float32)
    return {
        "entity_emb": entity_emb,
        "rel_emb": rel_emb,
        "edge_index": edge_index,
        "edge_type": edge_type,
        "W": W,
        "b": b,
        "gamma": gamma,
        "beta": beta,
    }


def reference(entity_emb, rel_emb, edge_index, edge_type, W, b, gamma, beta):
    src = edge_index[0]
    dst = edge_index[1]
    rel = jnp.take(rel_emb, edge_type, axis=0)
    # comp_op 'mul'
    msg = jnp.take(entity_emb, src, axis=0) * rel
    out = jnp.zeros_like(entity_emb).at[dst].add(msg)
    out = out @ W.T + b
    # dropout p=0.0 -> identity
    out = _layernorm(out + entity_emb, gamma, beta)
    return (out, rel_emb)

if __name__ == "__main__":
    import jax
    _d = setup_inputs()
    print(jax.jit(kernel)(*tuple(_d.values())))

</pallas_src>

<mosaic_0001>
#map = affine_map<(d0, d1) -> (0, 0)>
module attributes {stable_mosaic.version = 14 : i64} {
  func.func @sc_kernel(%arg0: i32, %arg1: i32, %arg2: memref<20000x32xi32, #tpu.memory_space<hbm>>, %arg3: memref<400x32xi32, #tpu.memory_space<hbm>>, %arg4: memref<5120x128xi32, #tpu.memory_space<hbm>>, %arg5: memref<2560x128xi32, #tpu.memory_space<hbm>>, %arg6: memref<5120x128xi32, #tpu.memory_space<hbm>>, %arg7: memref<20000x64xf32, #tpu.memory_space<hbm>>, %arg8: memref<80x128xi32, #tpu.memory_space<vmem>>, %arg9: memref<80x128xi32, #tpu.memory_space<vmem>>, %arg10: memref<80x128xi32, #tpu.memory_space<vmem>>, %arg11: memref<128x32xi32, #tpu.memory_space<vmem>>, %arg12: memref<128x32xi32, #tpu.memory_space<vmem>>, %arg13: memref<128x32xi32, #tpu.memory_space<vmem>>, %arg14: memref<128x32xi32, #tpu.memory_space<vmem>>, %arg15: memref<128x64xf32, #tpu.memory_space<vmem>>, %arg16: memref<128x64xf32, #tpu.memory_space<vmem>>, %arg17: memref<10240x64xf32, #tpu.memory_space<vmem_shared>>, %arg18: memref<!tpu.dma_semaphore, #tpu.memory_space<semaphore_mem>>, %arg19: memref<!tpu.dma_semaphore, #tpu.memory_space<semaphore_mem>>, %arg20: memref<!tpu.dma_semaphore, #tpu.memory_space<semaphore_mem>>, %arg21: memref<!tpu.dma_semaphore, #tpu.memory_space<semaphore_mem>>, %arg22: memref<!tpu.dma_semaphore, #tpu.memory_space<semaphore_mem>>) attributes {dimension_semantics = [#tpu.dimension_semantics<core_parallel>, #tpu.dimension_semantics<subcore_parallel>], iteration_bounds = array<i64: 2, 16>, scalar_prefetch = 0 : i64, scratch_operands = 15 : i64, tpu.core_type = #tpu.core_type<sc_vector_subcore>, window_params = [{transform_indices = #map}, {transform_indices = #map}, {transform_indices = #map}, {transform_indices = #map}, {transform_indices = #map}, {transform_indices = #map}]} {
    %mul3A = arith.constant 2560 : i32
    %mul3A_0 = arith.muli %arg0, %mul3A : i32
    %mul3A_1 = arith.constant 160 : i32
    %mul3A_2 = arith.muli %arg1, %mul3A_1 : i32
    %add3A = arith.addi %mul3A_0, %mul3A_2 : i32
    %mul3A_3 = arith.constant 160 : i32
    %mul3A_4 = arith.muli %arg1, %mul3A_3 : i32
    %add3A_5 = arith.constant 0 : i32
    %add3A_6 = arith.addi %add3A, %add3A_5 : i32
    %dma_start3A = arith.constant 0 : i32
    %dma_start3A_7 = tpu.memref_slice %arg4[%add3A_6, %dma_start3A] : memref<5120x128xi32, #tpu.memory_space<hbm>> -> memref<80x128xi32, #tpu.memory_space<hbm>>
    %dma_start3A_8 = arith.constant 0 : i32
    %dma_start3A_9 = tpu.memref_slice %arg4[%add3A_6, %dma_start3A_8] : memref<5120x128xi32, #tpu.memory_space<hbm>> -> memref<80x128xi32, #tpu.memory_space<hbm>>
    tpu.enqueue_dma source(%dma_start3A_9 : memref<80x128xi32, #tpu.memory_space<hbm>>) target(%arg8 : memref<80x128xi32, #tpu.memory_space<vmem>>) target_semaphore(%arg18 : memref<!tpu.dma_semaphore, #tpu.memory_space<semaphore_mem>>)
    %add3A_10 = arith.constant 0 : i32
    %add3A_11 = arith.addi %mul3A_4, %add3A_10 : i32
    %dma_start3A_12 = arith.constant 0 : i32
    %dma_start3A_13 = tpu.memref_slice %arg5[%add3A_11, %dma_start3A_12] : memref<2560x128xi32, #tpu.memory_space<hbm>> -> memref<80x128xi32, #tpu.memory_space<hbm>>
    %dma_start3A_14 = arith.constant 0 : i32
    %dma_start3A_15 = tpu.memref_slice %arg5[%add3A_11, %dma_start3A_14] : memref<2560x128xi32, #tpu.memory_space<hbm>> -> memref<80x128xi32, #tpu.memory_space<hbm>>
    tpu.enqueue_dma source(%dma_start3A_15 : memref<80x128xi32, #tpu.memory_space<hbm>>) target(%arg9 : memref<80x128xi32, #tpu.memory_space<vmem>>) target_semaphore(%arg18 : memref<!tpu.dma_semaphore, #tpu.memory_space<semaphore_mem>>)
    %add3A_16 = arith.constant 0 : i32
    %add3A_17 = arith.addi %add3A, %add3A_16 : i32
    %dma_start3A_18 = arith.constant 0 : i32
    %dma_start3A_19 = tpu.memref_slice %arg6[%add3A_17, %dma_start3A_18] : memref<5120x128xi32, #tpu.memory_space<hbm>> -> memref<80x128xi32, #tpu.memory_space<hbm>>
    %dma_start3A_20 = arith.constant 0 : i32
    %dma_start3A_21 = tpu.memref_slice %arg6[%add3A_17, %dma_start3A_20] : memref<5120x128xi32, #tpu.memory_space<hbm>> -> memref<80x128xi32, #tpu.memory_space<hbm>>
    tpu.enqueue_dma source(%dma_start3A_21 : memref<80x128xi32, #tpu.memory_space<hbm>>) target(%arg10 : memref<80x128xi32, #tpu.memory_space<vmem>>) target_semaphore(%arg18 : memref<!tpu.dma_semaphore, #tpu.memory_space<semaphore_mem>>)
    %scan3A = arith.constant 0 : i32
    %scan3A_22 = arith.constant 128 : i32
    %scan3A_23 = arith.addi %scan3A, %scan3A_22 : i32
    %scan3A_24 = arith.constant 1 : i32
    scf.for %scan3A_465 = %scan3A to %scan3A_23 step %scan3A_24  : i32 {
      %mul3A_466 = arith.constant 1 : i32
      %mul3A_467 = arith.muli %scan3A_465, %mul3A_466 : i32
      %add3A_468 = arith.constant 0 : i32
      %add3A_469 = arith.addi %add3A_468, %mul3A_467 : i32
      %scan3A_470 = arith.constant 0 : i32
      %scan3A_471 = arith.constant 4 : i32
      %scan3A_472 = arith.addi %scan3A_470, %scan3A_471 : i32
      %scan3A_473 = arith.constant 1 : i32
      scf.for %scan3A_475 = %scan3A_470 to %scan3A_472 step %scan3A_473  : i32 {
        %mul3A_476 = arith.constant 16 : i32
        %mul3A_477 = arith.muli %scan3A_475, %mul3A_476 : i32
        %add3A_478 = arith.constant 0 : i32
        %add3A_479 = arith.addi %add3A_478, %mul3A_477 : i32
        %broadcast_in_dim3A = arith.constant 0.000000e+00 : f32
        %broadcast_in_dim3A_480 = vector.broadcast %broadcast_in_dim3A : f32 to vector<16xf32>
        %swap3A = arith.index_cast %add3A_469 : i32 to index
        %swap3A_481 = arith.index_cast %add3A_479 : i32 to index
        %swap3A_482 = tpu.vector_load %arg15[%swap3A, %swap3A_481] {strides = array<i32>} : memref<128x64xf32, #tpu.memory_space<vmem>>, vector<16xf32>,
        tpu.vector_store %arg15[%swap3A, %swap3A_481], %broadcast_in_dim3A_480 {strides = array<i32>} : memref<128x64xf32, #tpu.memory_space<vmem>>, vector<16xf32>,
      }
      %scan3A_474 = arith.constant 4 : i32
    }
    %scan3A_25 = arith.constant 128 : i32
    %scan3A_26 = arith.constant 0 : i32
    %scan3A_27 = arith.constant 5 : i32
    %scan3A_28 = arith.addi %scan3A_26, %scan3A_27 : i32
    %scan3A_29 = arith.constant 1 : i32
    scf.for %scan3A_465 = %scan3A_26 to %scan3A_28 step %scan3A_29  : i32 {
      %mul3A_466 = arith.constant 1 : i32
      %mul3A_467 = arith.muli %scan3A_465, %mul3A_466 : i32
      %add3A_468 = arith.constant 0 : i32
      %add3A_469 = arith.addi %add3A_468, %mul3A_467 : i32
      %mul3A_470 = arith.constant 640 : i32
      %mul3A_471 = arith.muli %arg1, %mul3A_470 : i32
      %mul3A_472 = arith.constant 128 : i32
      %mul3A_473 = arith.muli %add3A_469, %mul3A_472 : i32
      %add3A_474 = arith.addi %mul3A_471, %mul3A_473 : i32
      "tpu.region"() ({
        %run_scoped3A = tpu.sem_alloc : memref<!tpu.dma_semaphore, #tpu.memory_space<semaphore_mem>>
        %dma_start3A_475 = arith.constant 0 : i32
        %dma_start3A_476 = tpu.memref_slice %arg17[%add3A_474, %dma_start3A_475] : memref<10240x64xf32, #tpu.memory_space<vmem_shared>> -> memref<128x64xf32, #tpu.memory_space<vmem_shared>>
        %dma_start3A_477 = arith.constant 0 : i32
        %dma_start3A_478 = tpu.memref_slice %arg17[%add3A_474, %dma_start3A_477] : memref<10240x64xf32, #tpu.memory_space<vmem_shared>> -> memref<128x64xf32, #tpu.memory_space<vmem_shared>>
        tpu.enqueue_dma source(%arg15 : memref<128x64xf32, #tpu.memory_space<vmem>>) target(%dma_start3A_478 : memref<128x64xf32, #tpu.memory_space<vmem_shared>>) target_semaphore(%run_scoped3A : memref<!tpu.dma_semaphore, #tpu.memory_space<semaphore_mem>>)
        %dma_wait3A_479 = arith.constant 0 : i32
        %dma_wait3A_480 = tpu.memref_slice %arg17[%add3A_474, %dma_wait3A_479] : memref<10240x64xf32, #tpu.memory_space<vmem_shared>> -> memref<128x64xf32, #tpu.memory_space<vmem_shared>>
        %dma_wait3A_481 = arith.constant 0 : i32
        %dma_wait3A_482 = tpu.memref_slice %arg17[%add3A_474, %dma_wait3A_481] : memref<10240x64xf32, #tpu.memory_space<vmem_shared>> -> memref<128x64xf32, #tpu.memory_space<vmem_shared>>
        tpu.wait_dma2 semaphore(%run_scoped3A : memref<!tpu.dma_semaphore, #tpu.memory_space<semaphore_mem>>) src(%arg15 : memref<128x64xf32, #tpu.memory_space<vmem>>) dst(%dma_wait3A_482 : memref<128x64xf32, #tpu.memory_space<vmem_shared>>)
        tpu.yield
      }) : () -> ()
    }
    %scan3A_30 = arith.constant 5 : i32
    %dma_wait3A = arith.constant 0 : i32
    %dma_wait3A_31 = tpu.memref_slice %arg4[%add3A, %dma_wait3A] : memref<5120x128xi32, #tpu.memory_space<hbm>> -> memref<80x128xi32, #tpu.memory_space<hbm>>
    %dma_wait3A_32 = arith.constant 0 : i32
    %dma_wait3A_33 = tpu.memref_slice %arg4[%add3A, %dma_wait3A_32] : memref<5120x128xi32, #tpu.memory_space<hbm>> -> memref<80x128xi32, #tpu.memory_space<hbm>>
    tpu.wait_dma2 semaphore(%arg18 : memref<!tpu.dma_semaphore, #tpu.memory_space<semaphore_mem>>) src(%dma_wait3A_33 : memref<80x128xi32, #tpu.memory_space<hbm>>) dst(%arg8 : memref<80x128xi32, #tpu.memory_space<vmem>>)
    %dma_wait3A_34 = arith.constant 0 : i32
    %dma_wait3A_35 = tpu.memref_slice %arg5[%mul3A_4, %dma_wait3A_34] : memref<2560x128xi32, #tpu.memory_space<hbm>> -> memref<80x128xi32, #tpu.memory_space<hbm>>
    %dma_wait3A_36 = arith.constant 0 : i32
    %dma_wait3A_37 = tpu.memref_slice %arg5[%mul3A_4, %dma_wait3A_36] : memref<2560x128xi32, #tpu.memory_space<hbm>> -> memref<80x128xi32, #tpu.memory_space<hbm>>
    tpu.wait_dma2 semaphore(%arg18 : memref<!tpu.dma_semaphore, #tpu.memory_space<semaphore_mem>>) src(%dma_wait3A_37 : memref<80x128xi32, #tpu.memory_space<hbm>>) dst(%arg9 : memref<80x128xi32, #tpu.memory_space<vmem>>)
    %dma_wait3A_38 = arith.constant 0 : i32
    %dma_wait3A_39 = tpu.memref_slice %arg6[%add3A, %dma_wait3A_38] : memref<5120x128xi32, #tpu.memory_space<hbm>> -> memref<80x128xi32, #tpu.memory_space<hbm>>
    %dma_wait3A_40 = arith.constant 0 : i32
    %dma_wait3A_41 = tpu.memref_slice %arg6[%add3A, %dma_wait3A_40] : memref<5120x128xi32, #tpu.memory_space<hbm>> -> memref<80x128xi32, #tpu.memory_space<hbm>>
    tpu.wait_dma2 semaphore(%arg18 : memref<!tpu.dma_semaphore, #tpu.memory_space<semaphore_mem>>) src(%dma_wait3A_41 : memref<80x128xi32, #tpu.memory_space<hbm>>) dst(%arg10 : memref<80x128xi32, #tpu.memory_space<vmem>>)
    %barrier3A = arith.constant 0 : index
    tpu.barrier barrier_id(%barrier3A)
    %dma_start3A_42 = arith.constant 0 : i32
    %dma_start3A_43 = arith.constant 0 : i32
    %dma_start3A_44 = tpu.memref_slice %arg8[%dma_start3A_42, %dma_start3A_43] : memref<80x128xi32, #tpu.memory_space<vmem>> -> memref<1x128xi32, #tpu.memory_space<vmem>>
    %dma_start3A_45 = tpu.memref_squeeze %dma_start3A_44 : memref<1x128xi32, #tpu.memory_space<vmem>> -> memref<128xi32, #tpu.memory_space<vmem>>
    %dma_start3A_46 = arith.constant 0 : i32
    %dma_start3A_47 = arith.constant 0 : i32
    %dma_start3A_48 = tpu.memref_slice %arg2[%dma_start3A_46, %dma_start3A_47] : memref<20000x32xi32, #tpu.memory_space<hbm>> -> memref<20000x32xi32, #tpu.memory_space<hbm>>
    tpu.enqueue_indirect_dma source(%dma_start3A_48 : memref<20000x32xi32, #tpu.memory_space<hbm>>) target(%arg11 : memref<128x32xi32, #tpu.memory_space<vmem>>) offsets(%dma_start3A_45 : memref<128xi32, #tpu.memory_space<vmem>>) semaphore(%arg19 : memref<!tpu.dma_semaphore, #tpu.memory_space<semaphore_mem>>)
    %dma_start3A_49 = arith.constant 0 : i32
    %dma_start3A_50 = arith.constant 0 : i32
    %dma_start3A_51 = tpu.memref_slice %arg10[%dma_start3A_49, %dma_start3A_50] : memref<80x128xi32, #tpu.memory_space<vmem>> -> memref<1x128xi32, #tpu.memory_space<vmem>>
    %dma_start3A_52 = tpu.memref_squeeze %dma_start3A_51 : memref<1x128xi32, #tpu.memory_space<vmem>> -> memref<128xi32, #tpu.memory_space<vmem>>
    %dma_start3A_53 = arith.constant 0 : i32
    %dma_start3A_54 = arith.constant 0 : i32
    %dma_start3A_55 = tpu.memref_slice %arg3[%dma_start3A_53, %dma_start3A_54] : memref<400x32xi32, #tpu.memory_space<hbm>> -> memref<400x32xi32, #tpu.memory_space<hbm>>
    tpu.enqueue_indirect_dma source(%dma_start3A_55 : memref<400x32xi32, #tpu.memory_space<hbm>>) target(%arg13 : memref<128x32xi32, #tpu.memory_space<vmem>>) offsets(%dma_start3A_52 : memref<128xi32, #tpu.memory_space<vmem>>) semaphore(%arg19 : memref<!tpu.dma_semaphore, #tpu.memory_space<semaphore_mem>>)
    %dma_start3A_56 = arith.constant 1 : i32
    %dma_start3A_57 = arith.constant 0 : i32
    %dma_start3A_58 = tpu.memref_slice %arg8[%dma_start3A_56, %dma_start3A_57] : memref<80x128xi32, #tpu.memory_space<vmem>> -> memref<1x128xi32, #tpu.memory_space<vmem>>
    %dma_start3A_59 = tpu.memref_squeeze %dma_start3A_58 : memref<1x128xi32, #tpu.memory_space<vmem>> -> memref<128xi32, #tpu.memory_space<vmem>>
    %dma_start3A_60 = arith.constant 0 : i32
    %dma_start3A_61 = arith.constant 0 : i32
    %dma_start3A_62 = tpu.memref_slice %arg2[%dma_start3A_60, %dma_start3A_61] : memref<20000x32xi32, #tpu.memory_space<hbm>> -> memref<20000x32xi32, #tpu.memory_space<hbm>>
    tpu.enqueue_indirect_dma source(%dma_start3A_62 : memref<20000x32xi32, #tpu.memory_space<hbm>>) target(%arg12 : memref<128x32xi32, #tpu.memory_space<vmem>>) offsets(%dma_start3A_59 : memref<128xi32, #tpu.memory_space<vmem>>) semaphore(%arg20 : memref<!tpu.dma_semaphore, #tpu.memory_space<semaphore_mem>>)
    %dma_start3A_63 = arith.constant 1 : i32
    %dma_start3A_64 = arith.constant 0 : i32
    %dma_start3A_65 = tpu.memref_slice %arg10[%dma_start3A_63, %dma_start3A_64] : memref<80x128xi32, #tpu.memory_space<vmem>> -> memref<1x128xi32, #tpu.memory_space<vmem>>
    %dma_start3A_66 = tpu.memref_squeeze %dma_start3A_65 : memref<1x128xi32, #tpu.memory_space<vmem>> -> memref<128xi32, #tpu.memory_space<vmem>>
    %dma_start3A_67 = arith.constant 0 : i32
    %dma_start3A_68 = arith.constant 0 : i32
    %dma_start3A_69 = tpu.memref_slice %arg3[%dma_start3A_67, %dma_start3A_68] : memref<400x32xi32, #tpu.memory_space<hbm>> -> memref<400x32xi32, #tpu.memory_space<hbm>>
    tpu.enqueue_indirect_dma source(%dma_start3A_69 : memref<400x32xi32, #tpu.memory_space<hbm>>) target(%arg14 : memref<128x32xi32, #tpu.memory_space<vmem>>) offsets(%dma_start3A_66 : memref<128xi32, #tpu.memory_space<vmem>>) semaphore(%arg20 : memref<!tpu.dma_semaphore, #tpu.memory_space<semaphore_mem>>)
    %dma_wait3A_70 = arith.constant 0 : i32
    %dma_wait3A_71 = arith.constant 0 : i32
    %dma_wait3A_72 = tpu.memref_slice %arg8[%dma_wait3A_70, %dma_wait3A_71] : memref<80x128xi32, #tpu.memory_space<vmem>> -> memref<1x128xi32, #tpu.memory_space<vmem>>
    %dma_wait3A_73 = tpu.memref_squeeze %dma_wait3A_72 : memref<1x128xi32, #tpu.memory_space<vmem>> -> memref<128xi32, #tpu.memory_space<vmem>>
    %dma_wait3A_74 = arith.constant 0 : i32
    %dma_wait3A_75 = arith.constant 0 : i32
    %dma_wait3A_76 = tpu.memref_slice %arg2[%dma_wait3A_74, %dma_wait3A_75] : memref<20000x32xi32, #tpu.memory_space<hbm>> -> memref<20000x32xi32, #tpu.memory_space<hbm>>
    tpu.wait_indirect_dma semaphore(%arg19 : memref<!tpu.dma_semaphore, #tpu.memory_space<semaphore_mem>>) src(%dma_wait3A_76 : memref<20000x32xi32, #tpu.memory_space<hbm>>) dst(%arg11 : memref<128x32xi32, #tpu.memory_space<vmem>>)
    %dma_wait3A_77 = arith.constant 0 : i32
    %dma_wait3A_78 = arith.constant 0 : i32
    %dma_wait3A_79 = tpu.memref_slice %arg10[%dma_wait3A_77, %dma_wait3A_78] : memref<80x128xi32, #tpu.memory_space<vmem>> -> memref<1x128xi32, #tpu.memory_space<vmem>>
    %dma_wait3A_80 = tpu.memref_squeeze %dma_wait3A_79 : memref<1x128xi32, #tpu.memory_space<vmem>> -> memref<128xi32, #tpu.memory_space<vmem>>
    %dma_wait3A_81 = arith.constant 0 : i32
    %dma_wait3A_82 = arith.constant 0 : i32
    %dma_wait3A_83 = tpu.memref_slice %arg3[%dma_wait3A_81, %dma_wait3A_82] : memref<400x32xi32, #tpu.memory_space<hbm>> -> memref<400x32xi32, #tpu.memory_space<hbm>>
    tpu.wait_indirect_dma semaphore(%arg19 : memref<!tpu.dma_semaphore, #tpu.memory_space<semaphore_mem>>) src(%dma_wait3A_83 : memref<400x32xi32, #tpu.memory_space<hbm>>) dst(%arg13 : memref<128x32xi32, #tpu.memory_space<vmem>>)
    %scan3A_84 = arith.constant 0 : i32
    %scan3A_85 = arith.constant 64 : i32
    %scan3A_86 = arith.addi %scan3A_84, %scan3A_85 : i32
    %scan3A_87 = arith.constant 1 : i32
    scf.for %scan3A_465 = %scan3A_84 to %scan3A_86 step %scan3A_87  : i32 {
      %mul3A_466 = arith.constant 2 : i32
      %mul3A_467 = arith.muli %scan3A_465, %mul3A_466 : i32
      %add3A_468 = arith.constant 0 : i32
      %add3A_469 = arith.addi %add3A_468, %mul3A_467 : i32
      %add3A_470 = arith.constant 0 : i32
      %add3A_471 = arith.addi %add3A_469, %add3A_470 : i32
      %get3A = arith.index_cast %add3A_471 : i32 to index
      %get3A_472 = arith.constant 0 : index
      %get3A_473 = tpu.vector_load %arg11[%get3A, %get3A_472] {strides = array<i32>} : memref<128x32xi32, #tpu.memory_space<vmem>>, vector<16xi32>,
      %add3A_474 = arith.constant 0 : i32
      %add3A_475 = arith.addi %add3A_469, %add3A_474 : i32
      %get3A_476 = arith.index_cast %add3A_475 : i32 to index
      %get3A_477 = arith.constant 0 : index
      %get3A_478 = tpu.vector_load %arg13[%get3A_476, %get3A_477] {strides = array<i32>} : memref<128x32xi32, #tpu.memory_space<vmem>>, vector<16xi32>,
      %shift_left3A = arith.constant 16 : i32
      %shift_left3A_479 = vector.broadcast %shift_left3A : i32 to vector<16xi32>
      %shift_left3A_480 = arith.shli %get3A_473, %shift_left3A_479 : vector<16xi32>
      %bitcast3A = vector.bitcast %shift_left3A_480 : vector<16xi32> to vector<16xf32>
      %and3A = arith.constant -65536 : i32
      %and3A_481 = vector.broadcast %and3A : i32 to vector<16xi32>
      %and3A_482 = arith.andi %get3A_473, %and3A_481 : vector<16xi32>
      %bitcast3A_483 = vector.bitcast %and3A_482 : vector<16xi32> to vector<16xf32>
      %shift_left3A_484 = arith.constant 16 : i32
      %shift_left3A_485 = vector.broadcast %shift_left3A_484 : i32 to vector<16xi32>
      %shift_left3A_486 = arith.shli %get3A_478, %shift_left3A_485 : vector<16xi32>
      %bitcast3A_487 = vector.bitcast %shift_left3A_486 : vector<16xi32> to vector<16xf32>
      %and3A_488 = arith.constant -65536 : i32
      %and3A_489 = vector.broadcast %and3A_488 : i32 to vector<16xi32>
      %and3A_490 = arith.andi %get3A_478, %and3A_489 : vector<16xi32>
      %bitcast3A_491 = vector.bitcast %and3A_490 : vector<16xi32> to vector<16xf32>
      %mul3A_492 = arith.mulf %bitcast3A, %bitcast3A_487 : vector<16xf32>
      %add3A_493 = arith.constant 0 : i32
      %add3A_494 = arith.addi %add3A_469, %add3A_493 : i32
      %swap3A = arith.index_cast %add3A_494 : i32 to index
      %swap3A_495 = arith.constant 0 : index
      %swap3A_496 = tpu.vector_load %arg15[%swap3A, %swap3A_495] {strides = array<i32>} : memref<128x64xf32, #tpu.memory_space<vmem>>, vector<16xf32>,
      tpu.vector_store %arg15[%swap3A, %swap3A_495], %mul3A_492 {strides = array<i32>} : memref<128x64xf32, #tpu.memory_space<vmem>>, vector<16xf32>,
      %mul3A_497 = arith.mulf %bitcast3A_483, %bitcast3A_491 : vector<16xf32>
      %add3A_498 = arith.constant 0 : i32
      %add3A_499 = arith.addi %add3A_469, %add3A_498 : i32
      %swap3A_500 = arith.index_cast %add3A_499 : i32 to index
      %swap3A_501 = arith.constant 16 : index
      %swap3A_502 = tpu.vector_load %arg15[%swap3A_500, %swap3A_501] {strides = array<i32>} : memref<128x64xf32, #tpu.memory_space<vmem>>, vector<16xf32>,
      tpu.vector_store %arg15[%swap3A_500, %swap3A_501], %mul3A_497 {strides = array<i32>} : memref<128x64xf32, #tpu.memory_space<vmem>>, vector<16xf32>,
      %add3A_503 = arith.constant 0 : i32
      %add3A_504 = arith.addi %add3A_469, %add3A_503 : i32
      %get3A_505 = arith.index_cast %add3A_504 : i32 to index
      %get3A_506 = arith.constant 16 : index
      %get3A_507 = tpu.vector_load %arg11[%get3A_505, %get3A_506] {strides = array<i32>} : memref<128x32xi32, #tpu.memory_space<vmem>>, vector<16xi32>,
      %add3A_508 = arith.constant 0 : i32
      %add3A_509 = arith.addi %add3A_469, %add3A_508 : i32
      %get3A_510 = arith.index_cast %add3A_509 : i32 to index
      %get3A_511 = arith.constant 16 : index
      %get3A_512 = tpu.vector_load %arg13[%get3A_510, %get3A_511] {strides = array<i32>} : memref<128x32xi32, #tpu.memory_space<vmem>>, vector<16xi32>,
      %shift_left3A_513 = arith.constant 16 : i32
      %shift_left3A_514 = vector.broadcast %shift_left3A_513 : i32 to vector<16xi32>
      %shift_left3A_515 = arith.shli %get3A_507, %shift_left3A_514 : vector<16xi32>
      %bitcast3A_516 = vector.bitcast %shift_left3A_515 : vector<16xi32> to vector<16xf32>
      %and3A_517 = arith.constant -65536 : i32
      %and3A_518 = vector.broadcast %and3A_517 : i32 to vector<16xi32>
      %and3A_519 = arith.andi %get3A_507, %and3A_518 : vector<16xi32>
      %bitcast3A_520 = vector.bitcast %and3A_519 : vector<16xi32> to vector<16xf32>
      %shift_left3A_521 = arith.constant 16 : i32
      %shift_left3A_522 = vector.broadcast %shift_left3A_521 : i32 to vector<16xi32>
      %shift_left3A_523 = arith.shli %get3A_512, %shift_left3A_522 : vector<16xi32>
      %bitcast3A_524 = vector.bitcast %shift_left3A_523 : vector<16xi32> to vector<16xf32>
      %and3A_525 = arith.constant -65536 : i32
      %and3A_526 = vector.broadcast %and3A_525 : i32 to vector<16xi32>
      %and3A_527 = arith.andi %get3A_512, %and3A_526 : vector<16xi32>
      %bitcast3A_528 = vector.bitcast %and3A_527 : vector<16xi32> to vector<16xf32>
      %mul3A_529 = arith.mulf %bitcast3A_516, %bitcast3A_524 : vector<16xf32>
      %add3A_530 = arith.constant 0 : i32
      %add3A_531 = arith.addi %add3A_469, %add3A_530 : i32
      %swap3A_532 = arith.index_cast %add3A_531 : i32 to index
      %swap3A_533 = arith.constant 32 : index
      %swap3A_534 = tpu.vector_load %arg15[%swap3A_532, %swap3A_533] {strides = array<i32>} : memref<128x64xf32, #tpu.memory_space<vmem>>, vector<16xf32>,
      tpu.vector_store %arg15[%swap3A_532, %swap3A_533], %mul3A_529 {strides = array<i32>} : memref<128x64xf32, #tpu.memory_space<vmem>>, vector<16xf32>,
      %mul3A_535 = arith.mulf %bitcast3A_520, %bitcast3A_528 : vector<16xf32>
      %add3A_536 = arith.constant 0 : i32
      %add3A_537 = arith.addi %add3A_469, %add3A_536 : i32
      %swap3A_538 = arith.index_cast %add3A_537 : i32 to index
      %swap3A_539 = arith.constant 48 : index
      %swap3A_540 = tpu.vector_load %arg15[%swap3A_538, %swap3A_539] {strides = array<i32>} : memref<128x64xf32, #tpu.memory_space<vmem>>, vector<16xf32>,
      tpu.vector_store %arg15[%swap3A_538, %swap3A_539], %mul3A_535 {strides = array<i32>} : memref<128x64xf32, #tpu.memory_space<vmem>>, vector<16xf32>,
      %add3A_541 = arith.constant 1 : i32
      %add3A_542 = arith.addi %add3A_469, %add3A_541 : i32
      %get3A_543 = arith.index_cast %add3A_542 : i32 to index
      %get3A_544 = arith.constant 0 : index
      %get3A_545 = tpu.vector_load %arg11[%get3A_543, %get3A_544] {strides = array<i32>} : memref<128x32xi32, #tpu.memory_space<vmem>>, vector<16xi32>,
      %add3A_546 = arith.constant 1 : i32
      %add3A_547 = arith.addi %add3A_469, %add3A_546 : i32
      %get3A_548 = arith.index_cast %add3A_547 : i32 to index
      %get3A_549 = arith.constant 0 : index
      %get3A_550 = tpu.vector_load %arg13[%get3A_548, %get3A_549] {strides = array<i32>} : memref<128x32xi32, #tpu.memory_space<vmem>>, vector<16xi32>,
      %shift_left3A_551 = arith.constant 16 : i32
      %shift_left3A_552 = vector.broadcast %shift_left3A_551 : i32 to vector<16xi32>
      %shift_left3A_553 = arith.shli %get3A_545, %shift_left3A_552 : vector<16xi32>
      %bitcast3A_554 = vector.bitcast %shift_left3A_553 : vector<16xi32> to vector<16xf32>
      %and3A_555 = arith.constant -65536 : i32
      %and3A_556 = vector.broadcast %and3A_555 : i32 to vector<16xi32>
      %and3A_557 = arith.andi %get3A_545, %and3A_556 : vector<16xi32>
      %bitcast3A_558 = vector.bitcast %and3A_557 : vector<16xi32> to vector<16xf32>
      %shift_left3A_559 = arith.constant 16 : i32
      %shift_left3A_560 = vector.broadcast %shift_left3A_559 : i32 to vector<16xi32>
      %shift_left3A_561 = arith.shli %get3A_550, %shift_left3A_560 : vector<16xi32>
      %bitcast3A_562 = vector.bitcast %shift_left3A_561 : vector<16xi32> to vector<16xf32>
      %and3A_563 = arith.constant -65536 : i32
      %and3A_564 = vector.broadcast %and3A_563 : i32 to vector<16xi32>
      %and3A_565 = arith.andi %get3A_550, %and3A_564 : vector<16xi32>
      %bitcast3A_566 = vector.bitcast %and3A_565 : vector<16xi32> to vector<16xf32>
      %mul3A_567 = arith.mulf %bitcast3A_554, %bitcast3A_562 : vector<16xf32>
      %add3A_568 = arith.constant 1 : i32
      %add3A_569 = arith.addi %add3A_469, %add3A_568 : i32
      %swap3A_570 = arith.index_cast %add3A_569 : i32 to index
      %swap3A_571 = arith.constant 0 : index
      %swap3A_572 = tpu.vector_load %arg15[%swap3A_570, %swap3A_571] {strides = array<i32>} : memref<128x64xf32, #tpu.memory_space<vmem>>, vector<16xf32>,
      tpu.vector_store %arg15[%swap3A_570, %swap3A_571], %mul3A_567 {strides = array<i32>} : memref<128x64xf32, #tpu.memory_space<vmem>>, vector<16xf32>,
      %mul3A_573 = arith.mulf %bitcast3A_558, %bitcast3A_566 : vector<16xf32>
      %add3A_574 = arith.constant 1 : i32
      %add3A_575 = arith.addi %add3A_469, %add3A_574 : i32
      %swap3A_576 = arith.index_cast %add3A_575 : i32 to index
      %swap3A_577 = arith.constant 16 : index
      %swap3A_578 = tpu.vector_load %arg15[%swap3A_576, %swap3A_577] {strides = array<i32>} : memref<128x64xf32, #tpu.memory_space<vmem>>, vector<16xf32>,
      tpu.vector_store %arg15[%swap3A_576, %swap3A_577], %mul3A_573 {strides = array<i32>} : memref<128x64xf32, #tpu.memory_space<vmem>>, vector<16xf32>,
      %add3A_579 = arith.constant 1 : i32
      %add3A_580 = arith.addi %add3A_469, %add3A_579 : i32
      %get3A_581 = arith.index_cast %add3A_580 : i32 to index
      %get3A_582 = arith.constant 16 : index
      %get3A_583 = tpu.vector_load %arg11[%get3A_581, %get3A_582] {strides = array<i32>} : memref<128x32xi32, #tpu.memory_space<vmem>>, vector<16xi32>,
      %add3A_584 = arith.constant 1 : i32
      %add3A_585 = arith.addi %add3A_469, %add3A_584 : i32
      %get3A_586 = arith.index_cast %add3A_585 : i32 to index
      %get3A_587 = arith.constant 16 : index
      %get3A_588 = tpu.vector_load %arg13[%get3A_586, %get3A_587] {strides = array<i32>} : memref<128x32xi32, #tpu.memory_space<vmem>>, vector<16xi32>,
      %shift_left3A_589 = arith.constant 16 : i32
      %shift_left3A_590 = vector.broadcast %shift_left3A_589 : i32 to vector<16xi32>
      %shift_left3A_591 = arith.shli %get3A_583, %shift_left3A_590 : vector<16xi32>
      %bitcast3A_592 = vector.bitcast %shift_left3A_591 : vector<16xi32> to vector<16xf32>
      %and3A_593 = arith.constant -65536 : i32
      %and3A_594 = vector.broadcast %and3A_593 : i32 to vector<16xi32>
      %and3A_595 = arith.andi %get3A_583, %and3A_594 : vector<16xi32>
      %bitcast3A_596 = vector.bitcast %and3A_595 : vector<16xi32> to vector<16xf32>
      %shift_left3A_597 = arith.constant 16 : i32
      %shift_left3A_598 = vector.broadcast %shift_left3A_597 : i32 to vector<16xi32>
      %shift_left3A_599 = arith.shli %get3A_588, %shift_left3A_598 : vector<16xi32>
      %bitcast3A_600 = vector.bitcast %shift_left3A_599 : vector<16xi32> to vector<16xf32>
      %and3A_601 = arith.constant -65536 : i32
      %and3A_602 = vector.broadcast %and3A_601 : i32 to vector<16xi32>
      %and3A_603 = arith.andi %get3A_588, %and3A_602 : vector<16xi32>
      %bitcast3A_604 = vector.bitcast %and3A_603 : vector<16xi32> to vector<16xf32>
      %mul3A_605 = arith.mulf %bitcast3A_592, %bitcast3A_600 : vector<16xf32>
      %add3A_606 = arith.constant 1 : i32
      %add3A_607 = arith.addi %add3A_469, %add3A_606 : i32
      %swap3A_608 = arith.index_cast %add3A_607 : i32 to index
      %swap3A_609 = arith.constant 32 : index
      %swap3A_610 = tpu.vector_load %arg15[%swap3A_608, %swap3A_609] {strides = array<i32>} : memref<128x64xf32, #tpu.memory_space<vmem>>, vector<16xf32>,
      tpu.vector_store %arg15[%swap3A_608, %swap3A_609], %mul3A_605 {strides = array<i32>} : memref<128x64xf32, #tpu.memory_space<vmem>>, vector<16xf32>,
      %mul3A_611 = arith.mulf %bitcast3A_596, %bitcast3A_604 : vector<16xf32>
      %add3A_612 = arith.constant 1 : i32
      %add3A_613 = arith.addi %add3A_469, %add3A_612 : i32
      %swap3A_614 = arith.index_cast %add3A_613 : i32 to index
      %swap3A_615 = arith.constant 48 : index
      %swap3A_616 = tpu.vector_load %arg15[%swap3A_614, %swap3A_615] {strides = array<i32>} : memref<128x64xf32, #tpu.memory_space<vmem>>, vector<16xf32>,
      tpu.vector_store %arg15[%swap3A_614, %swap3A_615], %mul3A_611 {strides = array<i32>} : memref<128x64xf32, #tpu.memory_space<vmem>>, vector<16xf32>,
    }
    %scan3A_88 = arith.constant 64 : i32
    %dma_start3A_89 = arith.constant 0 : i32
    %dma_start3A_90 = arith.constant 0 : i32
    %dma_start3A_91 = tpu.memref_slice %arg9[%dma_start3A_89, %dma_start3A_90] : memref<80x128xi32, #tpu.memory_space<vmem>> -> memref<1x128xi32, #tpu.memory_space<vmem>>
    %dma_start3A_92 = tpu.memref_squeeze %dma_start3A_91 : memref<1x128xi32, #tpu.memory_space<vmem>> -> memref<128xi32, #tpu.memory_space<vmem>>
    %dma_start3A_93 = arith.constant 0 : i32
    %dma_start3A_94 = arith.constant 0 : i32
    %dma_start3A_95 = tpu.memref_slice %arg17[%dma_start3A_93, %dma_start3A_94] : memref<10240x64xf32, #tpu.memory_space<vmem_shared>> -> memref<10240x64xf32, #tpu.memory_space<vmem_shared>>
    tpu.enqueue_indirect_dma source(%arg15 : memref<128x64xf32, #tpu.memory_space<vmem>>) target(%dma_start3A_95 : memref<10240x64xf32, #tpu.memory_space<vmem_shared>>) offsets(%dma_start3A_92 : memref<128xi32, #tpu.memory_space<vmem>>) semaphore(%arg21 : memref<!tpu.dma_semaphore, #tpu.memory_space<semaphore_mem>>) {add = true}
    %dma_start3A_96 = arith.constant 2 : i32
    %dma_start3A_97 = arith.constant 0 : i32
    %dma_start3A_98 = tpu.memref_slice %arg8[%dma_start3A_96, %dma_start3A_97] : memref<80x128xi32, #tpu.memory_space<vmem>> -> memref<1x128xi32, #tpu.memory_space<vmem>>
    %dma_start3A_99 = tpu.memref_squeeze %dma_start3A_98 : memref<1x128xi32, #tpu.memory_space<vmem>> -> memref<128xi32, #tpu.memory_space<vmem>>
    %dma_start3A_100 = arith.constant 0 : i32
    %dma_start3A_101 = arith.constant 0 : i32
    %dma_start3A_102 = tpu.memref_slice %arg2[%dma_start3A_100, %dma_start3A_101] : memref<20000x32xi32, #tpu.memory_space<hbm>> -> memref<20000x32xi32, #tpu.memory_space<hbm>>
    tpu.enqueue_indirect_dma source(%dma_start3A_102 : memref<20000x32xi32, #tpu.memory_space<hbm>>) target(%arg11 : memref<128x32xi32, #tpu.memory_space<vmem>>) offsets(%dma_start3A_99 : memref<128xi32, #tpu.memory_space<vmem>>) semaphore(%arg19 : memref<!tpu.dma_semaphore, #tpu.memory_space<semaphore_mem>>)
    %dma_start3A_103 = arith.constant 2 : i32
    %dma_start3A_104 = arith.constant 0 : i32
    %dma_start3A_105 = tpu.memref_slice %arg10[%dma_start3A_103, %dma_start3A_104] : memref<80x128xi32, #tpu.memory_space<vmem>> -> memref<1x128xi32, #tpu.memory_space<vmem>>
    %dma_start3A_106 = tpu.memref_squeeze %dma_start3A_105 : memref<1x128xi32, #tpu.memory_space<vmem>> -> memref<128xi32, #tpu.memory_space<vmem>>
    %dma_start3A_107 = arith.constant 0 : i32
    %dma_start3A_108 = arith.constant 0 : i32
    %dma_start3A_109 = tpu.memref_slice %arg3[%dma_start3A_107, %dma_start3A_108] : memref<400x32xi32, #tpu.memory_space<hbm>> -> memref<400x32xi32, #tpu.memory_space<hbm>>
    tpu.enqueue_indirect_dma source(%dma_start3A_109 : memref<400x32xi32, #tpu.memory_space<hbm>>) target(%arg13 : memref<128x32xi32, #tpu.memory_space<vmem>>) offsets(%dma_start3A_106 : memref<128xi32, #tpu.memory_space<vmem>>) semaphore(%arg19 : memref<!tpu.dma_semaphore, #tpu.memory_space<semaphore_mem>>)
    %dma_wait3A_110 = arith.constant 0 : i32
    %dma_wait3A_111 = arith.constant 0 : i32
    %dma_wait3A_112 = tpu.memref_slice %arg8[%dma_wait3A_110, %dma_wait3A_111] : memref<80x128xi32, #tpu.memory_space<vmem>> -> memref<1x128xi32, #tpu.memory_space<vmem>>
    %dma_wait3A_113 = tpu.memref_squeeze %dma_wait3A_112 : memref<1x128xi32, #tpu.memory_space<vmem>> -> memref<128xi32, #tpu.memory_space<vmem>>
    %dma_wait3A_114 = arith.constant 0 : i32
    %dma_wait3A_115 = arith.constant 0 : i32
    %dma_wait3A_116 = tpu.memref_slice %arg2[%dma_wait3A_114, %dma_wait3A_115] : memref<20000x32xi32, #tpu.memory_space<hbm>> -> memref<20000x32xi32, #tpu.memory_space<hbm>>
    tpu.wait_indirect_dma semaphore(%arg20 : memref<!tpu.dma_semaphore, #tpu.memory_space<semaphore_mem>>) src(%dma_wait3A_116 : memref<20000x32xi32, #tpu.memory_space<hbm>>) dst(%arg12 : memref<128x32xi32, #tpu.memory_space<vmem>>)
    %dma_wait3A_117 = arith.constant 0 : i32
    %dma_wait3A_118 = arith.constant 0 : i32
    %dma_wait3A_119 = tpu.memref_slice %arg10[%dma_wait3A_117, %dma_wait3A_118] : memref<80x128xi32, #tpu.memory_space<vmem>> -> memref<1x128xi32, #tpu.memory_space<vmem>>
    %dma_wait3A_120 = tpu.memref_squeeze %dma_wait3A_119 : memref<1x128xi32, #tpu.memory_space<vmem>> -> memref<128xi32, #tpu.memory_space<vmem>>
    %dma_wait3A_121 = arith.constant 0 : i32
    %dma_wait3A_122 = arith.constant 0 : i32
    %dma_wait3A_123 = tpu.memref_slice %arg3[%dma_wait3A_121, %dma_wait3A_122] : memref<400x32xi32, #tpu.memory_space<hbm>> -> memref<400x32xi32, #tpu.memory_space<hbm>>
    tpu.wait_indirect_dma semaphore(%arg20 : memref<!tpu.dma_semaphore, #tpu.memory_space<semaphore_mem>>) src(%dma_wait3A_123 : memref<400x32xi32, #tpu.memory_space<hbm>>) dst(%arg14 : memref<128x32xi32, #tpu.memory_space<vmem>>)
    %scan3A_124 = arith.constant 0 : i32
    %scan3A_125 = arith.constant 64 : i32
    %scan3A_126 = arith.addi %scan3A_124, %scan3A_125 : i32
    %scan3A_127 = arith.constant 1 : i32
    scf.for %scan3A_465 = %scan3A_124 to %scan3A_126 step %scan3A_127  : i32 {
      %mul3A_466 = arith.constant 2 : i32
      %mul3A_467 = arith.muli %scan3A_465, %mul3A_466 : i32
      %add3A_468 = arith.constant 0 : i32
      %add3A_469 = arith.addi %add3A_468, %mul3A_467 : i32
      %add3A_470 = arith.constant 0 : i32
      %add3A_471 = arith.addi %add3A_469, %add3A_470 : i32
      %get3A = arith.index_cast %add3A_471 : i32 to index
      %get3A_472 = arith.constant 0 : index
      %get3A_473 = tpu.vector_load %arg12[%get3A, %get3A_472] {strides = array<i32>} : memref<128x32xi32, #tpu.memory_space<vmem>>, vector<16xi32>,
      %add3A_474 = arith.constant 0 : i32
      %add3A_475 = arith.addi %add3A_469, %add3A_474 : i32
      %get3A_476 = arith.index_cast %add3A_475 : i32 to index
      %get3A_477 = arith.constant 0 : index
      %get3A_478 = tpu.vector_load %arg14[%get3A_476, %get3A_477] {strides = array<i32>} : memref<128x32xi32, #tpu.memory_space<vmem>>, vector<16xi32>,
      %shift_left3A = arith.constant 16 : i32
      %shift_left3A_479 = vector.broadcast %shift_left3A : i32 to vector<16xi32>
      %shift_left3A_480 = arith.shli %get3A_473, %shift_left3A_479 : vector<16xi32>
      %bitcast3A = vector.bitcast %shift_left3A_480 : vector<16xi32> to vector<16xf32>
      %and3A = arith.constant -65536 : i32
      %and3A_481 = vector.broadcast %and3A : i32 to vector<16xi32>
      %and3A_482 = arith.andi %get3A_473, %and3A_481 : vector<16xi32>
      %bitcast3A_483 = vector.bitcast %and3A_482 : vector<16xi32> to vector<16xf32>
      %shift_left3A_484 = arith.constant 16 : i32
      %shift_left3A_485 = vector.broadcast %shift_left3A_484 : i32 to vector<16xi32>
      %shift_left3A_486 = arith.shli %get3A_478, %shift_left3A_485 : vector<16xi32>
      %bitcast3A_487 = vector.bitcast %shift_left3A_486 : vector<16xi32> to vector<16xf32>
      %and3A_488 = arith.constant -65536 : i32
      %and3A_489 = vector.broadcast %and3A_488 : i32 to vector<16xi32>
      %and3A_490 = arith.andi %get3A_478, %and3A_489 : vector<16xi32>
      %bitcast3A_491 = vector.bitcast %and3A_490 : vector<16xi32> to vector<16xf32>
      %mul3A_492 = arith.mulf %bitcast3A, %bitcast3A_487 : vector<16xf32>
      %add3A_493 = arith.constant 0 : i32
      %add3A_494 = arith.addi %add3A_469, %add3A_493 : i32
      %swap3A = arith.index_cast %add3A_494 : i32 to index
      %swap3A_495 = arith.constant 0 : index
      %swap3A_496 = tpu.vector_load %arg16[%swap3A, %swap3A_495] {strides = array<i32>} : memref<128x64xf32, #tpu.memory_space<vmem>>, vector<16xf32>,
      tpu.vector_store %arg16[%swap3A, %swap3A_495], %mul3A_492 {strides = array<i32>} : memref<128x64xf32, #tpu.memory_space<vmem>>, vector<16xf32>,
      %mul3A_497 = arith.mulf %bitcast3A_483, %bitcast3A_491 : vector<16xf32>
      %add3A_498 = arith.constant 0 : i32
      %add3A_499 = arith.addi %add3A_469, %add3A_498 : i32
      %swap3A_500 = arith.index_cast %add3A_499 : i32 to index
      %swap3A_501 = arith.constant 16 : index
      %swap3A_502 = tpu.vector_load %arg16[%swap3A_500, %swap3A_501] {strides = array<i32>} : memref<128x64xf32, #tpu.memory_space<vmem>>, vector<16xf32>,
      tpu.vector_store %arg16[%swap3A_500, %swap3A_501], %mul3A_497 {strides = array<i32>} : memref<128x64xf32, #tpu.memory_space<vmem>>, vector<16xf32>,
      %add3A_503 = arith.constant 0 : i32
      %add3A_504 = arith.addi %add3A_469, %add3A_503 : i32
      %get3A_505 = arith.index_cast %add3A_504 : i32 to index
      %get3A_506 = arith.constant 16 : index
      %get3A_507 = tpu.vector_load %arg12[%get3A_505, %get3A_506] {strides = array<i32>} : memref<128x32xi32, #tpu.memory_space<vmem>>, vector<16xi32>,
      %add3A_508 = arith.constant 0 : i32
      %add3A_509 = arith.addi %add3A_469, %add3A_508 : i32
      %get3A_510 = arith.index_cast %add3A_509 : i32 to index
      %get3A_511 = arith.constant 16 : index
      %get3A_512 = tpu.vector_load %arg14[%get3A_510, %get3A_511] {strides = array<i32>} : memref<128x32xi32, #tpu.memory_space<vmem>>, vector<16xi32>,
      %shift_left3A_513 = arith.constant 16 : i32
      %shift_left3A_514 = vector.broadcast %shift_left3A_513 : i32 to vector<16xi32>
      %shift_left3A_515 = arith.shli %get3A_507, %shift_left3A_514 : vector<16xi32>
      %bitcast3A_516 = vector.bitcast %shift_left3A_515 : vector<16xi32> to vector<16xf32>
      %and3A_517 = arith.constant -65536 : i32
      %and3A_518 = vector.broadcast %and3A_517 : i32 to vector<16xi32>
      %and3A_519 = arith.andi %get3A_507, %and3A_518 : vector<16xi32>
      %bitcast3A_520 = vector.bitcast %and3A_519 : vector<16xi32> to vector<16xf32>
      %shift_left3A_521 = arith.constant 16 : i32
      %shift_left3A_522 = vector.broadcast %shift_left3A_521 : i32 to vector<16xi32>
      %shift_left3A_523 = arith.shli %get3A_512, %shift_left3A_522 : vector<16xi32>
      %bitcast3A_524 = vector.bitcast %shift_left3A_523 : vector<16xi32> to vector<16xf32>
      %and3A_525 = arith.constant -65536 : i32
      %and3A_526 = vector.broadcast %and3A_525 : i32 to vector<16xi32>
      %and3A_527 = arith.andi %get3A_512, %and3A_526 : vector<16xi32>
      %bitcast3A_528 = vector.bitcast %and3A_527 : vector<16xi32> to vector<16xf32>
      %mul3A_529 = arith.mulf %bitcast3A_516, %bitcast3A_524 : vector<16xf32>
      %add3A_530 = arith.constant 0 : i32
      %add3A_531 = arith.addi %add3A_469, %add3A_530 : i32
      %swap3A_532 = arith.index_cast %add3A_531 : i32 to index
      %swap3A_533 = arith.constant 32 : index
      %swap3A_534 = tpu.vector_load %arg16[%swap3A_532, %swap3A_533] {strides = array<i32>} : memref<128x64xf32, #tpu.memory_space<vmem>>, vector<16xf32>,
      tpu.vector_store %arg16[%swap3A_532, %swap3A_533], %mul3A_529 {strides = array<i32>} : memref<128x64xf32, #tpu.memory_space<vmem>>, vector<16xf32>,
      %mul3A_535 = arith.mulf %bitcast3A_520, %bitcast3A_528 : vector<16xf32>
      %add3A_536 = arith.constant 0 : i32
      %add3A_537 = arith.addi %add3A_469, %add3A_536 : i32
      %swap3A_538 = arith.index_cast %add3A_537 : i32 to index
      %swap3A_539 = arith.constant 48 : index
      %swap3A_540 = tpu.vector_load %arg16[%swap3A_538, %swap3A_539] {strides = array<i32>} : memref<128x64xf32, #tpu.memory_space<vmem>>, vector<16xf32>,
      tpu.vector_store %arg16[%swap3A_538, %swap3A_539], %mul3A_535 {strides = array<i32>} : memref<128x64xf32, #tpu.memory_space<vmem>>, vector<16xf32>,
      %add3A_541 = arith.constant 1 : i32
      %add3A_542 = arith.addi %add3A_469, %add3A_541 : i32
      %get3A_543 = arith.index_cast %add3A_542 : i32 to index
      %get3A_544 = arith.constant 0 : index
      %get3A_545 = tpu.vector_load %arg12[%get3A_543, %get3A_544] {strides = array<i32>} : memref<128x32xi32, #tpu.memory_space<vmem>>, vector<16xi32>,
      %add3A_546 = arith.constant 1 : i32
      %add3A_547 = arith.addi %add3A_469, %add3A_546 : i32
      %get3A_548 = arith.index_cast %add3A_547 : i32 to index
      %get3A_549 = arith.constant 0 : index
      %get3A_550 = tpu.vector_load %arg14[%get3A_548, %get3A_549] {strides = array<i32>} : memref<128x32xi32, #tpu.memory_space<vmem>>, vector<16xi32>,
      %shift_left3A_551 = arith.constant 16 : i32
      %shift_left3A_552 = vector.broadcast %shift_left3A_551 : i32 to vector<16xi32>
      %shift_left3A_553 = arith.shli %get3A_545, %shift_left3A_552 : vector<16xi32>
      %bitcast3A_554 = vector.bitcast %shift_left3A_553 : vector<16xi32> to vector<16xf32>
      %and3A_555 = arith.constant -65536 : i32
      %and3A_556 = vector.broadcast %and3A_555 : i32 to vector<16xi32>
      %and3A_557 = arith.andi %get3A_545, %and3A_556 : vector<16xi32>
      %bitcast3A_558 = vector.bitcast %and3A_557 : vector<16xi32> to vector<16xf32>
      %shift_left3A_559 = arith.constant 16 : i32
      %shift_left3A_560 = vector.broadcast %shift_left3A_559 : i32 to vector<16xi32>
      %shift_left3A_561 = arith.shli %get3A_550, %shift_left3A_560 : vector<16xi32>
      %bitcast3A_562 = vector.bitcast %shift_left3A_561 : vector<16xi32> to vector<16xf32>
      %and3A_563 = arith.constant -65536 : i32
      %and3A_564 = vector.broadcast %and3A_563 : i32 to vector<16xi32>
      %and3A_565 = arith.andi %get3A_550, %and3A_564 : vector<16xi32>
      %bitcast3A_566 = vector.bitcast %and3A_565 : vector<16xi32> to vector<16xf32>
      %mul3A_567 = arith.mulf %bitcast3A_554, %bitcast3A_562 : vector<16xf32>
      %add3A_568 = arith.constant 1 : i32
      %add3A_569 = arith.addi %add3A_469, %add3A_568 : i32
      %swap3A_570 = arith.index_cast %add3A_569 : i32 to index
      %swap3A_571 = arith.constant 0 : index
      %swap3A_572 = tpu.vector_load %arg16[%swap3A_570, %swap3A_571] {strides = array<i32>} : memref<128x64xf32, #tpu.memory_space<vmem>>, vector<16xf32>,
      tpu.vector_store %arg16[%swap3A_570, %swap3A_571], %mul3A_567 {strides = array<i32>} : memref<128x64xf32, #tpu.memory_space<vmem>>, vector<16xf32>,
      %mul3A_573 = arith.mulf %bitcast3A_558, %bitcast3A_566 : vector<16xf32>
      %add3A_574 = arith.constant 1 : i32
      %add3A_575 = arith.addi %add3A_469, %add3A_574 : i32
      %swap3A_576 = arith.index_cast %add3A_575 : i32 to index
      %swap3A_577 = arith.constant 16 : index
      %swap3A_578 = tpu.vector_load %arg16[%swap3A_576, %swap3A_577] {strides = array<i32>} : memref<128x64xf32, #tpu.memory_space<vmem>>, vector<16xf32>,
      tpu.vector_store %arg16[%swap3A_576, %swap3A_577], %mul3A_573 {strides = array<i32>} : memref<128x64xf32, #tpu.memory_space<vmem>>, vector<16xf32>,
      %add3A_579 = arith.constant 1 : i32
      %add3A_580 = arith.addi %add3A_469, %add3A_579 : i32
      %get3A_581 = arith.index_cast %add3A_580 : i32 to index
      %get3A_582 = arith.constant 16 : index
      %get3A_583 = tpu.vector_load %arg12[%get3A_581, %get3A_582] {strides = array<i32>} : memref<128x32xi32, #tpu.memory_space<vmem>>, vector<16xi32>,
      %add3A_584 = arith.constant 1 : i32
      %add3A_585 = arith.addi %add3A_469, %add3A_584 : i32
      %get3A_586 = arith.index_cast %add3A_585 : i32 to index
      %get3A_587 = arith.constant 16 : index
      %get3A_588 = tpu.vector_load %arg14[%get3A_586, %get3A_587] {strides = array<i32>} : memref<128x32xi32, #tpu.memory_space<vmem>>, vector<16xi32>,
      %shift_left3A_589 = arith.constant 16 : i32
      %shift_left3A_590 = vector.broadcast %shift_left3A_589 : i32 to vector<16xi32>
      %shift_left3A_591 = arith.shli %get3A_583, %shift_left3A_590 : vector<16xi32>
      %bitcast3A_592 = vector.bitcast %shift_left3A_591 : vector<16xi32> to vector<16xf32>
      %and3A_593 = arith.constant -65536 : i32
      %and3A_594 = vector.broadcast %and3A_593 : i32 to vector<16xi32>
      %and3A_595 = arith.andi %get3A_583, %and3A_594 : vector<16xi32>
      %bitcast3A_596 = vector.bitcast %and3A_595 : vector<16xi32> to vector<16xf32>
      %shift_left3A_597 = arith.constant 16 : i32
      %shift_left3A_598 = vector.broadcast %shift_left3A_597 : i32 to vector<16xi32>
      %shift_left3A_599 = arith.shli %get3A_588, %shift_left3A_598 : vector<16xi32>
      %bitcast3A_600 = vector.bitcast %shift_left3A_599 : vector<16xi32> to vector<16xf32>
      %and3A_601 = arith.constant -65536 : i32
      %and3A_602 = vector.broadcast %and3A_601 : i32 to vector<16xi32>
      %and3A_603 = arith.andi %get3A_588, %and3A_602 : vector<16xi32>
      %bitcast3A_604 = vector.bitcast %and3A_603 : vector<16xi32> to vector<16xf32>
      %mul3A_605 = arith.mulf %bitcast3A_592, %bitcast3A_600 : vector<16xf32>
      %add3A_606 = arith.constant 1 : i32
      %add3A_607 = arith.addi %add3A_469, %add3A_606 : i32
      %swap3A_608 = arith.index_cast %add3A_607 : i32 to index
      %swap3A_609 = arith.constant 32 : index
      %swap3A_610 = tpu.vector_load %arg16[%swap3A_608, %swap3A_609] {strides = array<i32>} : memref<128x64xf32, #tpu.memory_space<vmem>>, vector<16xf32>,
      tpu.vector_store %arg16[%swap3A_608, %swap3A_609], %mul3A_605 {strides = array<i32>} : memref<128x64xf32, #tpu.memory_space<vmem>>, vector<16xf32>,
      %mul3A_611 = arith.mulf %bitcast3A_596, %bitcast3A_604 : vector<16xf32>
      %add3A_612 = arith.constant 1 : i32
      %add3A_613 = arith.addi %add3A_469, %add3A_612 : i32
      %swap3A_614 = arith.index_cast %add3A_613 : i32 to index
      %swap3A_615 = arith.constant 48 : index
      %swap3A_616 = tpu.vector_load %arg16[%swap3A_614, %swap3A_615] {strides = array<i32>} : memref<128x64xf32, #tpu.memory_space<vmem>>, vector<16xf32>,
      tpu.vector_store %arg16[%swap3A_614, %swap3A_615], %mul3A_611 {strides = array<i32>} : memref<128x64xf32, #tpu.memory_space<vmem>>, vector<16xf32>,
    }
    %scan3A_128 = arith.constant 64 : i32
    %dma_start3A_129 = arith.constant 1 : i32
    %dma_start3A_130 = arith.constant 0 : i32
    %dma_start3A_131 = tpu.memref_slice %arg9[%dma_start3A_129, %dma_start3A_130] : memref<80x128xi32, #tpu.memory_space<vmem>> -> memref<1x128xi32, #tpu.memory_space<vmem>>
    %dma_start3A_132 = tpu.memref_squeeze %dma_start3A_131 : memref<1x128xi32, #tpu.memory_space<vmem>> -> memref<128xi32, #tpu.memory_space<vmem>>
    %dma_start3A_133 = arith.constant 0 : i32
    %dma_start3A_134 = arith.constant 0 : i32
    %dma_start3A_135 = tpu.memref_slice %arg17[%dma_start3A_133, %dma_start3A_134] : memref<10240x64xf32, #tpu.memory_space<vmem_shared>> -> memref<10240x64xf32, #tpu.memory_space<vmem_shared>>
    tpu.enqueue_indirect_dma source(%arg16 : memref<128x64xf32, #tpu.memory_space<vmem>>) target(%dma_start3A_135 : memref<10240x64xf32, #tpu.memory_space<vmem_shared>>) offsets(%dma_start3A_132 : memref<128xi32, #tpu.memory_space<vmem>>) semaphore(%arg22 : memref<!tpu.dma_semaphore, #tpu.memory_space<semaphore_mem>>) {add = true}
    %scan3A_136 = arith.constant 0 : i32
    %scan3A_137 = arith.constant 38 : i32
    %scan3A_138 = arith.addi %scan3A_136, %scan3A_137 : i32
    %scan3A_139 = arith.constant 1 : i32
    scf.for %scan3A_465 = %scan3A_136 to %scan3A_138 step %scan3A_139  : i32 {
      %mul3A_466 = arith.constant 2 : i32
      %mul3A_467 = arith.muli %scan3A_465, %mul3A_466 : i32
      %add3A_468 = arith.constant 2 : i32
      %add3A_469 = arith.addi %add3A_468, %mul3A_467 : i32
      %add3A_470 = arith.constant 0 : i32
      %add3A_471 = arith.addi %add3A_469, %add3A_470 : i32
      %add3A_472 = arith.constant 1 : i32
      %add3A_473 = arith.addi %add3A_471, %add3A_472 : i32
      %dma_start3A_474 = arith.constant 0 : i32
      %dma_start3A_475 = tpu.memref_slice %arg8[%add3A_473, %dma_start3A_474] : memref<80x128xi32, #tpu.memory_space<vmem>> -> memref<1x128xi32, #tpu.memory_space<vmem>>
      %dma_start3A_476 = tpu.memref_squeeze %dma_start3A_475 : memref<1x128xi32, #tpu.memory_space<vmem>> -> memref<128xi32, #tpu.memory_space<vmem>>
      %dma_start3A_477 = arith.constant 0 : i32
      %dma_start3A_478 = arith.constant 0 : i32
      %dma_start3A_479 = tpu.memref_slice %arg2[%dma_start3A_477, %dma_start3A_478] : memref<20000x32xi32, #tpu.memory_space<hbm>> -> memref<20000x32xi32, #tpu.memory_space<hbm>>
      tpu.enqueue_indirect_dma source(%dma_start3A_479 : memref<20000x32xi32, #tpu.memory_space<hbm>>) target(%arg12 : memref<128x32xi32, #tpu.memory_space<vmem>>) offsets(%dma_start3A_476 : memref<128xi32, #tpu.memory_space<vmem>>) semaphore(%arg20 : memref<!tpu.dma_semaphore, #tpu.memory_space<semaphore_mem>>)
      %dma_start3A_480 = arith.constant 0 : i32
      %dma_start3A_481 = tpu.memref_slice %arg10[%add3A_473, %dma_start3A_480] : memref<80x128xi32, #tpu.memory_space<vmem>> -> memref<1x128xi32, #tpu.memory_space<vmem>>
      %dma_start3A_482 = tpu.memref_squeeze %dma_start3A_481 : memref<1x128xi32, #tpu.memory_space<vmem>> -> memref<128xi32, #tpu.memory_space<vmem>>
      %dma_start3A_483 = arith.constant 0 : i32
      %dma_start3A_484 = arith.constant 0 : i32
      %dma_start3A_485 = tpu.memref_slice %arg3[%dma_start3A_483, %dma_start3A_484] : memref<400x32xi32, #tpu.memory_space<hbm>> -> memref<400x32xi32, #tpu.memory_space<hbm>>
      tpu.enqueue_indirect_dma source(%dma_start3A_485 : memref<400x32xi32, #tpu.memory_space<hbm>>) target(%arg14 : memref<128x32xi32, #tpu.memory_space<vmem>>) offsets(%dma_start3A_482 : memref<128xi32, #tpu.memory_space<vmem>>) semaphore(%arg20 : memref<!tpu.dma_semaphore, #tpu.memory_space<semaphore_mem>>)
      %dma_wait3A_486 = arith.constant 0 : i32
      %dma_wait3A_487 = arith.constant 0 : i32
      %dma_wait3A_488 = tpu.memref_slice %arg8[%dma_wait3A_486, %dma_wait3A_487] : memref<80x128xi32, #tpu.memory_space<vmem>> -> memref<1x128xi32, #tpu.memory_space<vmem>>
      %dma_wait3A_489 = tpu.memref_squeeze %dma_wait3A_488 : memref<1x128xi32, #tpu.memory_space<vmem>> -> memref<128xi32, #tpu.memory_space<vmem>>
      %dma_wait3A_490 = arith.constant 0 : i32
      %dma_wait3A_491 = arith.constant 0 : i32
      %dma_wait3A_492 = tpu.memref_slice %arg2[%dma_wait3A_490, %dma_wait3A_491] : memref<20000x32xi32, #tpu.memory_space<hbm>> -> memref<20000x32xi32, #tpu.memory_space<hbm>>
      tpu.wait_indirect_dma semaphore(%arg19 : memref<!tpu.dma_semaphore, #tpu.memory_space<semaphore_mem>>) src(%dma_wait3A_492 : memref<20000x32xi32, #tpu.memory_space<hbm>>) dst(%arg11 : memref<128x32xi32, #tpu.memory_space<vmem>>)
      %dma_wait3A_493 = arith.constant 0 : i32
      %dma_wait3A_494 = arith.constant 0 : i32
      %dma_wait3A_495 = tpu.memref_slice %arg10[%dma_wait3A_493, %dma_wait3A_494] : memref<80x128xi32, #tpu.memory_space<vmem>> -> memref<1x128xi32, #tpu.memory_space<vmem>>
      %dma_wait3A_496 = tpu.memref_squeeze %dma_wait3A_495 : memref<1x128xi32, #tpu.memory_space<vmem>> -> memref<128xi32, #tpu.memory_space<vmem>>
      %dma_wait3A_497 = arith.constant 0 : i32
      %dma_wait3A_498 = arith.constant 0 : i32
      %dma_wait3A_499 = tpu.memref_slice %arg3[%dma_wait3A_497, %dma_wait3A_498] : memref<400x32xi32, #tpu.memory_space<hbm>> -> memref<400x32xi32, #tpu.memory_space<hbm>>
      tpu.wait_indirect_dma semaphore(%arg19 : memref<!tpu.dma_semaphore, #tpu.memory_space<semaphore_mem>>) src(%dma_wait3A_499 : memref<400x32xi32, #tpu.memory_space<hbm>>) dst(%arg13 : memref<128x32xi32, #tpu.memory_space<vmem>>)
      %dma_wait3A_500 = arith.constant 0 : i32
      %dma_wait3A_501 = arith.constant 0 : i32
      %dma_wait3A_502 = tpu.memref_slice %arg9[%dma_wait3A_500, %dma_wait3A_501] : memref<80x128xi32, #tpu.memory_space<vmem>> -> memref<1x128xi32, #tpu.memory_space<vmem>>
      %dma_wait3A_503 = tpu.memref_squeeze %dma_wait3A_502 : memref<1x128xi32, #tpu.memory_space<vmem>> -> memref<128xi32, #tpu.memory_space<vmem>>
      %dma_wait3A_504 = arith.constant 0 : i32
      %dma_wait3A_505 = arith.constant 0 : i32
      %dma_wait3A_506 = tpu.memref_slice %arg17[%dma_wait3A_504, %dma_wait3A_505] : memref<10240x64xf32, #tpu.memory_space<vmem_shared>> -> memref<10240x64xf32, #tpu.memory_space<vmem_shared>>
      tpu.wait_indirect_dma semaphore(%arg21 : memref<!tpu.dma_semaphore, #tpu.memory_space<semaphore_mem>>) src(%arg15 : memref<128x64xf32, #tpu.memory_space<vmem>>) dst(%dma_wait3A_506 : memref<10240x64xf32, #tpu.memory_space<vmem_shared>>)
      %scan3A_507 = arith.constant 0 : i32
      %scan3A_508 = arith.constant 64 : i32
      %scan3A_509 = arith.addi %scan3A_507, %scan3A_508 : i32
      %scan3A_510 = arith.constant 1 : i32
      scf.for %scan3A_566 = %scan3A_507 to %scan3A_509 step %scan3A_510  : i32 {
        %mul3A_567 = arith.constant 2 : i32
        %mul3A_568 = arith.muli %scan3A_566, %mul3A_567 : i32
        %add3A_569 = arith.constant 0 : i32
        %add3A_570 = arith.addi %add3A_569, %mul3A_568 : i32
        %add3A_571 = arith.constant 0 : i32
        %add3A_572 = arith.addi %add3A_570, %add3A_571 : i32
        %get3A = arith.index_cast %add3A_572 : i32 to index
        %get3A_573 = arith.constant 0 : index
        %get3A_574 = tpu.vector_load %arg11[%get3A, %get3A_573] {strides = array<i32>} : memref<128x32xi32, #tpu.memory_space<vmem>>, vector<16xi32>,
        %add3A_575 = arith.constant 0 : i32
        %add3A_576 = arith.addi %add3A_570, %add3A_575 : i32
        %get3A_577 = arith.index_cast %add3A_576 : i32 to index
        %get3A_578 = arith.constant 0 : index
        %get3A_579 = tpu.vector_load %arg13[%get3A_577, %get3A_578] {strides = array<i32>} : memref<128x32xi32, #tpu.memory_space<vmem>>, vector<16xi32>,
        %shift_left3A = arith.constant 16 : i32
        %shift_left3A_580 = vector.broadcast %shift_left3A : i32 to vector<16xi32>
        %shift_left3A_581 = arith.shli %get3A_574, %shift_left3A_580 : vector<16xi32>
        %bitcast3A = vector.bitcast %shift_left3A_581 : vector<16xi32> to vector<16xf32>
        %and3A = arith.constant -65536 : i32
        %and3A_582 = vector.broadcast %and3A : i32 to vector<16xi32>
        %and3A_583 = arith.andi %get3A_574, %and3A_582 : vector<16xi32>
        %bitcast3A_584 = vector.bitcast %and3A_583 : vector<16xi32> to vector<16xf32>
        %shift_left3A_585 = arith.constant 16 : i32
        %shift_left3A_586 = vector.broadcast %shift_left3A_585 : i32 to vector<16xi32>
        %shift_left3A_587 = arith.shli %get3A_579, %shift_left3A_586 : vector<16xi32>
        %bitcast3A_588 = vector.bitcast %shift_left3A_587 : vector<16xi32> to vector<16xf32>
        %and3A_589 = arith.constant -65536 : i32
        %and3A_590 = vector.broadcast %and3A_589 : i32 to vector<16xi32>
        %and3A_591 = arith.andi %get3A_579, %and3A_590 : vector<16xi32>
        %bitcast3A_592 = vector.bitcast %and3A_591 : vector<16xi32> to vector<16xf32>
        %mul3A_593 = arith.mulf %bitcast3A, %bitcast3A_588 : vector<16xf32>
        %add3A_594 = arith.constant 0 : i32
        %add3A_595 = arith.addi %add3A_570, %add3A_594 : i32
        %swap3A = arith.index_cast %add3A_595 : i32 to index
        %swap3A_596 = arith.constant 0 : index
        %swap3A_597 = tpu.vector_load %arg15[%swap3A, %swap3A_596] {strides = array<i32>} : memref<128x64xf32, #tpu.memory_space<vmem>>, vector<16xf32>,
        tpu.vector_store %arg15[%swap3A, %swap3A_596], %mul3A_593 {strides = array<i32>} : memref<128x64xf32, #tpu.memory_space<vmem>>, vector<16xf32>,
        %mul3A_598 = arith.mulf %bitcast3A_584, %bitcast3A_592 : vector<16xf32>
        %add3A_599 = arith.constant 0 : i32
        %add3A_600 = arith.addi %add3A_570, %add3A_599 : i32
        %swap3A_601 = arith.index_cast %add3A_600 : i32 to index
        %swap3A_602 = arith.constant 16 : index
        %swap3A_603 = tpu.vector_load %arg15[%swap3A_601, %swap3A_602] {strides = array<i32>} : memref<128x64xf32, #tpu.memory_space<vmem>>, vector<16xf32>,
        tpu.vector_store %arg15[%swap3A_601, %swap3A_602], %mul3A_598 {strides = array<i32>} : memref<128x64xf32, #tpu.memory_space<vmem>>, vector<16xf32>,
        %add3A_604 = arith.constant 0 : i32
        %add3A_605 = arith.addi %add3A_570, %add3A_604 : i32
        %get3A_606 = arith.index_cast %add3A_605 : i32 to index
        %get3A_607 = arith.constant 16 : index
        %get3A_608 = tpu.vector_load %arg11[%get3A_606, %get3A_607] {strides = array<i32>} : memref<128x32xi32, #tpu.memory_space<vmem>>, vector<16xi32>,
        %add3A_609 = arith.constant 0 : i32
        %add3A_610 = arith.addi %add3A_570, %add3A_609 : i32
        %get3A_611 = arith.index_cast %add3A_610 : i32 to index
        %get3A_612 = arith.constant 16 : index
        %get3A_613 = tpu.vector_load %arg13[%get3A_611, %get3A_612] {strides = array<i32>} : memref<128x32xi32, #tpu.memory_space<vmem>>, vector<16xi32>,
        %shift_left3A_614 = arith.constant 16 : i32
        %shift_left3A_615 = vector.broadcast %shift_left3A_614 : i32 to vector<16xi32>
        %shift_left3A_616 = arith.shli %get3A_608, %shift_left3A_615 : vector<16xi32>
        %bitcast3A_617 = vector.bitcast %shift_left3A_616 : vector<16xi32> to vector<16xf32>
        %and3A_618 = arith.constant -65536 : i32
        %and3A_619 = vector.broadcast %and3A_618 : i32 to vector<16xi32>
        %and3A_620 = arith.andi %get3A_608, %and3A_619 : vector<16xi32>
        %bitcast3A_621 = vector.bitcast %and3A_620 : vector<16xi32> to vector<16xf32>
        %shift_left3A_622 = arith.constant 16 : i32
        %shift_left3A_623 = vector.broadcast %shift_left3A_622 : i32 to vector<16xi32>
        %shift_left3A_624 = arith.shli %get3A_613, %shift_left3A_623 : vector<16xi32>
        %bitcast3A_625 = vector.bitcast %shift_left3A_624 : vector<16xi32> to vector<16xf32>
        %and3A_626 = arith.constant -65536 : i32
        %and3A_627 = vector.broadcast %and3A_626 : i32 to vector<16xi32>
        %and3A_628 = arith.andi %get3A_613, %and3A_627 : vector<16xi32>
        %bitcast3A_629 = vector.bitcast %and3A_628 : vector<16xi32> to vector<16xf32>
        %mul3A_630 = arith.mulf %bitcast3A_617, %bitcast3A_625 : vector<16xf32>
        %add3A_631 = arith.constant 0 : i32
        %add3A_632 = arith.addi %add3A_570, %add3A_631 : i32
        %swap3A_633 = arith.index_cast %add3A_632 : i32 to index
        %swap3A_634 = arith.constant 32 : index
        %swap3A_635 = tpu.vector_load %arg15[%swap3A_633, %swap3A_634] {strides = array<i32>} : memref<128x64xf32, #tpu.memory_space<vmem>>, vector<16xf32>,
        tpu.vector_store %arg15[%swap3A_633, %swap3A_634], %mul3A_630 {strides = array<i32>} : memref<128x64xf32, #tpu.memory_space<vmem>>, vector<16xf32>,
        %mul3A_636 = arith.mulf %bitcast3A_621, %bitcast3A_629 : vector<16xf32>
        %add3A_637 = arith.constant 0 : i32
        %add3A_638 = arith.addi %add3A_570, %add3A_637 : i32
        %swap3A_639 = arith.index_cast %add3A_638 : i32 to index
        %swap3A_640 = arith.constant 48 : index
        %swap3A_641 = tpu.vector_load %arg15[%swap3A_639, %swap3A_640] {strides = array<i32>} : memref<128x64xf32, #tpu.memory_space<vmem>>, vector<16xf32>,
        tpu.vector_store %arg15[%swap3A_639, %swap3A_640], %mul3A_636 {strides = array<i32>} : memref<128x64xf32, #tpu.memory_space<vmem>>, vector<16xf32>,
        %add3A_642 = arith.constant 1 : i32
        %add3A_643 = arith.addi %add3A_570, %add3A_642 : i32
        %get3A_644 = arith.index_cast %add3A_643 : i32 to index
        %get3A_645 = arith.constant 0 : index
        %get3A_646 = tpu.vector_load %arg11[%get3A_644, %get3A_645] {strides = array<i32>} : memref<128x32xi32, #tpu.memory_space<vmem>>, vector<16xi32>,
        %add3A_647 = arith.constant 1 : i32
        %add3A_648 = arith.addi %add3A_570, %add3A_647 : i32
        %get3A_649 = arith.index_cast %add3A_648 : i32 to index
        %get3A_650 = arith.constant 0 : index
        %get3A_651 = tpu.vector_load %arg13[%get3A_649, %get3A_650] {strides = array<i32>} : memref<128x32xi32, #tpu.memory_space<vmem>>, vector<16xi32>,
        %shift_left3A_652 = arith.constant 16 : i32
        %shift_left3A_653 = vector.broadcast %shift_left3A_652 : i32 to vector<16xi32>
        %shift_left3A_654 = arith.shli %get3A_646, %shift_left3A_653 : vector<16xi32>
        %bitcast3A_655 = vector.bitcast %shift_left3A_654 : vector<16xi32> to vector<16xf32>
        %and3A_656 = arith.constant -65536 : i32
        %and3A_657 = vector.broadcast %and3A_656 : i32 to vector<16xi32>
        %and3A_658 = arith.andi %get3A_646, %and3A_657 : vector<16xi32>
        %bitcast3A_659 = vector.bitcast %and3A_658 : vector<16xi32> to vector<16xf32>
        %shift_left3A_660 = arith.constant 16 : i32
        %shift_left3A_661 = vector.broadcast %shift_left3A_660 : i32 to vector<16xi32>
        %shift_left3A_662 = arith.shli %get3A_651, %shift_left3A_661 : vector<16xi32>
        %bitcast3A_663 = vector.bitcast %shift_left3A_662 : vector<16xi32> to vector<16xf32>
        %and3A_664 = arith.constant -65536 : i32
        %and3A_665 = vector.broadcast %and3A_664 : i32 to vector<16xi32>
        %and3A_666 = arith.andi %get3A_651, %and3A_665 : vector<16xi32>
        %bitcast3A_667 = vector.bitcast %and3A_666 : vector<16xi32> to vector<16xf32>
        %mul3A_668 = arith.mulf %bitcast3A_655, %bitcast3A_663 : vector<16xf32>
        %add3A_669 = arith.constant 1 : i32
        %add3A_670 = arith.addi %add3A_570, %add3A_669 : i32
        %swap3A_671 = arith.index_cast %add3A_670 : i32 to index
        %swap3A_672 = arith.constant 0 : index
        %swap3A_673 = tpu.vector_load %arg15[%swap3A_671, %swap3A_672] {strides = array<i32>} : memref<128x64xf32, #tpu.memory_space<vmem>>, vector<16xf32>,
        tpu.vector_store %arg15[%swap3A_671, %swap3A_672], %mul3A_668 {strides = array<i32>} : memref<128x64xf32, #tpu.memory_space<vmem>>, vector<16xf32>,
        %mul3A_674 = arith.mulf %bitcast3A_659, %bitcast3A_667 : vector<16xf32>
        %add3A_675 = arith.constant 1 : i32
        %add3A_676 = arith.addi %add3A_570, %add3A_675 : i32
        %swap3A_677 = arith.index_cast %add3A_676 : i32 to index
        %swap3A_678 = arith.constant 16 : index
        %swap3A_679 = tpu.vector_load %arg15[%swap3A_677, %swap3A_678] {strides = array<i32>} : memref<128x64xf32, #tpu.memory_space<vmem>>, vector<16xf32>,
        tpu.vector_store %arg15[%swap3A_677, %swap3A_678], %mul3A_674 {strides = array<i32>} : memref<128x64xf32, #tpu.memory_space<vmem>>, vector<16xf32>,
        %add3A_680 = arith.constant 1 : i32
        %add3A_681 = arith.addi %add3A_570, %add3A_680 : i32
        %get3A_682 = arith.index_cast %add3A_681 : i32 to index
        %get3A_683 = arith.constant 16 : index
        %get3A_684 = tpu.vector_load %arg11[%get3A_682, %get3A_683] {strides = array<i32>} : memref<128x32xi32, #tpu.memory_space<vmem>>, vector<16xi32>,
        %add3A_685 = arith.constant 1 : i32
        %add3A_686 = arith.addi %add3A_570, %add3A_685 : i32
        %get3A_687 = arith.index_cast %add3A_686 : i32 to index
        %get3A_688 = arith.constant 16 : index
        %get3A_689 = tpu.vector_load %arg13[%get3A_687, %get3A_688] {strides = array<i32>} : memref<128x32xi32, #tpu.memory_space<vmem>>, vector<16xi32>,
        %shift_left3A_690 = arith.constant 16 : i32
        %shift_left3A_691 = vector.broadcast %shift_left3A_690 : i32 to vector<16xi32>
        %shift_left3A_692 = arith.shli %get3A_684, %shift_left3A_691 : vector<16xi32>
        %bitcast3A_693 = vector.bitcast %shift_left3A_692 : vector<16xi32> to vector<16xf32>
        %and3A_694 = arith.constant -65536 : i32
        %and3A_695 = vector.broadcast %and3A_694 : i32 to vector<16xi32>
        %and3A_696 = arith.andi %get3A_684, %and3A_695 : vector<16xi32>
        %bitcast3A_697 = vector.bitcast %and3A_696 : vector<16xi32> to vector<16xf32>
        %shift_left3A_698 = arith.constant 16 : i32
        %shift_left3A_699 = vector.broadcast %shift_left3A_698 : i32 to vector<16xi32>
        %shift_left3A_700 = arith.shli %get3A_689, %shift_left3A_699 : vector<16xi32>
        %bitcast3A_701 = vector.bitcast %shift_left3A_700 : vector<16xi32> to vector<16xf32>
        %and3A_702 = arith.constant -65536 : i32
        %and3A_703 = vector.broadcast %and3A_702 : i32 to vector<16xi32>
        %and3A_704 = arith.andi %get3A_689, %and3A_703 : vector<16xi32>
        %bitcast3A_705 = vector.bitcast %and3A_704 : vector<16xi32> to vector<16xf32>
        %mul3A_706 = arith.mulf %bitcast3A_693, %bitcast3A_701 : vector<16xf32>
        %add3A_707 = arith.constant 1 : i32
        %add3A_708 = arith.addi %add3A_570, %add3A_707 : i32
        %swap3A_709 = arith.index_cast %add3A_708 : i32 to index
        %swap3A_710 = arith.constant 32 : index
        %swap3A_711 = tpu.vector_load %arg15[%swap3A_709, %swap3A_710] {strides = array<i32>} : memref<128x64xf32, #tpu.memory_space<vmem>>, vector<16xf32>,
        tpu.vector_store %arg15[%swap3A_709, %swap3A_710], %mul3A_706 {strides = array<i32>} : memref<128x64xf32, #tpu.memory_space<vmem>>, vector<16xf32>,
        %mul3A_712 = arith.mulf %bitcast3A_697, %bitcast3A_705 : vector<16xf32>
        %add3A_713 = arith.constant 1 : i32
        %add3A_714 = arith.addi %add3A_570, %add3A_713 : i32
        %swap3A_715 = arith.index_cast %add3A_714 : i32 to index
        %swap3A_716 = arith.constant 48 : index
        %swap3A_717 = tpu.vector_load %arg15[%swap3A_715, %swap3A_716] {strides = array<i32>} : memref<128x64xf32, #tpu.memory_space<vmem>>, vector<16xf32>,
        tpu.vector_store %arg15[%swap3A_715, %swap3A_716], %mul3A_712 {strides = array<i32>} : memref<128x64xf32, #tpu.memory_space<vmem>>, vector<16xf32>,
      }
      %scan3A_511 = arith.constant 64 : i32
      %dma_start3A_512 = arith.constant 0 : i32
      %dma_start3A_513 = tpu.memref_slice %arg9[%add3A_471, %dma_start3A_512] : memref<80x128xi32, #tpu.memory_space<vmem>> -> memref<1x128xi32, #tpu.memory_space<vmem>>
      %dma_start3A_514 = tpu.memref_squeeze %dma_start3A_513 : memref<1x128xi32, #tpu.memory_space<vmem>> -> memref<128xi32, #tpu.memory_space<vmem>>
      %dma_start3A_515 = arith.constant 0 : i32
      %dma_start3A_516 = arith.constant 0 : i32
      %dma_start3A_517 = tpu.memref_slice %arg17[%dma_start3A_515, %dma_start3A_516] : memref<10240x64xf32, #tpu.memory_space<vmem_shared>> -> memref<10240x64xf32, #tpu.memory_space<vmem_shared>>
      tpu.enqueue_indirect_dma source(%arg15 : memref<128x64xf32, #tpu.memory_space<vmem>>) target(%dma_start3A_517 : memref<10240x64xf32, #tpu.memory_space<vmem_shared>>) offsets(%dma_start3A_514 : memref<128xi32, #tpu.memory_space<vmem>>) semaphore(%arg21 : memref<!tpu.dma_semaphore, #tpu.memory_space<semaphore_mem>>) {add = true}
      %add3A_518 = arith.constant 1 : i32
      %add3A_519 = arith.addi %add3A_469, %add3A_518 : i32
      %add3A_520 = arith.constant 1 : i32
      %add3A_521 = arith.addi %add3A_519, %add3A_520 : i32
      %dma_start3A_522 = arith.constant 0 : i32
      %dma_start3A_523 = tpu.memref_slice %arg8[%add3A_521, %dma_start3A_522] : memref<80x128xi32, #tpu.memory_space<vmem>> -> memref<1x128xi32, #tpu.memory_space<vmem>>
      %dma_start3A_524 = tpu.memref_squeeze %dma_start3A_523 : memref<1x128xi32, #tpu.memory_space<vmem>> -> memref<128xi32, #tpu.memory_space<vmem>>
      %dma_start3A_525 = arith.constant 0 : i32
      %dma_start3A_526 = arith.constant 0 : i32
      %dma_start3A_527 = tpu.memref_slice %arg2[%dma_start3A_525, %dma_start3A_526] : memref<20000x32xi32, #tpu.memory_space<hbm>> -> memref<20000x32xi32, #tpu.memory_space<hbm>>
      tpu.enqueue_indirect_dma source(%dma_start3A_527 : memref<20000x32xi32, #tpu.memory_space<hbm>>) target(%arg11 : memref<128x32xi32, #tpu.memory_space<vmem>>) offsets(%dma_start3A_524 : memref<128xi32, #tpu.memory_space<vmem>>) semaphore(%arg19 : memref<!tpu.dma_semaphore, #tpu.memory_space<semaphore_mem>>)
      %dma_start3A_528 = arith.constant 0 : i32
      %dma_start3A_529 = tpu.memref_slice %arg10[%add3A_521, %dma_start3A_528] : memref<80x128xi32, #tpu.memory_space<vmem>> -> memref<1x128xi32, #tpu.memory_space<vmem>>
      %dma_start3A_530 = tpu.memref_squeeze %dma_start3A_529 : memref<1x128xi32, #tpu.memory_space<vmem>> -> memref<128xi32, #tpu.memory_space<vmem>>
      %dma_start3A_531 = arith.constant 0 : i32
      %dma_start3A_532 = arith.constant 0 : i32
      %dma_start3A_533 = tpu.memref_slice %arg3[%dma_start3A_531, %dma_start3A_532] : memref<400x32xi32, #tpu.memory_space<hbm>> -> memref<400x32xi32, #tpu.memory_space<hbm>>
      tpu.enqueue_indirect_dma source(%dma_start3A_533 : memref<400x32xi32, #tpu.memory_space<hbm>>) target(%arg13 : memref<128x32xi32, #tpu.memory_space<vmem>>) offsets(%dma_start3A_530 : memref<128xi32, #tpu.memory_space<vmem>>) semaphore(%arg19 : memref<!tpu.dma_semaphore, #tpu.memory_space<semaphore_mem>>)
      %dma_wait3A_534 = arith.constant 0 : i32
      %dma_wait3A_535 = arith.constant 0 : i32
      %dma_wait3A_536 = tpu.memref_slice %arg8[%dma_wait3A_534, %dma_wait3A_535] : memref<80x128xi32, #tpu.memory_space<vmem>> -> memref<1x128xi32, #tpu.memory_space<vmem>>
      %dma_wait3A_537 = tpu.memref_squeeze %dma_wait3A_536 : memref<1x128xi32, #tpu.memory_space<vmem>> -> memref<128xi32, #tpu.memory_space<vmem>>
      %dma_wait3A_538 = arith.constant 0 : i32
      %dma_wait3A_539 = arith.constant 0 : i32
      %dma_wait3A_540 = tpu.memref_slice %arg2[%dma_wait3A_538, %dma_wait3A_539] : memref<20000x32xi32, #tpu.memory_space<hbm>> -> memref<20000x32xi32, #tpu.memory_space<hbm>>
      tpu.wait_indirect_dma semaphore(%arg20 : memref<!tpu.dma_semaphore, #tpu.memory_space<semaphore_mem>>) src(%dma_wait3A_540 : memref<20000x32xi32, #tpu.memory_space<hbm>>) dst(%arg12 : memref<128x32xi32, #tpu.memory_space<vmem>>)
      %dma_wait3A_541 = arith.constant 0 : i32
      %dma_wait3A_542 = arith.constant 0 : i32
      %dma_wait3A_543 = tpu.memref_slice %arg10[%dma_wait3A_541, %dma_wait3A_542] : memref<80x128xi32, #tpu.memory_space<vmem>> -> memref<1x128xi32, #tpu.memory_space<vmem>>
      %dma_wait3A_544 = tpu.memref_squeeze %dma_wait3A_543 : memref<1x128xi32, #tpu.memory_space<vmem>> -> memref<128xi32, #tpu.memory_space<vmem>>
      %dma_wait3A_545 = arith.constant 0 : i32
      %dma_wait3A_546 = arith.constant 0 : i32
      %dma_wait3A_547 = tpu.memref_slice %arg3[%dma_wait3A_545, %dma_wait3A_546] : memref<400x32xi32, #tpu.memory_space<hbm>> -> memref<400x32xi32, #tpu.memory_space<hbm>>
      tpu.wait_indirect_dma semaphore(%arg20 : memref<!tpu.dma_semaphore, #tpu.memory_space<semaphore_mem>>) src(%dma_wait3A_547 : memref<400x32xi32, #tpu.memory_space<hbm>>) dst(%arg14 : memref<128x32xi32, #tpu.memory_space<vmem>>)
      %dma_wait3A_548 = arith.constant 0 : i32
      %dma_wait3A_549 = arith.constant 0 : i32
      %dma_wait3A_550 = tpu.memref_slice %arg9[%dma_wait3A_548, %dma_wait3A_549] : memref<80x128xi32, #tpu.memory_space<vmem>> -> memref<1x128xi32, #tpu.memory_space<vmem>>
      %dma_wait3A_551 = tpu.memref_squeeze %dma_wait3A_550 : memref<1x128xi32, #tpu.memory_space<vmem>> -> memref<128xi32, #tpu.memory_space<vmem>>
      %dma_wait3A_552 = arith.constant 0 : i32
      %dma_wait3A_553 = arith.constant 0 : i32
      %dma_wait3A_554 = tpu.memref_slice %arg17[%dma_wait3A_552, %dma_wait3A_553] : memref<10240x64xf32, #tpu.memory_space<vmem_shared>> -> memref<10240x64xf32, #tpu.memory_space<vmem_shared>>
      tpu.wait_indirect_dma semaphore(%arg22 : memref<!tpu.dma_semaphore, #tpu.memory_space<semaphore_mem>>) src(%arg16 : memref<128x64xf32, #tpu.memory_space<vmem>>) dst(%dma_wait3A_554 : memref<10240x64xf32, #tpu.memory_space<vmem_shared>>)
      %scan3A_555 = arith.constant 0 : i32
      %scan3A_556 = arith.constant 64 : i32
      %scan3A_557 = arith.addi %scan3A_555, %scan3A_556 : i32
      %scan3A_558 = arith.constant 1 : i32
      scf.for %scan3A_566 = %scan3A_555 to %scan3A_557 step %scan3A_558  : i32 {
        %mul3A_567 = arith.constant 2 : i32
        %mul3A_568 = arith.muli %scan3A_566, %mul3A_567 : i32
        %add3A_569 = arith.constant 0 : i32
        %add3A_570 = arith.addi %add3A_569, %mul3A_568 : i32
        %add3A_571 = arith.constant 0 : i32
        %add3A_572 = arith.addi %add3A_570, %add3A_571 : i32
        %get3A = arith.index_cast %add3A_572 : i32 to index
        %get3A_573 = arith.constant 0 : index
        %get3A_574 = tpu.vector_load %arg12[%get3A, %get3A_573] {strides = array<i32>} : memref<128x32xi32, #tpu.memory_space<vmem>>, vector<16xi32>,
        %add3A_575 = arith.constant 0 : i32
        %add3A_576 = arith.addi %add3A_570, %add3A_575 : i32
        %get3A_577 = arith.index_cast %add3A_576 : i32 to index
        %get3A_578 = arith.constant 0 : index
        %get3A_579 = tpu.vector_load %arg14[%get3A_577, %get3A_578] {strides = array<i32>} : memref<128x32xi32, #tpu.memory_space<vmem>>, vector<16xi32>,
        %shift_left3A = arith.constant 16 : i32
        %shift_left3A_580 = vector.broadcast %shift_left3A : i32 to vector<16xi32>
        %shift_left3A_581 = arith.shli %get3A_574, %shift_left3A_580 : vector<16xi32>
        %bitcast3A = vector.bitcast %shift_left3A_581 : vector<16xi32> to vector<16xf32>
        %and3A = arith.constant -65536 : i32
        %and3A_582 = vector.broadcast %and3A : i32 to vector<16xi32>
        %and3A_583 = arith.andi %get3A_574, %and3A_582 : vector<16xi32>
        %bitcast3A_584 = vector.bitcast %and3A_583 : vector<16xi32> to vector<16xf32>
        %shift_left3A_585 = arith.constant 16 : i32
        %shift_left3A_586 = vector.broadcast %shift_left3A_585 : i32 to vector<16xi32>
        %shift_left3A_587 = arith.shli %get3A_579, %shift_left3A_586 : vector<16xi32>
        %bitcast3A_588 = vector.bitcast %shift_left3A_587 : vector<16xi32> to vector<16xf32>
        %and3A_589 = arith.constant -65536 : i32
        %and3A_590 = vector.broadcast %and3A_589 : i32 to vector<16xi32>
        %and3A_591 = arith.andi %get3A_579, %and3A_590 : vector<16xi32>
        %bitcast3A_592 = vector.bitcast %and3A_591 : vector<16xi32> to vector<16xf32>
        %mul3A_593 = arith.mulf %bitcast3A, %bitcast3A_588 : vector<16xf32>
        %add3A_594 = arith.constant 0 : i32
        %add3A_595 = arith.addi %add3A_570, %add3A_594 : i32
        %swap3A = arith.index_cast %add3A_595 : i32 to index
        %swap3A_596 = arith.constant 0 : index
        %swap3A_597 = tpu.vector_load %arg16[%swap3A, %swap3A_596] {strides = array<i32>} : memref<128x64xf32, #tpu.memory_space<vmem>>, vector<16xf32>,
        tpu.vector_store %arg16[%swap3A, %swap3A_596], %mul3A_593 {strides = array<i32>} : memref<128x64xf32, #tpu.memory_space<vmem>>, vector<16xf32>,
        %mul3A_598 = arith.mulf %bitcast3A_584, %bitcast3A_592 : vector<16xf32>
        %add3A_599 = arith.constant 0 : i32
        %add3A_600 = arith.addi %add3A_570, %add3A_599 : i32
        %swap3A_601 = arith.index_cast %add3A_600 : i32 to index
        %swap3A_602 = arith.constant 16 : index
        %swap3A_603 = tpu.vector_load %arg16[%swap3A_601, %swap3A_602] {strides = array<i32>} : memref<128x64xf32, #tpu.memory_space<vmem>>, vector<16xf32>,
        tpu.vector_store %arg16[%swap3A_601, %swap3A_602], %mul3A_598 {strides = array<i32>} : memref<128x64xf32, #tpu.memory_space<vmem>>, vector<16xf32>,
        %add3A_604 = arith.constant 0 : i32
        %add3A_605 = arith.addi %add3A_570, %add3A_604 : i32
        %get3A_606 = arith.index_cast %add3A_605 : i32 to index
        %get3A_607 = arith.constant 16 : index
        %get3A_608 = tpu.vector_load %arg12[%get3A_606, %get3A_607] {strides = array<i32>} : memref<128x32xi32, #tpu.memory_space<vmem>>, vector<16xi32>,
        %add3A_609 = arith.constant 0 : i32
        %add3A_610 = arith.addi %add3A_570, %add3A_609 : i32
        %get3A_611 = arith.index_cast %add3A_610 : i32 to index
        %get3A_612 = arith.constant 16 : index
        %get3A_613 = tpu.vector_load %arg14[%get3A_611, %get3A_612] {strides = array<i32>} : memref<128x32xi32, #tpu.memory_space<vmem>>, vector<16xi32>,
        %shift_left3A_614 = arith.constant 16 : i32
        %shift_left3A_615 = vector.broadcast %shift_left3A_614 : i32 to vector<16xi32>
        %shift_left3A_616 = arith.shli %get3A_608, %shift_left3A_615 : vector<16xi32>
        %bitcast3A_617 = vector.bitcast %shift_left3A_616 : vector<16xi32> to vector<16xf32>
        %and3A_618 = arith.constant -65536 : i32
        %and3A_619 = vector.broadcast %and3A_618 : i32 to vector<16xi32>
        %and3A_620 = arith.andi %get3A_608, %and3A_619 : vector<16xi32>
        %bitcast3A_621 = vector.bitcast %and3A_620 : vector<16xi32> to vector<16xf32>
        %shift_left3A_622 = arith.constant 16 : i32
        %shift_left3A_623 = vector.broadcast %shift_left3A_622 : i32 to vector<16xi32>
        %shift_left3A_624 = arith.shli %get3A_613, %shift_left3A_623 : vector<16xi32>
        %bitcast3A_625 = vector.bitcast %shift_left3A_624 : vector<16xi32> to vector<16xf32>
        %and3A_626 = arith.constant -65536 : i32
        %and3A_627 = vector.broadcast %and3A_626 : i32 to vector<16xi32>
        %and3A_628 = arith.andi %get3A_613, %and3A_627 : vector<16xi32>
        %bitcast3A_629 = vector.bitcast %and3A_628 : vector<16xi32> to vector<16xf32>
        %mul3A_630 = arith.mulf %bitcast3A_617, %bitcast3A_625 : vector<16xf32>
        %add3A_631 = arith.constant 0 : i32
        %add3A_632 = arith.addi %add3A_570, %add3A_631 : i32
        %swap3A_633 = arith.index_cast %add3A_632 : i32 to index
        %swap3A_634 = arith.constant 32 : index
        %swap3A_635 = tpu.vector_load %arg16[%swap3A_633, %swap3A_634] {strides = array<i32>} : memref<128x64xf32, #tpu.memory_space<vmem>>, vector<16xf32>,
        tpu.vector_store %arg16[%swap3A_633, %swap3A_634], %mul3A_630 {strides = array<i32>} : memref<128x64xf32, #tpu.memory_space<vmem>>, vector<16xf32>,
        %mul3A_636 = arith.mulf %bitcast3A_621, %bitcast3A_629 : vector<16xf32>
        %add3A_637 = arith.constant 0 : i32
        %add3A_638 = arith.addi %add3A_570, %add3A_637 : i32
        %swap3A_639 = arith.index_cast %add3A_638 : i32 to index
        %swap3A_640 = arith.constant 48 : index
        %swap3A_641 = tpu.vector_load %arg16[%swap3A_639, %swap3A_640] {strides = array<i32>} : memref<128x64xf32, #tpu.memory_space<vmem>>, vector<16xf32>,
        tpu.vector_store %arg16[%swap3A_639, %swap3A_640], %mul3A_636 {strides = array<i32>} : memref<128x64xf32, #tpu.memory_space<vmem>>, vector<16xf32>,
        %add3A_642 = arith.constant 1 : i32
        %add3A_643 = arith.addi %add3A_570, %add3A_642 : i32
        %get3A_644 = arith.index_cast %add3A_643 : i32 to index
        %get3A_645 = arith.constant 0 : index
        %get3A_646 = tpu.vector_load %arg12[%get3A_644, %get3A_645] {strides = array<i32>} : memref<128x32xi32, #tpu.memory_space<vmem>>, vector<16xi32>,
        %add3A_647 = arith.constant 1 : i32
        %add3A_648 = arith.addi %add3A_570, %add3A_647 : i32
        %get3A_649 = arith.index_cast %add3A_648 : i32 to index
        %get3A_650 = arith.constant 0 : index
        %get3A_651 = tpu.vector_load %arg14[%get3A_649, %get3A_650] {strides = array<i32>} : memref<128x32xi32, #tpu.memory_space<vmem>>, vector<16xi32>,
        %shift_left3A_652 = arith.constant 16 : i32
        %shift_left3A_653 = vector.broadcast %shift_left3A_652 : i32 to vector<16xi32>
        %shift_left3A_654 = arith.shli %get3A_646, %shift_left3A_653 : vector<16xi32>
        %bitcast3A_655 = vector.bitcast %shift_left3A_654 : vector<16xi32> to vector<16xf32>
        %and3A_656 = arith.constant -65536 : i32
        %and3A_657 = vector.broadcast %and3A_656 : i32 to vector<16xi32>
        %and3A_658 = arith.andi %get3A_646, %and3A_657 : vector<16xi32>
        %bitcast3A_659 = vector.bitcast %and3A_658 : vector<16xi32> to vector<16xf32>
        %shift_left3A_660 = arith.constant 16 : i32
        %shift_left3A_661 = vector.broadcast %shift_left3A_660 : i32 to vector<16xi32>
        %shift_left3A_662 = arith.shli %get3A_651, %shift_left3A_661 : vector<16xi32>
        %bitcast3A_663 = vector.bitcast %shift_left3A_662 : vector<16xi32> to vector<16xf32>
        %and3A_664 = arith.constant -65536 : i32
        %and3A_665 = vector.broadcast %and3A_664 : i32 to vector<16xi32>
        %and3A_666 = arith.andi %get3A_651, %and3A_665 : vector<16xi32>
        %bitcast3A_667 = vector.bitcast %and3A_666 : vector<16xi32> to vector<16xf32>
        %mul3A_668 = arith.mulf %bitcast3A_655, %bitcast3A_663 : vector<16xf32>
        %add3A_669 = arith.constant 1 : i32
        %add3A_670 = arith.addi %add3A_570, %add3A_669 : i32
        %swap3A_671 = arith.index_cast %add3A_670 : i32 to index
        %swap3A_672 = arith.constant 0 : index
        %swap3A_673 = tpu.vector_load %arg16[%swap3A_671, %swap3A_672] {strides = array<i32>} : memref<128x64xf32, #tpu.memory_space<vmem>>, vector<16xf32>,
        tpu.vector_store %arg16[%swap3A_671, %swap3A_672], %mul3A_668 {strides = array<i32>} : memref<128x64xf32, #tpu.memory_space<vmem>>, vector<16xf32>,
        %mul3A_674 = arith.mulf %bitcast3A_659, %bitcast3A_667 : vector<16xf32>
        %add3A_675 = arith.constant 1 : i32
        %add3A_676 = arith.addi %add3A_570, %add3A_675 : i32
        %swap3A_677 = arith.index_cast %add3A_676 : i32 to index
        %swap3A_678 = arith.constant 16 : index
        %swap3A_679 = tpu.vector_load %arg16[%swap3A_677, %swap3A_678] {strides = array<i32>} : memref<128x64xf32, #tpu.memory_space<vmem>>, vector<16xf32>,
        tpu.vector_store %arg16[%swap3A_677, %swap3A_678], %mul3A_674 {strides = array<i32>} : memref<128x64xf32, #tpu.memory_space<vmem>>, vector<16xf32>,
        %add3A_680 = arith.constant 1 : i32
        %add3A_681 = arith.addi %add3A_570, %add3A_680 : i32
        %get3A_682 = arith.index_cast %add3A_681 : i32 to index
        %get3A_683 = arith.constant 16 : index
        %get3A_684 = tpu.vector_load %arg12[%get3A_682, %get3A_683] {strides = array<i32>} : memref<128x32xi32, #tpu.memory_space<vmem>>, vector<16xi32>,
        %add3A_685 = arith.constant 1 : i32
        %add3A_686 = arith.addi %add3A_570, %add3A_685 : i32
        %get3A_687 = arith.index_cast %add3A_686 : i32 to index
        %get3A_688 = arith.constant 16 : index
        %get3A_689 = tpu.vector_load %arg14[%get3A_687, %get3A_688] {strides = array<i32>} : memref<128x32xi32, #tpu.memory_space<vmem>>, vector<16xi32>,
        %shift_left3A_690 = arith.constant 16 : i32
        %shift_left3A_691 = vector.broadcast %shift_left3A_690 : i32 to vector<16xi32>
        %shift_left3A_692 = arith.shli %get3A_684, %shift_left3A_691 : vector<16xi32>
        %bitcast3A_693 = vector.bitcast %shift_left3A_692 : vector<16xi32> to vector<16xf32>
        %and3A_694 = arith.constant -65536 : i32
        %and3A_695 = vector.broadcast %and3A_694 : i32 to vector<16xi32>
        %and3A_696 = arith.andi %get3A_684, %and3A_695 : vector<16xi32>
        %bitcast3A_697 = vector.bitcast %and3A_696 : vector<16xi32> to vector<16xf32>
        %shift_left3A_698 = arith.constant 16 : i32
        %shift_left3A_699 = vector.broadcast %shift_left3A_698 : i32 to vector<16xi32>
        %shift_left3A_700 = arith.shli %get3A_689, %shift_left3A_699 : vector<16xi32>
        %bitcast3A_701 = vector.bitcast %shift_left3A_700 : vector<16xi32> to vector<16xf32>
        %and3A_702 = arith.constant -65536 : i32
        %and3A_703 = vector.broadcast %and3A_702 : i32 to vector<16xi32>
        %and3A_704 = arith.andi %get3A_689, %and3A_703 : vector<16xi32>
        %bitcast3A_705 = vector.bitcast %and3A_704 : vector<16xi32> to vector<16xf32>
        %mul3A_706 = arith.mulf %bitcast3A_693, %bitcast3A_701 : vector<16xf32>
        %add3A_707 = arith.constant 1 : i32
        %add3A_708 = arith.addi %add3A_570, %add3A_707 : i32
        %swap3A_709 = arith.index_cast %add3A_708 : i32 to index
        %swap3A_710 = arith.constant 32 : index
        %swap3A_711 = tpu.vector_load %arg16[%swap3A_709, %swap3A_710] {strides = array<i32>} : memref<128x64xf32, #tpu.memory_space<vmem>>, vector<16xf32>,
        tpu.vector_store %arg16[%swap3A_709, %swap3A_710], %mul3A_706 {strides = array<i32>} : memref<128x64xf32, #tpu.memory_space<vmem>>, vector<16xf32>,
        %mul3A_712 = arith.mulf %bitcast3A_697, %bitcast3A_705 : vector<16xf32>
        %add3A_713 = arith.constant 1 : i32
        %add3A_714 = arith.addi %add3A_570, %add3A_713 : i32
        %swap3A_715 = arith.index_cast %add3A_714 : i32 to index
        %swap3A_716 = arith.constant 48 : index
        %swap3A_717 = tpu.vector_load %arg16[%swap3A_715, %swap3A_716] {strides = array<i32>} : memref<128x64xf32, #tpu.memory_space<vmem>>, vector<16xf32>,
        tpu.vector_store %arg16[%swap3A_715, %swap3A_716], %mul3A_712 {strides = array<i32>} : memref<128x64xf32, #tpu.memory_space<vmem>>, vector<16xf32>,
      }
      %scan3A_559 = arith.constant 64 : i32
      %dma_start3A_560 = arith.constant 0 : i32
      %dma_start3A_561 = tpu.memref_slice %arg9[%add3A_519, %dma_start3A_560] : memref<80x128xi32, #tpu.memory_space<vmem>> -> memref<1x128xi32, #tpu.memory_space<vmem>>
      %dma_start3A_562 = tpu.memref_squeeze %dma_start3A_561 : memref<1x128xi32, #tpu.memory_space<vmem>> -> memref<128xi32, #tpu.memory_space<vmem>>
      %dma_start3A_563 = arith.constant 0 : i32
      %dma_start3A_564 = arith.constant 0 : i32
      %dma_start3A_565 = tpu.memref_slice %arg17[%dma_start3A_563, %dma_start3A_564] : memref<10240x64xf32, #tpu.memory_space<vmem_shared>> -> memref<10240x64xf32, #tpu.memory_space<vmem_shared>>
      tpu.enqueue_indirect_dma source(%arg16 : memref<128x64xf32, #tpu.memory_space<vmem>>) target(%dma_start3A_565 : memref<10240x64xf32, #tpu.memory_space<vmem_shared>>) offsets(%dma_start3A_562 : memref<128xi32, #tpu.memory_space<vmem>>) semaphore(%arg22 : memref<!tpu.dma_semaphore, #tpu.memory_space<semaphore_mem>>) {add = true}
    }
    %scan3A_140 = arith.constant 38 : i32
    %dma_start3A_141 = arith.constant 79 : i32
    %dma_start3A_142 = arith.constant 0 : i32
    %dma_start3A_143 = tpu.memref_slice %arg8[%dma_start3A_141, %dma_start3A_142] : memref<80x128xi32, #tpu.memory_space<vmem>> -> memref<1x128xi32, #tpu.memory_space<vmem>>
    %dma_start3A_144 = tpu.memref_squeeze %dma_start3A_143 : memref<1x128xi32, #tpu.memory_space<vmem>> -> memref<128xi32, #tpu.memory_space<vmem>>
    %dma_start3A_145 = arith.constant 0 : i32
    %dma_start3A_146 = arith.constant 0 : i32
    %dma_start3A_147 = tpu.memref_slice %arg2[%dma_start3A_145, %dma_start3A_146] : memref<20000x32xi32, #tpu.memory_space<hbm>> -> memref<20000x32xi32, #tpu.memory_space<hbm>>
    tpu.enqueue_indirect_dma source(%dma_start3A_147 : memref<20000x32xi32, #tpu.memory_space<hbm>>) target(%arg12 : memref<128x32xi32, #tpu.memory_space<vmem>>) offsets(%dma_start3A_144 : memref<128xi32, #tpu.memory_space<vmem>>) semaphore(%arg20 : memref<!tpu.dma_semaphore, #tpu.memory_space<semaphore_mem>>)
    %dma_start3A_148 = arith.constant 79 : i32
    %dma_start3A_149 = arith.constant 0 : i32
    %dma_start3A_150 = tpu.memref_slice %arg10[%dma_start3A_148, %dma_start3A_149] : memref<80x128xi32, #tpu.memory_space<vmem>> -> memref<1x128xi32, #tpu.memory_space<vmem>>
    %dma_start3A_151 = tpu.memref_squeeze %dma_start3A_150 : memref<1x128xi32, #tpu.memory_space<vmem>> -> memref<128xi32, #tpu.memory_space<vmem>>
    %dma_start3A_152 = arith.constant 0 : i32
    %dma_start3A_153 = arith.constant 0 : i32
    %dma_start3A_154 = tpu.memref_slice %arg3[%dma_start3A_152, %dma_start3A_153] : memref<400x32xi32, #tpu.memory_space<hbm>> -> memref<400x32xi32, #tpu.memory_space<hbm>>
    tpu.enqueue_indirect_dma source(%dma_start3A_154 : memref<400x32xi32, #tpu.memory_space<hbm>>) target(%arg14 : memref<128x32xi32, #tpu.memory_space<vmem>>) offsets(%dma_start3A_151 : memref<128xi32, #tpu.memory_space<vmem>>) semaphore(%arg20 : memref<!tpu.dma_semaphore, #tpu.memory_space<semaphore_mem>>)
    %dma_wait3A_155 = arith.constant 0 : i32
    %dma_wait3A_156 = arith.constant 0 : i32
    %dma_wait3A_157 = tpu.memref_slice %arg8[%dma_wait3A_155, %dma_wait3A_156] : memref<80x128xi32, #tpu.memory_space<vmem>> -> memref<1x128xi32, #tpu.memory_space<vmem>>
    %dma_wait3A_158 = tpu.memref_squeeze %dma_wait3A_157 : memref<1x128xi32, #tpu.memory_space<vmem>> -> memref<128xi32, #tpu.memory_space<vmem>>
    %dma_wait3A_159 = arith.constant 0 : i32
    %dma_wait3A_160 = arith.constant 0 : i32
    %dma_wait3A_161 = tpu.memref_slice %arg2[%dma_wait3A_159, %dma_wait3A_160] : memref<20000x32xi32, #tpu.memory_space<hbm>> -> memref<20000x32xi32, #tpu.memory_space<hbm>>
    tpu.wait_indirect_dma semaphore(%arg19 : memref<!tpu.dma_semaphore, #tpu.memory_space<semaphore_mem>>) src(%dma_wait3A_161 : memref<20000x32xi32, #tpu.memory_space<hbm>>) dst(%arg11 : memref<128x32xi32, #tpu.memory_space<vmem>>)
    %dma_wait3A_162 = arith.constant 0 : i32
    %dma_wait3A_163 = arith.constant 0 : i32
    %dma_wait3A_164 = tpu.memref_slice %arg10[%dma_wait3A_162, %dma_wait3A_163] : memref<80x128xi32, #tpu.memory_space<vmem>> -> memref<1x128xi32, #tpu.memory_space<vmem>>
    %dma_wait3A_165 = tpu.memref_squeeze %dma_wait3A_164 : memref<1x128xi32, #tpu.memory_space<vmem>> -> memref<128xi32, #tpu.memory_space<vmem>>
    %dma_wait3A_166 = arith.constant 0 : i32
    %dma_wait3A_167 = arith.constant 0 : i32
    %dma_wait3A_168 = tpu.memref_slice %arg3[%dma_wait3A_166, %dma_wait3A_167] : memref<400x32xi32, #tpu.memory_space<hbm>> -> memref<400x32xi32, #tpu.memory_space<hbm>>
    tpu.wait_indirect_dma semaphore(%arg19 : memref<!tpu.dma_semaphore, #tpu.memory_space<semaphore_mem>>) src(%dma_wait3A_168 : memref<400x32xi32, #tpu.memory_space<hbm>>) dst(%arg13 : memref<128x32xi32, #tpu.memory_space<vmem>>)
    %dma_wait3A_169 = arith.constant 0 : i32
    %dma_wait3A_170 = arith.constant 0 : i32
    %dma_wait3A_171 = tpu.memref_slice %arg9[%dma_wait3A_169, %dma_wait3A_170] : memref<80x128xi32, #tpu.memory_space<vmem>> -> memref<1x128xi32, #tpu.memory_space<vmem>>
    %dma_wait3A_172 = tpu.memref_squeeze %dma_wait3A_171 : memref<1x128xi32, #tpu.memory_space<vmem>> -> memref<128xi32, #tpu.memory_space<vmem>>
    %dma_wait3A_173 = arith.constant 0 : i32
    %dma_wait3A_174 = arith.constant 0 : i32
    %dma_wait3A_175 = tpu.memref_slice %arg17[%dma_wait3A_173, %dma_wait3A_174] : memref<10240x64xf32, #tpu.memory_space<vmem_shared>> -> memref<10240x64xf32, #tpu.memory_space<vmem_shared>>
    tpu.wait_indirect_dma semaphore(%arg21 : memref<!tpu.dma_semaphore, #tpu.memory_space<semaphore_mem>>) src(%arg15 : memref<128x64xf32, #tpu.memory_space<vmem>>) dst(%dma_wait3A_175 : memref<10240x64xf32, #tpu.memory_space<vmem_shared>>)
    %scan3A_176 = arith.constant 0 : i32
    %scan3A_177 = arith.constant 64 : i32
    %scan3A_178 = arith.addi %scan3A_176, %scan3A_177 : i32
    %scan3A_179 = arith.constant 1 : i32
    scf.for %scan3A_465 = %scan3A_176 to %scan3A_178 step %scan3A_179  : i32 {
      %mul3A_466 = arith.constant 2 : i32
      %mul3A_467 = arith.muli %scan3A_465, %mul3A_466 : i32
      %add3A_468 = arith.constant 0 : i32
      %add3A_469 = arith.addi %add3A_468, %mul3A_467 : i32
      %add3A_470 = arith.constant 0 : i32
      %add3A_471 = arith.addi %add3A_469, %add3A_470 : i32
      %get3A = arith.index_cast %add3A_471 : i32 to index
      %get3A_472 = arith.constant 0 : index
      %get3A_473 = tpu.vector_load %arg11[%get3A, %get3A_472] {strides = array<i32>} : memref<128x32xi32, #tpu.memory_space<vmem>>, vector<16xi32>,
      %add3A_474 = arith.constant 0 : i32
      %add3A_475 = arith.addi %add3A_469, %add3A_474 : i32
      %get3A_476 = arith.index_cast %add3A_475 : i32 to index
      %get3A_477 = arith.constant 0 : index
      %get3A_478 = tpu.vector_load %arg13[%get3A_476, %get3A_477] {strides = array<i32>} : memref<128x32xi32, #tpu.memory_space<vmem>>, vector<16xi32>,
      %shift_left3A = arith.constant 16 : i32
      %shift_left3A_479 = vector.broadcast %shift_left3A : i32 to vector<16xi32>
      %shift_left3A_480 = arith.shli %get3A_473, %shift_left3A_479 : vector<16xi32>
      %bitcast3A = vector.bitcast %shift_left3A_480 : vector<16xi32> to vector<16xf32>
      %and3A = arith.constant -65536 : i32
      %and3A_481 = vector.broadcast %and3A : i32 to vector<16xi32>
      %and3A_482 = arith.andi %get3A_473, %and3A_481 : vector<16xi32>
      %bitcast3A_483 = vector.bitcast %and3A_482 : vector<16xi32> to vector<16xf32>
      %shift_left3A_484 = arith.constant 16 : i32
      %shift_left3A_485 = vector.broadcast %shift_left3A_484 : i32 to vector<16xi32>
      %shift_left3A_486 = arith.shli %get3A_478, %shift_left3A_485 : vector<16xi32>
      %bitcast3A_487 = vector.bitcast %shift_left3A_486 : vector<16xi32> to vector<16xf32>
      %and3A_488 = arith.constant -65536 : i32
      %and3A_489 = vector.broadcast %and3A_488 : i32 to vector<16xi32>
      %and3A_490 = arith.andi %get3A_478, %and3A_489 : vector<16xi32>
      %bitcast3A_491 = vector.bitcast %and3A_490 : vector<16xi32> to vector<16xf32>
      %mul3A_492 = arith.mulf %bitcast3A, %bitcast3A_487 : vector<16xf32>
      %add3A_493 = arith.constant 0 : i32
      %add3A_494 = arith.addi %add3A_469, %add3A_493 : i32
      %swap3A = arith.index_cast %add3A_494 : i32 to index
      %swap3A_495 = arith.constant 0 : index
      %swap3A_496 = tpu.vector_load %arg15[%swap3A, %swap3A_495] {strides = array<i32>} : memref<128x64xf32, #tpu.memory_space<vmem>>, vector<16xf32>,
      tpu.vector_store %arg15[%swap3A, %swap3A_495], %mul3A_492 {strides = array<i32>} : memref<128x64xf32, #tpu.memory_space<vmem>>, vector<16xf32>,
      %mul3A_497 = arith.mulf %bitcast3A_483, %bitcast3A_491 : vector<16xf32>
      %add3A_498 = arith.constant 0 : i32
      %add3A_499 = arith.addi %add3A_469, %add3A_498 : i32
      %swap3A_500 = arith.index_cast %add3A_499 : i32 to index
      %swap3A_501 = arith.constant 16 : index
      %swap3A_502 = tpu.vector_load %arg15[%swap3A_500, %swap3A_501] {strides = array<i32>} : memref<128x64xf32, #tpu.memory_space<vmem>>, vector<16xf32>,
      tpu.vector_store %arg15[%swap3A_500, %swap3A_501], %mul3A_497 {strides = array<i32>} : memref<128x64xf32, #tpu.memory_space<vmem>>, vector<16xf32>,
      %add3A_503 = arith.constant 0 : i32
      %add3A_504 = arith.addi %add3A_469, %add3A_503 : i32
      %get3A_505 = arith.index_cast %add3A_504 : i32 to index
      %get3A_506 = arith.constant 16 : index
      %get3A_507 = tpu.vector_load %arg11[%get3A_505, %get3A_506] {strides = array<i32>} : memref<128x32xi32, #tpu.memory_space<vmem>>, vector<16xi32>,
      %add3A_508 = arith.constant 0 : i32
      %add3A_509 = arith.addi %add3A_469, %add3A_508 : i32
      %get3A_510 = arith.index_cast %add3A_509 : i32 to index
      %get3A_511 = arith.constant 16 : index
      %get3A_512 = tpu.vector_load %arg13[%get3A_510, %get3A_511] {strides = array<i32>} : memref<128x32xi32, #tpu.memory_space<vmem>>, vector<16xi32>,
      %shift_left3A_513 = arith.constant 16 : i32
      %shift_left3A_514 = vector.broadcast %shift_left3A_513 : i32 to vector<16xi32>
      %shift_left3A_515 = arith.shli %get3A_507, %shift_left3A_514 : vector<16xi32>
      %bitcast3A_516 = vector.bitcast %shift_left3A_515 : vector<16xi32> to vector<16xf32>
      %and3A_517 = arith.constant -65536 : i32
      %and3A_518 = vector.broadcast %and3A_517 : i32 to vector<16xi32>
      %and3A_519 = arith.andi %get3A_507, %and3A_518 : vector<16xi32>
      %bitcast3A_520 = vector.bitcast %and3A_519 : vector<16xi32> to vector<16xf32>
      %shift_left3A_521 = arith.constant 16 : i32
      %shift_left3A_522 = vector.broadcast %shift_left3A_521 : i32 to vector<16xi32>
      %shift_left3A_523 = arith.shli %get3A_512, %shift_left3A_522 : vector<16xi32>
      %bitcast3A_524 = vector.bitcast %shift_left3A_523 : vector<16xi32> to vector<16xf32>
      %and3A_525 = arith.constant -65536 : i32
      %and3A_526 = vector.broadcast %and3A_525 : i32 to vector<16xi32>
      %and3A_527 = arith.andi %get3A_512, %and3A_526 : vector<16xi32>
      %bitcast3A_528 = vector.bitcast %and3A_527 : vector<16xi32> to vector<16xf32>
      %mul3A_529 = arith.mulf %bitcast3A_516, %bitcast3A_524 : vector<16xf32>
      %add3A_530 = arith.constant 0 : i32
      %add3A_531 = arith.addi %add3A_469, %add3A_530 : i32
      %swap3A_532 = arith.index_cast %add3A_531 : i32 to index
      %swap3A_533 = arith.constant 32 : index
      %swap3A_534 = tpu.vector_load %arg15[%swap3A_532, %swap3A_533] {strides = array<i32>} : memref<128x64xf32, #tpu.memory_space<vmem>>, vector<16xf32>,
      tpu.vector_store %arg15[%swap3A_532, %swap3A_533], %mul3A_529 {strides = array<i32>} : memref<128x64xf32, #tpu.memory_space<vmem>>, vector<16xf32>,
      %mul3A_535 = arith.mulf %bitcast3A_520, %bitcast3A_528 : vector<16xf32>
      %add3A_536 = arith.constant 0 : i32
      %add3A_537 = arith.addi %add3A_469, %add3A_536 : i32
      %swap3A_538 = arith.index_cast %add3A_537 : i32 to index
      %swap3A_539 = arith.constant 48 : index
      %swap3A_540 = tpu.vector_load %arg15[%swap3A_538, %swap3A_539] {strides = array<i32>} : memref<128x64xf32, #tpu.memory_space<vmem>>, vector<16xf32>,
      tpu.vector_store %arg15[%swap3A_538, %swap3A_539], %mul3A_535 {strides = array<i32>} : memref<128x64xf32, #tpu.memory_space<vmem>>, vector<16xf32>,
      %add3A_541 = arith.constant 1 : i32
      %add3A_542 = arith.addi %add3A_469, %add3A_541 : i32
      %get3A_543 = arith.index_cast %add3A_542 : i32 to index
      %get3A_544 = arith.constant 0 : index
      %get3A_545 = tpu.vector_load %arg11[%get3A_543, %get3A_544] {strides = array<i32>} : memref<128x32xi32, #tpu.memory_space<vmem>>, vector<16xi32>,
      %add3A_546 = arith.constant 1 : i32
      %add3A_547 = arith.addi %add3A_469, %add3A_546 : i32
      %get3A_548 = arith.index_cast %add3A_547 : i32 to index
      %get3A_549 = arith.constant 0 : index
      %get3A_550 = tpu.vector_load %arg13[%get3A_548, %get3A_549] {strides = array<i32>} : memref<128x32xi32, #tpu.memory_space<vmem>>, vector<16xi32>,
      %shift_left3A_551 = arith.constant 16 : i32
      %shift_left3A_552 = vector.broadcast %shift_left3A_551 : i32 to vector<16xi32>
      %shift_left3A_553 = arith.shli %get3A_545, %shift_left3A_552 : vector<16xi32>
      %bitcast3A_554 = vector.bitcast %shift_left3A_553 : vector<16xi32> to vector<16xf32>
      %and3A_555 = arith.constant -65536 : i32
      %and3A_556 = vector.broadcast %and3A_555 : i32 to vector<16xi32>
      %and3A_557 = arith.andi %get3A_545, %and3A_556 : vector<16xi32>
      %bitcast3A_558 = vector.bitcast %and3A_557 : vector<16xi32> to vector<16xf32>
      %shift_left3A_559 = arith.constant 16 : i32
      %shift_left3A_560 = vector.broadcast %shift_left3A_559 : i32 to vector<16xi32>
      %shift_left3A_561 = arith.shli %get3A_550, %shift_left3A_560 : vector<16xi32>
      %bitcast3A_562 = vector.bitcast %shift_left3A_561 : vector<16xi32> to vector<16xf32>
      %and3A_563 = arith.constant -65536 : i32
      %and3A_564 = vector.broadcast %and3A_563 : i32 to vector<16xi32>
      %and3A_565 = arith.andi %get3A_550, %and3A_564 : vector<16xi32>
      %bitcast3A_566 = vector.bitcast %and3A_565 : vector<16xi32> to vector<16xf32>
      %mul3A_567 = arith.mulf %bitcast3A_554, %bitcast3A_562 : vector<16xf32>
      %add3A_568 = arith.constant 1 : i32
      %add3A_569 = arith.addi %add3A_469, %add3A_568 : i32
      %swap3A_570 = arith.index_cast %add3A_569 : i32 to index
      %swap3A_571 = arith.constant 0 : index
      %swap3A_572 = tpu.vector_load %arg15[%swap3A_570, %swap3A_571] {strides = array<i32>} : memref<128x64xf32, #tpu.memory_space<vmem>>, vector<16xf32>,
      tpu.vector_store %arg15[%swap3A_570, %swap3A_571], %mul3A_567 {strides = array<i32>} : memref<128x64xf32, #tpu.memory_space<vmem>>, vector<16xf32>,
      %mul3A_573 = arith.mulf %bitcast3A_558, %bitcast3A_566 : vector<16xf32>
      %add3A_574 = arith.constant 1 : i32
      %add3A_575 = arith.addi %add3A_469, %add3A_574 : i32
      %swap3A_576 = arith.index_cast %add3A_575 : i32 to index
      %swap3A_577 = arith.constant 16 : index
      %swap3A_578 = tpu.vector_load %arg15[%swap3A_576, %swap3A_577] {strides = array<i32>} : memref<128x64xf32, #tpu.memory_space<vmem>>, vector<16xf32>,
      tpu.vector_store %arg15[%swap3A_576, %swap3A_577], %mul3A_573 {strides = array<i32>} : memref<128x64xf32, #tpu.memory_space<vmem>>, vector<16xf32>,
      %add3A_579 = arith.constant 1 : i32
      %add3A_580 = arith.addi %add3A_469, %add3A_579 : i32
      %get3A_581 = arith.index_cast %add3A_580 : i32 to index
      %get3A_582 = arith.constant 16 : index
      %get3A_583 = tpu.vector_load %arg11[%get3A_581, %get3A_582] {strides = array<i32>} : memref<128x32xi32, #tpu.memory_space<vmem>>, vector<16xi32>,
      %add3A_584 = arith.constant 1 : i32
      %add3A_585 = arith.addi %add3A_469, %add3A_584 : i32
      %get3A_586 = arith.index_cast %add3A_585 : i32 to index
      %get3A_587 = arith.constant 16 : index
      %get3A_588 = tpu.vector_load %arg13[%get3A_586, %get3A_587] {strides = array<i32>} : memref<128x32xi32, #tpu.memory_space<vmem>>, vector<16xi32>,
      %shift_left3A_589 = arith.constant 16 : i32
      %shift_left3A_590 = vector.broadcast %shift_left3A_589 : i32 to vector<16xi32>
      %shift_left3A_591 = arith.shli %get3A_583, %shift_left3A_590 : vector<16xi32>
      %bitcast3A_592 = vector.bitcast %shift_left3A_591 : vector<16xi32> to vector<16xf32>
      %and3A_593 = arith.constant -65536 : i32
      %and3A_594 = vector.broadcast %and3A_593 : i32 to vector<16xi32>
      %and3A_595 = arith.andi %get3A_583, %and3A_594 : vector<16xi32>
      %bitcast3A_596 = vector.bitcast %and3A_595 : vector<16xi32> to vector<16xf32>
      %shift_left3A_597 = arith.constant 16 : i32
      %shift_left3A_598 = vector.broadcast %shift_left3A_597 : i32 to vector<16xi32>
      %shift_left3A_599 = arith.shli %get3A_588, %shift_left3A_598 : vector<16xi32>
      %bitcast3A_600 = vector.bitcast %shift_left3A_599 : vector<16xi32> to vector<16xf32>
      %and3A_601 = arith.constant -65536 : i32
      %and3A_602 = vector.broadcast %and3A_601 : i32 to vector<16xi32>
      %and3A_603 = arith.andi %get3A_588, %and3A_602 : vector<16xi32>
      %bitcast3A_604 = vector.bitcast %and3A_603 : vector<16xi32> to vector<16xf32>
      %mul3A_605 = arith.mulf %bitcast3A_592, %bitcast3A_600 : vector<16xf32>
      %add3A_606 = arith.constant 1 : i32
      %add3A_607 = arith.addi %add3A_469, %add3A_606 : i32
      %swap3A_608 = arith.index_cast %add3A_607 : i32 to index
      %swap3A_609 = arith.constant 32 : index
      %swap3A_610 = tpu.vector_load %arg15[%swap3A_608, %swap3A_609] {strides = array<i32>} : memref<128x64xf32, #tpu.memory_space<vmem>>, vector<16xf32>,
      tpu.vector_store %arg15[%swap3A_608, %swap3A_609], %mul3A_605 {strides = array<i32>} : memref<128x64xf32, #tpu.memory_space<vmem>>, vector<16xf32>,
      %mul3A_611 = arith.mulf %bitcast3A_596, %bitcast3A_604 : vector<16xf32>
      %add3A_612 = arith.constant 1 : i32
      %add3A_613 = arith.addi %add3A_469, %add3A_612 : i32
      %swap3A_614 = arith.index_cast %add3A_613 : i32 to index
      %swap3A_615 = arith.constant 48 : index
      %swap3A_616 = tpu.vector_load %arg15[%swap3A_614, %swap3A_615] {strides = array<i32>} : memref<128x64xf32, #tpu.memory_space<vmem>>, vector<16xf32>,
      tpu.vector_store %arg15[%swap3A_614, %swap3A_615], %mul3A_611 {strides = array<i32>} : memref<128x64xf32, #tpu.memory_space<vmem>>, vector<16xf32>,
    }
    %scan3A_180 = arith.constant 64 : i32
    %dma_start3A_181 = arith.constant 78 : i32
    %dma_start3A_182 = arith.constant 0 : i32
    %dma_start3A_183 = tpu.memref_slice %arg9[%dma_start3A_181, %dma_start3A_182] : memref<80x128xi32, #tpu.memory_space<vmem>> -> memref<1x128xi32, #tpu.memory_space<vmem>>
    %dma_start3A_184 = tpu.memref_squeeze %dma_start3A_183 : memref<1x128xi32, #tpu.memory_space<vmem>> -> memref<128xi32, #tpu.memory_space<vmem>>
    %dma_start3A_185 = arith.constant 0 : i32
    %dma_start3A_186 = arith.constant 0 : i32
    %dma_start3A_187 = tpu.memref_slice %arg17[%dma_start3A_185, %dma_start3A_186] : memref<10240x64xf32, #tpu.memory_space<vmem_shared>> -> memref<10240x64xf32, #tpu.memory_space<vmem_shared>>
    tpu.enqueue_indirect_dma source(%arg15 : memref<128x64xf32, #tpu.memory_space<vmem>>) target(%dma_start3A_187 : memref<10240x64xf32, #tpu.memory_space<vmem_shared>>) offsets(%dma_start3A_184 : memref<128xi32, #tpu.memory_space<vmem>>) semaphore(%arg21 : memref<!tpu.dma_semaphore, #tpu.memory_space<semaphore_mem>>) {add = true}
    %dma_wait3A_188 = arith.constant 0 : i32
    %dma_wait3A_189 = arith.constant 0 : i32
    %dma_wait3A_190 = tpu.memref_slice %arg8[%dma_wait3A_188, %dma_wait3A_189] : memref<80x128xi32, #tpu.memory_space<vmem>> -> memref<1x128xi32, #tpu.memory_space<vmem>>
    %dma_wait3A_191 = tpu.memref_squeeze %dma_wait3A_190 : memref<1x128xi32, #tpu.memory_space<vmem>> -> memref<128xi32, #tpu.memory_space<vmem>>
    %dma_wait3A_192 = arith.constant 0 : i32
    %dma_wait3A_193 = arith.constant 0 : i32
    %dma_wait3A_194 = tpu.memref_slice %arg2[%dma_wait3A_192, %dma_wait3A_193] : memref<20000x32xi32, #tpu.memory_space<hbm>> -> memref<20000x32xi32, #tpu.memory_space<hbm>>
    tpu.wait_indirect_dma semaphore(%arg20 : memref<!tpu.dma_semaphore, #tpu.memory_space<semaphore_mem>>) src(%dma_wait3A_194 : memref<20000x32xi32, #tpu.memory_space<hbm>>) dst(%arg12 : memref<128x32xi32, #tpu.memory_space<vmem>>)
    %dma_wait3A_195 = arith.constant 0 : i32
    %dma_wait3A_196 = arith.constant 0 : i32
    %dma_wait3A_197 = tpu.memref_slice %arg10[%dma_wait3A_195, %dma_wait3A_196] : memref<80x128xi32, #tpu.memory_space<vmem>> -> memref<1x128xi32, #tpu.memory_space<vmem>>
    %dma_wait3A_198 = tpu.memref_squeeze %dma_wait3A_197 : memref<1x128xi32, #tpu.memory_space<vmem>> -> memref<128xi32, #tpu.memory_space<vmem>>
    %dma_wait3A_199 = arith.constant 0 : i32
    %dma_wait3A_200 = arith.constant 0 : i32
    %dma_wait3A_201 = tpu.memref_slice %arg3[%dma_wait3A_199, %dma_wait3A_200] : memref<400x32xi32, #tpu.memory_space<hbm>> -> memref<400x32xi32, #tpu.memory_space<hbm>>
    tpu.wait_indirect_dma semaphore(%arg20 : memref<!tpu.dma_semaphore, #tpu.memory_space<semaphore_mem>>) src(%dma_wait3A_201 : memref<400x32xi32, #tpu.memory_space<hbm>>) dst(%arg14 : memref<128x32xi32, #tpu.memory_space<vmem>>)
    %dma_wait3A_202 = arith.constant 0 : i32
    %dma_wait3A_203 = arith.constant 0 : i32
    %dma_wait3A_204 = tpu.memref_slice %arg9[%dma_wait3A_202, %dma_wait3A_203] : memref<80x128xi32, #tpu.memory_space<vmem>> -> memref<1x128xi32, #tpu.memory_space<vmem>>
    %dma_wait3A_205 = tpu.memref_squeeze %dma_wait3A_204 : memref<1x128xi32, #tpu.memory_space<vmem>> -> memref<128xi32, #tpu.memory_space<vmem>>
    %dma_wait3A_206 = arith.constant 0 : i32
    %dma_wait3A_207 = arith.constant 0 : i32
    %dma_wait3A_208 = tpu.memref_slice %arg17[%dma_wait3A_206, %dma_wait3A_207] : memref<10240x64xf32, #tpu.memory_space<vmem_shared>> -> memref<10240x64xf32, #tpu.memory_space<vmem_shared>>
    tpu.wait_indirect_dma semaphore(%arg22 : memref<!tpu.dma_semaphore, #tpu.memory_space<semaphore_mem>>) src(%arg16 : memref<128x64xf32, #tpu.memory_space<vmem>>) dst(%dma_wait3A_208 : memref<10240x64xf32, #tpu.memory_space<vmem_shared>>)
    %scan3A_209 = arith.constant 0 : i32
    %scan3A_210 = arith.constant 64 : i32
    %scan3A_211 = arith.addi %scan3A_209, %scan3A_210 : i32
    %scan3A_212 = arith.constant 1 : i32
    scf.for %scan3A_465 = %scan3A_209 to %scan3A_211 step %scan3A_212  : i32 {
      %mul3A_466 = arith.constant 2 : i32
      %mul3A_467 = arith.muli %scan3A_465, %mul3A_466 : i32
      %add3A_468 = arith.constant 0 : i32
      %add3A_469 = arith.addi %add3A_468, %mul3A_467 : i32
      %add3A_470 = arith.constant 0 : i32
      %add3A_471 = arith.addi %add3A_469, %add3A_470 : i32
      %get3A = arith.index_cast %add3A_471 : i32 to index
      %get3A_472 = arith.constant 0 : index
      %get3A_473 = tpu.vector_load %arg12[%get3A, %get3A_472] {strides = array<i32>} : memref<128x32xi32, #tpu.memory_space<vmem>>, vector<16xi32>,
      %add3A_474 = arith.constant 0 : i32
      %add3A_475 = arith.addi %add3A_469, %add3A_474 : i32
      %get3A_476 = arith.index_cast %add3A_475 : i32 to index
      %get3A_477 = arith.constant 0 : index
      %get3A_478 = tpu.vector_load %arg14[%get3A_476, %get3A_477] {strides = array<i32>} : memref<128x32xi32, #tpu.memory_space<vmem>>, vector<16xi32>,
      %shift_left3A = arith.constant 16 : i32
      %shift_left3A_479 = vector.broadcast %shift_left3A : i32 to vector<16xi32>
      %shift_left3A_480 = arith.shli %get3A_473, %shift_left3A_479 : vector<16xi32>
      %bitcast3A = vector.bitcast %shift_left3A_480 : vector<16xi32> to vector<16xf32>
      %and3A = arith.constant -65536 : i32
      %and3A_481 = vector.broadcast %and3A : i32 to vector<16xi32>
      %and3A_482 = arith.andi %get3A_473, %and3A_481 : vector<16xi32>
      %bitcast3A_483 = vector.bitcast %and3A_482 : vector<16xi32> to vector<16xf32>
      %shift_left3A_484 = arith.constant 16 : i32
      %shift_left3A_485 = vector.broadcast %shift_left3A_484 : i32 to vector<16xi32>
      %shift_left3A_486 = arith.shli %get3A_478, %shift_left3A_485 : vector<16xi32>
      %bitcast3A_487 = vector.bitcast %shift_left3A_486 : vector<16xi32> to vector<16xf32>
      %and3A_488 = arith.constant -65536 : i32
      %and3A_489 = vector.broadcast %and3A_488 : i32 to vector<16xi32>
      %and3A_490 = arith.andi %get3A_478, %and3A_489 : vector<16xi32>
      %bitcast3A_491 = vector.bitcast %and3A_490 : vector<16xi32> to vector<16xf32>
      %mul3A_492 = arith.mulf %bitcast3A, %bitcast3A_487 : vector<16xf32>
      %add3A_493 = arith.constant 0 : i32
      %add3A_494 = arith.addi %add3A_469, %add3A_493 : i32
      %swap3A = arith.index_cast %add3A_494 : i32 to index
      %swap3A_495 = arith.constant 0 : index
      %swap3A_496 = tpu.vector_load %arg16[%swap3A, %swap3A_495] {strides = array<i32>} : memref<128x64xf32, #tpu.memory_space<vmem>>, vector<16xf32>,
      tpu.vector_store %arg16[%swap3A, %swap3A_495], %mul3A_492 {strides = array<i32>} : memref<128x64xf32, #tpu.memory_space<vmem>>, vector<16xf32>,
      %mul3A_497 = arith.mulf %bitcast3A_483, %bitcast3A_491 : vector<16xf32>
      %add3A_498 = arith.constant 0 : i32
      %add3A_499 = arith.addi %add3A_469, %add3A_498 : i32
      %swap3A_500 = arith.index_cast %add3A_499 : i32 to index
      %swap3A_501 = arith.constant 16 : index
      %swap3A_502 = tpu.vector_load %arg16[%swap3A_500, %swap3A_501] {strides = array<i32>} : memref<128x64xf32, #tpu.memory_space<vmem>>, vector<16xf32>,
      tpu.vector_store %arg16[%swap3A_500, %swap3A_501], %mul3A_497 {strides = array<i32>} : memref<128x64xf32, #tpu.memory_space<vmem>>, vector<16xf32>,
      %add3A_503 = arith.constant 0 : i32
      %add3A_504 = arith.addi %add3A_469, %add3A_503 : i32
      %get3A_505 = arith.index_cast %add3A_504 : i32 to index
      %get3A_506 = arith.constant 16 : index
      %get3A_507 = tpu.vector_load %arg12[%get3A_505, %get3A_506] {strides = array<i32>} : memref<128x32xi32, #tpu.memory_space<vmem>>, vector<16xi32>,
      %add3A_508 = arith.constant 0 : i32
      %add3A_509 = arith.addi %add3A_469, %add3A_508 : i32
      %get3A_510 = arith.index_cast %add3A_509 : i32 to index
      %get3A_511 = arith.constant 16 : index
      %get3A_512 = tpu.vector_load %arg14[%get3A_510, %get3A_511] {strides = array<i32>} : memref<128x32xi32, #tpu.memory_space<vmem>>, vector<16xi32>,
      %shift_left3A_513 = arith.constant 16 : i32
      %shift_left3A_514 = vector.broadcast %shift_left3A_513 : i32 to vector<16xi32>
      %shift_left3A_515 = arith.shli %get3A_507, %shift_left3A_514 : vector<16xi32>
      %bitcast3A_516 = vector.bitcast %shift_left3A_515 : vector<16xi32> to vector<16xf32>
      %and3A_517 = arith.constant -65536 : i32
      %and3A_518 = vector.broadcast %and3A_517 : i32 to vector<16xi32>
      %and3A_519 = arith.andi %get3A_507, %and3A_518 : vector<16xi32>
      %bitcast3A_520 = vector.bitcast %and3A_519 : vector<16xi32> to vector<16xf32>
      %shift_left3A_521 = arith.constant 16 : i32
      %shift_left3A_522 = vector.broadcast %shift_left3A_521 : i32 to vector<16xi32>
      %shift_left3A_523 = arith.shli %get3A_512, %shift_left3A_522 : vector<16xi32>
      %bitcast3A_524 = vector.bitcast %shift_left3A_523 : vector<16xi32> to vector<16xf32>
      %and3A_525 = arith.constant -65536 : i32
      %and3A_526 = vector.broadcast %and3A_525 : i32 to vector<16xi32>
      %and3A_527 = arith.andi %get3A_512, %and3A_526 : vector<16xi32>
      %bitcast3A_528 = vector.bitcast %and3A_527 : vector<16xi32> to vector<16xf32>
      %mul3A_529 = arith.mulf %bitcast3A_516, %bitcast3A_524 : vector<16xf32>
      %add3A_530 = arith.constant 0 : i32
      %add3A_531 = arith.addi %add3A_469, %add3A_530 : i32
      %swap3A_532 = arith.index_cast %add3A_531 : i32 to index
      %swap3A_533 = arith.constant 32 : index
      %swap3A_534 = tpu.vector_load %arg16[%swap3A_532, %swap3A_533] {strides = array<i32>} : memref<128x64xf32, #tpu.memory_space<vmem>>, vector<16xf32>,
      tpu.vector_store %arg16[%swap3A_532, %swap3A_533], %mul3A_529 {strides = array<i32>} : memref<128x64xf32, #tpu.memory_space<vmem>>, vector<16xf32>,
      %mul3A_535 = arith.mulf %bitcast3A_520, %bitcast3A_528 : vector<16xf32>
      %add3A_536 = arith.constant 0 : i32
      %add3A_537 = arith.addi %add3A_469, %add3A_536 : i32
      %swap3A_538 = arith.index_cast %add3A_537 : i32 to index
      %swap3A_539 = arith.constant 48 : index
      %swap3A_540 = tpu.vector_load %arg16[%swap3A_538, %swap3A_539] {strides = array<i32>} : memref<128x64xf32, #tpu.memory_space<vmem>>, vector<16xf32>,
      tpu.vector_store %arg16[%swap3A_538, %swap3A_539], %mul3A_535 {strides = array<i32>} : memref<128x64xf32, #tpu.memory_space<vmem>>, vector<16xf32>,
      %add3A_541 = arith.constant 1 : i32
      %add3A_542 = arith.addi %add3A_469, %add3A_541 : i32
      %get3A_543 = arith.index_cast %add3A_542 : i32 to index
      %get3A_544 = arith.constant 0 : index
      %get3A_545 = tpu.vector_load %arg12[%get3A_543, %get3A_544] {strides = array<i32>} : memref<128x32xi32, #tpu.memory_space<vmem>>, vector<16xi32>,
      %add3A_546 = arith.constant 1 : i32
      %add3A_547 = arith.addi %add3A_469, %add3A_546 : i32
      %get3A_548 = arith.index_cast %add3A_547 : i32 to index
      %get3A_549 = arith.constant 0 : index
      %get3A_550 = tpu.vector_load %arg14[%get3A_548, %get3A_549] {strides = array<i32>} : memref<128x32xi32, #tpu.memory_space<vmem>>, vector<16xi32>,
      %shift_left3A_551 = arith.constant 16 : i32
      %shift_left3A_552 = vector.broadcast %shift_left3A_551 : i32 to vector<16xi32>
      %shift_left3A_553 = arith.shli %get3A_545, %shift_left3A_552 : vector<16xi32>
      %bitcast3A_554 = vector.bitcast %shift_left3A_553 : vector<16xi32> to vector<16xf32>
      %and3A_555 = arith.constant -65536 : i32
      %and3A_556 = vector.broadcast %and3A_555 : i32 to vector<16xi32>
      %and3A_557 = arith.andi %get3A_545, %and3A_556 : vector<16xi32>
      %bitcast3A_558 = vector.bitcast %and3A_557 : vector<16xi32> to vector<16xf32>
      %shift_left3A_559 = arith.constant 16 : i32
      %shift_left3A_560 = vector.broadcast %shift_left3A_559 : i32 to vector<16xi32>
      %shift_left3A_561 = arith.shli %get3A_550, %shift_left3A_560 : vector<16xi32>
      %bitcast3A_562 = vector.bitcast %shift_left3A_561 : vector<16xi32> to vector<16xf32>
      %and3A_563 = arith.constant -65536 : i32
      %and3A_564 = vector.broadcast %and3A_563 : i32 to vector<16xi32>
      %and3A_565 = arith.andi %get3A_550, %and3A_564 : vector<16xi32>
      %bitcast3A_566 = vector.bitcast %and3A_565 : vector<16xi32> to vector<16xf32>
      %mul3A_567 = arith.mulf %bitcast3A_554, %bitcast3A_562 : vector<16xf32>
      %add3A_568 = arith.constant 1 : i32
      %add3A_569 = arith.addi %add3A_469, %add3A_568 : i32
      %swap3A_570 = arith.index_cast %add3A_569 : i32 to index
      %swap3A_571 = arith.constant 0 : index
      %swap3A_572 = tpu.vector_load %arg16[%swap3A_570, %swap3A_571] {strides = array<i32>} : memref<128x64xf32, #tpu.memory_space<vmem>>, vector<16xf32>,
      tpu.vector_store %arg16[%swap3A_570, %swap3A_571], %mul3A_567 {strides = array<i32>} : memref<128x64xf32, #tpu.memory_space<vmem>>, vector<16xf32>,
      %mul3A_573 = arith.mulf %bitcast3A_558, %bitcast3A_566 : vector<16xf32>
      %add3A_574 = arith.constant 1 : i32
      %add3A_575 = arith.addi %add3A_469, %add3A_574 : i32
      %swap3A_576 = arith.index_cast %add3A_575 : i32 to index
      %swap3A_577 = arith.constant 16 : index
      %swap3A_578 = tpu.vector_load %arg16[%swap3A_576, %swap3A_577] {strides = array<i32>} : memref<128x64xf32, #tpu.memory_space<vmem>>, vector<16xf32>,
      tpu.vector_store %arg16[%swap3A_576, %swap3A_577], %mul3A_573 {strides = array<i32>} : memref<128x64xf32, #tpu.memory_space<vmem>>, vector<16xf32>,
      %add3A_579 = arith.constant 1 : i32
      %add3A_580 = arith.addi %add3A_469, %add3A_579 : i32
      %get3A_581 = arith.index_cast %add3A_580 : i32 to index
      %get3A_582 = arith.constant 16 : index
      %get3A_583 = tpu.vector_load %arg12[%get3A_581, %get3A_582] {strides = array<i32>} : memref<128x32xi32, #tpu.memory_space<vmem>>, vector<16xi32>,
      %add3A_584 = arith.constant 1 : i32
      %add3A_585 = arith.addi %add3A_469, %add3A_584 : i32
      %get3A_586 = arith.index_cast %add3A_585 : i32 to index
      %get3A_587 = arith.constant 16 : index
      %get3A_588 = tpu.vector_load %arg14[%get3A_586, %get3A_587] {strides = array<i32>} : memref<128x32xi32, #tpu.memory_space<vmem>>, vector<16xi32>,
      %shift_left3A_589 = arith.constant 16 : i32
      %shift_left3A_590 = vector.broadcast %shift_left3A_589 : i32 to vector<16xi32>
      %shift_left3A_591 = arith.shli %get3A_583, %shift_left3A_590 : vector<16xi32>
      %bitcast3A_592 = vector.bitcast %shift_left3A_591 : vector<16xi32> to vector<16xf32>
      %and3A_593 = arith.constant -65536 : i32
      %and3A_594 = vector.broadcast %and3A_593 : i32 to vector<16xi32>
      %and3A_595 = arith.andi %get3A_583, %and3A_594 : vector<16xi32>
      %bitcast3A_596 = vector.bitcast %and3A_595 : vector<16xi32> to vector<16xf32>
      %shift_left3A_597 = arith.constant 16 : i32
      %shift_left3A_598 = vector.broadcast %shift_left3A_597 : i32 to vector<16xi32>
      %shift_left3A_599 = arith.shli %get3A_588, %shift_left3A_598 : vector<16xi32>
      %bitcast3A_600 = vector.bitcast %shift_left3A_599 : vector<16xi32> to vector<16xf32>
      %and3A_601 = arith.constant -65536 : i32
      %and3A_602 = vector.broadcast %and3A_601 : i32 to vector<16xi32>
      %and3A_603 = arith.andi %get3A_588, %and3A_602 : vector<16xi32>
      %bitcast3A_604 = vector.bitcast %and3A_603 : vector<16xi32> to vector<16xf32>
      %mul3A_605 = arith.mulf %bitcast3A_592, %bitcast3A_600 : vector<16xf32>
      %add3A_606 = arith.constant 1 : i32
      %add3A_607 = arith.addi %add3A_469, %add3A_606 : i32
      %swap3A_608 = arith.index_cast %add3A_607 : i32 to index
      %swap3A_609 = arith.constant 32 : index
      %swap3A_610 = tpu.vector_load %arg16[%swap3A_608, %swap3A_609] {strides = array<i32>} : memref<128x64xf32, #tpu.memory_space<vmem>>, vector<16xf32>,
      tpu.vector_store %arg16[%swap3A_608, %swap3A_609], %mul3A_605 {strides = array<i32>} : memref<128x64xf32, #tpu.memory_space<vmem>>, vector<16xf32>,
      %mul3A_611 = arith.mulf %bitcast3A_596, %bitcast3A_604 : vector<16xf32>
      %add3A_612 = arith.constant 1 : i32
      %add3A_613 = arith.addi %add3A_469, %add3A_612 : i32
      %swap3A_614 = arith.index_cast %add3A_613 : i32 to index
      %swap3A_615 = arith.constant 48 : index
      %swap3A_616 = tpu.vector_load %arg16[%swap3A_614, %swap3A_615] {strides = array<i32>} : memref<128x64xf32, #tpu.memory_space<vmem>>, vector<16xf32>,
      tpu.vector_store %arg16[%swap3A_614, %swap3A_615], %mul3A_611 {strides = array<i32>} : memref<128x64xf32, #tpu.memory_space<vmem>>, vector<16xf32>,
    }
    %scan3A_213 = arith.constant 64 : i32
    %dma_start3A_214 = arith.constant 79 : i32
    %dma_start3A_215 = arith.constant 0 : i32
    %dma_start3A_216 = tpu.memref_slice %arg9[%dma_start3A_214, %dma_start3A_215] : memref<80x128xi32, #tpu.memory_space<vmem>> -> memref<1x128xi32, #tpu.memory_space<vmem>>
    %dma_start3A_217 = tpu.memref_squeeze %dma_start3A_216 : memref<1x128xi32, #tpu.memory_space<vmem>> -> memref<128xi32, #tpu.memory_space<vmem>>
    %dma_start3A_218 = arith.constant 0 : i32
    %dma_start3A_219 = arith.constant 0 : i32
    %dma_start3A_220 = tpu.memref_slice %arg17[%dma_start3A_218, %dma_start3A_219] : memref<10240x64xf32, #tpu.memory_space<vmem_shared>> -> memref<10240x64xf32, #tpu.memory_space<vmem_shared>>
    tpu.enqueue_indirect_dma source(%arg16 : memref<128x64xf32, #tpu.memory_space<vmem>>) target(%dma_start3A_220 : memref<10240x64xf32, #tpu.memory_space<vmem_shared>>) offsets(%dma_start3A_217 : memref<128xi32, #tpu.memory_space<vmem>>) semaphore(%arg22 : memref<!tpu.dma_semaphore, #tpu.memory_space<semaphore_mem>>) {add = true}
    %dma_wait3A_221 = arith.constant 0 : i32
    %dma_wait3A_222 = arith.constant 0 : i32
    %dma_wait3A_223 = tpu.memref_slice %arg9[%dma_wait3A_221, %dma_wait3A_222] : memref<80x128xi32, #tpu.memory_space<vmem>> -> memref<1x128xi32, #tpu.memory_space<vmem>>
    %dma_wait3A_224 = tpu.memref_squeeze %dma_wait3A_223 : memref<1x128xi32, #tpu.memory_space<vmem>> -> memref<128xi32, #tpu.memory_space<vmem>>
    %dma_wait3A_225 = arith.constant 0 : i32
    %dma_wait3A_226 = arith.constant 0 : i32
    %dma_wait3A_227 = tpu.memref_slice %arg17[%dma_wait3A_225, %dma_wait3A_226] : memref<10240x64xf32, #tpu.memory_space<vmem_shared>> -> memref<10240x64xf32, #tpu.memory_space<vmem_shared>>
    tpu.wait_indirect_dma semaphore(%arg21 : memref<!tpu.dma_semaphore, #tpu.memory_space<semaphore_mem>>) src(%arg15 : memref<128x64xf32, #tpu.memory_space<vmem>>) dst(%dma_wait3A_227 : memref<10240x64xf32, #tpu.memory_space<vmem_shared>>)
    %dma_wait3A_228 = arith.constant 0 : i32
    %dma_wait3A_229 = arith.constant 0 : i32
    %dma_wait3A_230 = tpu.memref_slice %arg9[%dma_wait3A_228, %dma_wait3A_229] : memref<80x128xi32, #tpu.memory_space<vmem>> -> memref<1x128xi32, #tpu.memory_space<vmem>>
    %dma_wait3A_231 = tpu.memref_squeeze %dma_wait3A_230 : memref<1x128xi32, #tpu.memory_space<vmem>> -> memref<128xi32, #tpu.memory_space<vmem>>
    %dma_wait3A_232 = arith.constant 0 : i32
    %dma_wait3A_233 = arith.constant 0 : i32
    %dma_wait3A_234 = tpu.memref_slice %arg17[%dma_wait3A_232, %dma_wait3A_233] : memref<10240x64xf32, #tpu.memory_space<vmem_shared>> -> memref<10240x64xf32, #tpu.memory_space<vmem_shared>>
    tpu.wait_indirect_dma semaphore(%arg22 : memref<!tpu.dma_semaphore, #tpu.memory_space<semaphore_mem>>) src(%arg16 : memref<128x64xf32, #tpu.memory_space<vmem>>) dst(%dma_wait3A_234 : memref<10240x64xf32, #tpu.memory_space<vmem_shared>>)
    %add3A_235 = arith.constant 80 : i32
    %add3A_236 = arith.addi %add3A, %add3A_235 : i32
    %dma_start3A_237 = arith.constant 0 : i32
    %dma_start3A_238 = tpu.memref_slice %arg4[%add3A_236, %dma_start3A_237] : memref<5120x128xi32, #tpu.memory_space<hbm>> -> memref<80x128xi32, #tpu.memory_space<hbm>>
    %dma_start3A_239 = arith.constant 0 : i32
    %dma_start3A_240 = tpu.memref_slice %arg4[%add3A_236, %dma_start3A_239] : memref<5120x128xi32, #tpu.memory_space<hbm>> -> memref<80x128xi32, #tpu.memory_space<hbm>>
    tpu.enqueue_dma source(%dma_start3A_240 : memref<80x128xi32, #tpu.memory_space<hbm>>) target(%arg8 : memref<80x128xi32, #tpu.memory_space<vmem>>) target_semaphore(%arg18 : memref<!tpu.dma_semaphore, #tpu.memory_space<semaphore_mem>>)
    %add3A_241 = arith.constant 80 : i32
    %add3A_242 = arith.addi %mul3A_4, %add3A_241 : i32
    %dma_start3A_243 = arith.constant 0 : i32
    %dma_start3A_244 = tpu.memref_slice %arg5[%add3A_242, %dma_start3A_243] : memref<2560x128xi32, #tpu.memory_space<hbm>> -> memref<80x128xi32, #tpu.memory_space<hbm>>
    %dma_start3A_245 = arith.constant 0 : i32
    %dma_start3A_246 = tpu.memref_slice %arg5[%add3A_242, %dma_start3A_245] : memref<2560x128xi32, #tpu.memory_space<hbm>> -> memref<80x128xi32, #tpu.memory_space<hbm>>
    tpu.enqueue_dma source(%dma_start3A_246 : memref<80x128xi32, #tpu.memory_space<hbm>>) target(%arg9 : memref<80x128xi32, #tpu.memory_space<vmem>>) target_semaphore(%arg18 : memref<!tpu.dma_semaphore, #tpu.memory_space<semaphore_mem>>)
    %add3A_247 = arith.constant 80 : i32
    %add3A_248 = arith.addi %add3A, %add3A_247 : i32
    %dma_start3A_249 = arith.constant 0 : i32
    %dma_start3A_250 = tpu.memref_slice %arg6[%add3A_248, %dma_start3A_249] : memref<5120x128xi32, #tpu.memory_space<hbm>> -> memref<80x128xi32, #tpu.memory_space<hbm>>
    %dma_start3A_251 = arith.constant 0 : i32
    %dma_start3A_252 = tpu.memref_slice %arg6[%add3A_248, %dma_start3A_251] : memref<5120x128xi32, #tpu.memory_space<hbm>> -> memref<80x128xi32, #tpu.memory_space<hbm>>
    tpu.enqueue_dma source(%dma_start3A_252 : memref<80x128xi32, #tpu.memory_space<hbm>>) target(%arg10 : memref<80x128xi32, #tpu.memory_space<vmem>>) target_semaphore(%arg18 : memref<!tpu.dma_semaphore, #tpu.memory_space<semaphore_mem>>)
    %dma_wait3A_253 = arith.constant 0 : i32
    %dma_wait3A_254 = tpu.memref_slice %arg4[%add3A, %dma_wait3A_253] : memref<5120x128xi32, #tpu.memory_space<hbm>> -> memref<80x128xi32, #tpu.memory_space<hbm>>
    %dma_wait3A_255 = arith.constant 0 : i32
    %dma_wait3A_256 = tpu.memref_slice %arg4[%add3A, %dma_wait3A_255] : memref<5120x128xi32, #tpu.memory_space<hbm>> -> memref<80x128xi32, #tpu.memory_space<hbm>>
    tpu.wait_dma2 semaphore(%arg18 : memref<!tpu.dma_semaphore, #tpu.memory_space<semaphore_mem>>) src(%dma_wait3A_256 : memref<80x128xi32, #tpu.memory_space<hbm>>) dst(%arg8 : memref<80x128xi32, #tpu.memory_space<vmem>>)
    %dma_wait3A_257 = arith.constant 0 : i32
    %dma_wait3A_258 = tpu.memref_slice %arg5[%mul3A_4, %dma_wait3A_257] : memref<2560x128xi32, #tpu.memory_space<hbm>> -> memref<80x128xi32, #tpu.memory_space<hbm>>
    %dma_wait3A_259 = arith.constant 0 : i32
    %dma_wait3A_260 = tpu.memref_slice %arg5[%mul3A_4, %dma_wait3A_259] : memref<2560x128xi32, #tpu.memory_space<hbm>> -> memref<80x128xi32, #tpu.memory_space<hbm>>
    tpu.wait_dma2 semaphore(%arg18 : memref<!tpu.dma_semaphore, #tpu.memory_space<semaphore_mem>>) src(%dma_wait3A_260 : memref<80x128xi32, #tpu.memory_space<hbm>>) dst(%arg9 : memref<80x128xi32, #tpu.memory_space<vmem>>)
    %dma_wait3A_261 = arith.constant 0 : i32
    %dma_wait3A_262 = tpu.memref_slice %arg6[%add3A, %dma_wait3A_261] : memref<5120x128xi32, #tpu.memory_space<hbm>> -> memref<80x128xi32, #tpu.memory_space<hbm>>
    %dma_wait3A_263 = arith.constant 0 : i32
    %dma_wait3A_264 = tpu.memref_slice %arg6[%add3A, %dma_wait3A_263] : memref<5120x128xi32, #tpu.memory_space<hbm>> -> memref<80x128xi32, #tpu.memory_space<hbm>>
    tpu.wait_dma2 semaphore(%arg18 : memref<!tpu.dma_semaphore, #tpu.memory_space<semaphore_mem>>) src(%dma_wait3A_264 : memref<80x128xi32, #tpu.memory_space<hbm>>) dst(%arg10 : memref<80x128xi32, #tpu.memory_space<vmem>>)
    %dma_start3A_265 = arith.constant 0 : i32
    %dma_start3A_266 = arith.constant 0 : i32
    %dma_start3A_267 = tpu.memref_slice %arg8[%dma_start3A_265, %dma_start3A_266] : memref<80x128xi32, #tpu.memory_space<vmem>> -> memref<1x128xi32, #tpu.memory_space<vmem>>
    %dma_start3A_268 = tpu.memref_squeeze %dma_start3A_267 : memref<1x128xi32, #tpu.memory_space<vmem>> -> memref<128xi32, #tpu.memory_space<vmem>>
    %dma_start3A_269 = arith.constant 0 : i32
    %dma_start3A_270 = arith.constant 0 : i32
    %dma_start3A_271 = tpu.memref_slice %arg2[%dma_start3A_269, %dma_start3A_270] : memref<20000x32xi32, #tpu.memory_space<hbm>> -> memref<20000x32xi32, #tpu.memory_space<hbm>>
    tpu.enqueue_indirect_dma source(%dma_start3A_271 : memref<20000x32xi32, #tpu.memory_space<hbm>>) target(%arg11 : memref<128x32xi32, #tpu.memory_space<vmem>>) offsets(%dma_start3A_268 : memref<128xi32, #tpu.memory_space<vmem>>) semaphore(%arg19 : memref<!tpu.dma_semaphore, #tpu.memory_space<semaphore_mem>>)
    %dma_start3A_272 = arith.constant 0 : i32
    %dma_start3A_273 = arith.constant 0 : i32
    %dma_start3A_274 = tpu.memref_slice %arg10[%dma_start3A_272, %dma_start3A_273] : memref<80x128xi32, #tpu.memory_space<vmem>> -> memref<1x128xi32, #tpu.memory_space<vmem>>
    %dma_start3A_275 = tpu.memref_squeeze %dma_start3A_274 : memref<1x128xi32, #tpu.memory_space<vmem>> -> memref<128xi32, #tpu.memory_space<vmem>>
    %dma_start3A_276 = arith.constant 0 : i32
    %dma_start3A_277 = arith.constant 0 : i32
    %dma_start3A_278 = tpu.memref_slice %arg3[%dma_start3A_276, %dma_start3A_277] : memref<400x32xi32, #tpu.memory_space<hbm>> -> memref<400x32xi32, #tpu.memory_space<hbm>>
    tpu.enqueue_indirect_dma source(%dma_start3A_278 : memref<400x32xi32, #tpu.memory_space<hbm>>) target(%arg13 : memref<128x32xi32, #tpu.memory_space<vmem>>) offsets(%dma_start3A_275 : memref<128xi32, #tpu.memory_space<vmem>>) semaphore(%arg19 : memref<!tpu.dma_semaphore, #tpu.memory_space<semaphore_mem>>)
    %dma_start3A_279 = arith.constant 1 : i32
    %dma_start3A_280 = arith.constant 0 : i32
    %dma_start3A_281 = tpu.memref_slice %arg8[%dma_start3A_279, %dma_start3A_280] : memref<80x128xi32, #tpu.memory_space<vmem>> -> memref<1x128xi32, #tpu.memory_space<vmem>>
    %dma_start3A_282 = tpu.memref_squeeze %dma_start3A_281 : memref<1x128xi32, #tpu.memory_space<vmem>> -> memref<128xi32, #tpu.memory_space<vmem>>
    %dma_start3A_283 = arith.constant 0 : i32
    %dma_start3A_284 = arith.constant 0 : i32
    %dma_start3A_285 = tpu.memref_slice %arg2[%dma_start3A_283, %dma_start3A_284] : memref<20000x32xi32, #tpu.memory_space<hbm>> -> memref<20000x32xi32, #tpu.memory_space<hbm>>
    tpu.enqueue_indirect_dma source(%dma_start3A_285 : memref<20000x32xi32, #tpu.memory_space<hbm>>) target(%arg12 : memref<128x32xi32, #tpu.memory_space<vmem>>) offsets(%dma_start3A_282 : memref<128xi32, #tpu.memory_space<vmem>>) semaphore(%arg20 : memref<!tpu.dma_semaphore, #tpu.memory_space<semaphore_mem>>)
    %dma_start3A_286 = arith.constant 1 : i32
    %dma_start3A_287 = arith.constant 0 : i32
    %dma_start3A_288 = tpu.memref_slice %arg10[%dma_start3A_286, %dma_start3A_287] : memref<80x128xi32, #tpu.memory_space<vmem>> -> memref<1x128xi32, #tpu.memory_space<vmem>>
    %dma_start3A_289 = tpu.memref_squeeze %dma_start3A_288 : memref<1x128xi32, #tpu.memory_space<vmem>> -> memref<128xi32, #tpu.memory_space<vmem>>
    %dma_start3A_290 = arith.constant 0 : i32
    %dma_start3A_291 = arith.constant 0 : i32
    %dma_start3A_292 = tpu.memref_slice %arg3[%dma_start3A_290, %dma_start3A_291] : memref<400x32xi32, #tpu.memory_space<hbm>> -> memref<400x32xi32, #tpu.memory_space<hbm>>
    tpu.enqueue_indirect_dma source(%dma_start3A_292 : memref<400x32xi32, #tpu.memory_space<hbm>>) target(%arg14 : memref<128x32xi32, #tpu.memory_space<vmem>>) offsets(%dma_start3A_289 : memref<128xi32, #tpu.memory_space<vmem>>) semaphore(%arg20 : memref<!tpu.dma_semaphore, #tpu.memory_space<semaphore_mem>>)
    %dma_wait3A_293 = arith.constant 0 : i32
    %dma_wait3A_294 = arith.constant 0 : i32
    %dma_wait3A_295 = tpu.memref_slice %arg8[%dma_wait3A_293, %dma_wait3A_294] : memref<80x128xi32, #tpu.memory_space<vmem>> -> memref<1x128xi32, #tpu.memory_space<vmem>>
    %dma_wait3A_296 = tpu.memref_squeeze %dma_wait3A_295 : memref<1x128xi32, #tpu.memory_space<vmem>> -> memref<128xi32, #tpu.memory_space<vmem>>
    %dma_wait3A_297 = arith.constant 0 : i32
    %dma_wait3A_298 = arith.constant 0 : i32
    %dma_wait3A_299 = tpu.memref_slice %arg2[%dma_wait3A_297, %dma_wait3A_298] : memref<20000x32xi32, #tpu.memory_space<hbm>> -> memref<20000x32xi32, #tpu.memory_space<hbm>>
    tpu.wait_indirect_dma semaphore(%arg19 : memref<!tpu.dma_semaphore, #tpu.memory_space<semaphore_mem>>) src(%dma_wait3A_299 : memref<20000x32xi32, #tpu.memory_space<hbm>>) dst(%arg11 : memref<128x32xi32, #tpu.memory_space<vmem>>)
    %dma_wait3A_300 = arith.constant 0 : i32
    %dma_wait3A_301 = arith.constant 0 : i32
    %dma_wait3A_302 = tpu.memref_slice %arg10[%dma_wait3A_300, %dma_wait3A_301] : memref<80x128xi32, #tpu.memory_space<vmem>> -> memref<1x128xi32, #tpu.memory_space<vmem>>
    %dma_wait3A_303 = tpu.memref_squeeze %dma_wait3A_302 : memref<1x128xi32, #tpu.memory_space<vmem>> -> memref<128xi32, #tpu.memory_space<vmem>>
    %dma_wait3A_304 = arith.constant 0 : i32
    %dma_wait3A_305 = arith.constant 0 : i32
    %dma_wait3A_306 = tpu.memref_slice %arg3[%dma_wait3A_304, %dma_wait3A_305] : memref<400x32xi32, #tpu.memory_space<hbm>> -> memref<400x32xi32, #tpu.memory_space<hbm>>
    tpu.wait_indirect_dma semaphore(%arg19 : memref<!tpu.dma_semaphore, #tpu.memory_space<semaphore_mem>>) src(%dma_wait3A_306 : memref<400x32xi32, #tpu.memory_space<hbm>>) dst(%arg13 : memref<128x32xi32, #tpu.memory_space<vmem>>)
    %scan3A_307 = arith.constant 0 : i32
    %scan3A_308 = arith.constant 64 : i32
    %scan3A_309 = arith.addi %scan3A_307, %scan3A_308 : i32
    %scan3A_310 = arith.constant 1 : i32
    scf.for %scan3A_465 = %scan3A_307 to %scan3A_309 step %scan3A_310  : i32 {
      %mul3A_466 = arith.constant 2 : i32
      %mul3A_467 = arith.muli %scan3A_465, %mul3A_466 : i32
      %add3A_468 = arith.constant 0 : i32
      %add3A_469 = arith.addi %add3A_468, %mul3A_467 : i32
      %add3A_470 = arith.constant 0 : i32
      %add3A_471 = arith.addi %add3A_469, %add3A_470 : i32
      %get3A = arith.index_cast %add3A_471 : i32 to index
      %get3A_472 = arith.constant 0 : index
      %get3A_473 = tpu.vector_load %arg11[%get3A, %get3A_472] {strides = array<i32>} : memref<128x32xi32, #tpu.memory_space<vmem>>, vector<16xi32>,
      %add3A_474 = arith.constant 0 : i32
      %add3A_475 = arith.addi %add3A_469, %add3A_474 : i32
      %get3A_476 = arith.index_cast %add3A_475 : i32 to index
      %get3A_477 = arith.constant 0 : index
      %get3A_478 = tpu.vector_load %arg13[%get3A_476, %get3A_477] {strides = array<i32>} : memref<128x32xi32, #tpu.memory_space<vmem>>, vector<16xi32>,
      %shift_left3A = arith.constant 16 : i32
      %shift_left3A_479 = vector.broadcast %shift_left3A : i32 to vector<16xi32>
      %shift_left3A_480 = arith.shli %get3A_473, %shift_left3A_479 : vector<16xi32>
      %bitcast3A = vector.bitcast %shift_left3A_480 : vector<16xi32> to vector<16xf32>
      %and3A = arith.constant -65536 : i32
      %and3A_481 = vector.broadcast %and3A : i32 to vector<16xi32>
      %and3A_482 = arith.andi %get3A_473, %and3A_481 : vector<16xi32>
      %bitcast3A_483 = vector.bitcast %and3A_482 : vector<16xi32> to vector<16xf32>
      %shift_left3A_484 = arith.constant 16 : i32
      %shift_left3A_485 = vector.broadcast %shift_left3A_484 : i32 to vector<16xi32>
      %shift_left3A_486 = arith.shli %get3A_478, %shift_left3A_485 : vector<16xi32>
      %bitcast3A_487 = vector.bitcast %shift_left3A_486 : vector<16xi32> to vector<16xf32>
      %and3A_488 = arith.constant -65536 : i32
      %and3A_489 = vector.broadcast %and3A_488 : i32 to vector<16xi32>
      %and3A_490 = arith.andi %get3A_478, %and3A_489 : vector<16xi32>
      %bitcast3A_491 = vector.bitcast %and3A_490 : vector<16xi32> to vector<16xf32>
      %mul3A_492 = arith.mulf %bitcast3A, %bitcast3A_487 : vector<16xf32>
      %add3A_493 = arith.constant 0 : i32
      %add3A_494 = arith.addi %add3A_469, %add3A_493 : i32
      %swap3A = arith.index_cast %add3A_494 : i32 to index
      %swap3A_495 = arith.constant 0 : index
      %swap3A_496 = tpu.vector_load %arg15[%swap3A, %swap3A_495] {strides = array<i32>} : memref<128x64xf32, #tpu.memory_space<vmem>>, vector<16xf32>,
      tpu.vector_store %arg15[%swap3A, %swap3A_495], %mul3A_492 {strides = array<i32>} : memref<128x64xf32, #tpu.memory_space<vmem>>, vector<16xf32>,
      %mul3A_497 = arith.mulf %bitcast3A_483, %bitcast3A_491 : vector<16xf32>
      %add3A_498 = arith.constant 0 : i32
      %add3A_499 = arith.addi %add3A_469, %add3A_498 : i32
      %swap3A_500 = arith.index_cast %add3A_499 : i32 to index
      %swap3A_501 = arith.constant 16 : index
      %swap3A_502 = tpu.vector_load %arg15[%swap3A_500, %swap3A_501] {strides = array<i32>} : memref<128x64xf32, #tpu.memory_space<vmem>>, vector<16xf32>,
      tpu.vector_store %arg15[%swap3A_500, %swap3A_501], %mul3A_497 {strides = array<i32>} : memref<128x64xf32, #tpu.memory_space<vmem>>, vector<16xf32>,
      %add3A_503 = arith.constant 0 : i32
      %add3A_504 = arith.addi %add3A_469, %add3A_503 : i32
      %get3A_505 = arith.index_cast %add3A_504 : i32 to index
      %get3A_506 = arith.constant 16 : index
      %get3A_507 = tpu.vector_load %arg11[%get3A_505, %get3A_506] {strides = array<i32>} : memref<128x32xi32, #tpu.memory_space<vmem>>, vector<16xi32>,
      %add3A_508 = arith.constant 0 : i32
      %add3A_509 = arith.addi %add3A_469, %add3A_508 : i32
      %get3A_510 = arith.index_cast %add3A_509 : i32 to index
      %get3A_511 = arith.constant 16 : index
      %get3A_512 = tpu.vector_load %arg13[%get3A_510, %get3A_511] {strides = array<i32>} : memref<128x32xi32, #tpu.memory_space<vmem>>, vector<16xi32>,
      %shift_left3A_513 = arith.constant 16 : i32
      %shift_left3A_514 = vector.broadcast %shift_left3A_513 : i32 to vector<16xi32>
      %shift_left3A_515 = arith.shli %get3A_507, %shift_left3A_514 : vector<16xi32>
      %bitcast3A_516 = vector.bitcast %shift_left3A_515 : vector<16xi32> to vector<16xf32>
      %and3A_517 = arith.constant -65536 : i32
      %and3A_518 = vector.broadcast %and3A_517 : i32 to vector<16xi32>
      %and3A_519 = arith.andi %get3A_507, %and3A_518 : vector<16xi32>
      %bitcast3A_520 = vector.bitcast %and3A_519 : vector<16xi32> to vector<16xf32>
      %shift_left3A_521 = arith.constant 16 : i32
      %shift_left3A_522 = vector.broadcast %shift_left3A_521 : i32 to vector<16xi32>
      %shift_left3A_523 = arith.shli %get3A_512, %shift_left3A_522 : vector<16xi32>
      %bitcast3A_524 = vector.bitcast %shift_left3A_523 : vector<16xi32> to vector<16xf32>
      %and3A_525 = arith.constant -65536 : i32
      %and3A_526 = vector.broadcast %and3A_525 : i32 to vector<16xi32>
      %and3A_527 = arith.andi %get3A_512, %and3A_526 : vector<16xi32>
      %bitcast3A_528 = vector.bitcast %and3A_527 : vector<16xi32> to vector<16xf32>
      %mul3A_529 = arith.mulf %bitcast3A_516, %bitcast3A_524 : vector<16xf32>
      %add3A_530 = arith.constant 0 : i32
      %add3A_531 = arith.addi %add3A_469, %add3A_530 : i32
      %swap3A_532 = arith.index_cast %add3A_531 : i32 to index
      %swap3A_533 = arith.constant 32 : index
      %swap3A_534 = tpu.vector_load %arg15[%swap3A_532, %swap3A_533] {strides = array<i32>} : memref<128x64xf32, #tpu.memory_space<vmem>>, vector<16xf32>,
      tpu.vector_store %arg15[%swap3A_532, %swap3A_533], %mul3A_529 {strides = array<i32>} : memref<128x64xf32, #tpu.memory_space<vmem>>, vector<16xf32>,
      %mul3A_535 = arith.mulf %bitcast3A_520, %bitcast3A_528 : vector<16xf32>
      %add3A_536 = arith.constant 0 : i32
      %add3A_537 = arith.addi %add3A_469, %add3A_536 : i32
      %swap3A_538 = arith.index_cast %add3A_537 : i32 to index
      %swap3A_539 = arith.constant 48 : index
      %swap3A_540 = tpu.vector_load %arg15[%swap3A_538, %swap3A_539] {strides = array<i32>} : memref<128x64xf32, #tpu.memory_space<vmem>>, vector<16xf32>,
      tpu.vector_store %arg15[%swap3A_538, %swap3A_539], %mul3A_535 {strides = array<i32>} : memref<128x64xf32, #tpu.memory_space<vmem>>, vector<16xf32>,
      %add3A_541 = arith.constant 1 : i32
      %add3A_542 = arith.addi %add3A_469, %add3A_541 : i32
      %get3A_543 = arith.index_cast %add3A_542 : i32 to index
      %get3A_544 = arith.constant 0 : index
      %get3A_545 = tpu.vector_load %arg11[%get3A_543, %get3A_544] {strides = array<i32>} : memref<128x32xi32, #tpu.memory_space<vmem>>, vector<16xi32>,
      %add3A_546 = arith.constant 1 : i32
      %add3A_547 = arith.addi %add3A_469, %add3A_546 : i32
      %get3A_548 = arith.index_cast %add3A_547 : i32 to index
      %get3A_549 = arith.constant 0 : index
      %get3A_550 = tpu.vector_load %arg13[%get3A_548, %get3A_549] {strides = array<i32>} : memref<128x32xi32, #tpu.memory_space<vmem>>, vector<16xi32>,
      %shift_left3A_551 = arith.constant 16 : i32
      %shift_left3A_552 = vector.broadcast %shift_left3A_551 : i32 to vector<16xi32>
      %shift_left3A_553 = arith.shli %get3A_545, %shift_left3A_552 : vector<16xi32>
      %bitcast3A_554 = vector.bitcast %shift_left3A_553 : vector<16xi32> to vector<16xf32>
      %and3A_555 = arith.constant -65536 : i32
      %and3A_556 = vector.broadcast %and3A_555 : i32 to vector<16xi32>
      %and3A_557 = arith.andi %get3A_545, %and3A_556 : vector<16xi32>
      %bitcast3A_558 = vector.bitcast %and3A_557 : vector<16xi32> to vector<16xf32>
      %shift_left3A_559 = arith.constant 16 : i32
      %shift_left3A_560 = vector.broadcast %shift_left3A_559 : i32 to vector<16xi32>
      %shift_left3A_561 = arith.shli %get3A_550, %shift_left3A_560 : vector<16xi32>
      %bitcast3A_562 = vector.bitcast %shift_left3A_561 : vector<16xi32> to vector<16xf32>
      %and3A_563 = arith.constant -65536 : i32
      %and3A_564 = vector.broadcast %and3A_563 : i32 to vector<16xi32>
      %and3A_565 = arith.andi %get3A_550, %and3A_564 : vector<16xi32>
      %bitcast3A_566 = vector.bitcast %and3A_565 : vector<16xi32> to vector<16xf32>
      %mul3A_567 = arith.mulf %bitcast3A_554, %bitcast3A_562 : vector<16xf32>
      %add3A_568 = arith.constant 1 : i32
      %add3A_569 = arith.addi %add3A_469, %add3A_568 : i32
      %swap3A_570 = arith.index_cast %add3A_569 : i32 to index
      %swap3A_571 = arith.constant 0 : index
      %swap3A_572 = tpu.vector_load %arg15[%swap3A_570, %swap3A_571] {strides = array<i32>} : memref<128x64xf32, #tpu.memory_space<vmem>>, vector<16xf32>,
      tpu.vector_store %arg15[%swap3A_570, %swap3A_571], %mul3A_567 {strides = array<i32>} : memref<128x64xf32, #tpu.memory_space<vmem>>, vector<16xf32>,
      %mul3A_573 = arith.mulf %bitcast3A_558, %bitcast3A_566 : vector<16xf32>
      %add3A_574 = arith.constant 1 : i32
      %add3A_575 = arith.addi %add3A_469, %add3A_574 : i32
      %swap3A_576 = arith.index_cast %add3A_575 : i32 to index
      %swap3A_577 = arith.constant 16 : index
      %swap3A_578 = tpu.vector_load %arg15[%swap3A_576, %swap3A_577] {strides = array<i32>} : memref<128x64xf32, #tpu.memory_space<vmem>>, vector<16xf32>,
      tpu.vector_store %arg15[%swap3A_576, %swap3A_577], %mul3A_573 {strides = array<i32>} : memref<128x64xf32, #tpu.memory_space<vmem>>, vector<16xf32>,
      %add3A_579 = arith.constant 1 : i32
      %add3A_580 = arith.addi %add3A_469, %add3A_579 : i32
      %get3A_581 = arith.index_cast %add3A_580 : i32 to index
      %get3A_582 = arith.constant 16 : index
      %get3A_583 = tpu.vector_load %arg11[%get3A_581, %get3A_582] {strides = array<i32>} : memref<128x32xi32, #tpu.memory_space<vmem>>, vector<16xi32>,
      %add3A_584 = arith.constant 1 : i32
      %add3A_585 = arith.addi %add3A_469, %add3A_584 : i32
      %get3A_586 = arith.index_cast %add3A_585 : i32 to index
      %get3A_587 = arith.constant 16 : index
      %get3A_588 = tpu.vector_load %arg13[%get3A_586, %get3A_587] {strides = array<i32>} : memref<128x32xi32, #tpu.memory_space<vmem>>, vector<16xi32>,
      %shift_left3A_589 = arith.constant 16 : i32
      %shift_left3A_590 = vector.broadcast %shift_left3A_589 : i32 to vector<16xi32>
      %shift_left3A_591 = arith.shli %get3A_583, %shift_left3A_590 : vector<16xi32>
      %bitcast3A_592 = vector.bitcast %shift_left3A_591 : vector<16xi32> to vector<16xf32>
      %and3A_593 = arith.constant -65536 : i32
      %and3A_594 = vector.broadcast %and3A_593 : i32 to vector<16xi32>
      %and3A_595 = arith.andi %get3A_583, %and3A_594 : vector<16xi32>
      %bitcast3A_596 = vector.bitcast %and3A_595 : vector<16xi32> to vector<16xf32>
      %shift_left3A_597 = arith.constant 16 : i32
      %shift_left3A_598 = vector.broadcast %shift_left3A_597 : i32 to vector<16xi32>
      %shift_left3A_599 = arith.shli %get3A_588, %shift_left3A_598 : vector<16xi32>
      %bitcast3A_600 = vector.bitcast %shift_left3A_599 : vector<16xi32> to vector<16xf32>
      %and3A_601 = arith.constant -65536 : i32
      %and3A_602 = vector.broadcast %and3A_601 : i32 to vector<16xi32>
      %and3A_603 = arith.andi %get3A_588, %and3A_602 : vector<16xi32>
      %bitcast3A_604 = vector.bitcast %and3A_603 : vector<16xi32> to vector<16xf32>
      %mul3A_605 = arith.mulf %bitcast3A_592, %bitcast3A_600 : vector<16xf32>
      %add3A_606 = arith.constant 1 : i32
      %add3A_607 = arith.addi %add3A_469, %add3A_606 : i32
      %swap3A_608 = arith.index_cast %add3A_607 : i32 to index
      %swap3A_609 = arith.constant 32 : index
      %swap3A_610 = tpu.vector_load %arg15[%swap3A_608, %swap3A_609] {strides = array<i32>} : memref<128x64xf32, #tpu.memory_space<vmem>>, vector<16xf32>,
      tpu.vector_store %arg15[%swap3A_608, %swap3A_609], %mul3A_605 {strides = array<i32>} : memref<128x64xf32, #tpu.memory_space<vmem>>, vector<16xf32>,
      %mul3A_611 = arith.mulf %bitcast3A_596, %bitcast3A_604 : vector<16xf32>
      %add3A_612 = arith.constant 1 : i32
      %add3A_613 = arith.addi %add3A_469, %add3A_612 : i32
      %swap3A_614 = arith.index_cast %add3A_613 : i32 to index
      %swap3A_615 = arith.constant 48 : index
      %swap3A_616 = tpu.vector_load %arg15[%swap3A_614, %swap3A_615] {strides = array<i32>} : memref<128x64xf32, #tpu.memory_space<vmem>>, vector<16xf32>,
      tpu.vector_store %arg15[%swap3A_614, %swap3A_615], %mul3A_611 {strides = array<i32>} : memref<128x64xf32, #tpu.memory_space<vmem>>, vector<16xf32>,
    }
    %scan3A_311 = arith.constant 64 : i32
    %dma_start3A_312 = arith.constant 0 : i32
    %dma_start3A_313 = arith.constant 0 : i32
    %dma_start3A_314 = tpu.memref_slice %arg9[%dma_start3A_312, %dma_start3A_313] : memref<80x128xi32, #tpu.memory_space<vmem>> -> memref<1x128xi32, #tpu.memory_space<vmem>>
    %dma_start3A_315 = tpu.memref_squeeze %dma_start3A_314 : memref<1x128xi32, #tpu.memory_space<vmem>> -> memref<128xi32, #tpu.memory_space<vmem>>
    %dma_start3A_316 = arith.constant 0 : i32
    %dma_start3A_317 = arith.constant 0 : i32
    %dma_start3A_318 = tpu.memref_slice %arg17[%dma_start3A_316, %dma_start3A_317] : memref<10240x64xf32, #tpu.memory_space<vmem_shared>> -> memref<10240x64xf32, #tpu.memory_space<vmem_shared>>
    tpu.enqueue_indirect_dma source(%arg15 : memref<128x64xf32, #tpu.memory_space<vmem>>) target(%dma_start3A_318 : memref<10240x64xf32, #tpu.memory_space<vmem_shared>>) offsets(%dma_start3A_315 : memref<128xi32, #tpu.memory_space<vmem>>) semaphore(%arg21 : memref<!tpu.dma_semaphore, #tpu.memory_space<semaphore_mem>>) {add = true}
    %dma_start3A_319 = arith.constant 2 : i32
    %dma_start3A_320 = arith.constant 0 : i32
    %dma_start3A_321 = tpu.memref_slice %arg8[%dma_start3A_319, %dma_start3A_320] : memref<80x128xi32, #tpu.memory_space<vmem>> -> memref<1x128xi32, #tpu.memory_space<vmem>>
    %dma_start3A_322 = tpu.memref_squeeze %dma_start3A_321 : memref<1x128xi32, #tpu.memory_space<vmem>> -> memref<128xi32, #tpu.memory_space<vmem>>
    %dma_start3A_323 = arith.constant 0 : i32
    %dma_start3A_324 = arith.constant 0 : i32
    %dma_start3A_325 = tpu.memref_slice %arg2[%dma_start3A_323, %dma_start3A_324] : memref<20000x32xi32, #tpu.memory_space<hbm>> -> memref<20000x32xi32, #tpu.memory_space<hbm>>
    tpu.enqueue_indirect_dma source(%dma_start3A_325 : memref<20000x32xi32, #tpu.memory_space<hbm>>) target(%arg11 : memref<128x32xi32, #tpu.memory_space<vmem>>) offsets(%dma_start3A_322 : memref<128xi32, #tpu.memory_space<vmem>>) semaphore(%arg19 : memref<!tpu.dma_semaphore, #tpu.memory_space<semaphore_mem>>)
    %dma_start3A_326 = arith.constant 2 : i32
    %dma_start3A_327 = arith.constant 0 : i32
    %dma_start3A_328 = tpu.memref_slice %arg10[%dma_start3A_326, %dma_start3A_327] : memref<80x128xi32, #tpu.memory_space<vmem>> -> memref<1x128xi32, #tpu.memory_space<vmem>>
    %dma_start3A_329 = tpu.memref_squeeze %dma_start3A_328 : memref<1x128xi32, #tpu.memory_space<vmem>> -> memref<128xi32, #tpu.memory_space<vmem>>
    %dma_start3A_330 = arith.constant 0 : i32
    %dma_start3A_331 = arith.constant 0 : i32
    %dma_start3A_332 = tpu.memref_slice %arg3[%dma_start3A_330, %dma_start3A_331] : memref<400x32xi32, #tpu.memory_space<hbm>> -> memref<400x32xi32, #tpu.memory_space<hbm>>
    tpu.enqueue_indirect_dma source(%dma_start3A_332 : memref<400x32xi32, #tpu.memory_space<hbm>>) target(%arg13 : memref<128x32xi32, #tpu.memory_space<vmem>>) offsets(%dma_start3A_329 : memref<128xi32, #tpu.memory_space<vmem>>) semaphore(%arg19 : memref<!tpu.dma_semaphore, #tpu.memory_space<semaphore_mem>>)
    %dma_wait3A_333 = arith.constant 0 : i32
    %dma_wait3A_334 = arith.constant 0 : i32
    %dma_wait3A_335 = tpu.memref_slice %arg8[%dma_wait3A_333, %dma_wait3A_334] : memref<80x128xi32, #tpu.memory_space<vmem>> -> memref<1x128xi32, #tpu.memory_space<vmem>>
    %dma_wait3A_336 = tpu.memref_squeeze %dma_wait3A_335 : memref<1x128xi32, #tpu.memory_space<vmem>> -> memref<128xi32, #tpu.memory_space<vmem>>
    %dma_wait3A_337 = arith.constant 0 : i32
    %dma_wait3A_338 = arith.constant 0 : i32
    %dma_wait3A_339 = tpu.memref_slice %arg2[%dma_wait3A_337, %dma_wait3A_338] : memref<20000x32xi32, #tpu.memory_space<hbm>> -> memref<20000x32xi32, #tpu.memory_space<hbm>>
    tpu.wait_indirect_dma semaphore(%arg20 : memref<!tpu.dma_semaphore, #tpu.memory_space<semaphore_mem>>) src(%dma_wait3A_339 : memref<20000x32xi32, #tpu.memory_space<hbm>>) dst(%arg12 : memref<128x32xi32, #tpu.memory_space<vmem>>)
    %dma_wait3A_340 = arith.constant 0 : i32
    %dma_wait3A_341 = arith.constant 0 : i32
    %dma_wait3A_342 = tpu.memref_slice %arg10[%dma_wait3A_340, %dma_wait3A_341] : memref<80x128xi32, #tpu.memory_space<vmem>> -> memref<1x128xi32, #tpu.memory_space<vmem>>
    %dma_wait3A_343 = tpu.memref_squeeze %dma_wait3A_342 : memref<1x128xi32, #tpu.memory_space<vmem>> -> memref<128xi32, #tpu.memory_space<vmem>>
    %dma_wait3A_344 = arith.constant 0 : i32
    %dma_wait3A_345 = arith.constant 0 : i32
    %dma_wait3A_346 = tpu.memref_slice %arg3[%dma_wait3A_344, %dma_wait3A_345] : memref<400x32xi32, #tpu.memory_space<hbm>> -> memref<400x32xi32, #tpu.memory_space<hbm>>
    tpu.wait_indirect_dma semaphore(%arg20 : memref<!tpu.dma_semaphore, #tpu.memory_space<semaphore_mem>>) src(%dma_wait3A_346 : memref<400x32xi32, #tpu.memory_space<hbm>>) dst(%arg14 : memref<128x32xi32, #tpu.memory_space<vmem>>)
    %scan3A_347 = arith.constant 0 : i32
    %scan3A_348 = arith.constant 64 : i32
    %scan3A_349 = arith.addi %scan3A_347, %scan3A_348 : i32
    %scan3A_350 = arith.constant 1 : i32
    scf.for %scan3A_465 = %scan3A_347 to %scan3A_349 step %scan3A_350  : i32 {
      %mul3A_466 = arith.constant 2 : i32
      %mul3A_467 = arith.muli %scan3A_465, %mul3A_466 : i32
      %add3A_468 = arith.constant 0 : i32
      %add3A_469 = arith.addi %add3A_468, %mul3A_467 : i32
      %add3A_470 = arith.constant 0 : i32
      %add3A_471 = arith.addi %add3A_469, %add3A_470 : i32
      %get3A = arith.index_cast %add3A_471 : i32 to index
      %get3A_472 = arith.constant 0 : index
      %get3A_473 = tpu.vector_load %arg12[%get3A, %get3A_472] {strides = array<i32>} : memref<128x32xi32, #tpu.memory_space<vmem>>, vector<16xi32>,
      %add3A_474 = arith.constant 0 : i32
      %add3A_475 = arith.addi %add3A_469, %add3A_474 : i32
      %get3A_476 = arith.index_cast %add3A_475 : i32 to index
      %get3A_477 = arith.constant 0 : index
      %get3A_478 = tpu.vector_load %arg14[%get3A_476, %get3A_477] {strides = array<i32>} : memref<128x32xi32, #tpu.memory_space<vmem>>, vector<16xi32>,
      %shift_left3A = arith.constant 16 : i32
      %shift_left3A_479 = vector.broadcast %shift_left3A : i32 to vector<16xi32>
      %shift_left3A_480 = arith.shli %get3A_473, %shift_left3A_479 : vector<16xi32>
      %bitcast3A = vector.bitcast %shift_left3A_480 : vector<16xi32> to vector<16xf32>
      %and3A = arith.constant -65536 : i32
      %and3A_481 = vector.broadcast %and3A : i32 to vector<16xi32>
      %and3A_482 = arith.andi %get3A_473, %and3A_481 : vector<16xi32>
      %bitcast3A_483 = vector.bitcast %and3A_482 : vector<16xi32> to vector<16xf32>
      %shift_left3A_484 = arith.constant 16 : i32
      %shift_left3A_485 = vector.broadcast %shift_left3A_484 : i32 to vector<16xi32>
      %shift_left3A_486 = arith.shli %get3A_478, %shift_left3A_485 : vector<16xi32>
      %bitcast3A_487 = vector.bitcast %shift_left3A_486 : vector<16xi32> to vector<16xf32>
      %and3A_488 = arith.constant -65536 : i32
      %and3A_489 = vector.broadcast %and3A_488 : i32 to vector<16xi32>
      %and3A_490 = arith.andi %get3A_478, %and3A_489 : vector<16xi32>
      %bitcast3A_491 = vector.bitcast %and3A_490 : vector<16xi32> to vector<16xf32>
      %mul3A_492 = arith.mulf %bitcast3A, %bitcast3A_487 : vector<16xf32>
      %add3A_493 = arith.constant 0 : i32
      %add3A_494 = arith.addi %add3A_469, %add3A_493 : i32
      %swap3A = arith.index_cast %add3A_494 : i32 to index
      %swap3A_495 = arith.constant 0 : index
      %swap3A_496 = tpu.vector_load %arg16[%swap3A, %swap3A_495] {strides = array<i32>} : memref<128x64xf32, #tpu.memory_space<vmem>>, vector<16xf32>,
      tpu.vector_store %arg16[%swap3A, %swap3A_495], %mul3A_492 {strides = array<i32>} : memref<128x64xf32, #tpu.memory_space<vmem>>, vector<16xf32>,
      %mul3A_497 = arith.mulf %bitcast3A_483, %bitcast3A_491 : vector<16xf32>
      %add3A_498 = arith.constant 0 : i32
      %add3A_499 = arith.addi %add3A_469, %add3A_498 : i32
      %swap3A_500 = arith.index_cast %add3A_499 : i32 to index
      %swap3A_501 = arith.constant 16 : index
      %swap3A_502 = tpu.vector_load %arg16[%swap3A_500, %swap3A_501] {strides = array<i32>} : memref<128x64xf32, #tpu.memory_space<vmem>>, vector<16xf32>,
      tpu.vector_store %arg16[%swap3A_500, %swap3A_501], %mul3A_497 {strides = array<i32>} : memref<128x64xf32, #tpu.memory_space<vmem>>, vector<16xf32>,
      %add3A_503 = arith.constant 0 : i32
      %add3A_504 = arith.addi %add3A_469, %add3A_503 : i32
      %get3A_505 = arith.index_cast %add3A_504 : i32 to index
      %get3A_506 = arith.constant 16 : index
      %get3A_507 = tpu.vector_load %arg12[%get3A_505, %get3A_506] {strides = array<i32>} : memref<128x32xi32, #tpu.memory_space<vmem>>, vector<16xi32>,
      %add3A_508 = arith.constant 0 : i32
      %add3A_509 = arith.addi %add3A_469, %add3A_508 : i32
      %get3A_510 = arith.index_cast %add3A_509 : i32 to index
      %get3A_511 = arith.constant 16 : index
      %get3A_512 = tpu.vector_load %arg14[%get3A_510, %get3A_511] {strides = array<i32>} : memref<128x32xi32, #tpu.memory_space<vmem>>, vector<16xi32>,
      %shift_left3A_513 = arith.constant 16 : i32
      %shift_left3A_514 = vector.broadcast %shift_left3A_513 : i32 to vector<16xi32>
      %shift_left3A_515 = arith.shli %get3A_507, %shift_left3A_514 : vector<16xi32>
      %bitcast3A_516 = vector.bitcast %shift_left3A_515 : vector<16xi32> to vector<16xf32>
      %and3A_517 = arith.constant -65536 : i32
      %and3A_518 = vector.broadcast %and3A_517 : i32 to vector<16xi32>
      %and3A_519 = arith.andi %get3A_507, %and3A_518 : vector<16xi32>
      %bitcast3A_520 = vector.bitcast %and3A_519 : vector<16xi32> to vector<16xf32>
      %shift_left3A_521 = arith.constant 16 : i32
      %shift_left3A_522 = vector.broadcast %shift_left3A_521 : i32 to vector<16xi32>
      %shift_left3A_523 = arith.shli %get3A_512, %shift_left3A_522 : vector<16xi32>
      %bitcast3A_524 = vector.bitcast %shift_left3A_523 : vector<16xi32> to vector<16xf32>
      %and3A_525 = arith.constant -65536 : i32
      %and3A_526 = vector.broadcast %and3A_525 : i32 to vector<16xi32>
      %and3A_527 = arith.andi %get3A_512, %and3A_526 : vector<16xi32>
      %bitcast3A_528 = vector.bitcast %and3A_527 : vector<16xi32> to vector<16xf32>
      %mul3A_529 = arith.mulf %bitcast3A_516, %bitcast3A_524 : vector<16xf32>
      %add3A_530 = arith.constant 0 : i32
      %add3A_531 = arith.addi %add3A_469, %add3A_530 : i32
      %swap3A_532 = arith.index_cast %add3A_531 : i32 to index
      %swap3A_533 = arith.constant 32 : index
      %swap3A_534 = tpu.vector_load %arg16[%swap3A_532, %swap3A_533] {strides = array<i32>} : memref<128x64xf32, #tpu.memory_space<vmem>>, vector<16xf32>,
      tpu.vector_store %arg16[%swap3A_532, %swap3A_533], %mul3A_529 {strides = array<i32>} : memref<128x64xf32, #tpu.memory_space<vmem>>, vector<16xf32>,
      %mul3A_535 = arith.mulf %bitcast3A_520, %bitcast3A_528 : vector<16xf32>
      %add3A_536 = arith.constant 0 : i32
      %add3A_537 = arith.addi %add3A_469, %add3A_536 : i32
      %swap3A_538 = arith.index_cast %add3A_537 : i32 to index
      %swap3A_539 = arith.constant 48 : index
      %swap3A_540 = tpu.vector_load %arg16[%swap3A_538, %swap3A_539] {strides = array<i32>} : memref<128x64xf32, #tpu.memory_space<vmem>>, vector<16xf32>,
      tpu.vector_store %arg16[%swap3A_538, %swap3A_539], %mul3A_535 {strides = array<i32>} : memref<128x64xf32, #tpu.memory_space<vmem>>, vector<16xf32>,
      %add3A_541 = arith.constant 1 : i32
      %add3A_542 = arith.addi %add3A_469, %add3A_541 : i32
      %get3A_543 = arith.index_cast %add3A_542 : i32 to index
      %get3A_544 = arith.constant 0 : index
      %get3A_545 = tpu.vector_load %arg12[%get3A_543, %get3A_544] {strides = array<i32>} : memref<128x32xi32, #tpu.memory_space<vmem>>, vector<16xi32>,
      %add3A_546 = arith.constant 1 : i32
      %add3A_547 = arith.addi %add3A_469, %add3A_546 : i32
      %get3A_548 = arith.index_cast %add3A_547 : i32 to index
      %get3A_549 = arith.constant 0 : index
      %get3A_550 = tpu.vector_load %arg14[%get3A_548, %get3A_549] {strides = array<i32>} : memref<128x32xi32, #tpu.memory_space<vmem>>, vector<16xi32>,
      %shift_left3A_551 = arith.constant 16 : i32
      %shift_left3A_552 = vector.broadcast %shift_left3A_551 : i32 to vector<16xi32>
      %shift_left3A_553 = arith.shli %get3A_545, %shift_left3A_552 : vector<16xi32>
      %bitcast3A_554 = vector.bitcast %shift_left3A_553 : vector<16xi32> to vector<16xf32>
      %and3A_555 = arith.constant -65536 : i32
      %and3A_556 = vector.broadcast %and3A_555 : i32 to vector<16xi32>
      %and3A_557 = arith.andi %get3A_545, %and3A_556 : vector<16xi32>
      %bitcast3A_558 = vector.bitcast %and3A_557 : vector<16xi32> to vector<16xf32>
      %shift_left3A_559 = arith.constant 16 : i32
      %shift_left3A_560 = vector.broadcast %shift_left3A_559 : i32 to vector<16xi32>
      %shift_left3A_561 = arith.shli %get3A_550, %shift_left3A_560 : vector<16xi32>
      %bitcast3A_562 = vector.bitcast %shift_left3A_561 : vector<16xi32> to vector<16xf32>
      %and3A_563 = arith.constant -65536 : i32
      %and3A_564 = vector.broadcast %and3A_563 : i32 to vector<16xi32>
      %and3A_565 = arith.andi %get3A_550, %and3A_564 : vector<16xi32>
      %bitcast3A_566 = vector.bitcast %and3A_565 : vector<16xi32> to vector<16xf32>
      %mul3A_567 = arith.mulf %bitcast3A_554, %bitcast3A_562 : vector<16xf32>
      %add3A_568 = arith.constant 1 : i32
      %add3A_569 = arith.addi %add3A_469, %add3A_568 : i32
      %swap3A_570 = arith.index_cast %add3A_569 : i32 to index
      %swap3A_571 = arith.constant 0 : index
      %swap3A_572 = tpu.vector_load %arg16[%swap3A_570, %swap3A_571] {strides = array<i32>} : memref<128x64xf32, #tpu.memory_space<vmem>>, vector<16xf32>,
      tpu.vector_store %arg16[%swap3A_570, %swap3A_571], %mul3A_567 {strides = array<i32>} : memref<128x64xf32, #tpu.memory_space<vmem>>, vector<16xf32>,
      %mul3A_573 = arith.mulf %bitcast3A_558, %bitcast3A_566 : vector<16xf32>
      %add3A_574 = arith.constant 1 : i32
      %add3A_575 = arith.addi %add3A_469, %add3A_574 : i32
      %swap3A_576 = arith.index_cast %add3A_575 : i32 to index
      %swap3A_577 = arith.constant 16 : index
      %swap3A_578 = tpu.vector_load %arg16[%swap3A_576, %swap3A_577] {strides = array<i32>} : memref<128x64xf32, #tpu.memory_space<vmem>>, vector<16xf32>,
      tpu.vector_store %arg16[%swap3A_576, %swap3A_577], %mul3A_573 {strides = array<i32>} : memref<128x64xf32, #tpu.memory_space<vmem>>, vector<16xf32>,
      %add3A_579 = arith.constant 1 : i32
      %add3A_580 = arith.addi %add3A_469, %add3A_579 : i32
      %get3A_581 = arith.index_cast %add3A_580 : i32 to index
      %get3A_582 = arith.constant 16 : index
      %get3A_583 = tpu.vector_load %arg12[%get3A_581, %get3A_582] {strides = array<i32>} : memref<128x32xi32, #tpu.memory_space<vmem>>, vector<16xi32>,
      %add3A_584 = arith.constant 1 : i32
      %add3A_585 = arith.addi %add3A_469, %add3A_584 : i32
      %get3A_586 = arith.index_cast %add3A_585 : i32 to index
      %get3A_587 = arith.constant 16 : index
      %get3A_588 = tpu.vector_load %arg14[%get3A_586, %get3A_587] {strides = array<i32>} : memref<128x32xi32, #tpu.memory_space<vmem>>, vector<16xi32>,
      %shift_left3A_589 = arith.constant 16 : i32
      %shift_left3A_590 = vector.broadcast %shift_left3A_589 : i32 to vector<16xi32>
      %shift_left3A_591 = arith.shli %get3A_583, %shift_left3A_590 : vector<16xi32>
      %bitcast3A_592 = vector.bitcast %shift_left3A_591 : vector<16xi32> to vector<16xf32>
      %and3A_593 = arith.constant -65536 : i32
      %and3A_594 = vector.broadcast %and3A_593 : i32 to vector<16xi32>
      %and3A_595 = arith.andi %get3A_583, %and3A_594 : vector<16xi32>
      %bitcast3A_596 = vector.bitcast %and3A_595 : vector<16xi32> to vector<16xf32>
      %shift_left3A_597 = arith.constant 16 : i32
      %shift_left3A_598 = vector.broadcast %shift_left3A_597 : i32 to vector<16xi32>
      %shift_left3A_599 = arith.shli %get3A_588, %shift_left3A_598 : vector<16xi32>
      %bitcast3A_600 = vector.bitcast %shift_left3A_599 : vector<16xi32> to vector<16xf32>
      %and3A_601 = arith.constant -65536 : i32
      %and3A_602 = vector.broadcast %and3A_601 : i32 to vector<16xi32>
      %and3A_603 = arith.andi %get3A_588, %and3A_602 : vector<16xi32>
      %bitcast3A_604 = vector.bitcast %and3A_603 : vector<16xi32> to vector<16xf32>
      %mul3A_605 = arith.mulf %bitcast3A_592, %bitcast3A_600 : vector<16xf32>
      %add3A_606 = arith.constant 1 : i32
      %add3A_607 = arith.addi %add3A_469, %add3A_606 : i32
      %swap3A_608 = arith.index_cast %add3A_607 : i32 to index
      %swap3A_609 = arith.constant 32 : index
      %swap3A_610 = tpu.vector_load %arg16[%swap3A_608, %swap3A_609] {strides = array<i32>} : memref<128x64xf32, #tpu.memory_space<vmem>>, vector<16xf32>,
      tpu.vector_store %arg16[%swap3A_608, %swap3A_609], %mul3A_605 {strides = array<i32>} : memref<128x64xf32, #tpu.memory_space<vmem>>, vector<16xf32>,
      %mul3A_611 = arith.mulf %bitcast3A_596, %bitcast3A_604 : vector<16xf32>
      %add3A_612 = arith.constant 1 : i32
      %add3A_613 = arith.addi %add3A_469, %add3A_612 : i32
      %swap3A_614 = arith.index_cast %add3A_613 : i32 to index
      %swap3A_615 = arith.constant 48 : index
      %swap3A_616 = tpu.vector_load %arg16[%swap3A_614, %swap3A_615] {strides = array<i32>} : memref<128x64xf32, #tpu.memory_space<vmem>>, vector<16xf32>,
      tpu.vector_store %arg16[%swap3A_614, %swap3A_615], %mul3A_611 {strides = array<i32>} : memref<128x64xf32, #tpu.memory_space<vmem>>, vector<16xf32>,
    }
    %scan3A_351 = arith.constant 64 : i32
    %dma_start3A_352 = arith.constant 1 : i32
    %dma_start3A_353 = arith.constant 0 : i32
    %dma_start3A_354 = tpu.memref_slice %arg9[%dma_start3A_352, %dma_start3A_353] : memref<80x128xi32, #tpu.memory_space<vmem>> -> memref<1x128xi32, #tpu.memory_space<vmem>>
    %dma_start3A_355 = tpu.memref_squeeze %dma_start3A_354 : memref<1x128xi32, #tpu.memory_space<vmem>> -> memref<128xi32, #tpu.memory_space<vmem>>
    %dma_start3A_356 = arith.constant 0 : i32
    %dma_start3A_357 = arith.constant 0 : i32
    %dma_start3A_358 = tpu.memref_slice %arg17[%dma_start3A_356, %dma_start3A_357] : memref<10240x64xf32, #tpu.memory_space<vmem_shared>> -> memref<10240x64xf32, #tpu.memory_space<vmem_shared>>
    tpu.enqueue_indirect_dma source(%arg16 : memref<128x64xf32, #tpu.memory_space<vmem>>) target(%dma_start3A_358 : memref<10240x64xf32, #tpu.memory_space<vmem_shared>>) offsets(%dma_start3A_355 : memref<128xi32, #tpu.memory_space<vmem>>) semaphore(%arg22 : memref<!tpu.dma_semaphore, #tpu.memory_space<semaphore_mem>>) {add = true}
    %scan3A_359 = arith.constant 0 : i32
    %scan3A_360 = arith.constant 38 : i32
    %scan3A_361 = arith.addi %scan3A_359, %scan3A_360 : i32
    %scan3A_362 = arith.constant 1 : i32
    scf.for %scan3A_465 = %scan3A_359 to %scan3A_361 step %scan3A_362  : i32 {
      %mul3A_466 = arith.constant 2 : i32
      %mul3A_467 = arith.muli %scan3A_465, %mul3A_466 : i32
      %add3A_468 = arith.constant 2 : i32
      %add3A_469 = arith.addi %add3A_468, %mul3A_467 : i32
      %add3A_470 = arith.constant 0 : i32
      %add3A_471 = arith.addi %add3A_469, %add3A_470 : i32
      %add3A_472 = arith.constant 1 : i32
      %add3A_473 = arith.addi %add3A_471, %add3A_472 : i32
      %dma_start3A_474 = arith.constant 0 : i32
      %dma_start3A_475 = tpu.memref_slice %arg8[%add3A_473, %dma_start3A_474] : memref<80x128xi32, #tpu.memory_space<vmem>> -> memref<1x128xi32, #tpu.memory_space<vmem>>
      %dma_start3A_476 = tpu.memref_squeeze %dma_start3A_475 : memref<1x128xi32, #tpu.memory_space<vmem>> -> memref<128xi32, #tpu.memory_space<vmem>>
      %dma_start3A_477 = arith.constant 0 : i32
      %dma_start3A_478 = arith.constant 0 : i32
      %dma_start3A_479 = tpu.memref_slice %arg2[%dma_start3A_477, %dma_start3A_478] : memref<20000x32xi32, #tpu.memory_space<hbm>> -> memref<20000x32xi32, #tpu.memory_space<hbm>>
      tpu.enqueue_indirect_dma source(%dma_start3A_479 : memref<20000x32xi32, #tpu.memory_space<hbm>>) target(%arg12 : memref<128x32xi32, #tpu.memory_space<vmem>>) offsets(%dma_start3A_476 : memref<128xi32, #tpu.memory_space<vmem>>) semaphore(%arg20 : memref<!tpu.dma_semaphore, #tpu.memory_space<semaphore_mem>>)
      %dma_start3A_480 = arith.constant 0 : i32
      %dma_start3A_481 = tpu.memref_slice %arg10[%add3A_473, %dma_start3A_480] : memref<80x128xi32, #tpu.memory_space<vmem>> -> memref<1x128xi32, #tpu.memory_space<vmem>>
      %dma_start3A_482 = tpu.memref_squeeze %dma_start3A_481 : memref<1x128xi32, #tpu.memory_space<vmem>> -> memref<128xi32, #tpu.memory_space<vmem>>
      %dma_start3A_483 = arith.constant 0 : i32
      %dma_start3A_484 = arith.constant 0 : i32
      %dma_start3A_485 = tpu.memref_slice %arg3[%dma_start3A_483, %dma_start3A_484] : memref<400x32xi32, #tpu.memory_space<hbm>> -> memref<400x32xi32, #tpu.memory_space<hbm>>
      tpu.enqueue_indirect_dma source(%dma_start3A_485 : memref<400x32xi32, #tpu.memory_space<hbm>>) target(%arg14 : memref<128x32xi32, #tpu.memory_space<vmem>>) offsets(%dma_start3A_482 : memref<128xi32, #tpu.memory_space<vmem>>) semaphore(%arg20 : memref<!tpu.dma_semaphore, #tpu.memory_space<semaphore_mem>>)
      %dma_wait3A_486 = arith.constant 0 : i32
      %dma_wait3A_487 = arith.constant 0 : i32
      %dma_wait3A_488 = tpu.memref_slice %arg8[%dma_wait3A_486, %dma_wait3A_487] : memref<80x128xi32, #tpu.memory_space<vmem>> -> memref<1x128xi32, #tpu.memory_space<vmem>>
      %dma_wait3A_489 = tpu.memref_squeeze %dma_wait3A_488 : memref<1x128xi32, #tpu.memory_space<vmem>> -> memref<128xi32, #tpu.memory_space<vmem>>
      %dma_wait3A_490 = arith.constant 0 : i32
      %dma_wait3A_491 = arith.constant 0 : i32
      %dma_wait3A_492 = tpu.memref_slice %arg2[%dma_wait3A_490, %dma_wait3A_491] : memref<20000x32xi32, #tpu.memory_space<hbm>> -> memref<20000x32xi32, #tpu.memory_space<hbm>>
      tpu.wait_indirect_dma semaphore(%arg19 : memref<!tpu.dma_semaphore, #tpu.memory_space<semaphore_mem>>) src(%dma_wait3A_492 : memref<20000x32xi32, #tpu.memory_space<hbm>>) dst(%arg11 : memref<128x32xi32, #tpu.memory_space<vmem>>)
      %dma_wait3A_493 = arith.constant 0 : i32
      %dma_wait3A_494 = arith.constant 0 : i32
      %dma_wait3A_495 = tpu.memref_slice %arg10[%dma_wait3A_493, %dma_wait3A_494] : memref<80x128xi32, #tpu.memory_space<vmem>> -> memref<1x128xi32, #tpu.memory_space<vmem>>
      %dma_wait3A_496 = tpu.memref_squeeze %dma_wait3A_495 : memref<1x128xi32, #tpu.memory_space<vmem>> -> memref<128xi32, #tpu.memory_space<vmem>>
      %dma_wait3A_497 = arith.constant 0 : i32
      %dma_wait3A_498 = arith.constant 0 : i32
      %dma_wait3A_499 = tpu.memref_slice %arg3[%dma_wait3A_497, %dma_wait3A_498] : memref<400x32xi32, #tpu.memory_space<hbm>> -> memref<400x32xi32, #tpu.memory_space<hbm>>
      tpu.wait_indirect_dma semaphore(%arg19 : memref<!tpu.dma_semaphore, #tpu.memory_space<semaphore_mem>>) src(%dma_wait3A_499 : memref<400x32xi32, #tpu.memory_space<hbm>>) dst(%arg13 : memref<128x32xi32, #tpu.memory_space<vmem>>)
      %dma_wait3A_500 = arith.constant 0 : i32
      %dma_wait3A_501 = arith.constant 0 : i32
      %dma_wait3A_502 = tpu.memref_slice %arg9[%dma_wait3A_500, %dma_wait3A_501] : memref<80x128xi32, #tpu.memory_space<vmem>> -> memref<1x128xi32, #tpu.memory_space<vmem>>
      %dma_wait3A_503 = tpu.memref_squeeze %dma_wait3A_502 : memref<1x128xi32, #tpu.memory_space<vmem>> -> memref<128xi32, #tpu.memory_space<vmem>>
      %dma_wait3A_504 = arith.constant 0 : i32
      %dma_wait3A_505 = arith.constant 0 : i32
      %dma_wait3A_506 = tpu.memref_slice %arg17[%dma_wait3A_504, %dma_wait3A_505] : memref<10240x64xf32, #tpu.memory_space<vmem_shared>> -> memref<10240x64xf32, #tpu.memory_space<vmem_shared>>
      tpu.wait_indirect_dma semaphore(%arg21 : memref<!tpu.dma_semaphore, #tpu.memory_space<semaphore_mem>>) src(%arg15 : memref<128x64xf32, #tpu.memory_space<vmem>>) dst(%dma_wait3A_506 : memref<10240x64xf32, #tpu.memory_space<vmem_shared>>)
      %scan3A_507 = arith.constant 0 : i32
      %scan3A_508 = arith.constant 64 : i32
      %scan3A_509 = arith.addi %scan3A_507, %scan3A_508 : i32
      %scan3A_510 = arith.constant 1 : i32
      scf.for %scan3A_566 = %scan3A_507 to %scan3A_509 step %scan3A_510  : i32 {
        %mul3A_567 = arith.constant 2 : i32
        %mul3A_568 = arith.muli %scan3A_566, %mul3A_567 : i32
        %add3A_569 = arith.constant 0 : i32
        %add3A_570 = arith.addi %add3A_569, %mul3A_568 : i32
        %add3A_571 = arith.constant 0 : i32
        %add3A_572 = arith.addi %add3A_570, %add3A_571 : i32
        %get3A = arith.index_cast %add3A_572 : i32 to index
        %get3A_573 = arith.constant 0 : index
        %get3A_574 = tpu.vector_load %arg11[%get3A, %get3A_573] {strides = array<i32>} : memref<128x32xi32, #tpu.memory_space<vmem>>, vector<16xi32>,
        %add3A_575 = arith.constant 0 : i32
        %add3A_576 = arith.addi %add3A_570, %add3A_575 : i32
        %get3A_577 = arith.index_cast %add3A_576 : i32 to index
        %get3A_578 = arith.constant 0 : index
        %get3A_579 = tpu.vector_load %arg13[%get3A_577, %get3A_578] {strides = array<i32>} : memref<128x32xi32, #tpu.memory_space<vmem>>, vector<16xi32>,
        %shift_left3A = arith.constant 16 : i32
        %shift_left3A_580 = vector.broadcast %shift_left3A : i32 to vector<16xi32>
        %shift_left3A_581 = arith.shli %get3A_574, %shift_left3A_580 : vector<16xi32>
        %bitcast3A = vector.bitcast %shift_left3A_581 : vector<16xi32> to vector<16xf32>
        %and3A = arith.constant -65536 : i32
        %and3A_582 = vector.broadcast %and3A : i32 to vector<16xi32>
        %and3A_583 = arith.andi %get3A_574, %and3A_582 : vector<16xi32>
        %bitcast3A_584 = vector.bitcast %and3A_583 : vector<16xi32> to vector<16xf32>
        %shift_left3A_585 = arith.constant 16 : i32
        %shift_left3A_586 = vector.broadcast %shift_left3A_585 : i32 to vector<16xi32>
        %shift_left3A_587 = arith.shli %get3A_579, %shift_left3A_586 : vector<16xi32>
        %bitcast3A_588 = vector.bitcast %shift_left3A_587 : vector<16xi32> to vector<16xf32>
        %and3A_589 = arith.constant -65536 : i32
        %and3A_590 = vector.broadcast %and3A_589 : i32 to vector<16xi32>
        %and3A_591 = arith.andi %get3A_579, %and3A_590 : vector<16xi32>
        %bitcast3A_592 = vector.bitcast %and3A_591 : vector<16xi32> to vector<16xf32>
        %mul3A_593 = arith.mulf %bitcast3A, %bitcast3A_588 : vector<16xf32>
        %add3A_594 = arith.constant 0 : i32
        %add3A_595 = arith.addi %add3A_570, %add3A_594 : i32
        %swap3A = arith.index_cast %add3A_595 : i32 to index
        %swap3A_596 = arith.constant 0 : index
        %swap3A_597 = tpu.vector_load %arg15[%swap3A, %swap3A_596] {strides = array<i32>} : memref<128x64xf32, #tpu.memory_space<vmem>>, vector<16xf32>,
        tpu.vector_store %arg15[%swap3A, %swap3A_596], %mul3A_593 {strides = array<i32>} : memref<128x64xf32, #tpu.memory_space<vmem>>, vector<16xf32>,
        %mul3A_598 = arith.mulf %bitcast3A_584, %bitcast3A_592 : vector<16xf32>
        %add3A_599 = arith.constant 0 : i32
        %add3A_600 = arith.addi %add3A_570, %add3A_599 : i32
        %swap3A_601 = arith.index_cast %add3A_600 : i32 to index
        %swap3A_602 = arith.constant 16 : index
        %swap3A_603 = tpu.vector_load %arg15[%swap3A_601, %swap3A_602] {strides = array<i32>} : memref<128x64xf32, #tpu.memory_space<vmem>>, vector<16xf32>,
        tpu.vector_store %arg15[%swap3A_601, %swap3A_602], %mul3A_598 {strides = array<i32>} : memref<128x64xf32, #tpu.memory_space<vmem>>, vector<16xf32>,
        %add3A_604 = arith.constant 0 : i32
        %add3A_605 = arith.addi %add3A_570, %add3A_604 : i32
        %get3A_606 = arith.index_cast %add3A_605 : i32 to index
        %get3A_607 = arith.constant 16 : index
        %get3A_608 = tpu.vector_load %arg11[%get3A_606, %get3A_607] {strides = array<i32>} : memref<128x32xi32, #tpu.memory_space<vmem>>, vector<16xi32>,
        %add3A_609 = arith.constant 0 : i32
        %add3A_610 = arith.addi %add3A_570, %add3A_609 : i32
        %get3A_611 = arith.index_cast %add3A_610 : i32 to index
        %get3A_612 = arith.constant 16 : index
        %get3A_613 = tpu.vector_load %arg13[%get3A_611, %get3A_612] {strides = array<i32>} : memref<128x32xi32, #tpu.memory_space<vmem>>, vector<16xi32>,
        %shift_left3A_614 = arith.constant 16 : i32
        %shift_left3A_615 = vector.broadcast %shift_left3A_614 : i32 to vector<16xi32>
        %shift_left3A_616 = arith.shli %get3A_608, %shift_left3A_615 : vector<16xi32>
        %bitcast3A_617 = vector.bitcast %shift_left3A_616 : vector<16xi32> to vector<16xf32>
        %and3A_618 = arith.constant -65536 : i32
        %and3A_619 = vector.broadcast %and3A_618 : i32 to vector<16xi32>
        %and3A_620 = arith.andi %get3A_608, %and3A_619 : vector<16xi32>
        %bitcast3A_621 = vector.bitcast %and3A_620 : vector<16xi32> to vector<16xf32>
        %shift_left3A_622 = arith.constant 16 : i32
        %shift_left3A_623 = vector.broadcast %shift_left3A_622 : i32 to vector<16xi32>
        %shift_left3A_624 = arith.shli %get3A_613, %shift_left3A_623 : vector<16xi32>
        %bitcast3A_625 = vector.bitcast %shift_left3A_624 : vector<16xi32> to vector<16xf32>
        %and3A_626 = arith.constant -65536 : i32
        %and3A_627 = vector.broadcast %and3A_626 : i32 to vector<16xi32>
        %and3A_628 = arith.andi %get3A_613, %and3A_627 : vector<16xi32>
        %bitcast3A_629 = vector.bitcast %and3A_628 : vector<16xi32> to vector<16xf32>
        %mul3A_630 = arith.mulf %bitcast3A_617, %bitcast3A_625 : vector<16xf32>
        %add3A_631 = arith.constant 0 : i32
        %add3A_632 = arith.addi %add3A_570, %add3A_631 : i32
        %swap3A_633 = arith.index_cast %add3A_632 : i32 to index
        %swap3A_634 = arith.constant 32 : index
        %swap3A_635 = tpu.vector_load %arg15[%swap3A_633, %swap3A_634] {strides = array<i32>} : memref<128x64xf32, #tpu.memory_space<vmem>>, vector<16xf32>,
        tpu.vector_store %arg15[%swap3A_633, %swap3A_634], %mul3A_630 {strides = array<i32>} : memref<128x64xf32, #tpu.memory_space<vmem>>, vector<16xf32>,
        %mul3A_636 = arith.mulf %bitcast3A_621, %bitcast3A_629 : vector<16xf32>
        %add3A_637 = arith.constant 0 : i32
        %add3A_638 = arith.addi %add3A_570, %add3A_637 : i32
        %swap3A_639 = arith.index_cast %add3A_638 : i32 to index
        %swap3A_640 = arith.constant 48 : index
        %swap3A_641 = tpu.vector_load %arg15[%swap3A_639, %swap3A_640] {strides = array<i32>} : memref<128x64xf32, #tpu.memory_space<vmem>>, vector<16xf32>,
        tpu.vector_store %arg15[%swap3A_639, %swap3A_640], %mul3A_636 {strides = array<i32>} : memref<128x64xf32, #tpu.memory_space<vmem>>, vector<16xf32>,
        %add3A_642 = arith.constant 1 : i32
        %add3A_643 = arith.addi %add3A_570, %add3A_642 : i32
        %get3A_644 = arith.index_cast %add3A_643 : i32 to index
        %get3A_645 = arith.constant 0 : index
        %get3A_646 = tpu.vector_load %arg11[%get3A_644, %get3A_645] {strides = array<i32>} : memref<128x32xi32, #tpu.memory_space<vmem>>, vector<16xi32>,
        %add3A_647 = arith.constant 1 : i32
        %add3A_648 = arith.addi %add3A_570, %add3A_647 : i32
        %get3A_649 = arith.index_cast %add3A_648 : i32 to index
        %get3A_650 = arith.constant 0 : index
        %get3A_651 = tpu.vector_load %arg13[%get3A_649, %get3A_650] {strides = array<i32>} : memref<128x32xi32, #tpu.memory_space<vmem>>, vector<16xi32>,
        %shift_left3A_652 = arith.constant 16 : i32
        %shift_left3A_653 = vector.broadcast %shift_left3A_652 : i32 to vector<16xi32>
        %shift_left3A_654 = arith.shli %get3A_646, %shift_left3A_653 : vector<16xi32>
        %bitcast3A_655 = vector.bitcast %shift_left3A_654 : vector<16xi32> to vector<16xf32>
        %and3A_656 = arith.constant -65536 : i32
        %and3A_657 = vector.broadcast %and3A_656 : i32 to vector<16xi32>
        %and3A_658 = arith.andi %get3A_646, %and3A_657 : vector<16xi32>
        %bitcast3A_659 = vector.bitcast %and3A_658 : vector<16xi32> to vector<16xf32>
        %shift_left3A_660 = arith.constant 16 : i32
        %shift_left3A_661 = vector.broadcast %shift_left3A_660 : i32 to vector<16xi32>
        %shift_left3A_662 = arith.shli %get3A_651, %shift_left3A_661 : vector<16xi32>
        %bitcast3A_663 = vector.bitcast %shift_left3A_662 : vector<16xi32> to vector<16xf32>
        %and3A_664 = arith.constant -65536 : i32
        %and3A_665 = vector.broadcast %and3A_664 : i32 to vector<16xi32>
        %and3A_666 = arith.andi %get3A_651, %and3A_665 : vector<16xi32>
        %bitcast3A_667 = vector.bitcast %and3A_666 : vector<16xi32> to vector<16xf32>
        %mul3A_668 = arith.mulf %bitcast3A_655, %bitcast3A_663 : vector<16xf32>
        %add3A_669 = arith.constant 1 : i32
        %add3A_670 = arith.addi %add3A_570, %add3A_669 : i32
        %swap3A_671 = arith.index_cast %add3A_670 : i32 to index
        %swap3A_672 = arith.constant 0 : index
        %swap3A_673 = tpu.vector_load %arg15[%swap3A_671, %swap3A_672] {strides = array<i32>} : memref<128x64xf32, #tpu.memory_space<vmem>>, vector<16xf32>,
        tpu.vector_store %arg15[%swap3A_671, %swap3A_672], %mul3A_668 {strides = array<i32>} : memref<128x64xf32, #tpu.memory_space<vmem>>, vector<16xf32>,
        %mul3A_674 = arith.mulf %bitcast3A_659, %bitcast3A_667 : vector<16xf32>
        %add3A_675 = arith.constant 1 : i32
        %add3A_676 = arith.addi %add3A_570, %add3A_675 : i32
        %swap3A_677 = arith.index_cast %add3A_676 : i32 to index
        %swap3A_678 = arith.constant 16 : index
        %swap3A_679 = tpu.vector_load %arg15[%swap3A_677, %swap3A_678] {strides = array<i32>} : memref<128x64xf32, #tpu.memory_space<vmem>>, vector<16xf32>,
        tpu.vector_store %arg15[%swap3A_677, %swap3A_678], %mul3A_674 {strides = array<i32>} : memref<128x64xf32, #tpu.memory_space<vmem>>, vector<16xf32>,
        %add3A_680 = arith.constant 1 : i32
        %add3A_681 = arith.addi %add3A_570, %add3A_680 : i32
        %get3A_682 = arith.index_cast %add3A_681 : i32 to index
        %get3A_683 = arith.constant 16 : index
        %get3A_684 = tpu.vector_load %arg11[%get3A_682, %get3A_683] {strides = array<i32>} : memref<128x32xi32, #tpu.memory_space<vmem>>, vector<16xi32>,
        %add3A_685 = arith.constant 1 : i32
        %add3A_686 = arith.addi %add3A_570, %add3A_685 : i32
        %get3A_687 = arith.index_cast %add3A_686 : i32 to index
        %get3A_688 = arith.constant 16 : index
        %get3A_689 = tpu.vector_load %arg13[%get3A_687, %get3A_688] {strides = array<i32>} : memref<128x32xi32, #tpu.memory_space<vmem>>, vector<16xi32>,
        %shift_left3A_690 = arith.constant 16 : i32
        %shift_left3A_691 = vector.broadcast %shift_left3A_690 : i32 to vector<16xi32>
        %shift_left3A_692 = arith.shli %get3A_684, %shift_left3A_691 : vector<16xi32>
        %bitcast3A_693 = vector.bitcast %shift_left3A_692 : vector<16xi32> to vector<16xf32>
        %and3A_694 = arith.constant -65536 : i32
        %and3A_695 = vector.broadcast %and3A_694 : i32 to vector<16xi32>
        %and3A_696 = arith.andi %get3A_684, %and3A_695 : vector<16xi32>
        %bitcast3A_697 = vector.bitcast %and3A_696 : vector<16xi32> to vector<16xf32>
        %shift_left3A_698 = arith.constant 16 : i32
        %shift_left3A_699 = vector.broadcast %shift_left3A_698 : i32 to vector<16xi32>
        %shift_left3A_700 = arith.shli %get3A_689, %shift_left3A_699 : vector<16xi32>
        %bitcast3A_701 = vector.bitcast %shift_left3A_700 : vector<16xi32> to vector<16xf32>
        %and3A_702 = arith.constant -65536 : i32
        %and3A_703 = vector.broadcast %and3A_702 : i32 to vector<16xi32>
        %and3A_704 = arith.andi %get3A_689, %and3A_703 : vector<16xi32>
        %bitcast3A_705 = vector.bitcast %and3A_704 : vector<16xi32> to vector<16xf32>
        %mul3A_706 = arith.mulf %bitcast3A_693, %bitcast3A_701 : vector<16xf32>
        %add3A_707 = arith.constant 1 : i32
        %add3A_708 = arith.addi %add3A_570, %add3A_707 : i32
        %swap3A_709 = arith.index_cast %add3A_708 : i32 to index
        %swap3A_710 = arith.constant 32 : index
        %swap3A_711 = tpu.vector_load %arg15[%swap3A_709, %swap3A_710] {strides = array<i32>} : memref<128x64xf32, #tpu.memory_space<vmem>>, vector<16xf32>,
        tpu.vector_store %arg15[%swap3A_709, %swap3A_710], %mul3A_706 {strides = array<i32>} : memref<128x64xf32, #tpu.memory_space<vmem>>, vector<16xf32>,
        %mul3A_712 = arith.mulf %bitcast3A_697, %bitcast3A_705 : vector<16xf32>
        %add3A_713 = arith.constant 1 : i32
        %add3A_714 = arith.addi %add3A_570, %add3A_713 : i32
        %swap3A_715 = arith.index_cast %add3A_714 : i32 to index
        %swap3A_716 = arith.constant 48 : index
        %swap3A_717 = tpu.vector_load %arg15[%swap3A_715, %swap3A_716] {strides = array<i32>} : memref<128x64xf32, #tpu.memory_space<vmem>>, vector<16xf32>,
        tpu.vector_store %arg15[%swap3A_715, %swap3A_716], %mul3A_712 {strides = array<i32>} : memref<128x64xf32, #tpu.memory_space<vmem>>, vector<16xf32>,
      }
      %scan3A_511 = arith.constant 64 : i32
      %dma_start3A_512 = arith.constant 0 : i32
      %dma_start3A_513 = tpu.memref_slice %arg9[%add3A_471, %dma_start3A_512] : memref<80x128xi32, #tpu.memory_space<vmem>> -> memref<1x128xi32, #tpu.memory_space<vmem>>
      %dma_start3A_514 = tpu.memref_squeeze %dma_start3A_513 : memref<1x128xi32, #tpu.memory_space<vmem>> -> memref<128xi32, #tpu.memory_space<vmem>>
      %dma_start3A_515 = arith.constant 0 : i32
      %dma_start3A_516 = arith.constant 0 : i32
      %dma_start3A_517 = tpu.memref_slice %arg17[%dma_start3A_515, %dma_start3A_516] : memref<10240x64xf32, #tpu.memory_space<vmem_shared>> -> memref<10240x64xf32, #tpu.memory_space<vmem_shared>>
      tpu.enqueue_indirect_dma source(%arg15 : memref<128x64xf32, #tpu.memory_space<vmem>>) target(%dma_start3A_517 : memref<10240x64xf32, #tpu.memory_space<vmem_shared>>) offsets(%dma_start3A_514 : memref<128xi32, #tpu.memory_space<vmem>>) semaphore(%arg21 : memref<!tpu.dma_semaphore, #tpu.memory_space<semaphore_mem>>) {add = true}
      %add3A_518 = arith.constant 1 : i32
      %add3A_519 = arith.addi %add3A_469, %add3A_518 : i32
      %add3A_520 = arith.constant 1 : i32
      %add3A_521 = arith.addi %add3A_519, %add3A_520 : i32
      %dma_start3A_522 = arith.constant 0 : i32
      %dma_start3A_523 = tpu.memref_slice %arg8[%add3A_521, %dma_start3A_522] : memref<80x128xi32, #tpu.memory_space<vmem>> -> memref<1x128xi32, #tpu.memory_space<vmem>>
      %dma_start3A_524 = tpu.memref_squeeze %dma_start3A_523 : memref<1x128xi32, #tpu.memory_space<vmem>> -> memref<128xi32, #tpu.memory_space<vmem>>
      %dma_start3A_525 = arith.constant 0 : i32
      %dma_start3A_526 = arith.constant 0 : i32
      %dma_start3A_527 = tpu.memref_slice %arg2[%dma_start3A_525, %dma_start3A_526] : memref<20000x32xi32, #tpu.memory_space<hbm>> -> memref<20000x32xi32, #tpu.memory_space<hbm>>
      tpu.enqueue_indirect_dma source(%dma_start3A_527 : memref<20000x32xi32, #tpu.memory_space<hbm>>) target(%arg11 : memref<128x32xi32, #tpu.memory_space<vmem>>) offsets(%dma_start3A_524 : memref<128xi32, #tpu.memory_space<vmem>>) semaphore(%arg19 : memref<!tpu.dma_semaphore, #tpu.memory_space<semaphore_mem>>)
      %dma_start3A_528 = arith.constant 0 : i32
      %dma_start3A_529 = tpu.memref_slice %arg10[%add3A_521, %dma_start3A_528] : memref<80x128xi32, #tpu.memory_space<vmem>> -> memref<1x128xi32, #tpu.memory_space<vmem>>
      %dma_start3A_530 = tpu.memref_squeeze %dma_start3A_529 : memref<1x128xi32, #tpu.memory_space<vmem>> -> memref<128xi32, #tpu.memory_space<vmem>>
      %dma_start3A_531 = arith.constant 0 : i32
      %dma_start3A_532 = arith.constant 0 : i32
      %dma_start3A_533 = tpu.memref_slice %arg3[%dma_start3A_531, %dma_start3A_532] : memref<400x32xi32, #tpu.memory_space<hbm>> -> memref<400x32xi32, #tpu.memory_space<hbm>>
      tpu.enqueue_indirect_dma source(%dma_start3A_533 : memref<400x32xi32, #tpu.memory_space<hbm>>) target(%arg13 : memref<128x32xi32, #tpu.memory_space<vmem>>) offsets(%dma_start3A_530 : memref<128xi32, #tpu.memory_space<vmem>>) semaphore(%arg19 : memref<!tpu.dma_semaphore, #tpu.memory_space<semaphore_mem>>)
      %dma_wait3A_534 = arith.constant 0 : i32
      %dma_wait3A_535 = arith.constant 0 : i32
      %dma_wait3A_536 = tpu.memref_slice %arg8[%dma_wait3A_534, %dma_wait3A_535] : memref<80x128xi32, #tpu.memory_space<vmem>> -> memref<1x128xi32, #tpu.memory_space<vmem>>
      %dma_wait3A_537 = tpu.memref_squeeze %dma_wait3A_536 : memref<1x128xi32, #tpu.memory_space<vmem>> -> memref<128xi32, #tpu.memory_space<vmem>>
      %dma_wait3A_538 = arith.constant 0 : i32
      %dma_wait3A_539 = arith.constant 0 : i32
      %dma_wait3A_540 = tpu.memref_slice %arg2[%dma_wait3A_538, %dma_wait3A_539] : memref<20000x32xi32, #tpu.memory_space<hbm>> -> memref<20000x32xi32, #tpu.memory_space<hbm>>
      tpu.wait_indirect_dma semaphore(%arg20 : memref<!tpu.dma_semaphore, #tpu.memory_space<semaphore_mem>>) src(%dma_wait3A_540 : memref<20000x32xi32, #tpu.memory_space<hbm>>) dst(%arg12 : memref<128x32xi32, #tpu.memory_space<vmem>>)
      %dma_wait3A_541 = arith.constant 0 : i32
      %dma_wait3A_542 = arith.constant 0 : i32
      %dma_wait3A_543 = tpu.memref_slice %arg10[%dma_wait3A_541, %dma_wait3A_542] : memref<80x128xi32, #tpu.memory_space<vmem>> -> memref<1x128xi32, #tpu.memory_space<vmem>>
      %dma_wait3A_544 = tpu.memref_squeeze %dma_wait3A_543 : memref<1x128xi32, #tpu.memory_space<vmem>> -> memref<128xi32, #tpu.memory_space<vmem>>
      %dma_wait3A_545 = arith.constant 0 : i32
      %dma_wait3A_546 = arith.constant 0 : i32
      %dma_wait3A_547 = tpu.memref_slice %arg3[%dma_wait3A_545, %dma_wait3A_546] : memref<400x32xi32, #tpu.memory_space<hbm>> -> memref<400x32xi32, #tpu.memory_space<hbm>>
      tpu.wait_indirect_dma semaphore(%arg20 : memref<!tpu.dma_semaphore, #tpu.memory_space<semaphore_mem>>) src(%dma_wait3A_547 : memref<400x32xi32, #tpu.memory_space<hbm>>) dst(%arg14 : memref<128x32xi32, #tpu.memory_space<vmem>>)
      %dma_wait3A_548 = arith.constant 0 : i32
      %dma_wait3A_549 = arith.constant 0 : i32
      %dma_wait3A_550 = tpu.memref_slice %arg9[%dma_wait3A_548, %dma_wait3A_549] : memref<80x128xi32, #tpu.memory_space<vmem>> -> memref<1x128xi32, #tpu.memory_space<vmem>>
      %dma_wait3A_551 = tpu.memref_squeeze %dma_wait3A_550 : memref<1x128xi32, #tpu.memory_space<vmem>> -> memref<128xi32, #tpu.memory_space<vmem>>
      %dma_wait3A_552 = arith.constant 0 : i32
      %dma_wait3A_553 = arith.constant 0 : i32
      %dma_wait3A_554 = tpu.memref_slice %arg17[%dma_wait3A_552, %dma_wait3A_553] : memref<10240x64xf32, #tpu.memory_space<vmem_shared>> -> memref<10240x64xf32, #tpu.memory_space<vmem_shared>>
      tpu.wait_indirect_dma semaphore(%arg22 : memref<!tpu.dma_semaphore, #tpu.memory_space<semaphore_mem>>) src(%arg16 : memref<128x64xf32, #tpu.memory_space<vmem>>) dst(%dma_wait3A_554 : memref<10240x64xf32, #tpu.memory_space<vmem_shared>>)
      %scan3A_555 = arith.constant 0 : i32
      %scan3A_556 = arith.constant 64 : i32
      %scan3A_557 = arith.addi %scan3A_555, %scan3A_556 : i32
      %scan3A_558 = arith.constant 1 : i32
      scf.for %scan3A_566 = %scan3A_555 to %scan3A_557 step %scan3A_558  : i32 {
        %mul3A_567 = arith.constant 2 : i32
        %mul3A_568 = arith.muli %scan3A_566, %mul3A_567 : i32
        %add3A_569 = arith.constant 0 : i32
        %add3A_570 = arith.addi %add3A_569, %mul3A_568 : i32
        %add3A_571 = arith.constant 0 : i32
        %add3A_572 = arith.addi %add3A_570, %add3A_571 : i32
        %get3A = arith.index_cast %add3A_572 : i32 to index
        %get3A_573 = arith.constant 0 : index
        %get3A_574 = tpu.vector_load %arg12[%get3A, %get3A_573] {strides = array<i32>} : memref<128x32xi32, #tpu.memory_space<vmem>>, vector<16xi32>,
        %add3A_575 = arith.constant 0 : i32
        %add3A_576 = arith.addi %add3A_570, %add3A_575 : i32
        %get3A_577 = arith.index_cast %add3A_576 : i32 to index
        %get3A_578 = arith.constant 0 : index
        %get3A_579 = tpu.vector_load %arg14[%get3A_577, %get3A_578] {strides = array<i32>} : memref<128x32xi32, #tpu.memory_space<vmem>>, vector<16xi32>,
        %shift_left3A = arith.constant 16 : i32
        %shift_left3A_580 = vector.broadcast %shift_left3A : i32 to vector<16xi32>
        %shift_left3A_581 = arith.shli %get3A_574, %shift_left3A_580 : vector<16xi32>
        %bitcast3A = vector.bitcast %shift_left3A_581 : vector<16xi32> to vector<16xf32>
        %and3A = arith.constant -65536 : i32
        %and3A_582 = vector.broadcast %and3A : i32 to vector<16xi32>
        %and3A_583 = arith.andi %get3A_574, %and3A_582 : vector<16xi32>
        %bitcast3A_584 = vector.bitcast %and3A_583 : vector<16xi32> to vector<16xf32>
        %shift_left3A_585 = arith.constant 16 : i32
        %shift_left3A_586 = vector.broadcast %shift_left3A_585 : i32 to vector<16xi32>
        %shift_left3A_587 = arith.shli %get3A_579, %shift_left3A_586 : vector<16xi32>
        %bitcast3A_588 = vector.bitcast %shift_left3A_587 : vector<16xi32> to vector<16xf32>
        %and3A_589 = arith.constant -65536 : i32
        %and3A_590 = vector.broadcast %and3A_589 : i32 to vector<16xi32>
        %and3A_591 = arith.andi %get3A_579, %and3A_590 : vector<16xi32>
        %bitcast3A_592 = vector.bitcast %and3A_591 : vector<16xi32> to vector<16xf32>
        %mul3A_593 = arith.mulf %bitcast3A, %bitcast3A_588 : vector<16xf32>
        %add3A_594 = arith.constant 0 : i32
        %add3A_595 = arith.addi %add3A_570, %add3A_594 : i32
        %swap3A = arith.index_cast %add3A_595 : i32 to index
        %swap3A_596 = arith.constant 0 : index
        %swap3A_597 = tpu.vector_load %arg16[%swap3A, %swap3A_596] {strides = array<i32>} : memref<128x64xf32, #tpu.memory_space<vmem>>, vector<16xf32>,
        tpu.vector_store %arg16[%swap3A, %swap3A_596], %mul3A_593 {strides = array<i32>} : memref<128x64xf32, #tpu.memory_space<vmem>>, vector<16xf32>,
        %mul3A_598 = arith.mulf %bitcast3A_584, %bitcast3A_592 : vector<16xf32>
        %add3A_599 = arith.constant 0 : i32
        %add3A_600 = arith.addi %add3A_570, %add3A_599 : i32
        %swap3A_601 = arith.index_cast %add3A_600 : i32 to index
        %swap3A_602 = arith.constant 16 : index
        %swap3A_603 = tpu.vector_load %arg16[%swap3A_601, %swap3A_602] {strides = array<i32>} : memref<128x64xf32, #tpu.memory_space<vmem>>, vector<16xf32>,
        tpu.vector_store %arg16[%swap3A_601, %swap3A_602], %mul3A_598 {strides = array<i32>} : memref<128x64xf32, #tpu.memory_space<vmem>>, vector<16xf32>,
        %add3A_604 = arith.constant 0 : i32
        %add3A_605 = arith.addi %add3A_570, %add3A_604 : i32
        %get3A_606 = arith.index_cast %add3A_605 : i32 to index
        %get3A_607 = arith.constant 16 : index
        %get3A_608 = tpu.vector_load %arg12[%get3A_606, %get3A_607] {strides = array<i32>} : memref<128x32xi32, #tpu.memory_space<vmem>>, vector<16xi32>,
        %add3A_609 = arith.constant 0 : i32
        %add3A_610 = arith.addi %add3A_570, %add3A_609 : i32
        %get3A_611 = arith.index_cast %add3A_610 : i32 to index
        %get3A_612 = arith.constant 16 : index
        %get3A_613 = tpu.vector_load %arg14[%get3A_611, %get3A_612] {strides = array<i32>} : memref<128x32xi32, #tpu.memory_space<vmem>>, vector<16xi32>,
        %shift_left3A_614 = arith.constant 16 : i32
        %shift_left3A_615 = vector.broadcast %shift_left3A_614 : i32 to vector<16xi32>
        %shift_left3A_616 = arith.shli %get3A_608, %shift_left3A_615 : vector<16xi32>
        %bitcast3A_617 = vector.bitcast %shift_left3A_616 : vector<16xi32> to vector<16xf32>
        %and3A_618 = arith.constant -65536 : i32
        %and3A_619 = vector.broadcast %and3A_618 : i32 to vector<16xi32>
        %and3A_620 = arith.andi %get3A_608, %and3A_619 : vector<16xi32>
        %bitcast3A_621 = vector.bitcast %and3A_620 : vector<16xi32> to vector<16xf32>
        %shift_left3A_622 = arith.constant 16 : i32
        %shift_left3A_623 = vector.broadcast %shift_left3A_622 : i32 to vector<16xi32>
        %shift_left3A_624 = arith.shli %get3A_613, %shift_left3A_623 : vector<16xi32>
        %bitcast3A_625 = vector.bitcast %shift_left3A_624 : vector<16xi32> to vector<16xf32>
        %and3A_626 = arith.constant -65536 : i32
        %and3A_627 = vector.broadcast %and3A_626 : i32 to vector<16xi32>
        %and3A_628 = arith.andi %get3A_613, %and3A_627 : vector<16xi32>
        %bitcast3A_629 = vector.bitcast %and3A_628 : vector<16xi32> to vector<16xf32>
        %mul3A_630 = arith.mulf %bitcast3A_617, %bitcast3A_625 : vector<16xf32>
        %add3A_631 = arith.constant 0 : i32
        %add3A_632 = arith.addi %add3A_570, %add3A_631 : i32
        %swap3A_633 = arith.index_cast %add3A_632 : i32 to index
        %swap3A_634 = arith.constant 32 : index
        %swap3A_635 = tpu.vector_load %arg16[%swap3A_633, %swap3A_634] {strides = array<i32>} : memref<128x64xf32, #tpu.memory_space<vmem>>, vector<16xf32>,
        tpu.vector_store %arg16[%swap3A_633, %swap3A_634], %mul3A_630 {strides = array<i32>} : memref<128x64xf32, #tpu.memory_space<vmem>>, vector<16xf32>,
        %mul3A_636 = arith.mulf %bitcast3A_621, %bitcast3A_629 : vector<16xf32>
        %add3A_637 = arith.constant 0 : i32
        %add3A_638 = arith.addi %add3A_570, %add3A_637 : i32
        %swap3A_639 = arith.index_cast %add3A_638 : i32 to index
        %swap3A_640 = arith.constant 48 : index
        %swap3A_641 = tpu.vector_load %arg16[%swap3A_639, %swap3A_640] {strides = array<i32>} : memref<128x64xf32, #tpu.memory_space<vmem>>, vector<16xf32>,
        tpu.vector_store %arg16[%swap3A_639, %swap3A_640], %mul3A_636 {strides = array<i32>} : memref<128x64xf32, #tpu.memory_space<vmem>>, vector<16xf32>,
        %add3A_642 = arith.constant 1 : i32
        %add3A_643 = arith.addi %add3A_570, %add3A_642 : i32
        %get3A_644 = arith.index_cast %add3A_643 : i32 to index
        %get3A_645 = arith.constant 0 : index
        %get3A_646 = tpu.vector_load %arg12[%get3A_644, %get3A_645] {strides = array<i32>} : memref<128x32xi32, #tpu.memory_space<vmem>>, vector<16xi32>,
        %add3A_647 = arith.constant 1 : i32
        %add3A_648 = arith.addi %add3A_570, %add3A_647 : i32
        %get3A_649 = arith.index_cast %add3A_648 : i32 to index
        %get3A_650 = arith.constant 0 : index
        %get3A_651 = tpu.vector_load %arg14[%get3A_649, %get3A_650] {strides = array<i32>} : memref<128x32xi32, #tpu.memory_space<vmem>>, vector<16xi32>,
        %shift_left3A_652 = arith.constant 16 : i32
        %shift_left3A_653 = vector.broadcast %shift_left3A_652 : i32 to vector<16xi32>
        %shift_left3A_654 = arith.shli %get3A_646, %shift_left3A_653 : vector<16xi32>
        %bitcast3A_655 = vector.bitcast %shift_left3A_654 : vector<16xi32> to vector<16xf32>
        %and3A_656 = arith.constant -65536 : i32
        %and3A_657 = vector.broadcast %and3A_656 : i32 to vector<16xi32>
        %and3A_658 = arith.andi %get3A_646, %and3A_657 : vector<16xi32>
        %bitcast3A_659 = vector.bitcast %and3A_658 : vector<16xi32> to vector<16xf32>
        %shift_left3A_660 = arith.constant 16 : i32
        %shift_left3A_661 = vector.broadcast %shift_left3A_660 : i32 to vector<16xi32>
        %shift_left3A_662 = arith.shli %get3A_651, %shift_left3A_661 : vector<16xi32>
        %bitcast3A_663 = vector.bitcast %shift_left3A_662 : vector<16xi32> to vector<16xf32>
        %and3A_664 = arith.constant -65536 : i32
        %and3A_665 = vector.broadcast %and3A_664 : i32 to vector<16xi32>
        %and3A_666 = arith.andi %get3A_651, %and3A_665 : vector<16xi32>
        %bitcast3A_667 = vector.bitcast %and3A_666 : vector<16xi32> to vector<16xf32>
        %mul3A_668 = arith.mulf %bitcast3A_655, %bitcast3A_663 : vector<16xf32>
        %add3A_669 = arith.constant 1 : i32
        %add3A_670 = arith.addi %add3A_570, %add3A_669 : i32
        %swap3A_671 = arith.index_cast %add3A_670 : i32 to index
        %swap3A_672 = arith.constant 0 : index
        %swap3A_673 = tpu.vector_load %arg16[%swap3A_671, %swap3A_672] {strides = array<i32>} : memref<128x64xf32, #tpu.memory_space<vmem>>, vector<16xf32>,
        tpu.vector_store %arg16[%swap3A_671, %swap3A_672], %mul3A_668 {strides = array<i32>} : memref<128x64xf32, #tpu.memory_space<vmem>>, vector<16xf32>,
        %mul3A_674 = arith.mulf %bitcast3A_659, %bitcast3A_667 : vector<16xf32>
        %add3A_675 = arith.constant 1 : i32
        %add3A_676 = arith.addi %add3A_570, %add3A_675 : i32
        %swap3A_677 = arith.index_cast %add3A_676 : i32 to index
        %swap3A_678 = arith.constant 16 : index
        %swap3A_679 = tpu.vector_load %arg16[%swap3A_677, %swap3A_678] {strides = array<i32>} : memref<128x64xf32, #tpu.memory_space<vmem>>, vector<16xf32>,
        tpu.vector_store %arg16[%swap3A_677, %swap3A_678], %mul3A_674 {strides = array<i32>} : memref<128x64xf32, #tpu.memory_space<vmem>>, vector<16xf32>,
        %add3A_680 = arith.constant 1 : i32
        %add3A_681 = arith.addi %add3A_570, %add3A_680 : i32
        %get3A_682 = arith.index_cast %add3A_681 : i32 to index
        %get3A_683 = arith.constant 16 : index
        %get3A_684 = tpu.vector_load %arg12[%get3A_682, %get3A_683] {strides = array<i32>} : memref<128x32xi32, #tpu.memory_space<vmem>>, vector<16xi32>,
        %add3A_685 = arith.constant 1 : i32
        %add3A_686 = arith.addi %add3A_570, %add3A_685 : i32
        %get3A_687 = arith.index_cast %add3A_686 : i32 to index
        %get3A_688 = arith.constant 16 : index
        %get3A_689 = tpu.vector_load %arg14[%get3A_687, %get3A_688] {strides = array<i32>} : memref<128x32xi32, #tpu.memory_space<vmem>>, vector<16xi32>,
        %shift_left3A_690 = arith.constant 16 : i32
        %shift_left3A_691 = vector.broadcast %shift_left3A_690 : i32 to vector<16xi32>
        %shift_left3A_692 = arith.shli %get3A_684, %shift_left3A_691 : vector<16xi32>
        %bitcast3A_693 = vector.bitcast %shift_left3A_692 : vector<16xi32> to vector<16xf32>
        %and3A_694 = arith.constant -65536 : i32
        %and3A_695 = vector.broadcast %and3A_694 : i32 to vector<16xi32>
        %and3A_696 = arith.andi %get3A_684, %and3A_695 : vector<16xi32>
        %bitcast3A_697 = vector.bitcast %and3A_696 : vector<16xi32> to vector<16xf32>
        %shift_left3A_698 = arith.constant 16 : i32
        %shift_left3A_699 = vector.broadcast %shift_left3A_698 : i32 to vector<16xi32>
        %shift_left3A_700 = arith.shli %get3A_689, %shift_left3A_699 : vector<16xi32>
        %bitcast3A_701 = vector.bitcast %shift_left3A_700 : vector<16xi32> to vector<16xf32>
        %and3A_702 = arith.constant -65536 : i32
        %and3A_703 = vector.broadcast %and3A_702 : i32 to vector<16xi32>
        %and3A_704 = arith.andi %get3A_689, %and3A_703 : vector<16xi32>
        %bitcast3A_705 = vector.bitcast %and3A_704 : vector<16xi32> to vector<16xf32>
        %mul3A_706 = arith.mulf %bitcast3A_693, %bitcast3A_701 : vector<16xf32>
        %add3A_707 = arith.constant 1 : i32
        %add3A_708 = arith.addi %add3A_570, %add3A_707 : i32
        %swap3A_709 = arith.index_cast %add3A_708 : i32 to index
        %swap3A_710 = arith.constant 32 : index
        %swap3A_711 = tpu.vector_load %arg16[%swap3A_709, %swap3A_710] {strides = array<i32>} : memref<128x64xf32, #tpu.memory_space<vmem>>, vector<16xf32>,
        tpu.vector_store %arg16[%swap3A_709, %swap3A_710], %mul3A_706 {strides = array<i32>} : memref<128x64xf32, #tpu.memory_space<vmem>>, vector<16xf32>,
        %mul3A_712 = arith.mulf %bitcast3A_697, %bitcast3A_705 : vector<16xf32>
        %add3A_713 = arith.constant 1 : i32
        %add3A_714 = arith.addi %add3A_570, %add3A_713 : i32
        %swap3A_715 = arith.index_cast %add3A_714 : i32 to index
        %swap3A_716 = arith.constant 48 : index
        %swap3A_717 = tpu.vector_load %arg16[%swap3A_715, %swap3A_716] {strides = array<i32>} : memref<128x64xf32, #tpu.memory_space<vmem>>, vector<16xf32>,
        tpu.vector_store %arg16[%swap3A_715, %swap3A_716], %mul3A_712 {strides = array<i32>} : memref<128x64xf32, #tpu.memory_space<vmem>>, vector<16xf32>,
      }
      %scan3A_559 = arith.constant 64 : i32
      %dma_start3A_560 = arith.constant 0 : i32
      %dma_start3A_561 = tpu.memref_slice %arg9[%add3A_519, %dma_start3A_560] : memref<80x128xi32, #tpu.memory_space<vmem>> -> memref<1x128xi32, #tpu.memory_space<vmem>>
      %dma_start3A_562 = tpu.memref_squeeze %dma_start3A_561 : memref<1x128xi32, #tpu.memory_space<vmem>> -> memref<128xi32, #tpu.memory_space<vmem>>
      %dma_start3A_563 = arith.constant 0 : i32
      %dma_start3A_564 = arith.constant 0 : i32
      %dma_start3A_565 = tpu.memref_slice %arg17[%dma_start3A_563, %dma_start3A_564] : memref<10240x64xf32, #tpu.memory_space<vmem_shared>> -> memref<10240x64xf32, #tpu.memory_space<vmem_shared>>
      tpu.enqueue_indirect_dma source(%arg16 : memref<128x64xf32, #tpu.memory_space<vmem>>) target(%dma_start3A_565 : memref<10240x64xf32, #tpu.memory_space<vmem_shared>>) offsets(%dma_start3A_562 : memref<128xi32, #tpu.memory_space<vmem>>) semaphore(%arg22 : memref<!tpu.dma_semaphore, #tpu.memory_space<semaphore_mem>>) {add = true}
    }
    %scan3A_363 = arith.constant 38 : i32
    %dma_start3A_364 = arith.constant 79 : i32
    %dma_start3A_365 = arith.constant 0 : i32
    %dma_start3A_366 = tpu.memref_slice %arg8[%dma_start3A_364, %dma_start3A_365] : memref<80x128xi32, #tpu.memory_space<vmem>> -> memref<1x128xi32, #tpu.memory_space<vmem>>
    %dma_start3A_367 = tpu.memref_squeeze %dma_start3A_366 : memref<1x128xi32, #tpu.memory_space<vmem>> -> memref<128xi32, #tpu.memory_space<vmem>>
    %dma_start3A_368 = arith.constant 0 : i32
    %dma_start3A_369 = arith.constant 0 : i32
    %dma_start3A_370 = tpu.memref_slice %arg2[%dma_start3A_368, %dma_start3A_369] : memref<20000x32xi32, #tpu.memory_space<hbm>> -> memref<20000x32xi32, #tpu.memory_space<hbm>>
    tpu.enqueue_indirect_dma source(%dma_start3A_370 : memref<20000x32xi32, #tpu.memory_space<hbm>>) target(%arg12 : memref<128x32xi32, #tpu.memory_space<vmem>>) offsets(%dma_start3A_367 : memref<128xi32, #tpu.memory_space<vmem>>) semaphore(%arg20 : memref<!tpu.dma_semaphore, #tpu.memory_space<semaphore_mem>>)
    %dma_start3A_371 = arith.constant 79 : i32
    %dma_start3A_372 = arith.constant 0 : i32
    %dma_start3A_373 = tpu.memref_slice %arg10[%dma_start3A_371, %dma_start3A_372] : memref<80x128xi32, #tpu.memory_space<vmem>> -> memref<1x128xi32, #tpu.memory_space<vmem>>
    %dma_start3A_374 = tpu.memref_squeeze %dma_start3A_373 : memref<1x128xi32, #tpu.memory_space<vmem>> -> memref<128xi32, #tpu.memory_space<vmem>>
    %dma_start3A_375 = arith.constant 0 : i32
    %dma_start3A_376 = arith.constant 0 : i32
    %dma_start3A_377 = tpu.memref_slice %arg3[%dma_start3A_375, %dma_start3A_376] : memref<400x32xi32, #tpu.memory_space<hbm>> -> memref<400x32xi32, #tpu.memory_space<hbm>>
    tpu.enqueue_indirect_dma source(%dma_start3A_377 : memref<400x32xi32, #tpu.memory_space<hbm>>) target(%arg14 : memref<128x32xi32, #tpu.memory_space<vmem>>) offsets(%dma_start3A_374 : memref<128xi32, #tpu.memory_space<vmem>>) semaphore(%arg20 : memref<!tpu.dma_semaphore, #tpu.memory_space<semaphore_mem>>)
    %dma_wait3A_378 = arith.constant 0 : i32
    %dma_wait3A_379 = arith.constant 0 : i32
    %dma_wait3A_380 = tpu.memref_slice %arg8[%dma_wait3A_378, %dma_wait3A_379] : memref<80x128xi32, #tpu.memory_space<vmem>> -> memref<1x128xi32, #tpu.memory_space<vmem>>
    %dma_wait3A_381 = tpu.memref_squeeze %dma_wait3A_380 : memref<1x128xi32, #tpu.memory_space<vmem>> -> memref<128xi32, #tpu.memory_space<vmem>>
    %dma_wait3A_382 = arith.constant 0 : i32
    %dma_wait3A_383 = arith.constant 0 : i32
    %dma_wait3A_384 = tpu.memref_slice %arg2[%dma_wait3A_382, %dma_wait3A_383] : memref<20000x32xi32, #tpu.memory_space<hbm>> -> memref<20000x32xi32, #tpu.memory_space<hbm>>
    tpu.wait_indirect_dma semaphore(%arg19 : memref<!tpu.dma_semaphore, #tpu.memory_space<semaphore_mem>>) src(%dma_wait3A_384 : memref<20000x32xi32, #tpu.memory_space<hbm>>) dst(%arg11 : memref<128x32xi32, #tpu.memory_space<vmem>>)
    %dma_wait3A_385 = arith.constant 0 : i32
    %dma_wait3A_386 = arith.constant 0 : i32
    %dma_wait3A_387 = tpu.memref_slice %arg10[%dma_wait3A_385, %dma_wait3A_386] : memref<80x128xi32, #tpu.memory_space<vmem>> -> memref<1x128xi32, #tpu.memory_space<vmem>>
    %dma_wait3A_388 = tpu.memref_squeeze %dma_wait3A_387 : memref<1x128xi32, #tpu.memory_space<vmem>> -> memref<128xi32, #tpu.memory_space<vmem>>
    %dma_wait3A_389 = arith.constant 0 : i32
    %dma_wait3A_390 = arith.constant 0 : i32
    %dma_wait3A_391 = tpu.memref_slice %arg3[%dma_wait3A_389, %dma_wait3A_390] : memref<400x32xi32, #tpu.memory_space<hbm>> -> memref<400x32xi32, #tpu.memory_space<hbm>>
    tpu.wait_indirect_dma semaphore(%arg19 : memref<!tpu.dma_semaphore, #tpu.memory_space<semaphore_mem>>) src(%dma_wait3A_391 : memref<400x32xi32, #tpu.memory_space<hbm>>) dst(%arg13 : memref<128x32xi32, #tpu.memory_space<vmem>>)
    %dma_wait3A_392 = arith.constant 0 : i32
    %dma_wait3A_393 = arith.constant 0 : i32
    %dma_wait3A_394 = tpu.memref_slice %arg9[%dma_wait3A_392, %dma_wait3A_393] : memref<80x128xi32, #tpu.memory_space<vmem>> -> memref<1x128xi32, #tpu.memory_space<vmem>>
    %dma_wait3A_395 = tpu.memref_squeeze %dma_wait3A_394 : memref<1x128xi32, #tpu.memory_space<vmem>> -> memref<128xi32, #tpu.memory_space<vmem>>
    %dma_wait3A_396 = arith.constant 0 : i32
    %dma_wait3A_397 = arith.constant 0 : i32
    %dma_wait3A_398 = tpu.memref_slice %arg17[%dma_wait3A_396, %dma_wait3A_397] : memref<10240x64xf32, #tpu.memory_space<vmem_shared>> -> memref<10240x64xf32, #tpu.memory_space<vmem_shared>>
    tpu.wait_indirect_dma semaphore(%arg21 : memref<!tpu.dma_semaphore, #tpu.memory_space<semaphore_mem>>) src(%arg15 : memref<128x64xf32, #tpu.memory_space<vmem>>) dst(%dma_wait3A_398 : memref<10240x64xf32, #tpu.memory_space<vmem_shared>>)
    %scan3A_399 = arith.constant 0 : i32
    %scan3A_400 = arith.constant 64 : i32
    %scan3A_401 = arith.addi %scan3A_399, %scan3A_400 : i32
    %scan3A_402 = arith.constant 1 : i32
    scf.for %scan3A_465 = %scan3A_399 to %scan3A_401 step %scan3A_402  : i32 {
      %mul3A_466 = arith.constant 2 : i32
      %mul3A_467 = arith.muli %scan3A_465, %mul3A_466 : i32
      %add3A_468 = arith.constant 0 : i32
      %add3A_469 = arith.addi %add3A_468, %mul3A_467 : i32
      %add3A_470 = arith.constant 0 : i32
      %add3A_471 = arith.addi %add3A_469, %add3A_470 : i32
      %get3A = arith.index_cast %add3A_471 : i32 to index
      %get3A_472 = arith.constant 0 : index
      %get3A_473 = tpu.vector_load %arg11[%get3A, %get3A_472] {strides = array<i32>} : memref<128x32xi32, #tpu.memory_space<vmem>>, vector<16xi32>,
      %add3A_474 = arith.constant 0 : i32
      %add3A_475 = arith.addi %add3A_469, %add3A_474 : i32
      %get3A_476 = arith.index_cast %add3A_475 : i32 to index
      %get3A_477 = arith.constant 0 : index
      %get3A_478 = tpu.vector_load %arg13[%get3A_476, %get3A_477] {strides = array<i32>} : memref<128x32xi32, #tpu.memory_space<vmem>>, vector<16xi32>,
      %shift_left3A = arith.constant 16 : i32
      %shift_left3A_479 = vector.broadcast %shift_left3A : i32 to vector<16xi32>
      %shift_left3A_480 = arith.shli %get3A_473, %shift_left3A_479 : vector<16xi32>
      %bitcast3A = vector.bitcast %shift_left3A_480 : vector<16xi32> to vector<16xf32>
      %and3A = arith.constant -65536 : i32
      %and3A_481 = vector.broadcast %and3A : i32 to vector<16xi32>
      %and3A_482 = arith.andi %get3A_473, %and3A_481 : vector<16xi32>
      %bitcast3A_483 = vector.bitcast %and3A_482 : vector<16xi32> to vector<16xf32>
      %shift_left3A_484 = arith.constant 16 : i32
      %shift_left3A_485 = vector.broadcast %shift_left3A_484 : i32 to vector<16xi32>
      %shift_left3A_486 = arith.shli %get3A_478, %shift_left3A_485 : vector<16xi32>
      %bitcast3A_487 = vector.bitcast %shift_left3A_486 : vector<16xi32> to vector<16xf32>
      %and3A_488 = arith.constant -65536 : i32
      %and3A_489 = vector.broadcast %and3A_488 : i32 to vector<16xi32>
      %and3A_490 = arith.andi %get3A_478, %and3A_489 : vector<16xi32>
      %bitcast3A_491 = vector.bitcast %and3A_490 : vector<16xi32> to vector<16xf32>
      %mul3A_492 = arith.mulf %bitcast3A, %bitcast3A_487 : vector<16xf32>
      %add3A_493 = arith.constant 0 : i32
      %add3A_494 = arith.addi %add3A_469, %add3A_493 : i32
      %swap3A = arith.index_cast %add3A_494 : i32 to index
      %swap3A_495 = arith.constant 0 : index
      %swap3A_496 = tpu.vector_load %arg15[%swap3A, %swap3A_495] {strides = array<i32>} : memref<128x64xf32, #tpu.memory_space<vmem>>, vector<16xf32>,
      tpu.vector_store %arg15[%swap3A, %swap3A_495], %mul3A_492 {strides = array<i32>} : memref<128x64xf32, #tpu.memory_space<vmem>>, vector<16xf32>,
      %mul3A_497 = arith.mulf %bitcast3A_483, %bitcast3A_491 : vector<16xf32>
      %add3A_498 = arith.constant 0 : i32
      %add3A_499 = arith.addi %add3A_469, %add3A_498 : i32
      %swap3A_500 = arith.index_cast %add3A_499 : i32 to index
      %swap3A_501 = arith.constant 16 : index
      %swap3A_502 = tpu.vector_load %arg15[%swap3A_500, %swap3A_501] {strides = array<i32>} : memref<128x64xf32, #tpu.memory_space<vmem>>, vector<16xf32>,
      tpu.vector_store %arg15[%swap3A_500, %swap3A_501], %mul3A_497 {strides = array<i32>} : memref<128x64xf32, #tpu.memory_space<vmem>>, vector<16xf32>,
      %add3A_503 = arith.constant 0 : i32
      %add3A_504 = arith.addi %add3A_469, %add3A_503 : i32
      %get3A_505 = arith.index_cast %add3A_504 : i32 to index
      %get3A_506 = arith.constant 16 : index
      %get3A_507 = tpu.vector_load %arg11[%get3A_505, %get3A_506] {strides = array<i32>} : memref<128x32xi32, #tpu.memory_space<vmem>>, vector<16xi32>,
      %add3A_508 = arith.constant 0 : i32
      %add3A_509 = arith.addi %add3A_469, %add3A_508 : i32
      %get3A_510 = arith.index_cast %add3A_509 : i32 to index
      %get3A_511 = arith.constant 16 : index
      %get3A_512 = tpu.vector_load %arg13[%get3A_510, %get3A_511] {strides = array<i32>} : memref<128x32xi32, #tpu.memory_space<vmem>>, vector<16xi32>,
      %shift_left3A_513 = arith.constant 16 : i32
      %shift_left3A_514 = vector.broadcast %shift_left3A_513 : i32 to vector<16xi32>
      %shift_left3A_515 = arith.shli %get3A_507, %shift_left3A_514 : vector<16xi32>
      %bitcast3A_516 = vector.bitcast %shift_left3A_515 : vector<16xi32> to vector<16xf32>
      %and3A_517 = arith.constant -65536 : i32
      %and3A_518 = vector.broadcast %and3A_517 : i32 to vector<16xi32>
      %and3A_519 = arith.andi %get3A_507, %and3A_518 : vector<16xi32>
      %bitcast3A_520 = vector.bitcast %and3A_519 : vector<16xi32> to vector<16xf32>
      %shift_left3A_521 = arith.constant 16 : i32
      %shift_left3A_522 = vector.broadcast %shift_left3A_521 : i32 to vector<16xi32>
      %shift_left3A_523 = arith.shli %get3A_512, %shift_left3A_522 : vector<16xi32>
      %bitcast3A_524 = vector.bitcast %shift_left3A_523 : vector<16xi32> to vector<16xf32>
      %and3A_525 = arith.constant -65536 : i32
      %and3A_526 = vector.broadcast %and3A_525 : i32 to vector<16xi32>
      %and3A_527 = arith.andi %get3A_512, %and3A_526 : vector<16xi32>
      %bitcast3A_528 = vector.bitcast %and3A_527 : vector<16xi32> to vector<16xf32>
      %mul3A_529 = arith.mulf %bitcast3A_516, %bitcast3A_524 : vector<16xf32>
      %add3A_530 = arith.constant 0 : i32
      %add3A_531 = arith.addi %add3A_469, %add3A_530 : i32
      %swap3A_532 = arith.index_cast %add3A_531 : i32 to index
      %swap3A_533 = arith.constant 32 : index
      %swap3A_534 = tpu.vector_load %arg15[%swap3A_532, %swap3A_533] {strides = array<i32>} : memref<128x64xf32, #tpu.memory_space<vmem>>, vector<16xf32>,
      tpu.vector_store %arg15[%swap3A_532, %swap3A_533], %mul3A_529 {strides = array<i32>} : memref<128x64xf32, #tpu.memory_space<vmem>>, vector<16xf32>,
      %mul3A_535 = arith.mulf %bitcast3A_520, %bitcast3A_528 : vector<16xf32>
      %add3A_536 = arith.constant 0 : i32
      %add3A_537 = arith.addi %add3A_469, %add3A_536 : i32
      %swap3A_538 = arith.index_cast %add3A_537 : i32 to index
      %swap3A_539 = arith.constant 48 : index
      %swap3A_540 = tpu.vector_load %arg15[%swap3A_538, %swap3A_539] {strides = array<i32>} : memref<128x64xf32, #tpu.memory_space<vmem>>, vector<16xf32>,
      tpu.vector_store %arg15[%swap3A_538, %swap3A_539], %mul3A_535 {strides = array<i32>} : memref<128x64xf32, #tpu.memory_space<vmem>>, vector<16xf32>,
      %add3A_541 = arith.constant 1 : i32
      %add3A_542 = arith.addi %add3A_469, %add3A_541 : i32
      %get3A_543 = arith.index_cast %add3A_542 : i32 to index
      %get3A_544 = arith.constant 0 : index
      %get3A_545 = tpu.vector_load %arg11[%get3A_543, %get3A_544] {strides = array<i32>} : memref<128x32xi32, #tpu.memory_space<vmem>>, vector<16xi32>,
      %add3A_546 = arith.constant 1 : i32
      %add3A_547 = arith.addi %add3A_469, %add3A_546 : i32
      %get3A_548 = arith.index_cast %add3A_547 : i32 to index
      %get3A_549 = arith.constant 0 : index
      %get3A_550 = tpu.vector_load %arg13[%get3A_548, %get3A_549] {strides = array<i32>} : memref<128x32xi32, #tpu.memory_space<vmem>>, vector<16xi32>,
      %shift_left3A_551 = arith.constant 16 : i32
      %shift_left3A_552 = vector.broadcast %shift_left3A_551 : i32 to vector<16xi32>
      %shift_left3A_553 = arith.shli %get3A_545, %shift_left3A_552 : vector<16xi32>
      %bitcast3A_554 = vector.bitcast %shift_left3A_553 : vector<16xi32> to vector<16xf32>
      %and3A_555 = arith.constant -65536 : i32
      %and3A_556 = vector.broadcast %and3A_555 : i32 to vector<16xi32>
      %and3A_557 = arith.andi %get3A_545, %and3A_556 : vector<16xi32>
      %bitcast3A_558 = vector.bitcast %and3A_557 : vector<16xi32> to vector<16xf32>
      %shift_left3A_559 = arith.constant 16 : i32
      %shift_left3A_560 = vector.broadcast %shift_left3A_559 : i32 to vector<16xi32>
      %shift_left3A_561 = arith.shli %get3A_550, %shift_left3A_560 : vector<16xi32>
      %bitcast3A_562 = vector.bitcast %shift_left3A_561 : vector<16xi32> to vector<16xf32>
      %and3A_563 = arith.constant -65536 : i32
      %and3A_564 = vector.broadcast %and3A_563 : i32 to vector<16xi32>
      %and3A_565 = arith.andi %get3A_550, %and3A_564 : vector<16xi32>
      %bitcast3A_566 = vector.bitcast %and3A_565 : vector<16xi32> to vector<16xf32>
      %mul3A_567 = arith.mulf %bitcast3A_554, %bitcast3A_562 : vector<16xf32>
      %add3A_568 = arith.constant 1 : i32
      %add3A_569 = arith.addi %add3A_469, %add3A_568 : i32
      %swap3A_570 = arith.index_cast %add3A_569 : i32 to index
      %swap3A_571 = arith.constant 0 : index
      %swap3A_572 = tpu.vector_load %arg15[%swap3A_570, %swap3A_571] {strides = array<i32>} : memref<128x64xf32, #tpu.memory_space<vmem>>, vector<16xf32>,
      tpu.vector_store %arg15[%swap3A_570, %swap3A_571], %mul3A_567 {strides = array<i32>} : memref<128x64xf32, #tpu.memory_space<vmem>>, vector<16xf32>,
      %mul3A_573 = arith.mulf %bitcast3A_558, %bitcast3A_566 : vector<16xf32>
      %add3A_574 = arith.constant 1 : i32
      %add3A_575 = arith.addi %add3A_469, %add3A_574 : i32
      %swap3A_576 = arith.index_cast %add3A_575 : i32 to index
      %swap3A_577 = arith.constant 16 : index
      %swap3A_578 = tpu.vector_load %arg15[%swap3A_576, %swap3A_577] {strides = array<i32>} : memref<128x64xf32, #tpu.memory_space<vmem>>, vector<16xf32>,
      tpu.vector_store %arg15[%swap3A_576, %swap3A_577], %mul3A_573 {strides = array<i32>} : memref<128x64xf32, #tpu.memory_space<vmem>>, vector<16xf32>,
      %add3A_579 = arith.constant 1 : i32
      %add3A_580 = arith.addi %add3A_469, %add3A_579 : i32
      %get3A_581 = arith.index_cast %add3A_580 : i32 to index
      %get3A_582 = arith.constant 16 : index
      %get3A_583 = tpu.vector_load %arg11[%get3A_581, %get3A_582] {strides = array<i32>} : memref<128x32xi32, #tpu.memory_space<vmem>>, vector<16xi32>,
      %add3A_584 = arith.constant 1 : i32
      %add3A_585 = arith.addi %add3A_469, %add3A_584 : i32
      %get3A_586 = arith.index_cast %add3A_585 : i32 to index
      %get3A_587 = arith.constant 16 : index
      %get3A_588 = tpu.vector_load %arg13[%get3A_586, %get3A_587] {strides = array<i32>} : memref<128x32xi32, #tpu.memory_space<vmem>>, vector<16xi32>,
      %shift_left3A_589 = arith.constant 16 : i32
      %shift_left3A_590 = vector.broadcast %shift_left3A_589 : i32 to vector<16xi32>
      %shift_left3A_591 = arith.shli %get3A_583, %shift_left3A_590 : vector<16xi32>
      %bitcast3A_592 = vector.bitcast %shift_left3A_591 : vector<16xi32> to vector<16xf32>
      %and3A_593 = arith.constant -65536 : i32
      %and3A_594 = vector.broadcast %and3A_593 : i32 to vector<16xi32>
      %and3A_595 = arith.andi %get3A_583, %and3A_594 : vector<16xi32>
      %bitcast3A_596 = vector.bitcast %and3A_595 : vector<16xi32> to vector<16xf32>
      %shift_left3A_597 = arith.constant 16 : i32
      %shift_left3A_598 = vector.broadcast %shift_left3A_597 : i32 to vector<16xi32>
      %shift_left3A_599 = arith.shli %get3A_588, %shift_left3A_598 : vector<16xi32>
      %bitcast3A_600 = vector.bitcast %shift_left3A_599 : vector<16xi32> to vector<16xf32>
      %and3A_601 = arith.constant -65536 : i32
      %and3A_602 = vector.broadcast %and3A_601 : i32 to vector<16xi32>
      %and3A_603 = arith.andi %get3A_588, %and3A_602 : vector<16xi32>
      %bitcast3A_604 = vector.bitcast %and3A_603 : vector<16xi32> to vector<16xf32>
      %mul3A_605 = arith.mulf %bitcast3A_592, %bitcast3A_600 : vector<16xf32>
      %add3A_606 = arith.constant 1 : i32
      %add3A_607 = arith.addi %add3A_469, %add3A_606 : i32
      %swap3A_608 = arith.index_cast %add3A_607 : i32 to index
      %swap3A_609 = arith.constant 32 : index
      %swap3A_610 = tpu.vector_load %arg15[%swap3A_608, %swap3A_609] {strides = array<i32>} : memref<128x64xf32, #tpu.memory_space<vmem>>, vector<16xf32>,
      tpu.vector_store %arg15[%swap3A_608, %swap3A_609], %mul3A_605 {strides = array<i32>} : memref<128x64xf32, #tpu.memory_space<vmem>>, vector<16xf32>,
      %mul3A_611 = arith.mulf %bitcast3A_596, %bitcast3A_604 : vector<16xf32>
      %add3A_612 = arith.constant 1 : i32
      %add3A_613 = arith.addi %add3A_469, %add3A_612 : i32
      %swap3A_614 = arith.index_cast %add3A_613 : i32 to index
      %swap3A_615 = arith.constant 48 : index
      %swap3A_616 = tpu.vector_load %arg15[%swap3A_614, %swap3A_615] {strides = array<i32>} : memref<128x64xf32, #tpu.memory_space<vmem>>, vector<16xf32>,
      tpu.vector_store %arg15[%swap3A_614, %swap3A_615], %mul3A_611 {strides = array<i32>} : memref<128x64xf32, #tpu.memory_space<vmem>>, vector<16xf32>,
    }
    %scan3A_403 = arith.constant 64 : i32
    %dma_start3A_404 = arith.constant 78 : i32
    %dma_start3A_405 = arith.constant 0 : i32
    %dma_start3A_406 = tpu.memref_slice %arg9[%dma_start3A_404, %dma_start3A_405] : memref<80x128xi32, #tpu.memory_space<vmem>> -> memref<1x128xi32, #tpu.memory_space<vmem>>
    %dma_start3A_407 = tpu.memref_squeeze %dma_start3A_406 : memref<1x128xi32, #tpu.memory_space<vmem>> -> memref<128xi32, #tpu.memory_space<vmem>>
    %dma_start3A_408 = arith.constant 0 : i32
    %dma_start3A_409 = arith.constant 0 : i32
    %dma_start3A_410 = tpu.memref_slice %arg17[%dma_start3A_408, %dma_start3A_409] : memref<10240x64xf32, #tpu.memory_space<vmem_shared>> -> memref<10240x64xf32, #tpu.memory_space<vmem_shared>>
    tpu.enqueue_indirect_dma source(%arg15 : memref<128x64xf32, #tpu.memory_space<vmem>>) target(%dma_start3A_410 : memref<10240x64xf32, #tpu.memory_space<vmem_shared>>) offsets(%dma_start3A_407 : memref<128xi32, #tpu.memory_space<vmem>>) semaphore(%arg21 : memref<!tpu.dma_semaphore, #tpu.memory_space<semaphore_mem>>) {add = true}
    %dma_wait3A_411 = arith.constant 0 : i32
    %dma_wait3A_412 = arith.constant 0 : i32
    %dma_wait3A_413 = tpu.memref_slice %arg8[%dma_wait3A_411, %dma_wait3A_412] : memref<80x128xi32, #tpu.memory_space<vmem>> -> memref<1x128xi32, #tpu.memory_space<vmem>>
    %dma_wait3A_414 = tpu.memref_squeeze %dma_wait3A_413 : memref<1x128xi32, #tpu.memory_space<vmem>> -> memref<128xi32, #tpu.memory_space<vmem>>
    %dma_wait3A_415 = arith.constant 0 : i32
    %dma_wait3A_416 = arith.constant 0 : i32
    %dma_wait3A_417 = tpu.memref_slice %arg2[%dma_wait3A_415, %dma_wait3A_416] : memref<20000x32xi32, #tpu.memory_space<hbm>> -> memref<20000x32xi32, #tpu.memory_space<hbm>>
    tpu.wait_indirect_dma semaphore(%arg20 : memref<!tpu.dma_semaphore, #tpu.memory_space<semaphore_mem>>) src(%dma_wait3A_417 : memref<20000x32xi32, #tpu.memory_space<hbm>>) dst(%arg12 : memref<128x32xi32, #tpu.memory_space<vmem>>)
    %dma_wait3A_418 = arith.constant 0 : i32
    %dma_wait3A_419 = arith.constant 0 : i32
    %dma_wait3A_420 = tpu.memref_slice %arg10[%dma_wait3A_418, %dma_wait3A_419] : memref<80x128xi32, #tpu.memory_space<vmem>> -> memref<1x128xi32, #tpu.memory_space<vmem>>
    %dma_wait3A_421 = tpu.memref_squeeze %dma_wait3A_420 : memref<1x128xi32, #tpu.memory_space<vmem>> -> memref<128xi32, #tpu.memory_space<vmem>>
    %dma_wait3A_422 = arith.constant 0 : i32
    %dma_wait3A_423 = arith.constant 0 : i32
    %dma_wait3A_424 = tpu.memref_slice %arg3[%dma_wait3A_422, %dma_wait3A_423] : memref<400x32xi32, #tpu.memory_space<hbm>> -> memref<400x32xi32, #tpu.memory_space<hbm>>
    tpu.wait_indirect_dma semaphore(%arg20 : memref<!tpu.dma_semaphore, #tpu.memory_space<semaphore_mem>>) src(%dma_wait3A_424 : memref<400x32xi32, #tpu.memory_space<hbm>>) dst(%arg14 : memref<128x32xi32, #tpu.memory_space<vmem>>)
    %dma_wait3A_425 = arith.constant 0 : i32
    %dma_wait3A_426 = arith.constant 0 : i32
    %dma_wait3A_427 = tpu.memref_slice %arg9[%dma_wait3A_425, %dma_wait3A_426] : memref<80x128xi32, #tpu.memory_space<vmem>> -> memref<1x128xi32, #tpu.memory_space<vmem>>
    %dma_wait3A_428 = tpu.memref_squeeze %dma_wait3A_427 : memref<1x128xi32, #tpu.memory_space<vmem>> -> memref<128xi32, #tpu.memory_space<vmem>>
    %dma_wait3A_429 = arith.constant 0 : i32
    %dma_wait3A_430 = arith.constant 0 : i32
    %dma_wait3A_431 = tpu.memref_slice %arg17[%dma_wait3A_429, %dma_wait3A_430] : memref<10240x64xf32, #tpu.memory_space<vmem_shared>> -> memref<10240x64xf32, #tpu.memory_space<vmem_shared>>
    tpu.wait_indirect_dma semaphore(%arg22 : memref<!tpu.dma_semaphore, #tpu.memory_space<semaphore_mem>>) src(%arg16 : memref<128x64xf32, #tpu.memory_space<vmem>>) dst(%dma_wait3A_431 : memref<10240x64xf32, #tpu.memory_space<vmem_shared>>)
    %scan3A_432 = arith.constant 0 : i32
    %scan3A_433 = arith.constant 64 : i32
    %scan3A_434 = arith.addi %scan3A_432, %scan3A_433 : i32
    %scan3A_435 = arith.constant 1 : i32
    scf.for %scan3A_465 = %scan3A_432 to %scan3A_434 step %scan3A_435  : i32 {
      %mul3A_466 = arith.constant 2 : i32
      %mul3A_467 = arith.muli %scan3A_465, %mul3A_466 : i32
      %add3A_468 = arith.constant 0 : i32
      %add3A_469 = arith.addi %add3A_468, %mul3A_467 : i32
      %add3A_470 = arith.constant 0 : i32
      %add3A_471 = arith.addi %add3A_469, %add3A_470 : i32
      %get3A = arith.index_cast %add3A_471 : i32 to index
      %get3A_472 = arith.constant 0 : index
      %get3A_473 = tpu.vector_load %arg12[%get3A, %get3A_472] {strides = array<i32>} : memref<128x32xi32, #tpu.memory_space<vmem>>, vector<16xi32>,
      %add3A_474 = arith.constant 0 : i32
      %add3A_475 = arith.addi %add3A_469, %add3A_474 : i32
      %get3A_476 = arith.index_cast %add3A_475 : i32 to index
      %get3A_477 = arith.constant 0 : index
      %get3A_478 = tpu.vector_load %arg14[%get3A_476, %get3A_477] {strides = array<i32>} : memref<128x32xi32, #tpu.memory_space<vmem>>, vector<16xi32>,
      %shift_left3A = arith.constant 16 : i32
      %shift_left3A_479 = vector.broadcast %shift_left3A : i32 to vector<16xi32>
      %shift_left3A_480 = arith.shli %get3A_473, %shift_left3A_479 : vector<16xi32>
      %bitcast3A = vector.bitcast %shift_left3A_480 : vector<16xi32> to vector<16xf32>
      %and3A = arith.constant -65536 : i32
      %and3A_481 = vector.broadcast %and3A : i32 to vector<16xi32>
      %and3A_482 = arith.andi %get3A_473, %and3A_481 : vector<16xi32>
      %bitcast3A_483 = vector.bitcast %and3A_482 : vector<16xi32> to vector<16xf32>
      %shift_left3A_484 = arith.constant 16 : i32
      %shift_left3A_485 = vector.broadcast %shift_left3A_484 : i32 to vector<16xi32>
      %shift_left3A_486 = arith.shli %get3A_478, %shift_left3A_485 : vector<16xi32>
      %bitcast3A_487 = vector.bitcast %shift_left3A_486 : vector<16xi32> to vector<16xf32>
      %and3A_488 = arith.constant -65536 : i32
      %and3A_489 = vector.broadcast %and3A_488 : i32 to vector<16xi32>
      %and3A_490 = arith.andi %get3A_478, %and3A_489 : vector<16xi32>
      %bitcast3A_491 = vector.bitcast %and3A_490 : vector<16xi32> to vector<16xf32>
      %mul3A_492 = arith.mulf %bitcast3A, %bitcast3A_487 : vector<16xf32>
      %add3A_493 = arith.constant 0 : i32
      %add3A_494 = arith.addi %add3A_469, %add3A_493 : i32
      %swap3A = arith.index_cast %add3A_494 : i32 to index
      %swap3A_495 = arith.constant 0 : index
      %swap3A_496 = tpu.vector_load %arg16[%swap3A, %swap3A_495] {strides = array<i32>} : memref<128x64xf32, #tpu.memory_space<vmem>>, vector<16xf32>,
      tpu.vector_store %arg16[%swap3A, %swap3A_495], %mul3A_492 {strides = array<i32>} : memref<128x64xf32, #tpu.memory_space<vmem>>, vector<16xf32>,
      %mul3A_497 = arith.mulf %bitcast3A_483, %bitcast3A_491 : vector<16xf32>
      %add3A_498 = arith.constant 0 : i32
      %add3A_499 = arith.addi %add3A_469, %add3A_498 : i32
      %swap3A_500 = arith.index_cast %add3A_499 : i32 to index
      %swap3A_501 = arith.constant 16 : index
      %swap3A_502 = tpu.vector_load %arg16[%swap3A_500, %swap3A_501] {strides = array<i32>} : memref<128x64xf32, #tpu.memory_space<vmem>>, vector<16xf32>,
      tpu.vector_store %arg16[%swap3A_500, %swap3A_501], %mul3A_497 {strides = array<i32>} : memref<128x64xf32, #tpu.memory_space<vmem>>, vector<16xf32>,
      %add3A_503 = arith.constant 0 : i32
      %add3A_504 = arith.addi %add3A_469, %add3A_503 : i32
      %get3A_505 = arith.index_cast %add3A_504 : i32 to index
      %get3A_506 = arith.constant 16 : index
      %get3A_507 = tpu.vector_load %arg12[%get3A_505, %get3A_506] {strides = array<i32>} : memref<128x32xi32, #tpu.memory_space<vmem>>, vector<16xi32>,
      %add3A_508 = arith.constant 0 : i32
      %add3A_509 = arith.addi %add3A_469, %add3A_508 : i32
      %get3A_510 = arith.index_cast %add3A_509 : i32 to index
      %get3A_511 = arith.constant 16 : index
      %get3A_512 = tpu.vector_load %arg14[%get3A_510, %get3A_511] {strides = array<i32>} : memref<128x32xi32, #tpu.memory_space<vmem>>, vector<16xi32>,
      %shift_left3A_513 = arith.constant 16 : i32
      %shift_left3A_514 = vector.broadcast %shift_left3A_513 : i32 to vector<16xi32>
      %shift_left3A_515 = arith.shli %get3A_507, %shift_left3A_514 : vector<16xi32>
      %bitcast3A_516 = vector.bitcast %shift_left3A_515 : vector<16xi32> to vector<16xf32>
      %and3A_517 = arith.constant -65536 : i32
      %and3A_518 = vector.broadcast %and3A_517 : i32 to vector<16xi32>
      %and3A_519 = arith.andi %get3A_507, %and3A_518 : vector<16xi32>
      %bitcast3A_520 = vector.bitcast %and3A_519 : vector<16xi32> to vector<16xf32>
      %shift_left3A_521 = arith.constant 16 : i32
      %shift_left3A_522 = vector.broadcast %shift_left3A_521 : i32 to vector<16xi32>
      %shift_left3A_523 = arith.shli %get3A_512, %shift_left3A_522 : vector<16xi32>
      %bitcast3A_524 = vector.bitcast %shift_left3A_523 : vector<16xi32> to vector<16xf32>
      %and3A_525 = arith.constant -65536 : i32
      %and3A_526 = vector.broadcast %and3A_525 : i32 to vector<16xi32>
      %and3A_527 = arith.andi %get3A_512, %and3A_526 : vector<16xi32>
      %bitcast3A_528 = vector.bitcast %and3A_527 : vector<16xi32> to vector<16xf32>
      %mul3A_529 = arith.mulf %bitcast3A_516, %bitcast3A_524 : vector<16xf32>
      %add3A_530 = arith.constant 0 : i32
      %add3A_531 = arith.addi %add3A_469, %add3A_530 : i32
      %swap3A_532 = arith.index_cast %add3A_531 : i32 to index
      %swap3A_533 = arith.constant 32 : index
      %swap3A_534 = tpu.vector_load %arg16[%swap3A_532, %swap3A_533] {strides = array<i32>} : memref<128x64xf32, #tpu.memory_space<vmem>>, vector<16xf32>,
      tpu.vector_store %arg16[%swap3A_532, %swap3A_533], %mul3A_529 {strides = array<i32>} : memref<128x64xf32, #tpu.memory_space<vmem>>, vector<16xf32>,
      %mul3A_535 = arith.mulf %bitcast3A_520, %bitcast3A_528 : vector<16xf32>
      %add3A_536 = arith.constant 0 : i32
      %add3A_537 = arith.addi %add3A_469, %add3A_536 : i32
      %swap3A_538 = arith.index_cast %add3A_537 : i32 to index
      %swap3A_539 = arith.constant 48 : index
      %swap3A_540 = tpu.vector_load %arg16[%swap3A_538, %swap3A_539] {strides = array<i32>} : memref<128x64xf32, #tpu.memory_space<vmem>>, vector<16xf32>,
      tpu.vector_store %arg16[%swap3A_538, %swap3A_539], %mul3A_535 {strides = array<i32>} : memref<128x64xf32, #tpu.memory_space<vmem>>, vector<16xf32>,
      %add3A_541 = arith.constant 1 : i32
      %add3A_542 = arith.addi %add3A_469, %add3A_541 : i32
      %get3A_543 = arith.index_cast %add3A_542 : i32 to index
      %get3A_544 = arith.constant 0 : index
      %get3A_545 = tpu.vector_load %arg12[%get3A_543, %get3A_544] {strides = array<i32>} : memref<128x32xi32, #tpu.memory_space<vmem>>, vector<16xi32>,
      %add3A_546 = arith.constant 1 : i32
      %add3A_547 = arith.addi %add3A_469, %add3A_546 : i32
      %get3A_548 = arith.index_cast %add3A_547 : i32 to index
      %get3A_549 = arith.constant 0 : index
      %get3A_550 = tpu.vector_load %arg14[%get3A_548, %get3A_549] {strides = array<i32>} : memref<128x32xi32, #tpu.memory_space<vmem>>, vector<16xi32>,
      %shift_left3A_551 = arith.constant 16 : i32
      %shift_left3A_552 = vector.broadcast %shift_left3A_551 : i32 to vector<16xi32>
      %shift_left3A_553 = arith.shli %get3A_545, %shift_left3A_552 : vector<16xi32>
      %bitcast3A_554 = vector.bitcast %shift_left3A_553 : vector<16xi32> to vector<16xf32>
      %and3A_555 = arith.constant -65536 : i32
      %and3A_556 = vector.broadcast %and3A_555 : i32 to vector<16xi32>
      %and3A_557 = arith.andi %get3A_545, %and3A_556 : vector<16xi32>
      %bitcast3A_558 = vector.bitcast %and3A_557 : vector<16xi32> to vector<16xf32>
      %shift_left3A_559 = arith.constant 16 : i32
      %shift_left3A_560 = vector.broadcast %shift_left3A_559 : i32 to vector<16xi32>
      %shift_left3A_561 = arith.shli %get3A_550, %shift_left3A_560 : vector<16xi32>
      %bitcast3A_562 = vector.bitcast %shift_left3A_561 : vector<16xi32> to vector<16xf32>
      %and3A_563 = arith.constant -65536 : i32
      %and3A_564 = vector.broadcast %and3A_563 : i32 to vector<16xi32>
      %and3A_565 = arith.andi %get3A_550, %and3A_564 : vector<16xi32>
      %bitcast3A_566 = vector.bitcast %and3A_565 : vector<16xi32> to vector<16xf32>
      %mul3A_567 = arith.mulf %bitcast3A_554, %bitcast3A_562 : vector<16xf32>
      %add3A_568 = arith.constant 1 : i32
      %add3A_569 = arith.addi %add3A_469, %add3A_568 : i32
      %swap3A_570 = arith.index_cast %add3A_569 : i32 to index
      %swap3A_571 = arith.constant 0 : index
      %swap3A_572 = tpu.vector_load %arg16[%swap3A_570, %swap3A_571] {strides = array<i32>} : memref<128x64xf32, #tpu.memory_space<vmem>>, vector<16xf32>,
      tpu.vector_store %arg16[%swap3A_570, %swap3A_571], %mul3A_567 {strides = array<i32>} : memref<128x64xf32, #tpu.memory_space<vmem>>, vector<16xf32>,
      %mul3A_573 = arith.mulf %bitcast3A_558, %bitcast3A_566 : vector<16xf32>
      %add3A_574 = arith.constant 1 : i32
      %add3A_575 = arith.addi %add3A_469, %add3A_574 : i32
      %swap3A_576 = arith.index_cast %add3A_575 : i32 to index
      %swap3A_577 = arith.constant 16 : index
      %swap3A_578 = tpu.vector_load %arg16[%swap3A_576, %swap3A_577] {strides = array<i32>} : memref<128x64xf32, #tpu.memory_space<vmem>>, vector<16xf32>,
      tpu.vector_store %arg16[%swap3A_576, %swap3A_577], %mul3A_573 {strides = array<i32>} : memref<128x64xf32, #tpu.memory_space<vmem>>, vector<16xf32>,
      %add3A_579 = arith.constant 1 : i32
      %add3A_580 = arith.addi %add3A_469, %add3A_579 : i32
      %get3A_581 = arith.index_cast %add3A_580 : i32 to index
      %get3A_582 = arith.constant 16 : index
      %get3A_583 = tpu.vector_load %arg12[%get3A_581, %get3A_582] {strides = array<i32>} : memref<128x32xi32, #tpu.memory_space<vmem>>, vector<16xi32>,
      %add3A_584 = arith.constant 1 : i32
      %add3A_585 = arith.addi %add3A_469, %add3A_584 : i32
      %get3A_586 = arith.index_cast %add3A_585 : i32 to index
      %get3A_587 = arith.constant 16 : index
      %get3A_588 = tpu.vector_load %arg14[%get3A_586, %get3A_587] {strides = array<i32>} : memref<128x32xi32, #tpu.memory_space<vmem>>, vector<16xi32>,
      %shift_left3A_589 = arith.constant 16 : i32
      %shift_left3A_590 = vector.broadcast %shift_left3A_589 : i32 to vector<16xi32>
      %shift_left3A_591 = arith.shli %get3A_583, %shift_left3A_590 : vector<16xi32>
      %bitcast3A_592 = vector.bitcast %shift_left3A_591 : vector<16xi32> to vector<16xf32>
      %and3A_593 = arith.constant -65536 : i32
      %and3A_594 = vector.broadcast %and3A_593 : i32 to vector<16xi32>
      %and3A_595 = arith.andi %get3A_583, %and3A_594 : vector<16xi32>
      %bitcast3A_596 = vector.bitcast %and3A_595 : vector<16xi32> to vector<16xf32>
      %shift_left3A_597 = arith.constant 16 : i32
      %shift_left3A_598 = vector.broadcast %shift_left3A_597 : i32 to vector<16xi32>
      %shift_left3A_599 = arith.shli %get3A_588, %shift_left3A_598 : vector<16xi32>
      %bitcast3A_600 = vector.bitcast %shift_left3A_599 : vector<16xi32> to vector<16xf32>
      %and3A_601 = arith.constant -65536 : i32
      %and3A_602 = vector.broadcast %and3A_601 : i32 to vector<16xi32>
      %and3A_603 = arith.andi %get3A_588, %and3A_602 : vector<16xi32>
      %bitcast3A_604 = vector.bitcast %and3A_603 : vector<16xi32> to vector<16xf32>
      %mul3A_605 = arith.mulf %bitcast3A_592, %bitcast3A_600 : vector<16xf32>
      %add3A_606 = arith.constant 1 : i32
      %add3A_607 = arith.addi %add3A_469, %add3A_606 : i32
      %swap3A_608 = arith.index_cast %add3A_607 : i32 to index
      %swap3A_609 = arith.constant 32 : index
      %swap3A_610 = tpu.vector_load %arg16[%swap3A_608, %swap3A_609] {strides = array<i32>} : memref<128x64xf32, #tpu.memory_space<vmem>>, vector<16xf32>,
      tpu.vector_store %arg16[%swap3A_608, %swap3A_609], %mul3A_605 {strides = array<i32>} : memref<128x64xf32, #tpu.memory_space<vmem>>, vector<16xf32>,
      %mul3A_611 = arith.mulf %bitcast3A_596, %bitcast3A_604 : vector<16xf32>
      %add3A_612 = arith.constant 1 : i32
      %add3A_613 = arith.addi %add3A_469, %add3A_612 : i32
      %swap3A_614 = arith.index_cast %add3A_613 : i32 to index
      %swap3A_615 = arith.constant 48 : index
      %swap3A_616 = tpu.vector_load %arg16[%swap3A_614, %swap3A_615] {strides = array<i32>} : memref<128x64xf32, #tpu.memory_space<vmem>>, vector<16xf32>,
      tpu.vector_store %arg16[%swap3A_614, %swap3A_615], %mul3A_611 {strides = array<i32>} : memref<128x64xf32, #tpu.memory_space<vmem>>, vector<16xf32>,
    }
    %scan3A_436 = arith.constant 64 : i32
    %dma_start3A_437 = arith.constant 79 : i32
    %dma_start3A_438 = arith.constant 0 : i32
    %dma_start3A_439 = tpu.memref_slice %arg9[%dma_start3A_437, %dma_start3A_438] : memref<80x128xi32, #tpu.memory_space<vmem>> -> memref<1x128xi32, #tpu.memory_space<vmem>>
    %dma_start3A_440 = tpu.memref_squeeze %dma_start3A_439 : memref<1x128xi32, #tpu.memory_space<vmem>> -> memref<128xi32, #tpu.memory_space<vmem>>
    %dma_start3A_441 = arith.constant 0 : i32
    %dma_start3A_442 = arith.constant 0 : i32
    %dma_start3A_443 = tpu.memref_slice %arg17[%dma_start3A_441, %dma_start3A_442] : memref<10240x64xf32, #tpu.memory_space<vmem_shared>> -> memref<10240x64xf32, #tpu.memory_space<vmem_shared>>
    tpu.enqueue_indirect_dma source(%arg16 : memref<128x64xf32, #tpu.memory_space<vmem>>) target(%dma_start3A_443 : memref<10240x64xf32, #tpu.memory_space<vmem_shared>>) offsets(%dma_start3A_440 : memref<128xi32, #tpu.memory_space<vmem>>) semaphore(%arg22 : memref<!tpu.dma_semaphore, #tpu.memory_space<semaphore_mem>>) {add = true}
    %dma_wait3A_444 = arith.constant 0 : i32
    %dma_wait3A_445 = arith.constant 0 : i32
    %dma_wait3A_446 = tpu.memref_slice %arg9[%dma_wait3A_444, %dma_wait3A_445] : memref<80x128xi32, #tpu.memory_space<vmem>> -> memref<1x128xi32, #tpu.memory_space<vmem>>
    %dma_wait3A_447 = tpu.memref_squeeze %dma_wait3A_446 : memref<1x128xi32, #tpu.memory_space<vmem>> -> memref<128xi32, #tpu.memory_space<vmem>>
    %dma_wait3A_448 = arith.constant 0 : i32
    %dma_wait3A_449 = arith.constant 0 : i32
    %dma_wait3A_450 = tpu.memref_slice %arg17[%dma_wait3A_448, %dma_wait3A_449] : memref<10240x64xf32, #tpu.memory_space<vmem_shared>> -> memref<10240x64xf32, #tpu.memory_space<vmem_shared>>
    tpu.wait_indirect_dma semaphore(%arg21 : memref<!tpu.dma_semaphore, #tpu.memory_space<semaphore_mem>>) src(%arg15 : memref<128x64xf32, #tpu.memory_space<vmem>>) dst(%dma_wait3A_450 : memref<10240x64xf32, #tpu.memory_space<vmem_shared>>)
    %dma_wait3A_451 = arith.constant 0 : i32
    %dma_wait3A_452 = arith.constant 0 : i32
    %dma_wait3A_453 = tpu.memref_slice %arg9[%dma_wait3A_451, %dma_wait3A_452] : memref<80x128xi32, #tpu.memory_space<vmem>> -> memref<1x128xi32, #tpu.memory_space<vmem>>
    %dma_wait3A_454 = tpu.memref_squeeze %dma_wait3A_453 : memref<1x128xi32, #tpu.memory_space<vmem>> -> memref<128xi32, #tpu.memory_space<vmem>>
    %dma_wait3A_455 = arith.constant 0 : i32
    %dma_wait3A_456 = arith.constant 0 : i32
    %dma_wait3A_457 = tpu.memref_slice %arg17[%dma_wait3A_455, %dma_wait3A_456] : memref<10240x64xf32, #tpu.memory_space<vmem_shared>> -> memref<10240x64xf32, #tpu.memory_space<vmem_shared>>
    tpu.wait_indirect_dma semaphore(%arg22 : memref<!tpu.dma_semaphore, #tpu.memory_space<semaphore_mem>>) src(%arg16 : memref<128x64xf32, #tpu.memory_space<vmem>>) dst(%dma_wait3A_457 : memref<10240x64xf32, #tpu.memory_space<vmem_shared>>)
    %barrier3A_458 = arith.constant 0 : index
    tpu.barrier barrier_id(%barrier3A_458)
    %ne3A = arith.constant 15 : i32
    %ne3A_459 = arith.cmpi ne, %arg1, %ne3A : i32
    %convert_element_type3A = arith.extui %ne3A_459 : i1 to i32
    %cond3A = arith.constant 0 : i32
    %cond3A_460 = arith.cmpi ne, %convert_element_type3A, %cond3A : i32
    scf.if %cond3A_460 {
      %mul3A_465 = arith.constant 624 : i32
      %mul3A_466 = arith.muli %arg1, %mul3A_465 : i32
      %mul3A_467 = arith.constant 10000 : i32
      %mul3A_468 = arith.muli %arg0, %mul3A_467 : i32
      %mul3A_469 = arith.constant 624 : i32
      %mul3A_470 = arith.muli %arg1, %mul3A_469 : i32
      %add3A_471 = arith.addi %mul3A_468, %mul3A_470 : i32
      "tpu.region"() ({
        %run_scoped3A = tpu.sem_alloc : memref<!tpu.dma_semaphore, #tpu.memory_space<semaphore_mem>>
        %dma_start3A_472 = arith.constant 0 : i32
        %dma_start3A_473 = tpu.memref_slice %arg7[%add3A_471, %dma_start3A_472] : memref<20000x64xf32, #tpu.memory_space<hbm>> -> memref<624x64xf32, #tpu.memory_space<hbm>>
        %dma_start3A_474 = arith.constant 0 : i32
        %dma_start3A_475 = tpu.memref_slice %arg17[%mul3A_466, %dma_start3A_474] : memref<10240x64xf32, #tpu.memory_space<vmem_shared>> -> memref<624x64xf32, #tpu.memory_space<vmem_shared>>
        tpu.enqueue_dma source(%dma_start3A_475 : memref<624x64xf32, #tpu.memory_space<vmem_shared>>) target(%dma_start3A_473 : memref<624x64xf32, #tpu.memory_space<hbm>>) target_semaphore(%run_scoped3A : memref<!tpu.dma_semaphore, #tpu.memory_space<semaphore_mem>>)
        %dma_wait3A_476 = arith.constant 0 : i32
        %dma_wait3A_477 = tpu.memref_slice %arg7[%add3A_471, %dma_wait3A_476] : memref<20000x64xf32, #tpu.memory_space<hbm>> -> memref<624x64xf32, #tpu.memory_space<hbm>>
        %dma_wait3A_478 = arith.constant 0 : i32
        %dma_wait3A_479 = tpu.memref_slice %arg17[%mul3A_466, %dma_wait3A_478] : memref<10240x64xf32, #tpu.memory_space<vmem_shared>> -> memref<624x64xf32, #tpu.memory_space<vmem_shared>>
        tpu.wait_dma2 semaphore(%run_scoped3A : memref<!tpu.dma_semaphore, #tpu.memory_space<semaphore_mem>>) src(%dma_wait3A_479 : memref<624x64xf32, #tpu.memory_space<vmem_shared>>) dst(%dma_wait3A_477 : memref<624x64xf32, #tpu.memory_space<hbm>>)
        tpu.yield
      }) : () -> ()
    } else {
    }
    %eq3A = arith.constant 15 : i32
    %eq3A_461 = arith.cmpi eq, %arg1, %eq3A : i32
    %convert_element_type3A_462 = arith.extui %eq3A_461 : i1 to i32
    %cond3A_463 = arith.constant 0 : i32
    %cond3A_464 = arith.cmpi ne, %convert_element_type3A_462, %cond3A_463 : i32
    scf.if %cond3A_464 {
      %mul3A_465 = arith.constant 10000 : i32
      %mul3A_466 = arith.muli %arg0, %mul3A_465 : i32
      %add3A_467 = arith.constant 9360 : i32
      %add3A_468 = arith.addi %mul3A_466, %add3A_467 : i32
      "tpu.region"() ({
        %run_scoped3A = tpu.sem_alloc : memref<!tpu.dma_semaphore, #tpu.memory_space<semaphore_mem>>
        %dma_start3A_469 = arith.constant 0 : i32
        %dma_start3A_470 = tpu.memref_slice %arg7[%add3A_468, %dma_start3A_469] : memref<20000x64xf32, #tpu.memory_space<hbm>> -> memref<640x64xf32, #tpu.memory_space<hbm>>
        %dma_start3A_471 = arith.constant 9360 : i32
        %dma_start3A_472 = arith.constant 0 : i32
        %dma_start3A_473 = tpu.memref_slice %arg17[%dma_start3A_471, %dma_start3A_472] : memref<10240x64xf32, #tpu.memory_space<vmem_shared>> -> memref<640x64xf32, #tpu.memory_space<vmem_shared>>
        tpu.enqueue_dma source(%dma_start3A_473 : memref<640x64xf32, #tpu.memory_space<vmem_shared>>) target(%dma_start3A_470 : memref<640x64xf32, #tpu.memory_space<hbm>>) target_semaphore(%run_scoped3A : memref<!tpu.dma_semaphore, #tpu.memory_space<semaphore_mem>>)
        %dma_wait3A_474 = arith.constant 0 : i32
        %dma_wait3A_475 = tpu.memref_slice %arg7[%add3A_468, %dma_wait3A_474] : memref<20000x64xf32, #tpu.memory_space<hbm>> -> memref<640x64xf32, #tpu.memory_space<hbm>>
        %dma_wait3A_476 = arith.constant 9360 : i32
        %dma_wait3A_477 = arith.constant 0 : i32
        %dma_wait3A_478 = tpu.memref_slice %arg17[%dma_wait3A_476, %dma_wait3A_477] : memref<10240x64xf32, #tpu.memory_space<vmem_shared>> -> memref<640x64xf32, #tpu.memory_space<vmem_shared>>
        tpu.wait_dma2 semaphore(%run_scoped3A : memref<!tpu.dma_semaphore, #tpu.memory_space<semaphore_mem>>) src(%dma_wait3A_478 : memref<640x64xf32, #tpu.memory_space<vmem_shared>>) dst(%dma_wait3A_475 : memref<640x64xf32, #tpu.memory_space<hbm>>)
        tpu.yield
      }) : () -> ()
    } else {
    }
    return
  }
}

module attributes {stable_mosaic.version = 14 : i64} {
  func.func @_tc_finish_body(%arg0: i32, %arg1: memref<2000x64xf32, #tpu.memory_space<vmem>>, %arg2: memref<2000x64xf32, #tpu.memory_space<vmem>>, %arg3: memref<2000x128xf32, #tpu.memory_space<vmem>>, %arg4: memref<128x128xf32, #tpu.memory_space<vmem>>, %arg5: memref<1x128xf32, #tpu.memory_space<vmem>>, %arg6: memref<1x128xf32, #tpu.memory_space<vmem>>, %arg7: memref<1x128xf32, #tpu.memory_space<vmem>>, %arg8: memref<2000x128xf32, #tpu.memory_space<vmem>>) attributes {dimension_semantics = [#tpu.dimension_semantics<arbitrary>], iteration_bounds = array<i64: 5>, scalar_prefetch = 0 : i64, scratch_operands = 0 : i64, tpu.core_type = #tpu.core_type<tc>, window_params = [{transform_indices = @transform_0, window_bounds = array<i64: 2000, 64>}, {transform_indices = @transform_1, window_bounds = array<i64: 2000, 64>}, {transform_indices = @transform_2, window_bounds = array<i64: 2000, 128>}, {pipeline_mode = #tpu.pipeline_mode<synchronous>, transform_indices = @transform_3, window_bounds = array<i64: 128, 128>}, {pipeline_mode = #tpu.pipeline_mode<synchronous>, transform_indices = @transform_4, window_bounds = array<i64: 1, 128>}, {pipeline_mode = #tpu.pipeline_mode<synchronous>, transform_indices = @transform_5, window_bounds = array<i64: 1, 128>}, {pipeline_mode = #tpu.pipeline_mode<synchronous>, transform_indices = @transform_6, window_bounds = array<i64: 1, 128>}, {transform_indices = @transform_7, window_bounds = array<i64: 2000, 128>}]} {
    %get3A = arith.constant 0 : index
    %get3A_0 = arith.constant 0 : index
    %get3A_1 = vector.load %arg1[%get3A, %get3A_0] : memref<2000x64xf32, #tpu.memory_space<vmem>>, vector<2000x64xf32>
    %get3A_2 = arith.constant 0 : index
    %get3A_3 = arith.constant 0 : index
    %get3A_4 = vector.load %arg2[%get3A_2, %get3A_3] : memref<2000x64xf32, #tpu.memory_space<vmem>>, vector<2000x64xf32>
    %concatenate3A = tpu.concatenate %get3A_1, %get3A_4 in 1 : vector<2000x64xf32>, vector<2000x64xf32> -> vector<2000x128xf32>
    %get3A_5 = arith.constant 0 : index
    %get3A_6 = arith.constant 0 : index
    %get3A_7 = vector.load %arg4[%get3A_5, %get3A_6] : memref<128x128xf32, #tpu.memory_space<vmem>>, vector<128x128xf32>
    %dot_general3A = arith.constant dense<0.000000e+00> : vector<2000x128xf32>
    %dot_general3A_8 = tpu.matmul %concatenate3A, %get3A_7, %dot_general3A {dimension_numbers = #tpu.dot_dimension_numbers<[1], [1], [0], [0], [0, 0, 1, 0], [], []>, precision = #tpu.contract_precision<fp32>, transpose_lhs_hint = false} : vector<2000x128xf32>, vector<128x128xf32>, vector<2000x128xf32> -> vector<2000x128xf32>
    %get3A_9 = arith.constant 0 : index
    %get3A_10 = arith.constant 0 : index
    %get3A_11 = vector.load %arg5[%get3A_9, %get3A_10] : memref<1x128xf32, #tpu.memory_space<vmem>>, vector<1x128xf32>
    %add3A = vector.broadcast %get3A_11 : vector<1x128xf32> to vector<2000x128xf32>
    %add3A_12 = arith.addf %dot_general3A_8, %add3A : vector<2000x128xf32>
    %get3A_13 = arith.constant 0 : index
    %get3A_14 = arith.constant 0 : index
    %get3A_15 = vector.load %arg3[%get3A_13, %get3A_14] : memref<2000x128xf32, #tpu.memory_space<vmem>>, vector<2000x128xf32>
    %add3A_16 = arith.addf %add3A_12, %get3A_15 : vector<2000x128xf32>
    %reduce_sum3A = arith.constant dense<0.000000e+00> : vector<2000xf32>
    %reduce_sum3A_17 = vector.multi_reduction <add>, %add3A_16, %reduce_sum3A [1] : vector<2000x128xf32> to vector<2000xf32>
    %broadcast_in_dim3A = vector.shape_cast %reduce_sum3A_17 : vector<2000xf32> to vector<2000x1xf32>
    %div3A = arith.constant 1.280000e+02 : f32
    %div3A_18 = vector.broadcast %div3A : f32 to vector<2000x1xf32>
    %div3A_19 = arith.divf %broadcast_in_dim3A, %div3A_18 : vector<2000x1xf32>
    %sub3A = vector.broadcast %div3A_19 : vector<2000x1xf32> to vector<2000x128xf32>
    %sub3A_20 = arith.subf %add3A_16, %sub3A : vector<2000x128xf32>
    %mul3A = arith.mulf %sub3A_20, %sub3A_20 : vector<2000x128xf32>
    %reduce_sum3A_21 = arith.constant dense<0.000000e+00> : vector<2000xf32>
    %reduce_sum3A_22 = vector.multi_reduction <add>, %mul3A, %reduce_sum3A_21 [1] : vector<2000x128xf32> to vector<2000xf32>
    %broadcast_in_dim3A_23 = vector.shape_cast %reduce_sum3A_22 : vector<2000xf32> to vector<2000x1xf32>
    %div3A_24 = arith.constant 1.280000e+02 : f32
    %div3A_25 = vector.broadcast %div3A_24 : f32 to vector<2000x1xf32>
    %div3A_26 = arith.divf %broadcast_in_dim3A_23, %div3A_25 : vector<2000x1xf32>
    %add3A_27 = arith.constant 9.99999974E-6 : f32
    %add3A_28 = vector.broadcast %add3A_27 : f32 to vector<2000x1xf32>
    %add3A_29 = arith.addf %div3A_26, %add3A_28 : vector<2000x1xf32>
    %rsqrt3A = math.rsqrt %add3A_29 : vector<2000x1xf32>
    %mul3A_30 = vector.broadcast %rsqrt3A : vector<2000x1xf32> to vector<2000x128xf32>
    %mul3A_31 = arith.mulf %sub3A_20, %mul3A_30 : vector<2000x128xf32>
    %get3A_32 = arith.constant 0 : index
    %get3A_33 = arith.constant 0 : index
    %get3A_34 = vector.load %arg6[%get3A_32, %get3A_33] : memref<1x128xf32, #tpu.memory_space<vmem>>, vector<1x128xf32>
    %mul3A_35 = vector.broadcast %get3A_34 : vector<1x128xf32> to vector<2000x128xf32>
    %mul3A_36 = arith.mulf %mul3A_31, %mul3A_35 : vector<2000x128xf32>
    %get3A_37 = arith.constant 0 : index
    %get3A_38 = arith.constant 0 : index
    %get3A_39 = vector.load %arg7[%get3A_37, %get3A_38] : memref<1x128xf32, #tpu.memory_space<vmem>>, vector<1x128xf32>
    %add3A_40 = vector.broadcast %get3A_39 : vector<1x128xf32> to vector<2000x128xf32>
    %add3A_41 = arith.addf %mul3A_36, %add3A_40 : vector<2000x128xf32>
    %swap3A = arith.constant 0 : index
    %swap3A_42 = arith.constant 0 : index
    %swap3A_43 = vector.load %arg8[%swap3A, %swap3A_42] : memref<2000x128xf32, #tpu.memory_space<vmem>>, vector<2000x128xf32>
    tpu.vector_store %arg8[%swap3A, %swap3A_42], %add3A_41 {strides = array<i32>} : memref<2000x128xf32, #tpu.memory_space<vmem>>, vector<2000x128xf32>,
    return
  }
  func.func @transform_0(%arg0: i32) -> (i32, i32) {
    %c0_i32 = arith.constant 0 : i32
    %c0_i32_0 = arith.constant 0 : i32
    return %arg0, %c0_i32 : i32, i32
  }
  func.func @transform_1(%arg0: i32) -> (i32, i32) {
    %add3A = arith.constant 5 : i32
    %add3A_0 = arith.addi %arg0, %add3A : i32
    %c0_i32 = arith.constant 0 : i32
    %c0_i32_1 = arith.constant 0 : i32
    return %add3A_0, %c0_i32 : i32, i32
  }
  func.func @transform_2(%arg0: i32) -> (i32, i32) {
    %c0_i32 = arith.constant 0 : i32
    %c0_i32_0 = arith.constant 0 : i32
    return %arg0, %c0_i32 : i32, i32
  }
  func.func @transform_3(%arg0: i32) -> (i32, i32) {
    %c0_i32 = arith.constant 0 : i32
    %c0_i32_0 = arith.constant 0 : i32
    %c0_i32_1 = arith.constant 0 : i32
    return %c0_i32, %c0_i32_0 : i32, i32
  }
  func.func @transform_4(%arg0: i32) -> (i32, i32) {
    %c0_i32 = arith.constant 0 : i32
    %c0_i32_0 = arith.constant 0 : i32
    %c0_i32_1 = arith.constant 0 : i32
    return %c0_i32, %c0_i32_0 : i32, i32
  }
  func.func @transform_5(%arg0: i32) -> (i32, i32) {
    %c0_i32 = arith.constant 0 : i32
    %c0_i32_0 = arith.constant 0 : i32
    %c0_i32_1 = arith.constant 0 : i32
    return %c0_i32, %c0_i32_0 : i32, i32
  }
  func.func @transform_6(%arg0: i32) -> (i32, i32) {
    %c0_i32 = arith.constant 0 : i32
    %c0_i32_0 = arith.constant 0 : i32
    %c0_i32_1 = arith.constant 0 : i32
    return %c0_i32, %c0_i32_0 : i32, i32
  }
  func.func @transform_7(%arg0: i32) -> (i32, i32) {
    %c0_i32 = arith.constant 0 : i32
    %c0_i32_0 = arith.constant 0 : i32
    return %arg0, %c0_i32 : i32, i32
  }
}

</mosaic_0001>

<sc_bundles>
// kernel: kernel.4.cloned.1.call-start
scs
__scs_entry_jumppad:
0x0: {  	(pc) =	sbr.rel $0x88, $3  }
0x1: {  	(tag) =	ssettag $0x0;
	lr =	simm.s32 $0x1  }
0x2: {  	[smem:$0x3F99] =	sst lr;
	_ =	strace $0xD0000000  }
0x3: {  	_ = 	snop  }
0x4: {  	_ = 	snop  }
0x5: {  	_ = 	snop  }
0x6: {  	_ = 	snop  }
0x7: {  	_ = 	snop  }
__scs_overlays_trampoline_lowered:
0x8: {  	[smem:$0x3FA8] =	sst s0  }
0x9: {  	[smem:$0x3FA9] =	sst s1  }
0xa: {  	[smem:$0x3FAA] =	sst s2  }
0xb: {  	[smem:$0x3FAB] =	sst s3  }
0xc: {  	[smem:$0x3FAC] =	sst s4  }
0xd: {  	[smem:$0x3FAD] =	sst s5  }
0xe: {  	[smem:$0x3FAE] =	sst s6  }
0xf: {  	[smem:$0x3FAF] =	sst s7  }
0x10: {  	[smem:$0x3FB0] =	sst s8  }
0x11: {  	[smem:$0x3FB1] =	sst s9;
	s0 =	simm.s32 @!p0 $0x0  }
0x12: {  	s1 =	sld [smem:$0x3F97];
	s0 =	simm.s32 @p0 $0x1  }
0x13: {  	[smem:$0x3FB2] =	sst s0;
	s0 =	simm.s32 @!p1 $0x0  }
0x14: {  	s2 =	sld [smem:$0x3F96];
	s0 =	simm.s32 @p1 $0x1  }
0x15: {  	[smem:$0x3FB3] =	sst s0;
	s0 =	simm.s32 @!p2 $0x0  }
0x16: {  	s3 =	sld [smem:$0x3FDB];
	s0 =	simm.s32 @p2 $0x1  }
0x17: {  	s4 =	simm.s32 $0x1BF5;
	[smem:$0x3FB5] =	sst s0  }
0x18: {  	s0 =	sld [smem:$0x3F98];
	_ =	swait.ge [sflag:s4], $0x0  }
0x19: {  	s7 =	sld [smem:$0x3F99]  }
0x1a: {  	s8 =	sadd.s32 $0xFFFFE003, lr  }
0x1b: {  	s9 =	sadd.s32 $0xFFFFFEF7, lr;
	s5 =	simm.s32 $0xFFFFFFFF;
	p2 =	slt.u32 s8, $0xFFFFF086  }
0x1c: {  	p1 =	slt.u32 s9, $0xF7A;
	s5 =	simm.s32 @!p2 $0x0  }
0x1d: {  	s5 =	simm.s32 @p1 $0x1;
	p0 =	seq.s32 s7, s2  }
0x1e: {  	s7 =	smul.u32 @!p0 $0xF7A, s2;
	p2 =	seq.s32 @!p0 s5, $0x0  }
0x1f: {  	s9 =	smul.u32 $0xF7A, s1;
	s8 =	simm.s32 @!p0 $0x1BF5;
	p2 =	por !p2, p0  }
0x20: {  	[sflag:s8] =	ssyncset.s32 @!p0 $0xFFFFF086;
	s6 =	sadd.s32 @!p0 s3, s7;
	s7 =	simm.s32 @!p0 $0x108  }
0x21: {  	s3 =	sadd.s32 s3, s9;
	s6 =	sadd.s32 @!p0 $0x88, s6;
	s7 =	simm.s32 @p2 $0x1082  }
0x22: {  	[simem:s7], [sflag:s8] =	dma.local @!p0 [hbm:s6], $0xF7A  }
0x23: {  	s9 =	sor.u32 $0xD0000000, s2;
	s6 =	simm.s32 $0x108;
	_ =	swait.ge @!p0 [sflag:s8], $0x0  }
0x24: {  	s3 =	sadd.s32 $0x88, s3;
	s6 =	simm.s32 @!p1 $0x1082;
	[sflag:s4] =	ssyncset.s32 $0xFFFFF086  }
0x25: {  	[simem:s6], [sflag:s4] =	dma.local [hbm:s3], $0xF7A  }
0x26: {  	[smem:$0x3F99] =	sst s1;
	(tag) =	ssettag s2;
	_ =	strace s9  }
0x27: {  	s1 =	sld [smem:$0x3FA9]  }
0x28: {  	s2 =	sld [smem:$0x3FAA]  }
0x29: {  	s4 =	sld [smem:$0x3FAC]  }
0x2a: {  	p0 =	seq.s32 s5, $0x0;
	s5 =	sld [smem:$0x3FAD]  }
0x2b: {  	s6 =	sld [smem:$0x3FAE]  }
0x2c: {  	s7 =	sld [smem:$0x3FAF]  }
0x2d: {  	s3 =	simm.s32 $0x108;
	s8 =	sld [smem:$0x3FB0]  }
0x2e: {  	s3 =	simm.s32 @!p0 $0x1082;
	s9 =	sld [smem:$0x3FB1]  }
0x2f: {  	lr =	sadd.s32 s0, s3;
	s0 =	sld [smem:$0x3FA8]  }
0x30: {  	s3 =	sld [smem:$0x3FAB]  }
0x31: {  	[smem:$0x3FB4] =	sst s10  }
0x32: {  	s10 =	sld [smem:$0x3FB2];
	_ =	sdelay $0x3  }
0x33: {  	p0 =	seq.s32 s10, $0x1;
	s10 =	sld [smem:$0x3FB4];
	_ =	sdelay $0x3  }
0x34: {  	[smem:$0x3FB4] =	sst s10  }
0x35: {  	s10 =	sld [smem:$0x3FB3];
	_ =	sdelay $0x3  }
0x36: {  	p1 =	seq.s32 s10, $0x1;
	s10 =	sld [smem:$0x3FB4];
	_ =	sdelay $0x3  }
0x37: {  	[smem:$0x3FB4] =	sst s10  }
0x38: {  	s10 =	sld [smem:$0x3FB5]  }
0x39: {  	_ = 	snop;
	(pc) =	sbr.ind lr, $3  }
0x3a: {  	_ = 	snop  }
0x3b: {  	_ = 	snop  }
0x3c: {  	p2 =	seq.s32 s10, $0x1;
	s10 =	sld [smem:$0x3FB4]  }
0x3d: {  	_ =	shalt  }
0x3e: {  	_ =	shalt  }
0x3f: {  	_ =	shalt  }
0x40: {  	_ =	shalt  }
0x41: {  	_ =	shalt  }
0x42: {  	_ =	shalt  }
0x43: {  	_ =	shalt  }
0x44: {  	_ =	shalt  }
0x45: {  	_ =	shalt  }
0x46: {  	_ =	shalt  }
0x47: {  	_ =	shalt  }
0x48: {  	_ =	shalt  }
0x49: {  	_ =	shalt  }
0x4a: {  	_ =	shalt  }
0x4b: {  	_ =	shalt  }
0x4c: {  	_ =	shalt  }
0x4d: {  	_ =	shalt  }
0x4e: {  	_ =	shalt  }
0x4f: {  	_ =	shalt  }
0x50: {  	_ =	shalt  }
0x51: {  	_ =	shalt  }
0x52: {  	_ =	shalt  }
0x53: {  	_ =	shalt  }
0x54: {  	_ =	shalt  }
0x55: {  	_ =	shalt  }
0x56: {  	_ =	shalt  }
0x57: {  	_ =	shalt  }
0x58: {  	_ =	shalt  }
0x59: {  	_ =	shalt  }
0x5a: {  	_ =	shalt  }
0x5b: {  	_ =	shalt  }
0x5c: {  	_ =	shalt  }
0x5d: {  	_ =	shalt  }
0x5e: {  	_ =	shalt  }
0x5f: {  	_ =	shalt  }
0x60: {  	_ =	shalt  }
0x61: {  	_ =	shalt  }
0x62: {  	_ =	shalt  }
0x63: {  	_ =	shalt  }
0x64: {  	_ =	shalt  }
0x65: {  	_ =	shalt  }
0x66: {  	_ =	shalt  }
0x67: {  	_ =	shalt  }
0x68: {  	_ =	shalt  }
0x69: {  	_ =	shalt  }
0x6a: {  	_ =	shalt  }
0x6b: {  	_ =	shalt  }
0x6c: {  	_ =	shalt  }
0x6d: {  	_ =	shalt  }
0x6e: {  	_ =	shalt  }
0x6f: {  	_ =	shalt  }
0x70: {  	_ =	shalt  }
0x71: {  	_ =	shalt  }
0x72: {  	_ =	shalt  }
0x73: {  	_ =	shalt  }
0x74: {  	_ =	shalt  }
0x75: {  	_ =	shalt  }
0x76: {  	_ =	shalt  }
0x77: {  	_ =	shalt  }
0x78: {  	_ =	shalt  }
0x79: {  	_ =	shalt  }
0x7a: {  	_ =	shalt  }
0x7b: {  	_ =	shalt  }
0x7c: {  	_ =	shalt  }
0x7d: {  	_ =	shalt  }
0x7e: {  	_ =	shalt  }
0x7f: {  	_ =	shalt  }
0x80: {  	_ =	shalt  }
0x81: {  	_ =	shalt  }
0x82: {  	_ =	shalt  }
0x83: {  	_ =	shalt  }
0x84: {  	_ =	shalt  }
0x85: {  	_ =	shalt  }
0x86: {  	_ =	shalt  }
0x87: {  	_ =	shalt  }
.Lfunc_end0:
.L_simem_size_0:
called_computation_lowered:
.L_overlay_start_0:
0x88: {  	s2 =	sld [smem:$0x3FD9]  }
0x89: {  	s3 =	sld [smem:$0x3FFE];
	_ =	sdelay $0x1  }
0x8a: {  	s1 =	srdreg.scid  }
0x8b: {  	s0 =	sand.u32 $0x1, s1  }
0x8c: {  	s14 =	sshll.u32 s0, $0xA;
	s2 =	sadd.s32 s3, s2  }
0x8d: {  	s2 =	sadd.s32 s2, s14  }
0x8e: {  	[smem:$0x3FC0] =	sst s2  }
0x8f: {  	_ = 	snop  }
0x90: {  	s2 =	sld [smem:$0x3FD0];
	_ =	sdelay $0x2  }
0x91: {  	s15 =	simm.s32 $0xA;
	s4 =	simm.s32 $0x10  }
0x92: {  	[smem:s4], [sflag:s15] =	dma.local [hbm:s2], $0x1  }
0x93: {  	_ =	swait.eq [sflag:s15], $0x1  }
0x94: {  	[sflag:s15] =	ssyncset.done $0x0  }
0x95: {  	s16 =	sld [smem:$0x10];
	[sflag:s15] =	ssyncadd.s32 $0xFFFFFFFF  }
0x96: {  	s17 =	sld [smem:$0x11];
	(tm) =	ssettm $0x1  }
0x97: {  	s18 =	sld [smem:$0x3FFB];
	_ =	sdelay $0x3  }
0x98: {  	_ =	strace s18  }
0x99: {  	s4 =	sld [smem:$0x3FFC];
	_ =	sdelay $0x3  }
0x9a: {  	_ =	strace s4  }
0x9b: {  	s4 =	sld [smem:$0x3FFD];
	_ =	sdelay $0x3  }
0x9c: {  	_ =	strace s4  }
0x9d: {  	_ =	strace $0x8FFFFFFF  }
0x9e: {  	s19 =	sld [smem:$0x3FDB];
	_ =	sdelay $0x1  }
0x9f: {  	s5 =	simm.s32 $_scs_section_size  }
0xa0: {  	s6 =	simm.s32 $_size__tile_overlayer_lowered;
	s7 =	simm.s32 $_tile_overlayer_lowered  }
0xa1: {  	s22 =	simm.s32 $0x1BFF;
	s21 =	sshll.u32 s7, $0x1;
	s4 =	sadd.s32 s5, s19  }
0xa2: {  	s8 =	simm.s32 $0x0;
	s20 =	sshll.u32 s6, $0x1;
	s6 =	sadd.s32 s21, s4  }
0xa3: {  	[timem:s8], [sflag:s22] =	dma.local [hbm:s6], s20  }
0xa4: {  	_ =	swait.ge [sflag:s22], s20  }
0xa5: {  	s5 =	ssub.s32 $0x0, s20;
	[sflag:s22] =	ssyncset.done $0x0  }
0xa6: {  	[sflag:s22] =	ssyncadd.s32 s5;
	_ =	sdelay $0x1  }
0xa7: {  	s23 =	simm.s32 $0x1B8B  }
0xa8: {  	_ =	swait.ge [sflag:s23], $0x1  }
0xa9: {  	[sflag:s23] =	ssyncset.done $0x0  }
0xaa: {  	s25 =	simm.s32 $0x1B8E;
	s24 =	sld [smem:$0x3FFE];
	[sflag:s23] =	ssyncadd.s32 $0xFFFFFFFF  }
0xab: {  	s26 =	simm.s32 $execute0_lowered;
	[smem:$0x3FD2] =	sst s25  }
0xac: {  	s6 =	sshll.u32 s26, $0x1;
	_ =	strace $0x80000046;
	[dreg:$0x1] =	wrdreg $0xFFFFFFFF  }
0xad: {  	s28 =	simm.s32 $_size_execute0_lowered;
	s4 =	sadd.s32 s4, s6;
	[dreg:$0x0] =	wrdreg $0x0  }
0xae: {  	s6 =	sshll.u32 s28, $0x1;
	[dreg:$0x2] =	wrdreg s4  }
0xaf: {  	[dreg:$0x3] =	wrdreg s6  }
0xb0: {  	[dreg:$0x4] =	wrdreg $0xC0  }
0xb1: {  	_ =	task [dreg:s8], $0x5FFFF  }
0xb2: {  	[dreg:$0x1] =	wrdreg $0xFFFFFFFF  }
0xb3: {  	[dreg:$0x0] =	wrdreg $0x60  }
0xb4: {  	[dreg:$0x2] =	wrdreg s24  }
0xb5: {  	[dreg:$0x3] =	wrdreg s17  }
0xb6: {  	[dreg:$0x4] =	wrdreg s16  }
0xb7: {  	[dreg:$0x5] =	wrdreg $0xF8000  }
0xb8: {  	[dreg:$0x6] =	wrdreg $0x9  }
0xb9: {  	_ =	task.clear_ibuf [dreg:s8], $0x7FFFF;
	_ =	strace $0x90000046  }
0xba: {  	s29 =	simm.s32 $0x9;
	_ =	strace $0x80000048  }
0xbb: {  	_ =	swait.ge [sflag:s29], $0x1  }
0xbc: {  	[sflag:s29] =	ssyncadd.s32 $0xFFFFFFFF  }
0xbd: {  	_ =	strace $0x90000048  }
0xbe: {  	_ =	sfence  }
0xbf: {  	s30 =	sld [smem:$0x0];
	_ =	sdelay $0x2  }
0xc0: {  	s31 =	sshll.u32 s1, $0xD;
	s1 =	sshrl.u32 s1, $0x2  }
0xc1: {  	s3 =	sand.u32 $0x4000, s31;
	s1 =	sadd.s32 s1, s30  }
0xc2: {  	s0 =	sor.u32 s3, s0;
	s1 =	sshll.u32 s1, $0x11  }
0xc3: {  	s0 =	sor.u32 s1, s0  }
0xc4: {  	s0 =	sadd.s32 $0x8F2B, s0  }
0xc5: {  	[sflag:s0] =	ssyncadd.remote.s32 $0x1  }
0xc6: {  	_ =	sfence.sel $0xFFFF  }
0xc7: {  	[dreg:$0x0] =	wrdreg $0xFFFFFFFF;
	(pc) =	sbr.abs _section_cstart, $3  }
0xc8: {  	[dreg:$0x1] =	wrdreg $0xFFFFFFFF  }
0xc9: {  	_ =	task.clear_ibuf [dreg:s8], $0x2FFFF;
	_ =	strace $0x9FFFFFFF  }
0xca: {  	(tm) =	ssettm $0x7FFFFFFF  }
0xcb: {  	_ =	shalt  }
tec
execute0_lowered:
.L_overlay_start_1:
0x0: {  	(tag) =	ssettag $0x1  }
0x1: {  	s0 =	rddreg [dreg:$0x0]  }
0x2: {  	s1 =	rddreg [dreg:$0x1];
	s15 =	stileid.u32  }
0x3: {  	s3 =	rddreg [dreg:$0x2];
	s8 =	smul.u32 $0xA0, s15  }
0x4: {  	s2 =	rddreg [dreg:$0x3];
	s4 =	simm.s32 $0x0;
	s23 =	smul.u32 $0xA00, s15  }
0x5: {  	s5 =	srdreg.scid;
	s28 =	simm.s32 $0x80;
	s13 =	smul.u32 $0x28000, s15  }
0x6: {  	s29 =	simm.s32 $0x7800;
	s30 =	simm.s32 $0x9800;
	s14 =	smul.u32 $0x5000, s15  }
0x7: {  	s31 =	simm.s32 $0x8800;
	[smem:$0x7FF] =	sst s4;
	s17 =	smul.u32 $0x1380, s15  }
0x8: {  	s6 =	sand.u32 $0x1, s5;
	s5 =	sadd.s32 $0x1A00, s0;
	s19 =	smul.u32 $0x27000, s15  }
0x9: {  	s10 =	sadd.s32 $0x33400, s0;
	s11 =	sadd.s32 $0x15400, s0;
	s7 =	smul.u32 $0xA00, s6  }
0xa: {  	s0 =	sadd.s32 $0x1F400, s0;
	p0 =	seq.s32 s15, $0xF;
	s26 =	smul.u32 $0x13880, s6  }
0xb: {  	_ =	strace $0x80000047;
	s9 =	ssub.s32 $0x2, s6;
	s6 =	smul.u32 $0x9C400, s6  }
0xc: {  	s12 =	sshrl.u32 s9, $0x1;
	s25 =	sshrl.u32 s13, $0x2;
	s14 =	sshrl.u32 s14, $0x3  }
0xd: {  	s22 =	sshrl.u32 s19, $0x2;
	s7 =	sadd.s32 s8, s7;
	s12 =	ssub.s32 s9, s12  }
0xe: {  	s8 =	sadd.s32 s11, s23;
	s9 =	sadd.s32 s25, s2;
	s18 =	sadd.s32 s11, s14  }
0xf: {  	s20 =	sshrl.u32 s6, $0x3;
	s21 =	sadd.s32 s17, s26;
	s6 =	simm.s32 $0x2  }
0x10: {  	s11 =	simm.s32 $0x4;
	[dreg:$0x6] =	wrdreg s8;
	s23 =	smax.u32 s12, $0x1  }
0x11: {  	s14 =	simm.s32 $0x0;
	s25 =	sadd.s32 $0x4000, s9;
	[dreg:$0xd] =	wrdreg s23  }
0x12: {  	s7 =	sshll.u32 s7, $0x4;
	s26 =	sadd.s32 $0x6000, s9;
	[dreg:$0xf] =	wrdreg s25  }
0x13: {  	s19 =	sadd.s32 $0x8000, s9;
	s24 =	sadd.s32 s10, s7;
	[dreg:$0x10] =	wrdreg s26  }
0x14: {  	s16 =	sadd.s32 s0, s7;
	s7 =	sadd.s32 $0x500, s7;
	[dreg:$0x5] =	wrdreg s24  }
0x15: {  	s8 =	simm.s32 $0x5;
	[dreg:$0x7] =	wrdreg s16;
	s10 =	sadd.s32 s10, s7  }
0x16: {  	s23 =	simm.s32 $0x6;
	s0 =	sadd.s32 s0, s7;
	[dreg:$0x8] =	wrdreg s10  }
0x17: {  	s26 =	simm.s32 $0x1;
	s24 =	sadd.s32 $0x2000, s9;
	[dreg:$0xa] =	wrdreg s0  }
0x18: {  	s7 =	simm.s32 $0xD800;
	s10 =	sadd.s32 $0x500, s18;
	[dreg:$0xe] =	wrdreg s24  }
0x19: {  	s0 =	sadd.s32 s3, s20;
	s3 =	sadd.s32 s3, s21;
	[dreg:$0x9] =	wrdreg s10  }
0x1a: {  	s20 =	simm.s32 $0x2800;
	s21 =	simm.s32 $0x5000;
	[dreg:$0xb] =	wrdreg s3  }
0x1b: {  	s3 =	sadd.s32 s22, s2;
	s0 =	sadd.s32 $0x12480, s0;
	s22 =	simm.s32 $0xB800  }
0x1c: {  	[dreg:$0xc] =	wrdreg s0;
	s0 =	sadd.s32 $0x92400, s2;
	s25 =	sshrl.u32 @!p0 s3, $0x3  }
0x1d: {  	v0 =	vimm.f32 $0.0e+00;
	s3 =	simm.s32 $0xA800;
	s24 =	sshrl.u32 @p0 s0, $0x3;
	s0 =	simm.s32 $0x3  }
.LBB2_1:
0x1e: {  	s10 =	rddreg [dreg:$0x5]  }
0x1f: {  	[tilespmem:s4], [sflag:$0x1] =	stream.linear.gather [hbm4b:s10+s4], $0x2800, $0x38;
	[tilespmem:$0x19800] =	vst v63  }
0x20: {  	s17 =	rddreg [dreg:$0x6]  }
0x21: {  	[tilespmem:s20], [sflag:$0x1] =	stream.linear.gather [hbm4b:s17+s4], $0x2800, $0x38;
	[tilespmem:$0x19800] =	vst v63  }
0x22: {  	s18 =	rddreg [dreg:$0x7];
	s12 =	simm.s32 $0x100;
	s10 =	simm.s32 $0x0  }
0x23: {  	[tilespmem:s21], [sflag:$0x1] =	stream.linear.gather [hbm4b:s18+s4], $0x2800, $0x38;
	[tilespmem:$0x19800] =	vst v63  }
.LBB2_2:
0x24: {  	p1 =	sne.s32 s12, $0x7F00;
	[tilespmem:s10+$0xB830] =	vst v0;
	s13 =	smov.u32 s12;
	s12 =	sadd.s32 $0x100, s12  }
.Ltmp0:
0x25: {  	[tilespmem:s10+$0xB820] =	vst v0;
	(pc) =	sbr.rel @p1 .LBB2_2-.Ltmp0, $3  }
0x26: {  	[tilespmem:s10+$0xB800] =	vst v0  }
0x27: {  	[tilespmem:s10+$0xB810] =	vst v0;
	_ =	sdelay $0x1  }
0x28: {  	s10 =	sshra.s32 s13, $0x2  }
0x29: {  	[tilespmem:s10+$0xB830] =	vst v0  }
0x2a: {  	[tilespmem:s10+$0xB820] =	vst v0  }
0x2b: {  	[tilespmem:s10+$0xB800] =	vst v0  }
0x2c: {  	[tilespmem:s10+$0xB810] =	vst v0  }
0x2d: {  	[spmem:s9] =	stream.linear.scatter [tilespmem:s22], [sflag:$0x6], $0x2000, $0x38;
	[tilespmem:$0x19800] =	vst v63  }
0x2e: {  	_ =	swait.ge [sflag:s23], $0x2000  }
0x2f: {  	[sflag:s23] =	ssyncset.done $0x0  }
0x30: {  	s13 =	rddreg [dreg:$0xe];
	[sflag:s23] =	ssyncadd.s32 $0xFFFFE000  }
0x31: {  	[spmem:s13] =	stream.linear.scatter [tilespmem:s22], [sflag:$0x6], $0x2000, $0x38;
	[tilespmem:$0x19800] =	vst v63  }
0x32: {  	_ =	swait.ge [sflag:s23], $0x2000  }
0x33: {  	[sflag:s23] =	ssyncset.done $0x0  }
0x34: {  	s15 =	rddreg [dreg:$0xf];
	[sflag:s23] =	ssyncadd.s32 $0xFFFFE000  }
0x35: {  	[spmem:s15] =	stream.linear.scatter [tilespmem:s22], [sflag:$0x6], $0x2000, $0x38;
	[tilespmem:$0x19800] =	vst v63  }
0x36: {  	_ =	swait.ge [sflag:s23], $0x2000  }
0x37: {  	[sflag:s23] =	ssyncset.done $0x0  }
0x38: {  	s16 =	rddreg [dreg:$0x10];
	[sflag:s23] =	ssyncadd.s32 $0xFFFFE000  }
0x39: {  	[spmem:s16] =	stream.linear.scatter [tilespmem:s22], [sflag:$0x6], $0x2000, $0x38;
	[tilespmem:$0x19800] =	vst v63  }
0x3a: {  	_ =	swait.ge [sflag:s23], $0x2000  }
0x3b: {  	[sflag:s23] =	ssyncset.done $0x0  }
0x3c: {  	[sflag:s23] =	ssyncadd.s32 $0xFFFFE000  }
0x3d: {  	[spmem:s19] =	stream.linear.scatter [tilespmem:s22], [sflag:$0x6], $0x2000, $0x38;
	[tilespmem:$0x19800] =	vst v63  }
0x3e: {  	_ =	swait.ge [sflag:s23], $0x2000  }
0x3f: {  	[sflag:s23] =	ssyncset.done $0x0  }
0x40: {  	[sflag:s23] =	ssyncadd.s32 $0xFFFFE000  }
0x41: {  	_ =	swait.ge [sflag:s26], $0x2800  }
0x42: {  	[sflag:s26] =	ssyncset.done $0x0  }
0x43: {  	[sflag:s26] =	ssyncadd.s32 $0xFFFFD800  }
0x44: {  	_ =	swait.ge [sflag:s26], $0x2800  }
0x45: {  	[sflag:s26] =	ssyncset.done $0x0  }
0x46: {  	[sflag:s26] =	ssyncadd.s32 $0xFFFFD800  }
0x47: {  	_ =	swait.ge [sflag:s26], $0x2800  }
0x48: {  	[sflag:s26] =	ssyncset.done $0x0  }
0x49: {  	[sflag:s26] =	ssyncadd.s32 $0xFFFFD800  }
0x4a: {  	s17 =	simm.s32 $0x0;
	[bflag:$0x0] =	sbarrier.arrive $0xFFFF  }
0x4b: {  	[tilespmem:s29], [sflag:$0x2] =	stream.indirect.gather [hbm4b:s5+s28], $0x20, s17, s28, $0xb8;
	[tilespmem:$0x19800] =	vst v63  }
0x4c: {  	_ = 	snop  }
0x4d: {  	[tilespmem:s30], [sflag:$0x2] =	stream.indirect.gather [hbm4b:s1+s28], $0x20, s21, s28, $0xb8;
	[tilespmem:$0x19800] =	vst v63  }
0x4e: {  	_ = 	snop  }
0x4f: {  	[tilespmem:s31], [sflag:$0x3] =	stream.indirect.gather [hbm4b:s5+s28], $0x20, s28, s28, $0xb8;
	[tilespmem:$0x19800] =	vst v63  }
0x50: {  	s18 =	simm.s32 $0x5080  }
0x51: {  	[tilespmem:s3], [sflag:$0x3] =	stream.indirect.gather [hbm4b:s1+s28], $0x20, s18, s28, $0xb8;
	[tilespmem:$0x19800] =	vst v63  }
0x52: {  	_ =	swait.ge [sflag:s6], $0x1000  }
0x53: {  	[sflag:s6] =	ssyncset.done $0x0  }
0x54: {  	[sflag:s6] =	ssyncadd.s32 $0xFFFFF000  }
0x55: {  	_ =	swait.ge [sflag:s6], $0x1000  }
0x56: {  	[sflag:s6] =	ssyncset.done $0x0  }
0x57: {  	s12 =	simm.s32 $0x0;
	[sflag:s6] =	ssyncadd.s32 $0xFFFFF000  }
0x58: {  	v1 =	vld [tilespmem:s12+$0x7800]  }
0x59: {  	v2 =	vld [tilespmem:s12+$0x9800];
	_ =	sdelay $0x4  }
0x5a: {  	v3 =	vshll.u32 v1, $0x10;
	v4 =	vshll.u32 v2, $0x10  }
0x5b: {  	v1 =	vand.u32 $0xFFFF0000, v1;
	v2 =	vand.u32 $0xFFFF0000, v2;
	v3 =	vmul.f32 v4, v3  }
0x5c: {  	s10 =	simm.s32 $0xB840;
	v1 =	vmul.f32 v2, v1  }
0x5d: {  	[tilespmem:s10+$0xFFFFFFC0] =	vst v3  }
0x5e: {  	[tilespmem:s10+$0xFFFFFFD0] =	vst v1  }
0x5f: {  	v1 =	vld [tilespmem:s12+$0x7810]  }
0x60: {  	v2 =	vld [tilespmem:s12+$0x9810];
	_ =	sdelay $0x4  }
0x61: {  	v3 =	vshll.u32 v1, $0x10;
	v62 =	vshll.u32 v2, $0x10  }
0x62: {  	v1 =	vand.u32 $0xFFFF0000, v1;
	v2 =	vand.u32 $0xFFFF0000, v2;
	v3 =	vmul.f32 v62, v3  }
0x63: {  	v1 =	vmul.f32 v2, v1  }
0x64: {  	[tilespmem:s10+$0xFFFFFFE0] =	vst v3  }
0x65: {  	[tilespmem:s10+$0xFFFFFFF0] =	vst v1  }
0x66: {  	v1 =	vld [tilespmem:s12+$0x7820]  }
0x67: {  	v2 =	vld [tilespmem:s12+$0x9820];
	_ =	sdelay $0x4  }
0x68: {  	v3 =	vshll.u32 v1, $0x10;
	v63 =	vshll.u32 v2, $0x10  }
0x69: {  	v1 =	vand.u32 $0xFFFF0000, v1;
	v2 =	vand.u32 $0xFFFF0000, v2;
	v3 =	vmul.f32 v63, v3  }
0x6a: {  	v1 =	vmul.f32 v2, v1  }
0x6b: {  	[tilespmem:s10+$0x0] =	vst v3  }
0x6c: {  	[tilespmem:s10+$0x10] =	vst v1  }
0x6d: {  	v1 =	vld [tilespmem:s12+$0x7830]  }
0x6e: {  	s13 =	simm.s32 $0x100;
	v2 =	vld [tilespmem:s12+$0x9830];
	s12 =	simm.s32 $0xB840  }
.LBB2_4:
0x6f: {  	p1 =	sne.s32 s13, $0x3F00  }
0x70: {  	s10 =	sadd.s32 $0x80, s10;
	s15 =	smov.u32 s13;
	s13 =	sadd.s32 $0x100, s13  }
0x71: {  	_ =	sdelay $0x1  }
0x72: {  	v3 =	vshll.u32 v1, $0x10;
	v1 =	vand.u32 $0xFFFF0000, v1  }
0x73: {  	v4 =	vshll.u32 v2, $0x10;
	v2 =	vand.u32 $0xFFFF0000, v2  }
0x74: {  	v3 =	vmul.f32 v4, v3;
	v1 =	vmul.f32 v2, v1;
	_ =	sdelay $0x1  }
0x75: {  	[tilespmem:s12+$0x20] =	vst v3  }
0x76: {  	s15 =	sshra.s32 s15, $0x2;
	[tilespmem:s12+$0x30] =	vst v1;
	s12 =	smov.u32 s10  }
0x77: {  	v1 =	vld [tilespmem:s15+$0x7800]  }
0x78: {  	v2 =	vld [tilespmem:s15+$0x9800];
	_ =	sdelay $0x3  }
0x79: {  	v3 =	vshll.u32 v1, $0x10;
	v1 =	vand.u32 $0xFFFF0000, v1  }
0x7a: {  	v4 =	vshll.u32 v2, $0x10;
	v2 =	vand.u32 $0xFFFF0000, v2  }
0x7b: {  	v3 =	vmul.f32 v4, v3;
	v1 =	vmul.f32 v2, v1;
	_ =	sdelay $0x1  }
0x7c: {  	[tilespmem:s10+$0xFFFFFFC0] =	vst v3  }
0x7d: {  	[tilespmem:s10+$0xFFFFFFD0] =	vst v1  }
0x7e: {  	v1 =	vld [tilespmem:s15+$0x7810]  }
0x7f: {  	v2 =	vld [tilespmem:s15+$0x9810];
	_ =	sdelay $0x3  }
0x80: {  	v3 =	vshll.u32 v1, $0x10;
	v1 =	vand.u32 $0xFFFF0000, v1  }
0x81: {  	v4 =	vshll.u32 v2, $0x10;
	v2 =	vand.u32 $0xFFFF0000, v2  }
0x82: {  	v3 =	vmul.f32 v4, v3;
	v1 =	vmul.f32 v2, v1;
	_ =	sdelay $0x1  }
0x83: {  	[tilespmem:s10+$0xFFFFFFE0] =	vst v3  }
0x84: {  	[tilespmem:s10+$0xFFFFFFF0] =	vst v1  }
0x85: {  	v1 =	vld [tilespmem:s15+$0x7820]  }
0x86: {  	v2 =	vld [tilespmem:s15+$0x9820];
	_ =	sdelay $0x3  }
0x87: {  	v3 =	vshll.u32 v1, $0x10;
	v1 =	vand.u32 $0xFFFF0000, v1  }
0x88: {  	v4 =	vshll.u32 v2, $0x10;
	v2 =	vand.u32 $0xFFFF0000, v2  }
0x89: {  	v3 =	vmul.f32 v4, v3;
	v1 =	vmul.f32 v2, v1  }
.Ltmp1:
0x8a: {  	(pc) =	sbr.rel @p1 .LBB2_4-.Ltmp1, $4  }
0x8b: {  	[tilespmem:s10+$0x0] =	vst v3  }
0x8c: {  	[tilespmem:s10+$0x10] =	vst v1  }
0x8d: {  	v1 =	vld [tilespmem:s15+$0x7830]  }
0x8e: {  	v2 =	vld [tilespmem:s15+$0x9830]  }
0x8f: {  	_ =	sdelay $0x3  }
0x90: {  	v3 =	vshll.u32 v1, $0x10;
	v4 =	vshll.u32 v2, $0x10  }
0x91: {  	v1 =	vand.u32 $0xFFFF0000, v1;
	v2 =	vand.u32 $0xFFFF0000, v2;
	v3 =	vmul.f32 v4, v3  }
0x92: {  	v1 =	vmul.f32 v2, v1  }
0x93: {  	[tilespmem:s12+$0x20] =	vst v3  }
0x94: {  	[tilespmem:s12+$0x30] =	vst v1  }
0x95: {  	[spmem:s2] =	stream.indirect.scatter.add.f32 [tilespmem:s22], [sflag:$0x4], $0x40, s20, s28, $0xb8;
	[tilespmem:$0x19800] =	vst v63  }
0x96: {  	s10 =	simm.s32 $0x100  }
0x97: {  	[tilespmem:s29], [sflag:$0x2] =	stream.indirect.gather [hbm4b:s5+s28], $0x20, s10, s28, $0xb8;
	[tilespmem:$0x19800] =	vst v63  }
0x98: {  	s17 =	simm.s32 $0x5100  }
0x99: {  	[tilespmem:s30], [sflag:$0x2] =	stream.indirect.gather [hbm4b:s1+s28], $0x20, s17, s28, $0xb8;
	[tilespmem:$0x19800] =	vst v63  }
0x9a: {  	_ =	swait.ge [sflag:s0], $0x1000  }
0x9b: {  	[sflag:s0] =	ssyncset.done $0x0  }
0x9c: {  	[sflag:s0] =	ssyncadd.s32 $0xFFFFF000  }
0x9d: {  	_ =	swait.ge [sflag:s0], $0x1000  }
0x9e: {  	[sflag:s0] =	ssyncset.done $0x0  }
0x9f: {  	s18 =	simm.s32 $0x0;
	[sflag:s0] =	ssyncadd.s32 $0xFFFFF000  }
0xa0: {  	v1 =	vld [tilespmem:s18+$0x8800]  }
0xa1: {  	v2 =	vld [tilespmem:s18+$0xA800];
	_ =	sdelay $0x4  }
0xa2: {  	v3 =	vshll.u32 v1, $0x10;
	v61 =	vshll.u32 v2, $0x10  }
0xa3: {  	v1 =	vand.u32 $0xFFFF0000, v1;
	v2 =	vand.u32 $0xFFFF0000, v2;
	v3 =	vmul.f32 v61, v3  }
0xa4: {  	s10 =	simm.s32 $0xD840;
	v1 =	vmul.f32 v2, v1  }
0xa5: {  	[tilespmem:s10+$0xFFFFFFC0] =	vst v3  }
0xa6: {  	[tilespmem:s10+$0xFFFFFFD0] =	vst v1  }
0xa7: {  	v1 =	vld [tilespmem:s18+$0x8810]  }
0xa8: {  	v2 =	vld [tilespmem:s18+$0xA810];
	_ =	sdelay $0x4  }
0xa9: {  	v3 =	vshll.u32 v1, $0x10;
	v62 =	vshll.u32 v2, $0x10  }
0xaa: {  	v1 =	vand.u32 $0xFFFF0000, v1;
	v2 =	vand.u32 $0xFFFF0000, v2;
	v3 =	vmul.f32 v62, v3  }
0xab: {  	v1 =	vmul.f32 v2, v1  }
0xac: {  	[tilespmem:s10+$0xFFFFFFE0] =	vst v3  }
0xad: {  	[tilespmem:s10+$0xFFFFFFF0] =	vst v1  }
0xae: {  	v1 =	vld [tilespmem:s18+$0x8820]  }
0xaf: {  	v2 =	vld [tilespmem:s18+$0xA820];
	_ =	sdelay $0x4  }
0xb0: {  	v3 =	vshll.u32 v1, $0x10;
	v63 =	vshll.u32 v2, $0x10  }
0xb1: {  	v1 =	vand.u32 $0xFFFF0000, v1;
	v2 =	vand.u32 $0xFFFF0000, v2;
	v3 =	vmul.f32 v63, v3  }
0xb2: {  	v1 =	vmul.f32 v2, v1  }
0xb3: {  	[tilespmem:s10+$0x0] =	vst v3  }
0xb4: {  	[tilespmem:s10+$0x10] =	vst v1  }
0xb5: {  	v1 =	vld [tilespmem:s18+$0x8830]  }
0xb6: {  	s13 =	simm.s32 $0x100;
	s12 =	simm.s32 $0xD840;
	v2 =	vld [tilespmem:s18+$0xA830]  }
.LBB2_6:
0xb7: {  	p1 =	sne.s32 s13, $0x3F00  }
0xb8: {  	s10 =	sadd.s32 $0x80, s10;
	s15 =	smov.u32 s13;
	s13 =	sadd.s32 $0x100, s13  }
0xb9: {  	_ =	sdelay $0x1  }
0xba: {  	v3 =	vshll.u32 v1, $0x10;
	v1 =	vand.u32 $0xFFFF0000, v1  }
0xbb: {  	v4 =	vshll.u32 v2, $0x10;
	v2 =	vand.u32 $0xFFFF0000, v2  }
0xbc: {  	v3 =	vmul.f32 v4, v3;
	v1 =	vmul.f32 v2, v1;
	_ =	sdelay $0x1  }
0xbd: {  	[tilespmem:s12+$0x20] =	vst v3  }
0xbe: {  	s15 =	sshra.s32 s15, $0x2;
	[tilespmem:s12+$0x30] =	vst v1;
	s12 =	smov.u32 s10  }
0xbf: {  	v1 =	vld [tilespmem:s15+$0x8800]  }
0xc0: {  	v2 =	vld [tilespmem:s15+$0xA800];
	_ =	sdelay $0x3  }
0xc1: {  	v3 =	vshll.u32 v1, $0x10;
	v1 =	vand.u32 $0xFFFF0000, v1  }
0xc2: {  	v4 =	vshll.u32 v2, $0x10;
	v2 =	vand.u32 $0xFFFF0000, v2  }
0xc3: {  	v3 =	vmul.f32 v4, v3;
	v1 =	vmul.f32 v2, v1;
	_ =	sdelay $0x1  }
0xc4: {  	[tilespmem:s10+$0xFFFFFFC0] =	vst v3  }
0xc5: {  	[tilespmem:s10+$0xFFFFFFD0] =	vst v1  }
0xc6: {  	v1 =	vld [tilespmem:s15+$0x8810]  }
0xc7: {  	v2 =	vld [tilespmem:s15+$0xA810];
	_ =	sdelay $0x3  }
0xc8: {  	v3 =	vshll.u32 v1, $0x10;
	v1 =	vand.u32 $0xFFFF0000, v1  }
0xc9: {  	v4 =	vshll.u32 v2, $0x10;
	v2 =	vand.u32 $0xFFFF0000, v2  }
0xca: {  	v3 =	vmul.f32 v4, v3;
	v1 =	vmul.f32 v2, v1;
	_ =	sdelay $0x1  }
0xcb: {  	[tilespmem:s10+$0xFFFFFFE0] =	vst v3  }
0xcc: {  	[tilespmem:s10+$0xFFFFFFF0] =	vst v1  }
0xcd: {  	v1 =	vld [tilespmem:s15+$0x8820]  }
0xce: {  	v2 =	vld [tilespmem:s15+$0xA820];
	_ =	sdelay $0x3  }
0xcf: {  	v3 =	vshll.u32 v1, $0x10;
	v1 =	vand.u32 $0xFFFF0000, v1  }
0xd0: {  	v4 =	vshll.u32 v2, $0x10;
	v2 =	vand.u32 $0xFFFF0000, v2  }
0xd1: {  	v3 =	vmul.f32 v4, v3;
	v1 =	vmul.f32 v2, v1  }
.Ltmp2:
0xd2: {  	(pc) =	sbr.rel @p1 .LBB2_6-.Ltmp2, $4  }
0xd3: {  	[tilespmem:s10+$0x0] =	vst v3  }
0xd4: {  	[tilespmem:s10+$0x10] =	vst v1  }
0xd5: {  	v1 =	vld [tilespmem:s15+$0x8830]  }
0xd6: {  	v2 =	vld [tilespmem:s15+$0xA830]  }
0xd7: {  	_ =	sdelay $0x3  }
0xd8: {  	v3 =	vshll.u32 v1, $0x10;
	v4 =	vshll.u32 v2, $0x10  }
0xd9: {  	v1 =	vand.u32 $0xFFFF0000, v1;
	v2 =	vand.u32 $0xFFFF0000, v2;
	v3 =	vmul.f32 v4, v3  }
0xda: {  	v1 =	vmul.f32 v2, v1  }
0xdb: {  	[tilespmem:s12+$0x20] =	vst v3  }
0xdc: {  	s10 =	simm.s32 $0x2880;
	[tilespmem:s12+$0x30] =	vst v1  }
0xdd: {  	[spmem:s2] =	stream.indirect.scatter.add.f32 [tilespmem:s7], [sflag:$0x5], $0x40, s10, s28, $0xb8;
	[tilespmem:$0x19800] =	vst v63  }
0xde: {  	s10 =	simm.s32 $0x0  }
.LBB2_8:
0xdf: {  	s13 =	sshll.u32 s10, $0x8  }
0xe0: {  	s15 =	sadd.s32 $0x180, s13  }
0xe1: {  	[tilespmem:s31], [sflag:$0x3] =	stream.indirect.gather [hbm4b:s5+s28], $0x20, s15, s28, $0xb8;
	[tilespmem:$0x19800] =	vst v63  }
0xe2: {  	s12 =	sadd.s32 $0x5180, s13  }
0xe3: {  	[tilespmem:s3], [sflag:$0x3] =	stream.indirect.gather [hbm4b:s1+s28], $0x20, s12, s28, $0xb8;
	[tilespmem:$0x19800] =	vst v63  }
0xe4: {  	_ =	swait.ge [sflag:s6], $0x1000  }
0xe5: {  	[sflag:s6] =	ssyncset.done $0x0  }
0xe6: {  	[sflag:s6] =	ssyncadd.s32 $0xFFFFF000  }
0xe7: {  	_ =	swait.ge [sflag:s6], $0x1000  }
0xe8: {  	[sflag:s6] =	ssyncset.done $0x0  }
0xe9: {  	[sflag:s6] =	ssyncadd.s32 $0xFFFFF000  }
0xea: {  	_ =	swait.ge [sflag:s11], $0x2000  }
0xeb: {  	[sflag:s11] =	ssyncset.done $0x0  }
0xec: {  	s18 =	simm.s32 $0x0;
	[sflag:s11] =	ssyncadd.s32 $0xFFFFE000  }
0xed: {  	v1 =	vld [tilespmem:s18+$0x7800]  }
0xee: {  	v2 =	vld [tilespmem:s18+$0x9800];
	_ =	sdelay $0x4  }
0xef: {  	v3 =	vshll.u32 v1, $0x10;
	v4 =	vshll.u32 v2, $0x10  }
0xf0: {  	v1 =	vand.u32 $0xFFFF0000, v1;
	v2 =	vand.u32 $0xFFFF0000, v2;
	v3 =	vmul.f32 v4, v3  }
0xf1: {  	s16 =	simm.s32 $0xB840;
	v1 =	vmul.f32 v2, v1  }
0xf2: {  	[tilespmem:s16+$0xFFFFFFC0] =	vst v3  }
0xf3: {  	[tilespmem:s16+$0xFFFFFFD0] =	vst v1  }
0xf4: {  	v1 =	vld [tilespmem:s18+$0x7810]  }
0xf5: {  	v2 =	vld [tilespmem:s18+$0x9810];
	_ =	sdelay $0x4  }
0xf6: {  	v3 =	vshll.u32 v1, $0x10;
	v62 =	vshll.u32 v2, $0x10  }
0xf7: {  	v1 =	vand.u32 $0xFFFF0000, v1;
	v2 =	vand.u32 $0xFFFF0000, v2;
	v3 =	vmul.f32 v62, v3  }
0xf8: {  	v1 =	vmul.f32 v2, v1  }
0xf9: {  	[tilespmem:s16+$0xFFFFFFE0] =	vst v3  }
0xfa: {  	[tilespmem:s16+$0xFFFFFFF0] =	vst v1  }
0xfb: {  	v1 =	vld [tilespmem:s18+$0x7820]  }
0xfc: {  	v2 =	vld [tilespmem:s18+$0x9820];
	_ =	sdelay $0x4  }
0xfd: {  	v3 =	vshll.u32 v1, $0x10;
	v63 =	vshll.u32 v2, $0x10  }
0xfe: {  	v1 =	vand.u32 $0xFFFF0000, v1;
	v2 =	vand.u32 $0xFFFF0000, v2;
	v3 =	vmul.f32 v63, v3  }
0xff: {  	v1 =	vmul.f32 v2, v1  }
0x100: {  	[tilespmem:s16+$0x0] =	vst v3  }
0x101: {  	[tilespmem:s16+$0x10] =	vst v1  }
0x102: {  	v1 =	vld [tilespmem:s18+$0x7830]  }
0x103: {  	s17 =	simm.s32 $0x100;
	s12 =	simm.s32 $0xB840;
	v2 =	vld [tilespmem:s18+$0x9830]  }
.LBB2_9:
0x104: {  	p1 =	sne.s32 s17, $0x3F00  }
0x105: {  	s16 =	sadd.s32 $0x80, s16;
	s18 =	smov.u32 s17;
	s17 =	sadd.s32 $0x100, s17  }
0x106: {  	_ =	sdelay $0x1  }
0x107: {  	v3 =	vshll.u32 v1, $0x10;
	v1 =	vand.u32 $0xFFFF0000, v1  }
0x108: {  	v4 =	vshll.u32 v2, $0x10;
	v2 =	vand.u32 $0xFFFF0000, v2  }
0x109: {  	v3 =	vmul.f32 v4, v3;
	v1 =	vmul.f32 v2, v1;
	_ =	sdelay $0x1  }
0x10a: {  	[tilespmem:s12+$0x20] =	vst v3  }
0x10b: {  	s18 =	sshra.s32 s18, $0x2;
	[tilespmem:s12+$0x30] =	vst v1;
	s12 =	smov.u32 s16  }
0x10c: {  	v1 =	vld [tilespmem:s18+$0x7800]  }
0x10d: {  	v2 =	vld [tilespmem:s18+$0x9800];
	_ =	sdelay $0x3  }
0x10e: {  	v3 =	vshll.u32 v1, $0x10;
	v1 =	vand.u32 $0xFFFF0000, v1  }
0x10f: {  	v4 =	vshll.u32 v2, $0x10;
	v2 =	vand.u32 $0xFFFF0000, v2  }
0x110: {  	v3 =	vmul.f32 v4, v3;
	v1 =	vmul.f32 v2, v1;
	_ =	sdelay $0x1  }
0x111: {  	[tilespmem:s16+$0xFFFFFFC0] =	vst v3  }
0x112: {  	[tilespmem:s16+$0xFFFFFFD0] =	vst v1  }
0x113: {  	v1 =	vld [tilespmem:s18+$0x7810]  }
0x114: {  	v2 =	vld [tilespmem:s18+$0x9810];
	_ =	sdelay $0x3  }
0x115: {  	v3 =	vshll.u32 v1, $0x10;
	v1 =	vand.u32 $0xFFFF0000, v1  }
0x116: {  	v4 =	vshll.u32 v2, $0x10;
	v2 =	vand.u32 $0xFFFF0000, v2  }
0x117: {  	v3 =	vmul.f32 v4, v3;
	v1 =	vmul.f32 v2, v1;
	_ =	sdelay $0x1  }
0x118: {  	[tilespmem:s16+$0xFFFFFFE0] =	vst v3  }
0x119: {  	[tilespmem:s16+$0xFFFFFFF0] =	vst v1  }
0x11a: {  	v1 =	vld [tilespmem:s18+$0x7820]  }
0x11b: {  	v2 =	vld [tilespmem:s18+$0x9820];
	_ =	sdelay $0x3  }
0x11c: {  	v3 =	vshll.u32 v1, $0x10;
	v1 =	vand.u32 $0xFFFF0000, v1  }
0x11d: {  	v4 =	vshll.u32 v2, $0x10;
	v2 =	vand.u32 $0xFFFF0000, v2  }
0x11e: {  	v3 =	vmul.f32 v4, v3;
	v1 =	vmul.f32 v2, v1  }
.Ltmp3:
0x11f: {  	(pc) =	sbr.rel @p1 .LBB2_9-.Ltmp3, $4  }
0x120: {  	[tilespmem:s16+$0x0] =	vst v3  }
0x121: {  	[tilespmem:s16+$0x10] =	vst v1  }
0x122: {  	v1 =	vld [tilespmem:s18+$0x7830]  }
0x123: {  	v2 =	vld [tilespmem:s18+$0x9830]  }
0x124: {  	_ =	sdelay $0x3  }
0x125: {  	v3 =	vshll.u32 v1, $0x10;
	v4 =	vshll.u32 v2, $0x10  }
0x126: {  	v1 =	vand.u32 $0xFFFF0000, v1;
	v2 =	vand.u32 $0xFFFF0000, v2;
	v3 =	vmul.f32 v4, v3  }
0x127: {  	v1 =	vmul.f32 v2, v1  }
0x128: {  	s16 =	sand.u32 $0x3FFFFF00, s13;
	[tilespmem:s12+$0x20] =	vst v3  }
0x129: {  	s18 =	sadd.s32 $0x2900, s16;
	[tilespmem:s12+$0x30] =	vst v1  }
0x12a: {  	[spmem:s2] =	stream.indirect.scatter.add.f32 [tilespmem:s22], [sflag:$0x4], $0x40, s18, s28, $0xb8;
	[tilespmem:$0x19800] =	vst v63  }
0x12b: {  	s16 =	sadd.s32 $0x200, s13  }
0x12c: {  	[tilespmem:s29], [sflag:$0x2] =	stream.indirect.gather [hbm4b:s5+s28], $0x20, s16, s28, $0xb8;
	[tilespmem:$0x19800] =	vst v63  }
0x12d: {  	s17 =	sadd.s32 $0x5200, s13  }
0x12e: {  	[tilespmem:s30], [sflag:$0x2] =	stream.indirect.gather [hbm4b:s1+s28], $0x20, s17, s28, $0xb8;
	[tilespmem:$0x19800] =	vst v63  }
0x12f: {  	_ =	swait.ge [sflag:s0], $0x1000  }
0x130: {  	[sflag:s0] =	ssyncset.done $0x0  }
0x131: {  	[sflag:s0] =	ssyncadd.s32 $0xFFFFF000  }
0x132: {  	_ =	swait.ge [sflag:s0], $0x1000  }
0x133: {  	[sflag:s0] =	ssyncset.done $0x0  }
0x134: {  	[sflag:s0] =	ssyncadd.s32 $0xFFFFF000  }
0x135: {  	_ =	swait.ge [sflag:s8], $0x2000  }
0x136: {  	[sflag:s8] =	ssyncset.done $0x0  }
0x137: {  	s18 =	simm.s32 $0x0;
	[sflag:s8] =	ssyncadd.s32 $0xFFFFE000  }
0x138: {  	v1 =	vld [tilespmem:s18+$0x8800]  }
0x139: {  	v2 =	vld [tilespmem:s18+$0xA800];
	_ =	sdelay $0x4  }
0x13a: {  	v3 =	vshll.u32 v1, $0x10;
	v61 =	vshll.u32 v2, $0x10  }
0x13b: {  	v1 =	vand.u32 $0xFFFF0000, v1;
	v2 =	vand.u32 $0xFFFF0000, v2;
	v3 =	vmul.f32 v61, v3  }
0x13c: {  	s13 =	simm.s32 $0xD840;
	v1 =	vmul.f32 v2, v1  }
0x13d: {  	[tilespmem:s13+$0xFFFFFFC0] =	vst v3  }
0x13e: {  	[tilespmem:s13+$0xFFFFFFD0] =	vst v1  }
0x13f: {  	v1 =	vld [tilespmem:s18+$0x8810]  }
0x140: {  	v2 =	vld [tilespmem:s18+$0xA810];
	_ =	sdelay $0x4  }
0x141: {  	v3 =	vshll.u32 v1, $0x10;
	v62 =	vshll.u32 v2, $0x10  }
0x142: {  	v1 =	vand.u32 $0xFFFF0000, v1;
	v2 =	vand.u32 $0xFFFF0000, v2;
	v3 =	vmul.f32 v62, v3  }
0x143: {  	v1 =	vmul.f32 v2, v1  }
0x144: {  	[tilespmem:s13+$0xFFFFFFE0] =	vst v3  }
0x145: {  	[tilespmem:s13+$0xFFFFFFF0] =	vst v1  }
0x146: {  	v1 =	vld [tilespmem:s18+$0x8820]  }
0x147: {  	v2 =	vld [tilespmem:s18+$0xA820];
	_ =	sdelay $0x4  }
0x148: {  	v3 =	vshll.u32 v1, $0x10;
	v63 =	vshll.u32 v2, $0x10  }
0x149: {  	v1 =	vand.u32 $0xFFFF0000, v1;
	v2 =	vand.u32 $0xFFFF0000, v2;
	v3 =	vmul.f32 v63, v3  }
0x14a: {  	v1 =	vmul.f32 v2, v1  }
0x14b: {  	[tilespmem:s13+$0x0] =	vst v3  }
0x14c: {  	[tilespmem:s13+$0x10] =	vst v1  }
0x14d: {  	v1 =	vld [tilespmem:s18+$0x8830]  }
0x14e: {  	s12 =	simm.s32 $0xD840;
	s16 =	simm.s32 $0x100;
	v2 =	vld [tilespmem:s18+$0xA830]  }
.LBB2_11:
0x14f: {  	p1 =	sne.s32 s16, $0x3F00  }
0x150: {  	s13 =	sadd.s32 $0x80, s13;
	s17 =	smov.u32 s16;
	s16 =	sadd.s32 $0x100, s16  }
0x151: {  	_ =	sdelay $0x1  }
0x152: {  	v3 =	vshll.u32 v1, $0x10;
	v1 =	vand.u32 $0xFFFF0000, v1  }
0x153: {  	v4 =	vshll.u32 v2, $0x10;
	v2 =	vand.u32 $0xFFFF0000, v2  }
0x154: {  	v3 =	vmul.f32 v4, v3;
	v1 =	vmul.f32 v2, v1;
	_ =	sdelay $0x1  }
0x155: {  	[tilespmem:s12+$0x20] =	vst v3  }
0x156: {  	s17 =	sshra.s32 s17, $0x2;
	[tilespmem:s12+$0x30] =	vst v1;
	s12 =	smov.u32 s13  }
0x157: {  	v1 =	vld [tilespmem:s17+$0x8800]  }
0x158: {  	v2 =	vld [tilespmem:s17+$0xA800];
	_ =	sdelay $0x3  }
0x159: {  	v3 =	vshll.u32 v1, $0x10;
	v1 =	vand.u32 $0xFFFF0000, v1  }
0x15a: {  	v4 =	vshll.u32 v2, $0x10;
	v2 =	vand.u32 $0xFFFF0000, v2  }
0x15b: {  	v3 =	vmul.f32 v4, v3;
	v1 =	vmul.f32 v2, v1;
	_ =	sdelay $0x1  }
0x15c: {  	[tilespmem:s13+$0xFFFFFFC0] =	vst v3  }
0x15d: {  	[tilespmem:s13+$0xFFFFFFD0] =	vst v1  }
0x15e: {  	v1 =	vld [tilespmem:s17+$0x8810]  }
0x15f: {  	v2 =	vld [tilespmem:s17+$0xA810];
	_ =	sdelay $0x3  }
0x160: {  	v3 =	vshll.u32 v1, $0x10;
	v1 =	vand.u32 $0xFFFF0000, v1  }
0x161: {  	v4 =	vshll.u32 v2, $0x10;
	v2 =	vand.u32 $0xFFFF0000, v2  }
0x162: {  	v3 =	vmul.f32 v4, v3;
	v1 =	vmul.f32 v2, v1;
	_ =	sdelay $0x1  }
0x163: {  	[tilespmem:s13+$0xFFFFFFE0] =	vst v3  }
0x164: {  	[tilespmem:s13+$0xFFFFFFF0] =	vst v1  }
0x165: {  	v1 =	vld [tilespmem:s17+$0x8820]  }
0x166: {  	v2 =	vld [tilespmem:s17+$0xA820];
	_ =	sdelay $0x3  }
0x167: {  	v3 =	vshll.u32 v1, $0x10;
	v1 =	vand.u32 $0xFFFF0000, v1  }
0x168: {  	v4 =	vshll.u32 v2, $0x10;
	v2 =	vand.u32 $0xFFFF0000, v2  }
0x169: {  	v3 =	vmul.f32 v4, v3;
	v1 =	vmul.f32 v2, v1  }
.Ltmp4:
0x16a: {  	(pc) =	sbr.rel @p1 .LBB2_11-.Ltmp4, $4  }
0x16b: {  	[tilespmem:s13+$0x0] =	vst v3  }
0x16c: {  	[tilespmem:s13+$0x10] =	vst v1  }
0x16d: {  	v1 =	vld [tilespmem:s17+$0x8830]  }
0x16e: {  	v2 =	vld [tilespmem:s17+$0xA830]  }
0x16f: {  	_ =	sdelay $0x2  }
0x170: {  	s10 =	sadd.s32 $0x1, s10  }
0x171: {  	p1 =	sne.s32 s10, $0x26;
	v3 =	vshll.u32 v1, $0x10;
	v4 =	vshll.u32 v2, $0x10  }
.Ltmp5:
0x172: {  	v1 =	vand.u32 $0xFFFF0000, v1;
	v2 =	vand.u32 $0xFFFF0000, v2;
	v3 =	vmul.f32 v4, v3;
	(pc) =	sbr.rel @p1 .LBB2_8-.Ltmp5, $4  }
0x173: {  	v1 =	vmul.f32 v2, v1  }
0x174: {  	[tilespmem:s12+$0x20] =	vst v3  }
0x175: {  	s18 =	sadd.s32 $0x2800, s15;
	[tilespmem:s12+$0x30] =	vst v1  }
0x176: {  	[spmem:s2] =	stream.indirect.scatter.add.f32 [tilespmem:s7], [sflag:$0x5], $0x40, s18, s28, $0xb8;
	[tilespmem:$0x19800] =	vst v63  }
0x177: {  	s10 =	simm.s32 $0x2780  }
0x178: {  	[tilespmem:s31], [sflag:$0x3] =	stream.indirect.gather [hbm4b:s5+s28], $0x20, s10, s28, $0xb8;
	[tilespmem:$0x19800] =	vst v63  }
0x179: {  	s18 =	simm.s32 $0x7780  }
0x17a: {  	[tilespmem:s3], [sflag:$0x3] =	stream.indirect.gather [hbm4b:s1+s28], $0x20, s18, s28, $0xb8;
	[tilespmem:$0x19800] =	vst v63  }
0x17b: {  	_ =	swait.ge [sflag:s6], $0x1000  }
0x17c: {  	[sflag:s6] =	ssyncset.done $0x0  }
0x17d: {  	[sflag:s6] =	ssyncadd.s32 $0xFFFFF000  }
0x17e: {  	_ =	swait.ge [sflag:s6], $0x1000  }
0x17f: {  	[sflag:s6] =	ssyncset.done $0x0  }
0x180: {  	[sflag:s6] =	ssyncadd.s32 $0xFFFFF000  }
0x181: {  	_ =	swait.ge [sflag:s11], $0x2000  }
0x182: {  	[sflag:s11] =	ssyncset.done $0x0  }
0x183: {  	s12 =	simm.s32 $0x0;
	[sflag:s11] =	ssyncadd.s32 $0xFFFFE000  }
0x184: {  	v1 =	vld [tilespmem:s12+$0x7800]  }
0x185: {  	v2 =	vld [tilespmem:s12+$0x9800];
	_ =	sdelay $0x4  }
0x186: {  	v3 =	vshll.u32 v1, $0x10;
	v4 =	vshll.u32 v2, $0x10  }
0x187: {  	v1 =	vand.u32 $0xFFFF0000, v1;
	v2 =	vand.u32 $0xFFFF0000, v2;
	v3 =	vmul.f32 v4, v3  }
0x188: {  	s10 =	simm.s32 $0xB840;
	v1 =	vmul.f32 v2, v1  }
0x189: {  	[tilespmem:s10+$0xFFFFFFC0] =	vst v3  }
0x18a: {  	[tilespmem:s10+$0xFFFFFFD0] =	vst v1  }
0x18b: {  	v1 =	vld [tilespmem:s12+$0x7810]  }
0x18c: {  	v2 =	vld [tilespmem:s12+$0x9810];
	_ =	sdelay $0x4  }
0x18d: {  	v3 =	vshll.u32 v1, $0x10;
	v62 =	vshll.u32 v2, $0x10  }
0x18e: {  	v1 =	vand.u32 $0xFFFF0000, v1;
	v2 =	vand.u32 $0xFFFF0000, v2;
	v3 =	vmul.f32 v62, v3  }
0x18f: {  	v1 =	vmul.f32 v2, v1  }
0x190: {  	[tilespmem:s10+$0xFFFFFFE0] =	vst v3  }
0x191: {  	[tilespmem:s10+$0xFFFFFFF0] =	vst v1  }
0x192: {  	v1 =	vld [tilespmem:s12+$0x7820]  }
0x193: {  	v2 =	vld [tilespmem:s12+$0x9820];
	_ =	sdelay $0x4  }
0x194: {  	v3 =	vshll.u32 v1, $0x10;
	v63 =	vshll.u32 v2, $0x10  }
0x195: {  	v1 =	vand.u32 $0xFFFF0000, v1;
	v2 =	vand.u32 $0xFFFF0000, v2;
	v3 =	vmul.f32 v63, v3  }
0x196: {  	v1 =	vmul.f32 v2, v1  }
0x197: {  	[tilespmem:s10+$0x0] =	vst v3  }
0x198: {  	[tilespmem:s10+$0x10] =	vst v1  }
0x199: {  	v1 =	vld [tilespmem:s12+$0x7830]  }
0x19a: {  	s13 =	simm.s32 $0x100;
	v2 =	vld [tilespmem:s12+$0x9830];
	s12 =	simm.s32 $0xB840  }
.LBB2_14:
0x19b: {  	p1 =	sne.s32 s13, $0x3F00  }
0x19c: {  	s10 =	sadd.s32 $0x80, s10;
	s15 =	smov.u32 s13;
	s13 =	sadd.s32 $0x100, s13  }
0x19d: {  	_ =	sdelay $0x1  }
0x19e: {  	v3 =	vshll.u32 v1, $0x10;
	v1 =	vand.u32 $0xFFFF0000, v1  }
0x19f: {  	v4 =	vshll.u32 v2, $0x10;
	v2 =	vand.u32 $0xFFFF0000, v2  }
0x1a0: {  	v3 =	vmul.f32 v4, v3;
	v1 =	vmul.f32 v2, v1;
	_ =	sdelay $0x1  }
0x1a1: {  	[tilespmem:s12+$0x20] =	vst v3  }
0x1a2: {  	s15 =	sshra.s32 s15, $0x2;
	[tilespmem:s12+$0x30] =	vst v1;
	s12 =	smov.u32 s10  }
0x1a3: {  	v1 =	vld [tilespmem:s15+$0x7800]  }
0x1a4: {  	v2 =	vld [tilespmem:s15+$0x9800];
	_ =	sdelay $0x3  }
0x1a5: {  	v3 =	vshll.u32 v1, $0x10;
	v1 =	vand.u32 $0xFFFF0000, v1  }
0x1a6: {  	v4 =	vshll.u32 v2, $0x10;
	v2 =	vand.u32 $0xFFFF0000, v2  }
0x1a7: {  	v3 =	vmul.f32 v4, v3;
	v1 =	vmul.f32 v2, v1;
	_ =	sdelay $0x1  }
0x1a8: {  	[tilespmem:s10+$0xFFFFFFC0] =	vst v3  }
0x1a9: {  	[tilespmem:s10+$0xFFFFFFD0] =	vst v1  }
0x1aa: {  	v1 =	vld [tilespmem:s15+$0x7810]  }
0x1ab: {  	v2 =	vld [tilespmem:s15+$0x9810];
	_ =	sdelay $0x3  }
0x1ac: {  	v3 =	vshll.u32 v1, $0x10;
	v1 =	vand.u32 $0xFFFF0000, v1  }
0x1ad: {  	v4 =	vshll.u32 v2, $0x10;
	v2 =	vand.u32 $0xFFFF0000, v2  }
0x1ae: {  	v3 =	vmul.f32 v4, v3;
	v1 =	vmul.f32 v2, v1;
	_ =	sdelay $0x1  }
0x1af: {  	[tilespmem:s10+$0xFFFFFFE0] =	vst v3  }
0x1b0: {  	[tilespmem:s10+$0xFFFFFFF0] =	vst v1  }
0x1b1: {  	v1 =	vld [tilespmem:s15+$0x7820]  }
0x1b2: {  	v2 =	vld [tilespmem:s15+$0x9820];
	_ =	sdelay $0x3  }
0x1b3: {  	v3 =	vshll.u32 v1, $0x10;
	v1 =	vand.u32 $0xFFFF0000, v1  }
0x1b4: {  	v4 =	vshll.u32 v2, $0x10;
	v2 =	vand.u32 $0xFFFF0000, v2  }
0x1b5: {  	v3 =	vmul.f32 v4, v3;
	v1 =	vmul.f32 v2, v1  }
.Ltmp6:
0x1b6: {  	(pc) =	sbr.rel @p1 .LBB2_14-.Ltmp6, $4  }
0x1b7: {  	[tilespmem:s10+$0x0] =	vst v3  }
0x1b8: {  	[tilespmem:s10+$0x10] =	vst v1  }
0x1b9: {  	v1 =	vld [tilespmem:s15+$0x7830]  }
0x1ba: {  	v2 =	vld [tilespmem:s15+$0x9830]  }
0x1bb: {  	_ =	sdelay $0x3  }
0x1bc: {  	v3 =	vshll.u32 v1, $0x10;
	v4 =	vshll.u32 v2, $0x10  }
0x1bd: {  	v1 =	vand.u32 $0xFFFF0000, v1;
	v2 =	vand.u32 $0xFFFF0000, v2;
	v3 =	vmul.f32 v4, v3  }
0x1be: {  	v1 =	vmul.f32 v2, v1  }
0x1bf: {  	[tilespmem:s12+$0x20] =	vst v3  }
0x1c0: {  	s10 =	simm.s32 $0x4F00;
	[tilespmem:s12+$0x30] =	vst v1  }
0x1c1: {  	[spmem:s2] =	stream.indirect.scatter.add.f32 [tilespmem:s22], [sflag:$0x4], $0x40, s10, s28, $0xb8;
	[tilespmem:$0x19800] =	vst v63  }
0x1c2: {  	_ =	swait.ge [sflag:s0], $0x1000  }
0x1c3: {  	[sflag:s0] =	ssyncset.done $0x0  }
0x1c4: {  	[sflag:s0] =	ssyncadd.s32 $0xFFFFF000  }
0x1c5: {  	_ =	swait.ge [sflag:s0], $0x1000  }
0x1c6: {  	[sflag:s0] =	ssyncset.done $0x0  }
0x1c7: {  	[sflag:s0] =	ssyncadd.s32 $0xFFFFF000  }
0x1c8: {  	_ =	swait.ge [sflag:s8], $0x2000  }
0x1c9: {  	[sflag:s8] =	ssyncset.done $0x0  }
0x1ca: {  	s18 =	simm.s32 $0x0;
	[sflag:s8] =	ssyncadd.s32 $0xFFFFE000  }
0x1cb: {  	v1 =	vld [tilespmem:s18+$0x8800]  }
0x1cc: {  	v2 =	vld [tilespmem:s18+$0xA800];
	_ =	sdelay $0x4  }
0x1cd: {  	v3 =	vshll.u32 v1, $0x10;
	v61 =	vshll.u32 v2, $0x10  }
0x1ce: {  	v1 =	vand.u32 $0xFFFF0000, v1;
	v2 =	vand.u32 $0xFFFF0000, v2;
	v3 =	vmul.f32 v61, v3  }
0x1cf: {  	s10 =	simm.s32 $0xD840;
	v1 =	vmul.f32 v2, v1  }
0x1d0: {  	[tilespmem:s10+$0xFFFFFFC0] =	vst v3  }
0x1d1: {  	[tilespmem:s10+$0xFFFFFFD0] =	vst v1  }
0x1d2: {  	v1 =	vld [tilespmem:s18+$0x8810]  }
0x1d3: {  	v2 =	vld [tilespmem:s18+$0xA810];
	_ =	sdelay $0x4  }
0x1d4: {  	v3 =	vshll.u32 v1, $0x10;
	v62 =	vshll.u32 v2, $0x10  }
0x1d5: {  	v1 =	vand.u32 $0xFFFF0000, v1;
	v2 =	vand.u32 $0xFFFF0000, v2;
	v3 =	vmul.f32 v62, v3  }
0x1d6: {  	v1 =	vmul.f32 v2, v1  }
0x1d7: {  	[tilespmem:s10+$0xFFFFFFE0] =	vst v3  }
0x1d8: {  	[tilespmem:s10+$0xFFFFFFF0] =	vst v1  }
0x1d9: {  	v1 =	vld [tilespmem:s18+$0x8820]  }
0x1da: {  	v2 =	vld [tilespmem:s18+$0xA820];
	_ =	sdelay $0x4  }
0x1db: {  	v3 =	vshll.u32 v1, $0x10;
	v63 =	vshll.u32 v2, $0x10  }
0x1dc: {  	v1 =	vand.u32 $0xFFFF0000, v1;
	v2 =	vand.u32 $0xFFFF0000, v2;
	v3 =	vmul.f32 v63, v3  }
0x1dd: {  	v1 =	vmul.f32 v2, v1  }
0x1de: {  	[tilespmem:s10+$0x0] =	vst v3  }
0x1df: {  	[tilespmem:s10+$0x10] =	vst v1  }
0x1e0: {  	v1 =	vld [tilespmem:s18+$0x8830]  }
0x1e1: {  	s13 =	simm.s32 $0x100;
	s12 =	simm.s32 $0xD840;
	v2 =	vld [tilespmem:s18+$0xA830]  }
.LBB2_16:
0x1e2: {  	p1 =	sne.s32 s13, $0x3F00  }
0x1e3: {  	s10 =	sadd.s32 $0x80, s10;
	s15 =	smov.u32 s13;
	s13 =	sadd.s32 $0x100, s13  }
0x1e4: {  	_ =	sdelay $0x1  }
0x1e5: {  	v3 =	vshll.u32 v1, $0x10;
	v1 =	vand.u32 $0xFFFF0000, v1  }
0x1e6: {  	v4 =	vshll.u32 v2, $0x10;
	v2 =	vand.u32 $0xFFFF0000, v2  }
0x1e7: {  	v3 =	vmul.f32 v4, v3;
	v1 =	vmul.f32 v2, v1;
	_ =	sdelay $0x1  }
0x1e8: {  	[tilespmem:s12+$0x20] =	vst v3  }
0x1e9: {  	s15 =	sshra.s32 s15, $0x2;
	[tilespmem:s12+$0x30] =	vst v1;
	s12 =	smov.u32 s10  }
0x1ea: {  	v1 =	vld [tilespmem:s15+$0x8800]  }
0x1eb: {  	v2 =	vld [tilespmem:s15+$0xA800];
	_ =	sdelay $0x3  }
0x1ec: {  	v3 =	vshll.u32 v1, $0x10;
	v1 =	vand.u32 $0xFFFF0000, v1  }
0x1ed: {  	v4 =	vshll.u32 v2, $0x10;
	v2 =	vand.u32 $0xFFFF0000, v2  }
0x1ee: {  	v3 =	vmul.f32 v4, v3;
	v1 =	vmul.f32 v2, v1;
	_ =	sdelay $0x1  }
0x1ef: {  	[tilespmem:s10+$0xFFFFFFC0] =	vst v3  }
0x1f0: {  	[tilespmem:s10+$0xFFFFFFD0] =	vst v1  }
0x1f1: {  	v1 =	vld [tilespmem:s15+$0x8810]  }
0x1f2: {  	v2 =	vld [tilespmem:s15+$0xA810];
	_ =	sdelay $0x3  }
0x1f3: {  	v3 =	vshll.u32 v1, $0x10;
	v1 =	vand.u32 $0xFFFF0000, v1  }
0x1f4: {  	v4 =	vshll.u32 v2, $0x10;
	v2 =	vand.u32 $0xFFFF0000, v2  }
0x1f5: {  	v3 =	vmul.f32 v4, v3;
	v1 =	vmul.f32 v2, v1;
	_ =	sdelay $0x1  }
0x1f6: {  	[tilespmem:s10+$0xFFFFFFE0] =	vst v3  }
0x1f7: {  	[tilespmem:s10+$0xFFFFFFF0] =	vst v1  }
0x1f8: {  	v1 =	vld [tilespmem:s15+$0x8820]  }
0x1f9: {  	v2 =	vld [tilespmem:s15+$0xA820];
	_ =	sdelay $0x3  }
0x1fa: {  	v3 =	vshll.u32 v1, $0x10;
	v1 =	vand.u32 $0xFFFF0000, v1  }
0x1fb: {  	v4 =	vshll.u32 v2, $0x10;
	v2 =	vand.u32 $0xFFFF0000, v2  }
0x1fc: {  	v3 =	vmul.f32 v4, v3;
	v1 =	vmul.f32 v2, v1  }
.Ltmp7:
0x1fd: {  	(pc) =	sbr.rel @p1 .LBB2_16-.Ltmp7, $4  }
0x1fe: {  	[tilespmem:s10+$0x0] =	vst v3  }
0x1ff: {  	[tilespmem:s10+$0x10] =	vst v1  }
0x200: {  	v1 =	vld [tilespmem:s15+$0x8830]  }
0x201: {  	v2 =	vld [tilespmem:s15+$0xA830]  }
0x202: {  	_ =	sdelay $0x3  }
0x203: {  	v3 =	vshll.u32 v1, $0x10;
	v4 =	vshll.u32 v2, $0x10  }
0x204: {  	v1 =	vand.u32 $0xFFFF0000, v1;
	v2 =	vand.u32 $0xFFFF0000, v2;
	v3 =	vmul.f32 v4, v3  }
0x205: {  	v1 =	vmul.f32 v2, v1  }
0x206: {  	[tilespmem:s12+$0x20] =	vst v3  }
0x207: {  	s10 =	simm.s32 $0x4F80;
	[tilespmem:s12+$0x30] =	vst v1  }
0x208: {  	[spmem:s2] =	stream.indirect.scatter.add.f32 [tilespmem:s7], [sflag:$0x5], $0x40, s10, s28, $0xb8;
	[tilespmem:$0x19800] =	vst v63  }
0x209: {  	_ =	swait.ge [sflag:s11], $0x2000  }
0x20a: {  	[sflag:s11] =	ssyncset.done $0x0  }
0x20b: {  	[sflag:s11] =	ssyncadd.s32 $0xFFFFE000  }
0x20c: {  	_ =	swait.ge [sflag:s8], $0x2000  }
0x20d: {  	[sflag:s8] =	ssyncset.done $0x0  }
0x20e: {  	s18 =	simm.s32 $0x0;
	s13 =	rddreg [dreg:$0x8];
	[sflag:s8] =	ssyncadd.s32 $0xFFFFE000  }
0x20f: {  	[tilespmem:s18], [sflag:$0x1] =	stream.linear.gather [hbm4b:s13+s18], $0x2800, $0x38;
	[tilespmem:$0x19800] =	vst v63  }
0x210: {  	s15 =	rddreg [dreg:$0x9]  }
0x211: {  	[tilespmem:s20], [sflag:$0x1] =	stream.linear.gather [hbm4b:s15+s18], $0x2800, $0x38;
	[tilespmem:$0x19800] =	vst v63  }
0x212: {  	s16 =	rddreg [dreg:$0xa]  }
0x213: {  	[tilespmem:s21], [sflag:$0x1] =	stream.linear.gather [hbm4b:s16+s18], $0x2800, $0x38;
	[tilespmem:$0x19800] =	vst v63  }
0x214: {  	_ =	swait.ge [sflag:s26], $0x2800  }
0x215: {  	[sflag:s26] =	ssyncset.done $0x0  }
0x216: {  	[sflag:s26] =	ssyncadd.s32 $0xFFFFD800  }
0x217: {  	_ =	swait.ge [sflag:s26], $0x2800  }
0x218: {  	[sflag:s26] =	ssyncset.done $0x0  }
0x219: {  	[sflag:s26] =	ssyncadd.s32 $0xFFFFD800  }
0x21a: {  	_ =	swait.ge [sflag:s26], $0x2800  }
0x21b: {  	[sflag:s26] =	ssyncset.done $0x0  }
0x21c: {  	[sflag:s26] =	ssyncadd.s32 $0xFFFFD800  }
0x21d: {  	[tilespmem:s29], [sflag:$0x2] =	stream.indirect.gather [hbm4b:s5+s28], $0x20, s18, s28, $0xb8;
	[tilespmem:$0x19800] =	vst v63  }
0x21e: {  	_ = 	snop  }
0x21f: {  	[tilespmem:s30], [sflag:$0x2] =	stream.indirect.gather [hbm4b:s1+s28], $0x20, s21, s28, $0xb8;
	[tilespmem:$0x19800] =	vst v63  }
0x220: {  	_ = 	snop  }
0x221: {  	[tilespmem:s31], [sflag:$0x3] =	stream.indirect.gather [hbm4b:s5+s28], $0x20, s28, s28, $0xb8;
	[tilespmem:$0x19800] =	vst v63  }
0x222: {  	s17 =	simm.s32 $0x5080  }
0x223: {  	[tilespmem:s3], [sflag:$0x3] =	stream.indirect.gather [hbm4b:s1+s28], $0x20, s17, s28, $0xb8;
	[tilespmem:$0x19800] =	vst v63  }
0x224: {  	_ =	swait.ge [sflag:s6], $0x1000  }
0x225: {  	[sflag:s6] =	ssyncset.done $0x0  }
0x226: {  	[sflag:s6] =	ssyncadd.s32 $0xFFFFF000  }
0x227: {  	_ =	swait.ge [sflag:s6], $0x1000  }
0x228: {  	[sflag:s6] =	ssyncset.done $0x0  }
0x229: {  	s18 =	simm.s32 $0x0;
	[sflag:s6] =	ssyncadd.s32 $0xFFFFF000  }
0x22a: {  	v1 =	vld [tilespmem:s18+$0x7800]  }
0x22b: {  	v2 =	vld [tilespmem:s18+$0x9800];
	_ =	sdelay $0x4  }
0x22c: {  	v3 =	vshll.u32 v1, $0x10;
	v61 =	vshll.u32 v2, $0x10  }
0x22d: {  	v1 =	vand.u32 $0xFFFF0000, v1;
	v2 =	vand.u32 $0xFFFF0000, v2;
	v3 =	vmul.f32 v61, v3  }
0x22e: {  	s10 =	simm.s32 $0xB840;
	v1 =	vmul.f32 v2, v1  }
0x22f: {  	[tilespmem:s10+$0xFFFFFFC0] =	vst v3  }
0x230: {  	[tilespmem:s10+$0xFFFFFFD0] =	vst v1  }
0x231: {  	v1 =	vld [tilespmem:s18+$0x7810]  }
0x232: {  	v2 =	vld [tilespmem:s18+$0x9810];
	_ =	sdelay $0x4  }
0x233: {  	v3 =	vshll.u32 v1, $0x10;
	v62 =	vshll.u32 v2, $0x10  }
0x234: {  	v1 =	vand.u32 $0xFFFF0000, v1;
	v2 =	vand.u32 $0xFFFF0000, v2;
	v3 =	vmul.f32 v62, v3  }
0x235: {  	v1 =	vmul.f32 v2, v1  }
0x236: {  	[tilespmem:s10+$0xFFFFFFE0] =	vst v3  }
0x237: {  	[tilespmem:s10+$0xFFFFFFF0] =	vst v1  }
0x238: {  	v1 =	vld [tilespmem:s18+$0x7820]  }
0x239: {  	v2 =	vld [tilespmem:s18+$0x9820];
	_ =	sdelay $0x4  }
0x23a: {  	v3 =	vshll.u32 v1, $0x10;
	v63 =	vshll.u32 v2, $0x10  }
0x23b: {  	v1 =	vand.u32 $0xFFFF0000, v1;
	v2 =	vand.u32 $0xFFFF0000, v2;
	v3 =	vmul.f32 v63, v3  }
0x23c: {  	v1 =	vmul.f32 v2, v1  }
0x23d: {  	[tilespmem:s10+$0x0] =	vst v3  }
0x23e: {  	[tilespmem:s10+$0x10] =	vst v1  }
0x23f: {  	v1 =	vld [tilespmem:s18+$0x7830]  }
0x240: {  	s12 =	simm.s32 $0xB840;
	s13 =	simm.s32 $0x100;
	v2 =	vld [tilespmem:s18+$0x9830]  }
.LBB2_18:
0x241: {  	p1 =	sne.s32 s13, $0x3F00  }
0x242: {  	s10 =	sadd.s32 $0x80, s10;
	s15 =	smov.u32 s13;
	s13 =	sadd.s32 $0x100, s13  }
0x243: {  	_ =	sdelay $0x1  }
0x244: {  	v3 =	vshll.u32 v1, $0x10;
	v1 =	vand.u32 $0xFFFF0000, v1  }
0x245: {  	v4 =	vshll.u32 v2, $0x10;
	v2 =	vand.u32 $0xFFFF0000, v2  }
0x246: {  	v3 =	vmul.f32 v4, v3;
	v1 =	vmul.f32 v2, v1;
	_ =	sdelay $0x1  }
0x247: {  	[tilespmem:s12+$0x20] =	vst v3  }
0x248: {  	s15 =	sshra.s32 s15, $0x2;
	[tilespmem:s12+$0x30] =	vst v1;
	s12 =	smov.u32 s10  }
0x249: {  	v1 =	vld [tilespmem:s15+$0x7800]  }
0x24a: {  	v2 =	vld [tilespmem:s15+$0x9800];
	_ =	sdelay $0x3  }
0x24b: {  	v3 =	vshll.u32 v1, $0x10;
	v1 =	vand.u32 $0xFFFF0000, v1  }
0x24c: {  	v4 =	vshll.u32 v2, $0x10;
	v2 =	vand.u32 $0xFFFF0000, v2  }
0x24d: {  	v3 =	vmul.f32 v4, v3;
	v1 =	vmul.f32 v2, v1;
	_ =	sdelay $0x1  }
0x24e: {  	[tilespmem:s10+$0xFFFFFFC0] =	vst v3  }
0x24f: {  	[tilespmem:s10+$0xFFFFFFD0] =	vst v1  }
0x250: {  	v1 =	vld [tilespmem:s15+$0x7810]  }
0x251: {  	v2 =	vld [tilespmem:s15+$0x9810];
	_ =	sdelay $0x3  }
0x252: {  	v3 =	vshll.u32 v1, $0x10;
	v1 =	vand.u32 $0xFFFF0000, v1  }
0x253: {  	v4 =	vshll.u32 v2, $0x10;
	v2 =	vand.u32 $0xFFFF0000, v2  }
0x254: {  	v3 =	vmul.f32 v4, v3;
	v1 =	vmul.f32 v2, v1;
	_ =	sdelay $0x1  }
0x255: {  	[tilespmem:s10+$0xFFFFFFE0] =	vst v3  }
0x256: {  	[tilespmem:s10+$0xFFFFFFF0] =	vst v1  }
0x257: {  	v1 =	vld [tilespmem:s15+$0x7820]  }
0x258: {  	v2 =	vld [tilespmem:s15+$0x9820];
	_ =	sdelay $0x3  }
0x259: {  	v3 =	vshll.u32 v1, $0x10;
	v1 =	vand.u32 $0xFFFF0000, v1  }
0x25a: {  	v4 =	vshll.u32 v2, $0x10;
	v2 =	vand.u32 $0xFFFF0000, v2  }
0x25b: {  	v3 =	vmul.f32 v4, v3;
	v1 =	vmul.f32 v2, v1  }
.Ltmp8:
0x25c: {  	(pc) =	sbr.rel @p1 .LBB2_18-.Ltmp8, $4  }
0x25d: {  	[tilespmem:s10+$0x0] =	vst v3  }
0x25e: {  	[tilespmem:s10+$0x10] =	vst v1  }
0x25f: {  	v1 =	vld [tilespmem:s15+$0x7830]  }
0x260: {  	v2 =	vld [tilespmem:s15+$0x9830]  }
0x261: {  	_ =	sdelay $0x3  }
0x262: {  	v3 =	vshll.u32 v1, $0x10;
	v4 =	vshll.u32 v2, $0x10  }
0x263: {  	v1 =	vand.u32 $0xFFFF0000, v1;
	v2 =	vand.u32 $0xFFFF0000, v2;
	v3 =	vmul.f32 v4, v3  }
0x264: {  	v1 =	vmul.f32 v2, v1  }
0x265: {  	[tilespmem:s12+$0x20] =	vst v3  }
0x266: {  	[tilespmem:s12+$0x30] =	vst v1  }
0x267: {  	[spmem:s2] =	stream.indirect.scatter.add.f32 [tilespmem:s22], [sflag:$0x4], $0x40, s20, s28, $0xb8;
	[tilespmem:$0x19800] =	vst v63  }
0x268: {  	s10 =	simm.s32 $0x100  }
0x269: {  	[tilespmem:s29], [sflag:$0x2] =	stream.indirect.gather [hbm4b:s5+s28], $0x20, s10, s28, $0xb8;
	[tilespmem:$0x19800] =	vst v63  }
0x26a: {  	s17 =	simm.s32 $0x5100  }
0x26b: {  	[tilespmem:s30], [sflag:$0x2] =	stream.indirect.gather [hbm4b:s1+s28], $0x20, s17, s28, $0xb8;
	[tilespmem:$0x19800] =	vst v63  }
0x26c: {  	_ =	swait.ge [sflag:s0], $0x1000  }
0x26d: {  	[sflag:s0] =	ssyncset.done $0x0  }
0x26e: {  	[sflag:s0] =	ssyncadd.s32 $0xFFFFF000  }
0x26f: {  	_ =	swait.ge [sflag:s0], $0x1000  }
0x270: {  	[sflag:s0] =	ssyncset.done $0x0  }
0x271: {  	s18 =	simm.s32 $0x0;
	[sflag:s0] =	ssyncadd.s32 $0xFFFFF000  }
0x272: {  	v1 =	vld [tilespmem:s18+$0x8800]  }
0x273: {  	v2 =	vld [tilespmem:s18+$0xA800];
	_ =	sdelay $0x4  }
0x274: {  	v3 =	vshll.u32 v1, $0x10;
	v61 =	vshll.u32 v2, $0x10  }
0x275: {  	v1 =	vand.u32 $0xFFFF0000, v1;
	v2 =	vand.u32 $0xFFFF0000, v2;
	v3 =	vmul.f32 v61, v3  }
0x276: {  	s10 =	simm.s32 $0xD840;
	v1 =	vmul.f32 v2, v1  }
0x277: {  	[tilespmem:s10+$0xFFFFFFC0] =	vst v3  }
0x278: {  	[tilespmem:s10+$0xFFFFFFD0] =	vst v1  }
0x279: {  	v1 =	vld [tilespmem:s18+$0x8810]  }
0x27a: {  	v2 =	vld [tilespmem:s18+$0xA810];
	_ =	sdelay $0x4  }
0x27b: {  	v3 =	vshll.u32 v1, $0x10;
	v62 =	vshll.u32 v2, $0x10  }
0x27c: {  	v1 =	vand.u32 $0xFFFF0000, v1;
	v2 =	vand.u32 $0xFFFF0000, v2;
	v3 =	vmul.f32 v62, v3  }
0x27d: {  	v1 =	vmul.f32 v2, v1  }
0x27e: {  	[tilespmem:s10+$0xFFFFFFE0] =	vst v3  }
0x27f: {  	[tilespmem:s10+$0xFFFFFFF0] =	vst v1  }
0x280: {  	v1 =	vld [tilespmem:s18+$0x8820]  }
0x281: {  	v2 =	vld [tilespmem:s18+$0xA820];
	_ =	sdelay $0x4  }
0x282: {  	v3 =	vshll.u32 v1, $0x10;
	v63 =	vshll.u32 v2, $0x10  }
0x283: {  	v1 =	vand.u32 $0xFFFF0000, v1;
	v2 =	vand.u32 $0xFFFF0000, v2;
	v3 =	vmul.f32 v63, v3  }
0x284: {  	v1 =	vmul.f32 v2, v1  }
0x285: {  	[tilespmem:s10+$0x0] =	vst v3  }
0x286: {  	[tilespmem:s10+$0x10] =	vst v1  }
0x287: {  	v1 =	vld [tilespmem:s18+$0x8830]  }
0x288: {  	s13 =	simm.s32 $0x100;
	s12 =	simm.s32 $0xD840;
	v2 =	vld [tilespmem:s18+$0xA830]  }
.LBB2_20:
0x289: {  	p1 =	sne.s32 s13, $0x3F00  }
0x28a: {  	s10 =	sadd.s32 $0x80, s10;
	s15 =	smov.u32 s13;
	s13 =	sadd.s32 $0x100, s13  }
0x28b: {  	_ =	sdelay $0x1  }
0x28c: {  	v3 =	vshll.u32 v1, $0x10;
	v1 =	vand.u32 $0xFFFF0000, v1  }
0x28d: {  	v4 =	vshll.u32 v2, $0x10;
	v2 =	vand.u32 $0xFFFF0000, v2  }
0x28e: {  	v3 =	vmul.f32 v4, v3;
	v1 =	vmul.f32 v2, v1;
	_ =	sdelay $0x1  }
0x28f: {  	[tilespmem:s12+$0x20] =	vst v3  }
0x290: {  	s15 =	sshra.s32 s15, $0x2;
	[tilespmem:s12+$0x30] =	vst v1;
	s12 =	smov.u32 s10  }
0x291: {  	v1 =	vld [tilespmem:s15+$0x8800]  }
0x292: {  	v2 =	vld [tilespmem:s15+$0xA800];
	_ =	sdelay $0x3  }
0x293: {  	v3 =	vshll.u32 v1, $0x10;
	v1 =	vand.u32 $0xFFFF0000, v1  }
0x294: {  	v4 =	vshll.u32 v2, $0x10;
	v2 =	vand.u32 $0xFFFF0000, v2  }
0x295: {  	v3 =	vmul.f32 v4, v3;
	v1 =	vmul.f32 v2, v1;
	_ =	sdelay $0x1  }
0x296: {  	[tilespmem:s10+$0xFFFFFFC0] =	vst v3  }
0x297: {  	[tilespmem:s10+$0xFFFFFFD0] =	vst v1  }
0x298: {  	v1 =	vld [tilespmem:s15+$0x8810]  }
0x299: {  	v2 =	vld [tilespmem:s15+$0xA810];
	_ =	sdelay $0x3  }
0x29a: {  	v3 =	vshll.u32 v1, $0x10;
	v1 =	vand.u32 $0xFFFF0000, v1  }
0x29b: {  	v4 =	vshll.u32 v2, $0x10;
	v2 =	vand.u32 $0xFFFF0000, v2  }
0x29c: {  	v3 =	vmul.f32 v4, v3;
	v1 =	vmul.f32 v2, v1;
	_ =	sdelay $0x1  }
0x29d: {  	[tilespmem:s10+$0xFFFFFFE0] =	vst v3  }
0x29e: {  	[tilespmem:s10+$0xFFFFFFF0] =	vst v1  }
0x29f: {  	v1 =	vld [tilespmem:s15+$0x8820]  }
0x2a0: {  	v2 =	vld [tilespmem:s15+$0xA820];
	_ =	sdelay $0x3  }
0x2a1: {  	v3 =	vshll.u32 v1, $0x10;
	v1 =	vand.u32 $0xFFFF0000, v1  }
0x2a2: {  	v4 =	vshll.u32 v2, $0x10;
	v2 =	vand.u32 $0xFFFF0000, v2  }
0x2a3: {  	v3 =	vmul.f32 v4, v3;
	v1 =	vmul.f32 v2, v1  }
.Ltmp9:
0x2a4: {  	(pc) =	sbr.rel @p1 .LBB2_20-.Ltmp9, $4  }
0x2a5: {  	[tilespmem:s10+$0x0] =	vst v3  }
0x2a6: {  	[tilespmem:s10+$0x10] =	vst v1  }
0x2a7: {  	v1 =	vld [tilespmem:s15+$0x8830]  }
0x2a8: {  	v2 =	vld [tilespmem:s15+$0xA830]  }
0x2a9: {  	_ =	sdelay $0x3  }
0x2aa: {  	v3 =	vshll.u32 v1, $0x10;
	v4 =	vshll.u32 v2, $0x10  }
0x2ab: {  	v1 =	vand.u32 $0xFFFF0000, v1;
	v2 =	vand.u32 $0xFFFF0000, v2;
	v3 =	vmul.f32 v4, v3  }
0x2ac: {  	v1 =	vmul.f32 v2, v1  }
0x2ad: {  	[tilespmem:s12+$0x20] =	vst v3  }
0x2ae: {  	s10 =	simm.s32 $0x2880;
	[tilespmem:s12+$0x30] =	vst v1  }
0x2af: {  	[spmem:s2] =	stream.indirect.scatter.add.f32 [tilespmem:s7], [sflag:$0x5], $0x40, s10, s28, $0xb8;
	[tilespmem:$0x19800] =	vst v63  }
0x2b0: {  	s10 =	simm.s32 $0x0  }
.LBB2_22:
0x2b1: {  	s13 =	sshll.u32 s10, $0x8  }
0x2b2: {  	s15 =	sadd.s32 $0x180, s13  }
0x2b3: {  	[tilespmem:s31], [sflag:$0x3] =	stream.indirect.gather [hbm4b:s5+s28], $0x20, s15, s28, $0xb8;
	[tilespmem:$0x19800] =	vst v63  }
0x2b4: {  	s12 =	sadd.s32 $0x5180, s13  }
0x2b5: {  	[tilespmem:s3], [sflag:$0x3] =	stream.indirect.gather [hbm4b:s1+s28], $0x20, s12, s28, $0xb8;
	[tilespmem:$0x19800] =	vst v63  }
0x2b6: {  	_ =	swait.ge [sflag:s6], $0x1000  }
0x2b7: {  	[sflag:s6] =	ssyncset.done $0x0  }
0x2b8: {  	[sflag:s6] =	ssyncadd.s32 $0xFFFFF000  }
0x2b9: {  	_ =	swait.ge [sflag:s6], $0x1000  }
0x2ba: {  	[sflag:s6] =	ssyncset.done $0x0  }
0x2bb: {  	[sflag:s6] =	ssyncadd.s32 $0xFFFFF000  }
0x2bc: {  	_ =	swait.ge [sflag:s11], $0x2000  }
0x2bd: {  	[sflag:s11] =	ssyncset.done $0x0  }
0x2be: {  	s18 =	simm.s32 $0x0;
	[sflag:s11] =	ssyncadd.s32 $0xFFFFE000  }
0x2bf: {  	v1 =	vld [tilespmem:s18+$0x7800]  }
0x2c0: {  	v2 =	vld [tilespmem:s18+$0x9800];
	_ =	sdelay $0x4  }
0x2c1: {  	v3 =	vshll.u32 v1, $0x10;
	v4 =	vshll.u32 v2, $0x10  }
0x2c2: {  	v1 =	vand.u32 $0xFFFF0000, v1;
	v2 =	vand.u32 $0xFFFF0000, v2;
	v3 =	vmul.f32 v4, v3  }
0x2c3: {  	s16 =	simm.s32 $0xB840;
	v1 =	vmul.f32 v2, v1  }
0x2c4: {  	[tilespmem:s16+$0xFFFFFFC0] =	vst v3  }
0x2c5: {  	[tilespmem:s16+$0xFFFFFFD0] =	vst v1  }
0x2c6: {  	v1 =	vld [tilespmem:s18+$0x7810]  }
0x2c7: {  	v2 =	vld [tilespmem:s18+$0x9810];
	_ =	sdelay $0x4  }
0x2c8: {  	v3 =	vshll.u32 v1, $0x10;
	v62 =	vshll.u32 v2, $0x10  }
0x2c9: {  	v1 =	vand.u32 $0xFFFF0000, v1;
	v2 =	vand.u32 $0xFFFF0000, v2;
	v3 =	vmul.f32 v62, v3  }
0x2ca: {  	v1 =	vmul.f32 v2, v1  }
0x2cb: {  	[tilespmem:s16+$0xFFFFFFE0] =	vst v3  }
0x2cc: {  	[tilespmem:s16+$0xFFFFFFF0] =	vst v1  }
0x2cd: {  	v1 =	vld [tilespmem:s18+$0x7820]  }
0x2ce: {  	v2 =	vld [tilespmem:s18+$0x9820];
	_ =	sdelay $0x4  }
0x2cf: {  	v3 =	vshll.u32 v1, $0x10;
	v63 =	vshll.u32 v2, $0x10  }
0x2d0: {  	v1 =	vand.u32 $0xFFFF0000, v1;
	v2 =	vand.u32 $0xFFFF0000, v2;
	v3 =	vmul.f32 v63, v3  }
0x2d1: {  	v1 =	vmul.f32 v2, v1  }
0x2d2: {  	[tilespmem:s16+$0x0] =	vst v3  }
0x2d3: {  	[tilespmem:s16+$0x10] =	vst v1  }
0x2d4: {  	v1 =	vld [tilespmem:s18+$0x7830]  }
0x2d5: {  	s17 =	simm.s32 $0x100;
	s12 =	simm.s32 $0xB840;
	v2 =	vld [tilespmem:s18+$0x9830]  }
.LBB2_23:
0x2d6: {  	p1 =	sne.s32 s17, $0x3F00  }
0x2d7: {  	s16 =	sadd.s32 $0x80, s16;
	s18 =	smov.u32 s17;
	s17 =	sadd.s32 $0x100, s17  }
0x2d8: {  	_ =	sdelay $0x1  }
0x2d9: {  	v3 =	vshll.u32 v1, $0x10;
	v1 =	vand.u32 $0xFFFF0000, v1  }
0x2da: {  	v4 =	vshll.u32 v2, $0x10;
	v2 =	vand.u32 $0xFFFF0000, v2  }
0x2db: {  	v3 =	vmul.f32 v4, v3;
	v1 =	vmul.f32 v2, v1;
	_ =	sdelay $0x1  }
0x2dc: {  	[tilespmem:s12+$0x20] =	vst v3  }
0x2dd: {  	s18 =	sshra.s32 s18, $0x2;
	[tilespmem:s12+$0x30] =	vst v1;
	s12 =	smov.u32 s16  }
0x2de: {  	v1 =	vld [tilespmem:s18+$0x7800]  }
0x2df: {  	v2 =	vld [tilespmem:s18+$0x9800];
	_ =	sdelay $0x3  }
0x2e0: {  	v3 =	vshll.u32 v1, $0x10;
	v1 =	vand.u32 $0xFFFF0000, v1  }
0x2e1: {  	v4 =	vshll.u32 v2, $0x10;
	v2 =	vand.u32 $0xFFFF0000, v2  }
0x2e2: {  	v3 =	vmul.f32 v4, v3;
	v1 =	vmul.f32 v2, v1;
	_ =	sdelay $0x1  }
0x2e3: {  	[tilespmem:s16+$0xFFFFFFC0] =	vst v3  }
0x2e4: {  	[tilespmem:s16+$0xFFFFFFD0] =	vst v1  }
0x2e5: {  	v1 =	vld [tilespmem:s18+$0x7810]  }
0x2e6: {  	v2 =	vld [tilespmem:s18+$0x9810];
	_ =	sdelay $0x3  }
0x2e7: {  	v3 =	vshll.u32 v1, $0x10;
	v1 =	vand.u32 $0xFFFF0000, v1  }
0x2e8: {  	v4 =	vshll.u32 v2, $0x10;
	v2 =	vand.u32 $0xFFFF0000, v2  }
0x2e9: {  	v3 =	vmul.f32 v4, v3;
	v1 =	vmul.f32 v2, v1;
	_ =	sdelay $0x1  }
0x2ea: {  	[tilespmem:s16+$0xFFFFFFE0] =	vst v3  }
0x2eb: {  	[tilespmem:s16+$0xFFFFFFF0] =	vst v1  }
0x2ec: {  	v1 =	vld [tilespmem:s18+$0x7820]  }
0x2ed: {  	v2 =	vld [tilespmem:s18+$0x9820];
	_ =	sdelay $0x3  }
0x2ee: {  	v3 =	vshll.u32 v1, $0x10;
	v1 =	vand.u32 $0xFFFF0000, v1  }
0x2ef: {  	v4 =	vshll.u32 v2, $0x10;
	v2 =	vand.u32 $0xFFFF0000, v2  }
0x2f0: {  	v3 =	vmul.f32 v4, v3;
	v1 =	vmul.f32 v2, v1  }
.Ltmp10:
0x2f1: {  	(pc) =	sbr.rel @p1 .LBB2_23-.Ltmp10, $4  }
0x2f2: {  	[tilespmem:s16+$0x0] =	vst v3  }
0x2f3: {  	[tilespmem:s16+$0x10] =	vst v1  }
0x2f4: {  	v1 =	vld [tilespmem:s18+$0x7830]  }
0x2f5: {  	v2 =	vld [tilespmem:s18+$0x9830]  }
0x2f6: {  	_ =	sdelay $0x3  }
0x2f7: {  	v3 =	vshll.u32 v1, $0x10;
	v4 =	vshll.u32 v2, $0x10  }
0x2f8: {  	v1 =	vand.u32 $0xFFFF0000, v1;
	v2 =	vand.u32 $0xFFFF0000, v2;
	v3 =	vmul.f32 v4, v3  }
0x2f9: {  	v1 =	vmul.f32 v2, v1  }
0x2fa: {  	s16 =	sand.u32 $0x3FFFFF00, s13;
	[tilespmem:s12+$0x20] =	vst v3  }
0x2fb: {  	s18 =	sadd.s32 $0x2900, s16;
	[tilespmem:s12+$0x30] =	vst v1  }
0x2fc: {  	[spmem:s2] =	stream.indirect.scatter.add.f32 [tilespmem:s22], [sflag:$0x4], $0x40, s18, s28, $0xb8;
	[tilespmem:$0x19800] =	vst v63  }
0x2fd: {  	s16 =	sadd.s32 $0x200, s13  }
0x2fe: {  	[tilespmem:s29], [sflag:$0x2] =	stream.indirect.gather [hbm4b:s5+s28], $0x20, s16, s28, $0xb8;
	[tilespmem:$0x19800] =	vst v63  }
0x2ff: {  	s17 =	sadd.s32 $0x5200, s13  }
0x300: {  	[tilespmem:s30], [sflag:$0x2] =	stream.indirect.gather [hbm4b:s1+s28], $0x20, s17, s28, $0xb8;
	[tilespmem:$0x19800] =	vst v63  }
0x301: {  	_ =	swait.ge [sflag:s0], $0x1000  }
0x302: {  	[sflag:s0] =	ssyncset.done $0x0  }
0x303: {  	[sflag:s0] =	ssyncadd.s32 $0xFFFFF000  }
0x304: {  	_ =	swait.ge [sflag:s0], $0x1000  }
0x305: {  	[sflag:s0] =	ssyncset.done $0x0  }
0x306: {  	[sflag:s0] =	ssyncadd.s32 $0xFFFFF000  }
0x307: {  	_ =	swait.ge [sflag:s8], $0x2000  }
0x308: {  	[sflag:s8] =	ssyncset.done $0x0  }
0x309: {  	s18 =	simm.s32 $0x0;
	[sflag:s8] =	ssyncadd.s32 $0xFFFFE000  }
0x30a: {  	v1 =	vld [tilespmem:s18+$0x8800]  }
0x30b: {  	v2 =	vld [tilespmem:s18+$0xA800];
	_ =	sdelay $0x4  }
0x30c: {  	v3 =	vshll.u32 v1, $0x10;
	v61 =	vshll.u32 v2, $0x10  }
0x30d: {  	v1 =	vand.u32 $0xFFFF0000, v1;
	v2 =	vand.u32 $0xFFFF0000, v2;
	v3 =	vmul.f32 v61, v3  }
0x30e: {  	s13 =	simm.s32 $0xD840;
	v1 =	vmul.f32 v2, v1  }
0x30f: {  	[tilespmem:s13+$0xFFFFFFC0] =	vst v3  }
0x310: {  	[tilespmem:s13+$0xFFFFFFD0] =	vst v1  }
0x311: {  	v1 =	vld [tilespmem:s18+$0x8810]  }
0x312: {  	v2 =	vld [tilespmem:s18+$0xA810];
	_ =	sdelay $0x4  }
0x313: {  	v3 =	vshll.u32 v1, $0x10;
	v62 =	vshll.u32 v2, $0x10  }
0x314: {  	v1 =	vand.u32 $0xFFFF0000, v1;
	v2 =	vand.u32 $0xFFFF0000, v2;
	v3 =	vmul.f32 v62, v3  }
0x315: {  	v1 =	vmul.f32 v2, v1  }
0x316: {  	[tilespmem:s13+$0xFFFFFFE0] =	vst v3  }
0x317: {  	[tilespmem:s13+$0xFFFFFFF0] =	vst v1  }
0x318: {  	v1 =	vld [tilespmem:s18+$0x8820]  }
0x319: {  	v2 =	vld [tilespmem:s18+$0xA820];
	_ =	sdelay $0x4  }
0x31a: {  	v3 =	vshll.u32 v1, $0x10;
	v63 =	vshll.u32 v2, $0x10  }
0x31b: {  	v1 =	vand.u32 $0xFFFF0000, v1;
	v2 =	vand.u32 $0xFFFF0000, v2;
	v3 =	vmul.f32 v63, v3  }
0x31c: {  	v1 =	vmul.f32 v2, v1  }
0x31d: {  	[tilespmem:s13+$0x0] =	vst v3  }
0x31e: {  	[tilespmem:s13+$0x10] =	vst v1  }
0x31f: {  	v1 =	vld [tilespmem:s18+$0x8830]  }
0x320: {  	s12 =	simm.s32 $0xD840;
	s16 =	simm.s32 $0x100;
	v2 =	vld [tilespmem:s18+$0xA830]  }
.LBB2_25:
0x321: {  	p1 =	sne.s32 s16, $0x3F00  }
0x322: {  	s13 =	sadd.s32 $0x80, s13;
	s17 =	smov.u32 s16;
	s16 =	sadd.s32 $0x100, s16  }
0x323: {  	_ =	sdelay $0x1  }
0x324: {  	v3 =	vshll.u32 v1, $0x10;
	v1 =	vand.u32 $0xFFFF0000, v1  }
0x325: {  	v4 =	vshll.u32 v2, $0x10;
	v2 =	vand.u32 $0xFFFF0000, v2  }
0x326: {  	v3 =	vmul.f32 v4, v3;
	v1 =	vmul.f32 v2, v1;
	_ =	sdelay $0x1  }
0x327: {  	[tilespmem:s12+$0x20] =	vst v3  }
0x328: {  	s17 =	sshra.s32 s17, $0x2;
	[tilespmem:s12+$0x30] =	vst v1;
	s12 =	smov.u32 s13  }
0x329: {  	v1 =	vld [tilespmem:s17+$0x8800]  }
0x32a: {  	v2 =	vld [tilespmem:s17+$0xA800];
	_ =	sdelay $0x3  }
0x32b: {  	v3 =	vshll.u32 v1, $0x10;
	v1 =	vand.u32 $0xFFFF0000, v1  }
0x32c: {  	v4 =	vshll.u32 v2, $0x10;
	v2 =	vand.u32 $0xFFFF0000, v2  }
0x32d: {  	v3 =	vmul.f32 v4, v3;
	v1 =	vmul.f32 v2, v1;
	_ =	sdelay $0x1  }
0x32e: {  	[tilespmem:s13+$0xFFFFFFC0] =	vst v3  }
0x32f: {  	[tilespmem:s13+$0xFFFFFFD0] =	vst v1  }
0x330: {  	v1 =	vld [tilespmem:s17+$0x8810]  }
0x331: {  	v2 =	vld [tilespmem:s17+$0xA810];
	_ =	sdelay $0x3  }
0x332: {  	v3 =	vshll.u32 v1, $0x10;
	v1 =	vand.u32 $0xFFFF0000, v1  }
0x333: {  	v4 =	vshll.u32 v2, $0x10;
	v2 =	vand.u32 $0xFFFF0000, v2  }
0x334: {  	v3 =	vmul.f32 v4, v3;
	v1 =	vmul.f32 v2, v1;
	_ =	sdelay $0x1  }
0x335: {  	[tilespmem:s13+$0xFFFFFFE0] =	vst v3  }
0x336: {  	[tilespmem:s13+$0xFFFFFFF0] =	vst v1  }
0x337: {  	v1 =	vld [tilespmem:s17+$0x8820]  }
0x338: {  	v2 =	vld [tilespmem:s17+$0xA820];
	_ =	sdelay $0x3  }
0x339: {  	v3 =	vshll.u32 v1, $0x10;
	v1 =	vand.u32 $0xFFFF0000, v1  }
0x33a: {  	v4 =	vshll.u32 v2, $0x10;
	v2 =	vand.u32 $0xFFFF0000, v2  }
0x33b: {  	v3 =	vmul.f32 v4, v3;
	v1 =	vmul.f32 v2, v1  }
.Ltmp11:
0x33c: {  	(pc) =	sbr.rel @p1 .LBB2_25-.Ltmp11, $4  }
0x33d: {  	[tilespmem:s13+$0x0] =	vst v3  }
0x33e: {  	[tilespmem:s13+$0x10] =	vst v1  }
0x33f: {  	v1 =	vld [tilespmem:s17+$0x8830]  }
0x340: {  	v2 =	vld [tilespmem:s17+$0xA830]  }
0x341: {  	_ =	sdelay $0x2  }
0x342: {  	s10 =	sadd.s32 $0x1, s10  }
0x343: {  	p1 =	sne.s32 s10, $0x26;
	v3 =	vshll.u32 v1, $0x10;
	v4 =	vshll.u32 v2, $0x10  }
.Ltmp12:
0x344: {  	v1 =	vand.u32 $0xFFFF0000, v1;
	v2 =	vand.u32 $0xFFFF0000, v2;
	v3 =	vmul.f32 v4, v3;
	(pc) =	sbr.rel @p1 .LBB2_22-.Ltmp12, $4  }
0x345: {  	v1 =	vmul.f32 v2, v1  }
0x346: {  	[tilespmem:s12+$0x20] =	vst v3  }
0x347: {  	s18 =	sadd.s32 $0x2800, s15;
	[tilespmem:s12+$0x30] =	vst v1  }
0x348: {  	[spmem:s2] =	stream.indirect.scatter.add.f32 [tilespmem:s7], [sflag:$0x5], $0x40, s18, s28, $0xb8;
	[tilespmem:$0x19800] =	vst v63  }
0x349: {  	s10 =	simm.s32 $0x2780  }
0x34a: {  	[tilespmem:s31], [sflag:$0x3] =	stream.indirect.gather [hbm4b:s5+s28], $0x20, s10, s28, $0xb8;
	[tilespmem:$0x19800] =	vst v63  }
0x34b: {  	s18 =	simm.s32 $0x7780  }
0x34c: {  	[tilespmem:s3], [sflag:$0x3] =	stream.indirect.gather [hbm4b:s1+s28], $0x20, s18, s28, $0xb8;
	[tilespmem:$0x19800] =	vst v63  }
0x34d: {  	_ =	swait.ge [sflag:s6], $0x1000  }
0x34e: {  	[sflag:s6] =	ssyncset.done $0x0  }
0x34f: {  	[sflag:s6] =	ssyncadd.s32 $0xFFFFF000  }
0x350: {  	_ =	swait.ge [sflag:s6], $0x1000  }
0x351: {  	[sflag:s6] =	ssyncset.done $0x0  }
0x352: {  	[sflag:s6] =	ssyncadd.s32 $0xFFFFF000  }
0x353: {  	_ =	swait.ge [sflag:s11], $0x2000  }
0x354: {  	[sflag:s11] =	ssyncset.done $0x0  }
0x355: {  	s12 =	simm.s32 $0x0;
	[sflag:s11] =	ssyncadd.s32 $0xFFFFE000  }
0x356: {  	v1 =	vld [tilespmem:s12+$0x7800]  }
0x357: {  	v2 =	vld [tilespmem:s12+$0x9800];
	_ =	sdelay $0x4  }
0x358: {  	v3 =	vshll.u32 v1, $0x10;
	v4 =	vshll.u32 v2, $0x10  }
0x359: {  	v1 =	vand.u32 $0xFFFF0000, v1;
	v2 =	vand.u32 $0xFFFF0000, v2;
	v3 =	vmul.f32 v4, v3  }
0x35a: {  	s10 =	simm.s32 $0xB840;
	v1 =	vmul.f32 v2, v1  }
0x35b: {  	[tilespmem:s10+$0xFFFFFFC0] =	vst v3  }
0x35c: {  	[tilespmem:s10+$0xFFFFFFD0] =	vst v1  }
0x35d: {  	v1 =	vld [tilespmem:s12+$0x7810]  }
0x35e: {  	v2 =	vld [tilespmem:s12+$0x9810];
	_ =	sdelay $0x4  }
0x35f: {  	v3 =	vshll.u32 v1, $0x10;
	v62 =	vshll.u32 v2, $0x10  }
0x360: {  	v1 =	vand.u32 $0xFFFF0000, v1;
	v2 =	vand.u32 $0xFFFF0000, v2;
	v3 =	vmul.f32 v62, v3  }
0x361: {  	v1 =	vmul.f32 v2, v1  }
0x362: {  	[tilespmem:s10+$0xFFFFFFE0] =	vst v3  }
0x363: {  	[tilespmem:s10+$0xFFFFFFF0] =	vst v1  }
0x364: {  	v1 =	vld [tilespmem:s12+$0x7820]  }
0x365: {  	v2 =	vld [tilespmem:s12+$0x9820];
	_ =	sdelay $0x4  }
0x366: {  	v3 =	vshll.u32 v1, $0x10;
	v63 =	vshll.u32 v2, $0x10  }
0x367: {  	v1 =	vand.u32 $0xFFFF0000, v1;
	v2 =	vand.u32 $0xFFFF0000, v2;
	v3 =	vmul.f32 v63, v3  }
0x368: {  	v1 =	vmul.f32 v2, v1  }
0x369: {  	[tilespmem:s10+$0x0] =	vst v3  }
0x36a: {  	[tilespmem:s10+$0x10] =	vst v1  }
0x36b: {  	v1 =	vld [tilespmem:s12+$0x7830]  }
0x36c: {  	s13 =	simm.s32 $0x100;
	v2 =	vld [tilespmem:s12+$0x9830];
	s12 =	simm.s32 $0xB840  }
.LBB2_28:
0x36d: {  	p1 =	sne.s32 s13, $0x3F00  }
0x36e: {  	s10 =	sadd.s32 $0x80, s10;
	s15 =	smov.u32 s13;
	s13 =	sadd.s32 $0x100, s13  }
0x36f: {  	_ =	sdelay $0x1  }
0x370: {  	v3 =	vshll.u32 v1, $0x10;
	v1 =	vand.u32 $0xFFFF0000, v1  }
0x371: {  	v4 =	vshll.u32 v2, $0x10;
	v2 =	vand.u32 $0xFFFF0000, v2  }
0x372: {  	v3 =	vmul.f32 v4, v3;
	v1 =	vmul.f32 v2, v1;
	_ =	sdelay $0x1  }
0x373: {  	[tilespmem:s12+$0x20] =	vst v3  }
0x374: {  	s15 =	sshra.s32 s15, $0x2;
	[tilespmem:s12+$0x30] =	vst v1;
	s12 =	smov.u32 s10  }
0x375: {  	v1 =	vld [tilespmem:s15+$0x7800]  }
0x376: {  	v2 =	vld [tilespmem:s15+$0x9800];
	_ =	sdelay $0x3  }
0x377: {  	v3 =	vshll.u32 v1, $0x10;
	v1 =	vand.u32 $0xFFFF0000, v1  }
0x378: {  	v4 =	vshll.u32 v2, $0x10;
	v2 =	vand.u32 $0xFFFF0000, v2  }
0x379: {  	v3 =	vmul.f32 v4, v3;
	v1 =	vmul.f32 v2, v1;
	_ =	sdelay $0x1  }
0x37a: {  	[tilespmem:s10+$0xFFFFFFC0] =	vst v3  }
0x37b: {  	[tilespmem:s10+$0xFFFFFFD0] =	vst v1  }
0x37c: {  	v1 =	vld [tilespmem:s15+$0x7810]  }
0x37d: {  	v2 =	vld [tilespmem:s15+$0x9810];
	_ =	sdelay $0x3  }
0x37e: {  	v3 =	vshll.u32 v1, $0x10;
	v1 =	vand.u32 $0xFFFF0000, v1  }
0x37f: {  	v4 =	vshll.u32 v2, $0x10;
	v2 =	vand.u32 $0xFFFF0000, v2  }
0x380: {  	v3 =	vmul.f32 v4, v3;
	v1 =	vmul.f32 v2, v1;
	_ =	sdelay $0x1  }
0x381: {  	[tilespmem:s10+$0xFFFFFFE0] =	vst v3  }
0x382: {  	[tilespmem:s10+$0xFFFFFFF0] =	vst v1  }
0x383: {  	v1 =	vld [tilespmem:s15+$0x7820]  }
0x384: {  	v2 =	vld [tilespmem:s15+$0x9820];
	_ =	sdelay $0x3  }
0x385: {  	v3 =	vshll.u32 v1, $0x10;
	v1 =	vand.u32 $0xFFFF0000, v1  }
0x386: {  	v4 =	vshll.u32 v2, $0x10;
	v2 =	vand.u32 $0xFFFF0000, v2  }
0x387: {  	v3 =	vmul.f32 v4, v3;
	v1 =	vmul.f32 v2, v1  }
.Ltmp13:
0x388: {  	(pc) =	sbr.rel @p1 .LBB2_28-.Ltmp13, $4  }
0x389: {  	[tilespmem:s10+$0x0] =	vst v3  }
0x38a: {  	[tilespmem:s10+$0x10] =	vst v1  }
0x38b: {  	v1 =	vld [tilespmem:s15+$0x7830]  }
0x38c: {  	v2 =	vld [tilespmem:s15+$0x9830]  }
0x38d: {  	_ =	sdelay $0x3  }
0x38e: {  	v3 =	vshll.u32 v1, $0x10;
	v4 =	vshll.u32 v2, $0x10  }
0x38f: {  	v1 =	vand.u32 $0xFFFF0000, v1;
	v2 =	vand.u32 $0xFFFF0000, v2;
	v3 =	vmul.f32 v4, v3  }
0x390: {  	v1 =	vmul.f32 v2, v1  }
0x391: {  	[tilespmem:s12+$0x20] =	vst v3  }
0x392: {  	s10 =	simm.s32 $0x4F00;
	[tilespmem:s12+$0x30] =	vst v1  }
0x393: {  	[spmem:s2] =	stream.indirect.scatter.add.f32 [tilespmem:s22], [sflag:$0x4], $0x40, s10, s28, $0xb8;
	[tilespmem:$0x19800] =	vst v63  }
0x394: {  	_ =	swait.ge [sflag:s0], $0x1000  }
0x395: {  	[sflag:s0] =	ssyncset.done $0x0  }
0x396: {  	[sflag:s0] =	ssyncadd.s32 $0xFFFFF000  }
0x397: {  	_ =	swait.ge [sflag:s0], $0x1000  }
0x398: {  	[sflag:s0] =	ssyncset.done $0x0  }
0x399: {  	[sflag:s0] =	ssyncadd.s32 $0xFFFFF000  }
0x39a: {  	_ =	swait.ge [sflag:s8], $0x2000  }
0x39b: {  	[sflag:s8] =	ssyncset.done $0x0  }
0x39c: {  	s18 =	simm.s32 $0x0;
	[sflag:s8] =	ssyncadd.s32 $0xFFFFE000  }
0x39d: {  	v1 =	vld [tilespmem:s18+$0x8800]  }
0x39e: {  	v2 =	vld [tilespmem:s18+$0xA800];
	_ =	sdelay $0x4  }
0x39f: {  	v3 =	vshll.u32 v1, $0x10;
	v61 =	vshll.u32 v2, $0x10  }
0x3a0: {  	v1 =	vand.u32 $0xFFFF0000, v1;
	v2 =	vand.u32 $0xFFFF0000, v2;
	v3 =	vmul.f32 v61, v3  }
0x3a1: {  	s10 =	simm.s32 $0xD840;
	v1 =	vmul.f32 v2, v1  }
0x3a2: {  	[tilespmem:s10+$0xFFFFFFC0] =	vst v3  }
0x3a3: {  	[tilespmem:s10+$0xFFFFFFD0] =	vst v1  }
0x3a4: {  	v1 =	vld [tilespmem:s18+$0x8810]  }
0x3a5: {  	v2 =	vld [tilespmem:s18+$0xA810];
	_ =	sdelay $0x4  }
0x3a6: {  	v3 =	vshll.u32 v1, $0x10;
	v62 =	vshll.u32 v2, $0x10  }
0x3a7: {  	v1 =	vand.u32 $0xFFFF0000, v1;
	v2 =	vand.u32 $0xFFFF0000, v2;
	v3 =	vmul.f32 v62, v3  }
0x3a8: {  	v1 =	vmul.f32 v2, v1  }
0x3a9: {  	[tilespmem:s10+$0xFFFFFFE0] =	vst v3  }
0x3aa: {  	[tilespmem:s10+$0xFFFFFFF0] =	vst v1  }
0x3ab: {  	v1 =	vld [tilespmem:s18+$0x8820]  }
0x3ac: {  	v2 =	vld [tilespmem:s18+$0xA820];
	_ =	sdelay $0x4  }
0x3ad: {  	v3 =	vshll.u32 v1, $0x10;
	v63 =	vshll.u32 v2, $0x10  }
0x3ae: {  	v1 =	vand.u32 $0xFFFF0000, v1;
	v2 =	vand.u32 $0xFFFF0000, v2;
	v3 =	vmul.f32 v63, v3  }
0x3af: {  	v1 =	vmul.f32 v2, v1  }
0x3b0: {  	[tilespmem:s10+$0x0] =	vst v3  }
0x3b1: {  	[tilespmem:s10+$0x10] =	vst v1  }
0x3b2: {  	v1 =	vld [tilespmem:s18+$0x8830]  }
0x3b3: {  	s13 =	simm.s32 $0x100;
	s12 =	simm.s32 $0xD840;
	v2 =	vld [tilespmem:s18+$0xA830]  }
.LBB2_30:
0x3b4: {  	p1 =	sne.s32 s13, $0x3F00  }
0x3b5: {  	s10 =	sadd.s32 $0x80, s10;
	s15 =	smov.u32 s13;
	s13 =	sadd.s32 $0x100, s13  }
0x3b6: {  	_ =	sdelay $0x1  }
0x3b7: {  	v3 =	vshll.u32 v1, $0x10;
	v1 =	vand.u32 $0xFFFF0000, v1  }
0x3b8: {  	v4 =	vshll.u32 v2, $0x10;
	v2 =	vand.u32 $0xFFFF0000, v2  }
0x3b9: {  	v3 =	vmul.f32 v4, v3;
	v1 =	vmul.f32 v2, v1;
	_ =	sdelay $0x1  }
0x3ba: {  	[tilespmem:s12+$0x20] =	vst v3  }
0x3bb: {  	s15 =	sshra.s32 s15, $0x2;
	[tilespmem:s12+$0x30] =	vst v1;
	s12 =	smov.u32 s10  }
0x3bc: {  	v1 =	vld [tilespmem:s15+$0x8800]  }
0x3bd: {  	v2 =	vld [tilespmem:s15+$0xA800];
	_ =	sdelay $0x3  }
0x3be: {  	v3 =	vshll.u32 v1, $0x10;
	v1 =	vand.u32 $0xFFFF0000, v1  }
0x3bf: {  	v4 =	vshll.u32 v2, $0x10;
	v2 =	vand.u32 $0xFFFF0000, v2  }
0x3c0: {  	v3 =	vmul.f32 v4, v3;
	v1 =	vmul.f32 v2, v1;
	_ =	sdelay $0x1  }
0x3c1: {  	[tilespmem:s10+$0xFFFFFFC0] =	vst v3  }
0x3c2: {  	[tilespmem:s10+$0xFFFFFFD0] =	vst v1  }
0x3c3: {  	v1 =	vld [tilespmem:s15+$0x8810]  }
0x3c4: {  	v2 =	vld [tilespmem:s15+$0xA810];
	_ =	sdelay $0x3  }
0x3c5: {  	v3 =	vshll.u32 v1, $0x10;
	v1 =	vand.u32 $0xFFFF0000, v1  }
0x3c6: {  	v4 =	vshll.u32 v2, $0x10;
	v2 =	vand.u32 $0xFFFF0000, v2  }
0x3c7: {  	v3 =	vmul.f32 v4, v3;
	v1 =	vmul.f32 v2, v1;
	_ =	sdelay $0x1  }
0x3c8: {  	[tilespmem:s10+$0xFFFFFFE0] =	vst v3  }
0x3c9: {  	[tilespmem:s10+$0xFFFFFFF0] =	vst v1  }
0x3ca: {  	v1 =	vld [tilespmem:s15+$0x8820]  }
0x3cb: {  	v2 =	vld [tilespmem:s15+$0xA820];
	_ =	sdelay $0x3  }
0x3cc: {  	v3 =	vshll.u32 v1, $0x10;
	v1 =	vand.u32 $0xFFFF0000, v1  }
0x3cd: {  	v4 =	vshll.u32 v2, $0x10;
	v2 =	vand.u32 $0xFFFF0000, v2  }
0x3ce: {  	v3 =	vmul.f32 v4, v3;
	v1 =	vmul.f32 v2, v1  }
.Ltmp14:
0x3cf: {  	(pc) =	sbr.rel @p1 .LBB2_30-.Ltmp14, $4  }
0x3d0: {  	[tilespmem:s10+$0x0] =	vst v3  }
0x3d1: {  	[tilespmem:s10+$0x10] =	vst v1  }
0x3d2: {  	v1 =	vld [tilespmem:s15+$0x8830]  }
0x3d3: {  	v2 =	vld [tilespmem:s15+$0xA830]  }
0x3d4: {  	_ =	sdelay $0x3  }
0x3d5: {  	v3 =	vshll.u32 v1, $0x10;
	v4 =	vshll.u32 v2, $0x10  }
0x3d6: {  	v1 =	vand.u32 $0xFFFF0000, v1;
	v2 =	vand.u32 $0xFFFF0000, v2;
	v3 =	vmul.f32 v4, v3  }
0x3d7: {  	v1 =	vmul.f32 v2, v1  }
0x3d8: {  	[tilespmem:s12+$0x20] =	vst v3  }
0x3d9: {  	s10 =	simm.s32 $0x4F80;
	[tilespmem:s12+$0x30] =	vst v1  }
0x3da: {  	[spmem:s2] =	stream.indirect.scatter.add.f32 [tilespmem:s7], [sflag:$0x5], $0x40, s10, s28, $0xb8;
	[tilespmem:$0x19800] =	vst v63  }
0x3db: {  	_ =	swait.ge [sflag:s11], $0x2000  }
0x3dc: {  	[sflag:s11] =	ssyncset.done $0x0  }
0x3dd: {  	[sflag:s11] =	ssyncadd.s32 $0xFFFFE000  }
0x3de: {  	_ =	swait.ge [sflag:s8], $0x2000  }
0x3df: {  	[sflag:s8] =	ssyncset.done $0x0  }
0x3e0: {  	[sflag:s8] =	ssyncadd.s32 $0xFFFFE000  }
0x3e1: {  	[bflag:$0x0] =	sbarrier.arrive $0xFFFF  }
0x3e2: {  	s10 =	simm.s32 @p0 $0x1FC6;
	s12 =	rddreg [dreg:$0xc]  }
0x3e3: {  	[hbm:s12], [sflag:s10] =	dma.local @p0 [spmem:s24], $0x1400  }
0x3e4: {  	s10 =	simm.s32 @p0 $0x6  }
0x3e5: {  	s12 =	stileid.u32;
	_ =	swait.ge @p0 [sflag:s10], $0x1400  }
0x3e6: {  	s12 =	sshll.u32 @!p0 s12, $0x6;
	[sflag:s10] =	ssyncset.done @p0 $0x0  }
0x3e7: {  	[sflag:s10] =	ssyncadd.s32 @p0 $0xFFFFEC00;
	s10 =	sor.u32 @!p0 $0x1C06, s12;
	s12 =	rddreg [dreg:$0xb]  }
0x3e8: {  	[hbm:s12], [sflag:s10] =	dma.local @!p0 [spmem:s25], $0x1380  }
0x3e9: {  	s10 =	simm.s32 @!p0 $0x6  }
0x3ea: {  	_ =	swait.ge @!p0 [sflag:s10], $0x1380  }
0x3eb: {  	s14 =	sadd.s32 $0x1, s14;
	s18 =	rddreg [dreg:$0xd]  }
0x3ec: {  	p1 =	sne.s32 s14, s18  }
.Ltmp15:
0x3ed: {  	_ = 	snop;
	(pc) =	sbr.rel @p1 .LBB2_1-.Ltmp15, $3  }
0x3ee: {  	_ =	sdelay $0x1  }
0x3ef: {  	[sflag:s10] =	ssyncset.done @!p0 $0x0  }
0x3f0: {  	[sflag:s10] =	ssyncadd.s32 @!p0 $0xFFFFEC80  }
0x3f1: {  	_ =	sfence.sel $0x180000  }
0x3f2: {  	[bflag:$0x0] =	sbarrier.arrive $0xFFFF  }
0x3f3: {  	_ =	strace $0x90000047  }
0x3f4: {  	s0 =	stileid.u32;
	[bflag:$0x2] =	sbarrier.arrive $0xFFFF  }
0x3f5: {  	p0 =	sne.s32 s0, $0x0;
	s0 =	rddreg [dreg:$0x4]  }
0x3f6: {  	s0 =	sadd.s32 @!p0 $0x100000, s0  }
0x3f7: {  	[sflag:s0] =	ssyncadd.tile.s32 @!p0 $0x1;
	_ =	shalt  }
.Lfunc_end2:
_tile_overlayer_lowered:
.L_overlay_start_2:
0x3f8: {  	(tag) =	ssettag $0x2  }
0x3f9: {  	s0 =	rddreg [dreg:$0x0];
	s2 =	stileid.u32  }
0x3fa: {  	s1 =	rddreg [dreg:$0x1];
	p0 =	sne.s32 s2, $0x0  }
0x3fb: {  	s3 =	rddreg [dreg:$0x2];
	[bflag:$0x3] =	sbarrier.arrive $0xFFFF;
	s2 =	simm.s32 @!p0 $0x1C06  }
0x3fc: {  	[timem:s3], [sflag:s2] =	dma.local @!p0 [hbm:s0], s1  }
0x3fd: {  	s0 =	simm.s32 @!p0 $0x6  }
0x3fe: {  	_ =	swait.ge @!p0 [sflag:s0], s1  }
0x3ff: {  	s1 =	ssub.s32 @!p0 $0x0, s1;
	[sflag:s0] =	ssyncset.done @!p0 $0x0  }
0x400: {  	[sflag:s0] =	ssyncadd.s32 @!p0 s1  }
0x401: {  	[bflag:$0x3] =	sbarrier.arrive $0xFFFF  }
0x402: {  	_ =	shalt  }

</sc_bundles>
